<compile_context>
chip_gen: v7x
topology: tpu7x:2x2x1
jax: 0.10.2.dev20260603
libtpu: 0.0.44.dev20260713+nightly
codegen_flags: <defaults>
</compile_context>

<pallas_src>
import functools

import jax
import jax.numpy as jnp
from jax import lax
from jax.experimental import pallas as pl
from jax.experimental.pallas import tpu as pltpu
from jax.experimental.pallas import tpu_sc as plsc

N = 10000
D = 128
E = 320000
G = 64
K = 30
NP = 10240
CE = 125
ER = E // CE
RPT = ER // 32
ROWS_PER_TILE = NP // 16
ZR = 128
CP = 80
OUTROWS = 1984
TRASH = G * K

_mesh = lambda: plsc.VectorSubcoreMesh(core_axis_name="c", subcore_axis_name="s")


def _deg_kernel(dst2):
    @functools.partial(
        pl.kernel,
        mesh=_mesh(),
        compiler_params=pltpu.CompilerParams(use_tc_tiling_on_sc=False),
        out_type=jax.ShapeDtypeStruct((2, NP, 16), jnp.float32),
        scratch_types=[
            pltpu.VMEM((RPT, CE), jnp.int32),
            pltpu.VMEM((CE, 16), jnp.float32),
            pltpu.VMEM((ZR, 16), jnp.float32),
            pltpu.VMEM_SHARED((NP, 16), jnp.float32),
            pltpu.SemaphoreType.DMA,
        ],
    )
    def k(dst_hbm, out_hbm, didx, ones, zbuf, acc, sem):
        c = lax.axis_index("c")
        s = lax.axis_index("s")
        zeros16 = jnp.zeros((16,), jnp.float32)
        ones16 = jnp.ones((16,), jnp.float32)

        def fill(i, _):
            ones[i, :] = ones16
            return _
        lax.fori_loop(0, CE, fill, None)

        def zfill(i, _):
            zbuf[i, :] = zeros16
            return _
        lax.fori_loop(0, ZR, zfill, None)

        def zacc(q, _):
            pltpu.sync_copy(zbuf, acc.at[pl.ds(s * ROWS_PER_TILE + q * ZR, ZR)])
            return _
        lax.fori_loop(0, ROWS_PER_TILE // ZR, zacc, None)
        plsc.subcore_barrier()

        base = (c * 16 + s) * RPT
        pltpu.sync_copy(dst_hbm.at[pl.ds(base, RPT)], didx)

        def body(j, _):
            pltpu.async_copy(ones, acc.at[didx.at[j]], sem, add=True)
            return _
        lax.fori_loop(0, RPT, body, None)

        def drain(j, _):
            pltpu.make_async_copy(ones, acc.at[didx.at[j]], sem).wait()
            return _
        lax.fori_loop(0, RPT, drain, None)

        plsc.subcore_barrier()
        sl = pl.ds(s * ROWS_PER_TILE, ROWS_PER_TILE)
        pltpu.sync_copy(acc.at[sl], out_hbm.at[c, sl])

    return k(dst2)


DH = D // 2
RPT2 = ER // 16


def _agg_kernel(yr, sidx2, dst2):
    @functools.partial(
        pl.kernel,
        mesh=_mesh(),
        compiler_params=pltpu.CompilerParams(use_tc_tiling_on_sc=False),
        out_type=jax.ShapeDtypeStruct((2, NP, DH), jnp.float32),
        scratch_types=[
            pltpu.VMEM((RPT2, CE), jnp.int32),
            pltpu.VMEM((RPT2, CE), jnp.int32),
        ] + [pltpu.VMEM((CE, DH), jnp.float32)] * 6 + [
            pltpu.VMEM_SHARED((NP, DH), jnp.float32),
        ] + [pltpu.SemaphoreType.DMA] * 12,
    )
    def k(y_hbm, src_hbm, dst_hbm, out_hbm, sidx, didx,
          r0, r1, r2, r3, r4, r5, acc,
          g0, g1, g2, g3, g4, g5,
          s0, s1, s2, s3, s4, s5):
        c = lax.axis_index("c")
        s = lax.axis_index("s")
        zeros16 = jnp.zeros((16,), jnp.float32)

        def zrow(i, _):
            def zcol(j, __):
                r0[i, pl.ds(j * 16, 16)] = zeros16
                return __
            return lax.fori_loop(0, DH // 16, zcol, _)
        lax.fori_loop(0, CE, zrow, None)

        def zacc(q, _):
            pltpu.sync_copy(r0.at[pl.ds(0, 80)],
                            acc.at[pl.ds(s * ROWS_PER_TILE + q * 80, 80)])
            return _
        lax.fori_loop(0, ROWS_PER_TILE // 80, zacc, None)
        plsc.subcore_barrier()

        base = s * RPT2
        pltpu.sync_copy(src_hbm.at[c, pl.ds(base, RPT2)], sidx)
        pltpu.sync_copy(dst_hbm.at[pl.ds(base, RPT2)], didx)

        bufs = (r0, r1, r2, r3, r4, r5)
        gsem = (g0, g1, g2, g3, g4, g5)
        ssem = (s0, s1, s2, s3, s4, s5)

        def gth(j, u):
            return pltpu.async_copy(y_hbm.at[sidx.at[j]], bufs[u], gsem[u])

        def gth_wait(j, u):
            pltpu.make_async_copy(y_hbm.at[sidx.at[j]], bufs[u], gsem[u]).wait()

        def sct(j, u):
            return pltpu.async_copy(bufs[u], acc.at[didx.at[j]], ssem[u],
                                    add=True)

        def sct_wait(j, u):
            pltpu.make_async_copy(bufs[u], acc.at[didx.at[j]], ssem[u]).wait()

        for j0 in range(3):
            gth(j0, j0)
        for j0 in range(3):
            gth(j0 + 3, j0 + 3)
            gth_wait(j0, j0)
            sct(j0, j0)

        def body(t, _):
            for u_ in range(6):
                j = 6 * t + 3 + u_
                u = (3 + u_) % 6
                w = u_
                sct_wait(j - 3, w)
                gth(j + 3, w)
                gth_wait(j, u)
                sct(j, u)
            return _
        lax.fori_loop(0, (RPT2 - 10) // 6, body, None)

        for j0 in range(RPT2 - 7, RPT2):
            sct_wait(j0 - 3, (j0 - 3) % 6)
            if j0 + 3 < RPT2:
                gth(j0 + 3, (j0 + 3) % 6)
            gth_wait(j0, j0 % 6)
            sct(j0, j0 % 6)
        for j0 in range(RPT2 - 3, RPT2):
            sct_wait(j0, j0 % 6)

        plsc.subcore_barrier()
        sl = pl.ds(s * ROWS_PER_TILE, ROWS_PER_TILE)
        pltpu.sync_copy(acc.at[sl], out_hbm.at[c, sl])

    return k(yr, sidx2, dst2)


def _agg16_kernel(y16, src16, dst2):
    @functools.partial(
        pl.kernel,
        mesh=_mesh(),
        compiler_params=pltpu.CompilerParams(use_tc_tiling_on_sc=False),
        out_type=jax.ShapeDtypeStruct((2, NP, 16), jnp.float32),
        scratch_types=[
            pltpu.VMEM((RPT, CE), jnp.int32),
            pltpu.VMEM((RPT, CE), jnp.int32),
        ] + [pltpu.VMEM((CE, 16), jnp.float32)] * 6 + [
            pltpu.VMEM((ZR, 16), jnp.float32),
            pltpu.VMEM_SHARED((NP, 16), jnp.float32),
        ] + [pltpu.SemaphoreType.DMA] * 12,
    )
    def k(y_hbm, src_hbm, dst_hbm, out_hbm, sidx, didx,
          r0, r1, r2, r3, r4, r5, zbuf, acc,
          g0, g1, g2, g3, g4, g5, s0, s1, s2, s3, s4, s5):
        c = lax.axis_index("c")
        s = lax.axis_index("s")
        zeros16 = jnp.zeros((16,), jnp.float32)

        def zfill(i, _):
            zbuf[i, :] = zeros16
            return _
        lax.fori_loop(0, ZR, zfill, None)

        def zacc(q, _):
            pltpu.sync_copy(zbuf, acc.at[pl.ds(s * ROWS_PER_TILE + q * ZR, ZR)])
            return _
        lax.fori_loop(0, ROWS_PER_TILE // ZR, zacc, None)
        plsc.subcore_barrier()

        base = (c * 16 + s) * RPT
        pltpu.sync_copy(src_hbm.at[pl.ds(base, RPT)], sidx)
        pltpu.sync_copy(dst_hbm.at[pl.ds(base, RPT)], didx)

        bufs = (r0, r1, r2, r3, r4, r5)
        gsem = (g0, g1, g2, g3, g4, g5)
        ssem = (s0, s1, s2, s3, s4, s5)

        def gth(j, u):
            return pltpu.async_copy(y_hbm.at[sidx.at[j]], bufs[u], gsem[u])

        def gth_wait(j, u):
            pltpu.make_async_copy(y_hbm.at[sidx.at[j]], bufs[u], gsem[u]).wait()

        def sct(j, u):
            return pltpu.async_copy(bufs[u], acc.at[didx.at[j]], ssem[u],
                                    add=True)

        def sct_wait(j, u):
            pltpu.make_async_copy(bufs[u], acc.at[didx.at[j]], ssem[u]).wait()

        for j0 in range(3):
            gth(j0, j0)
        for j0 in range(3):
            gth(j0 + 3, j0 + 3)
            gth_wait(j0, j0)
            sct(j0, j0)

        def body(t, _):
            for u_ in range(6):
                j = 6 * t + 3 + u_
                u = (3 + u_) % 6
                w = u_
                sct_wait(j - 3, w)
                gth(j + 3, w)
                gth_wait(j, u)
                sct(j, u)
            return _
        lax.fori_loop(0, (RPT - 10) // 6, body, None)

        for j0 in range(3 + 6 * ((RPT - 10) // 6), RPT):
            sct_wait(j0 - 3, (j0 - 3) % 6)
            if j0 + 3 < RPT:
                gth(j0 + 3, (j0 + 3) % 6)
            gth_wait(j0, j0 % 6)
            sct(j0, j0 % 6)
        for j0 in range(RPT - 3, RPT):
            sct_wait(j0, j0 % 6)

        plsc.subcore_barrier()
        sl = pl.ds(s * ROWS_PER_TILE, ROWS_PER_TILE)
        pltpu.sync_copy(acc.at[sl], out_hbm.at[c, sl])

    return k(y16, src16, dst2)


def _pool_scatter_kernel(h2, fo2):
    @functools.partial(
        pl.kernel,
        mesh=_mesh(),
        compiler_params=pltpu.CompilerParams(use_tc_tiling_on_sc=False),
        out_type=jax.ShapeDtypeStruct((OUTROWS, D), jnp.float32),
        scratch_types=[
            pltpu.VMEM((8, CP), jnp.int32),
            pltpu.VMEM((124, D), jnp.float32),
            pltpu.VMEM((CP, D), jnp.float32),
            pltpu.VMEM((CP, D), jnp.float32),
            pltpu.SemaphoreType.DMA,
            pltpu.SemaphoreType.DMA,
        ],
    )
    def k(h2_hbm, fo_hbm, out_hbm, fidx, zbuf, rows_a, rows_b, sem_a, sem_b):
        c = lax.axis_index("c")
        s = lax.axis_index("s")
        zeros16 = jnp.zeros((16,), jnp.float32)

        @pl.when(c == 0)
        def _():
            def zrow(i, _):
                def zcol(j, __):
                    zbuf[i, pl.ds(j * 16, 16)] = zeros16
                    return __
                return lax.fori_loop(0, D // 16, zcol, _)
            lax.fori_loop(0, 124, zrow, None)
            pltpu.sync_copy(fo_hbm.at[pl.ds(s * 8, 8)], fidx)
            pltpu.sync_copy(zbuf, out_hbm.at[pl.ds(s * 124, 124)])
            plsc.subcore_barrier()

            def src_at(q):
                return h2_hbm.at[pl.ds(s * ROWS_PER_TILE + q * CP, CP)]

            pltpu.async_copy(src_at(0), rows_a, sem_a)

            def body(t, _):
                qa = 2 * t
                qb = 2 * t + 1
                pltpu.async_copy(src_at(qb), rows_b, sem_b)
                pltpu.make_async_copy(src_at(qa), rows_a, sem_a).wait()
                pltpu.sync_copy(rows_a, out_hbm.at[fidx.at[qa]])
                qn = jnp.minimum(qa + 2, 7)
                pltpu.async_copy(src_at(qn), rows_a, sem_a)
                pltpu.make_async_copy(src_at(qb), rows_b, sem_b).wait()
                pltpu.sync_copy(rows_b, out_hbm.at[fidx.at[qb]])
                return _
            lax.fori_loop(0, 4, body, None)
            pltpu.make_async_copy(src_at(7), rows_a, sem_a).wait()

    return k(h2, fo2)


def _scale_matmul_kernel(hist, x_p, W1):
    def body(hist_ref, x_ref, w_ref, y_ref, dis_ref):
        h = hist_ref[...]
        deg = h[0, :, 0] + h[1, :, 0] + 1.0
        dis = lax.rsqrt(deg)
        y = jnp.dot(x_ref[...], w_ref[...], preferred_element_type=jnp.float32)
        y_ref[...] = y * dis[:, None]
        dis_ref[...] = dis[:, None]

    return pl.pallas_call(
        body,
        grid=(NP // 1024,),
        in_specs=[
            pl.BlockSpec((2, 1024, 16), lambda i: (0, i, 0)),
            pl.BlockSpec((1024, D), lambda i: (i, 0)),
            pl.BlockSpec((D, D), lambda i: (0, 0)),
        ],
        out_specs=[
            pl.BlockSpec((1024, D), lambda i: (i, 0)),
            pl.BlockSpec((1024, 1), lambda i: (i, 0)),
        ],
        out_shape=[
            jax.ShapeDtypeStruct((NP, D), jnp.float32),
            jax.ShapeDtypeStruct((NP, 1), jnp.float32),
        ],
    )(hist, x_p, W1)


def _mid_kernel(p, y1, dis, b1, W2):
    def body(p_ref, y1_ref, dis_ref, b1_ref, w_ref, y2_ref, yc_ref):
        ph = p_ref[...]
        agg = jnp.concatenate([ph[0], ph[1]], axis=1)
        dis = dis_ref[...]
        h1 = dis * (agg + y1_ref[...]) + b1_ref[...]
        h1 = jnp.maximum(h1, 0.0)
        y2 = jnp.dot(h1, w_ref[...], preferred_element_type=jnp.float32) * dis
        y2_ref[...] = y2
        yc_ref[...] = y2[:, D - 1:D]

    blk = lambda i: (i, 0)
    return pl.pallas_call(
        body,
        grid=(NP // 1024,),
        in_specs=[
            pl.BlockSpec((2, 1024, DH), lambda i: (0, i, 0)),
            pl.BlockSpec((1024, D), blk),
            pl.BlockSpec((1024, 1), blk),
            pl.BlockSpec((1, D), lambda i: (0, 0)),
            pl.BlockSpec((D, D), lambda i: (0, 0)),
        ],
        out_specs=[
            pl.BlockSpec((1024, D), blk),
            pl.BlockSpec((1024, 1), blk),
        ],
        out_shape=[
            jax.ShapeDtypeStruct((NP, D), jnp.float32),
            jax.ShapeDtypeStruct((NP, 1), jnp.float32),
        ],
    )(p, y1, dis, b1, W2)


def _final_kernel(q, y2, dis, b2):
    def body(q_ref, y2_ref, dis_ref, b2_ref, h2_ref):
        qh = q_ref[...]
        agg = jnp.concatenate([qh[0], qh[1]], axis=1)
        h2_ref[...] = dis_ref[...] * (agg + y2_ref[...]) + b2_ref[...]

    blk = lambda i: (i, 0)
    return pl.pallas_call(
        body,
        grid=(NP // 1024,),
        in_specs=[
            pl.BlockSpec((2, 1024, DH), lambda i: (0, i, 0)),
            pl.BlockSpec((1024, D), blk),
            pl.BlockSpec((1024, 1), blk),
            pl.BlockSpec((1, D), lambda i: (0, 0)),
        ],
        out_specs=pl.BlockSpec((1024, D), blk),
        out_shape=jax.ShapeDtypeStruct((NP, D), jnp.float32),
    )(q, y2, dis, b2)


def _v_kernel(q16, y2col, dis, b2):
    def body(q_ref, yc_ref, dis_ref, b2_ref, v_ref):
        qh = q_ref[...]
        agg = qh[0, :, 15:16] + qh[1, :, 15:16]
        v_ref[...] = dis_ref[...] * (agg + yc_ref[...]) \
            + b2_ref[...][:, D - 1:D]

    blk = lambda i: (i, 0)
    return pl.pallas_call(
        body,
        grid=(NP // 1024,),
        in_specs=[
            pl.BlockSpec((2, 1024, 16), lambda i: (0, i, 0)),
            pl.BlockSpec((1024, 1), blk),
            pl.BlockSpec((1024, 1), blk),
            pl.BlockSpec((1, D), lambda i: (0, 0)),
        ],
        out_specs=pl.BlockSpec((1024, 1), blk),
        out_shape=jax.ShapeDtypeStruct((NP, 1), jnp.float32),
    )(q16, y2col, dis, b2)


def _rank_kernel(vrow, brow, vcol, bcol):
    CW = 512
    NJ = NP // CW

    def body(vr_ref, br_ref, vc_ref, bc_ref, fo_ref):
        i = pl.program_id(0)
        vi = vc_ref[...]
        bi = bc_ref[...]
        ig = i * 256 + lax.broadcasted_iota(jnp.int32, (256, 1), 0)

        def chunk(j, acc):
            vj = vr_ref[pl.ds(j, 1), :]
            bj = br_ref[pl.ds(j, 1), :]
            overlap = (bj[0, CW - 1] >= bi[0, 0]) & (bj[0, 0] <= bi[255, 0])

            def do(a):
                jg = j * CW + lax.broadcasted_iota(jnp.int32, (1, CW), 1)
                same = bj == bi
                before = (vj > vi) | ((vj == vi) & (jg < ig))
                cnt = jnp.sum((same & before).astype(jnp.int32), axis=1,
                              keepdims=True)
                return a + cnt

            return lax.cond(overlap, do, lambda a: a, acc)

        rank = lax.fori_loop(0, NJ, chunk, jnp.zeros((256, 1), jnp.int32))
        ok = (rank < K) & (bi < G)
        trash = TRASH + ig // ROWS_PER_TILE
        fo_ref[...] = jnp.where(ok, bi * K + rank, trash)

    return pl.pallas_call(
        body,
        grid=(NP // 256,),
        in_specs=[
            pl.BlockSpec((NJ, CW), lambda i: (0, 0)),
            pl.BlockSpec((NJ, CW), lambda i: (0, 0)),
            pl.BlockSpec((256, 1), lambda i: (i, 0)),
            pl.BlockSpec((256, 1), lambda i: (i, 0)),
        ],
        out_specs=pl.BlockSpec((256, 1), lambda i: (i, 0)),
        out_shape=jax.ShapeDtypeStruct((NP, 1), jnp.int32),
    )(vrow, brow, vcol, bcol)


def kernel(x, edge_index, batch, W1, b1, W2, b2):
    src = edge_index[0].astype(jnp.int32)
    dst = edge_index[1].astype(jnp.int32)
    si = src * 2
    sidx2 = jnp.stack([si, si + 1]).reshape(2, ER, CE)
    src16 = (src * 8 + 7).reshape(ER, CE)
    dst2 = dst.reshape(ER, CE)
    b32 = batch.astype(jnp.int32)
    bpad = jnp.concatenate([b32, jnp.full((NP - N,), G, jnp.int32)])
    x_p = jnp.concatenate([x, jnp.zeros((NP - N, D), x.dtype)])

    hist = _deg_kernel(dst2)
    y1, dis = _scale_matmul_kernel(hist, x_p, W1.astype(jnp.float32))

    p = _agg_kernel(y1.reshape(2 * NP, DH), sidx2, dst2)
    y2, y2col = _mid_kernel(p, y1, dis, b1.reshape(1, D),
                            W2.astype(jnp.float32))

    q16 = _agg16_kernel(y2.reshape(NP * 8, 16), src16, dst2)
    v = _v_kernel(q16, y2col, dis, b2.reshape(1, D))
    q = _agg_kernel(y2.reshape(2 * NP, DH), sidx2, dst2)
    fo = _rank_kernel(v.reshape(NP // 512, 512), bpad.reshape(NP // 512, 512),
                      v, bpad.reshape(NP, 1))
    h2 = _final_kernel(q, y2, dis, b2.reshape(1, D))
    out = _pool_scatter_kernel(h2, fo.reshape(NP // CP, CP))
    return out[:TRASH].reshape(G, K * D)

# --- scband reference (transcript-rebuilt; emitter-appended) ---
"""Pipeline reference for scband-graph2-vec-sort-pooling-40948218200429 (READ-ONLY COPY).

The authoritative reference and input builder live on the scoring server;
editing this copy changes nothing except your own understanding.
"""

import jax, jax.numpy as jnp
import numpy as np

K_POOL = 30


def setup_inputs(seed: int = 0) -> dict:
    key = jax.random.key(seed)
    ks = jax.random.split(key, 8)
    N, D, E, G = 10000, 128, 320000, 64
    x = jax.random.normal(ks[0], (N, D), dtype=jnp.float32)
    edge_index = jax.random.randint(ks[1], (2, E), 0, N, dtype=jnp.int64)
    batch = jnp.sort(jax.random.randint(ks[2], (N,), 0, G, dtype=jnp.int64))
    W1 = jax.random.normal(ks[3], (D, 128), dtype=jnp.float32) * 0.05
    b1 = jax.random.normal(ks[4], (128,), dtype=jnp.float32) * 0.05
    W2 = jax.random.normal(ks[5], (128, 128), dtype=jnp.float32) * 0.05
    b2 = jax.random.normal(ks[6], (128,), dtype=jnp.float32) * 0.05
    return {"x": x, "edge_index": edge_index, "batch": batch,
            "W1": W1, "b1": b1, "W2": W2, "b2": b2}


def _gcn_conv(x, src, dst, W, b, num_nodes):
    # PyG GCNConv: D^{-1/2} (A + I) D^{-1/2} X W + b
    x = x @ W
    loop = jnp.arange(num_nodes, dtype=src.dtype)
    s = jnp.concatenate([src, loop])
    d = jnp.concatenate([dst, loop])
    ones = jnp.ones(s.shape[0], dtype=x.dtype)
    deg = jax.ops.segment_sum(ones, d, num_segments=num_nodes)
    dis = jnp.where(deg > 0, 1.0 / jnp.sqrt(deg), 0.0)
    norm = dis[s] * dis[d]
    msg = x[s] * norm[:, None]
    out = jax.ops.segment_sum(msg, d, num_segments=num_nodes)
    return out + b


def _sort_pool(x, batch, k):
    # SortAggregation: per-graph descending sort on last channel, keep top-k nodes
    G = 64
    N, D = x.shape
    counts = jnp.bincount(batch, length=G)
    starts = jnp.concatenate([jnp.zeros(1, counts.dtype), jnp.cumsum(counts)[:-1]])
    order = jnp.lexsort((-x[:, -1], batch))
    pos = jnp.arange(N) - starts[batch]
    col = jnp.where(pos < k, pos, k)
    out = jnp.zeros((G, k, D), dtype=x.dtype)
    out = out.at[batch, col].set(x[order], mode='drop')
    return out.reshape(G, k * D)


def reference(x, edge_index, batch, W1, b1, W2, b2):
    N = x.shape[0]
    src, dst = edge_index[0], edge_index[1]
    h = _gcn_conv(x, src, dst, W1, b1, N)
    h = jax.nn.relu(h)
    h = _gcn_conv(h, src, dst, W2, b2, N)
    return _sort_pool(h, batch, K_POOL)

if __name__ == "__main__":
    import jax
    _d = setup_inputs()
    print(jax.jit(kernel)(*tuple(_d.values())))

</pallas_src>

<mosaic_0001>
#map = affine_map<(d0, d1) -> (0, 0)>
#map1 = affine_map<(d0, d1) -> (0, 0, 0)>
module attributes {stable_mosaic.version = 14 : i64} {
  func.func @k(%arg0: i32, %arg1: i32, %arg2: memref<2560x125xi32, #tpu.memory_space<hbm>>, %arg3: memref<2x10240x16xf32, #tpu.memory_space<hbm>>, %arg4: memref<80x125xi32, #tpu.memory_space<vmem>>, %arg5: memref<125x16xf32, #tpu.memory_space<vmem>>, %arg6: memref<128x16xf32, #tpu.memory_space<vmem>>, %arg7: memref<10240x16xf32, #tpu.memory_space<vmem_shared>>, %arg8: memref<!tpu.dma_semaphore, #tpu.memory_space<semaphore_mem>>) attributes {dimension_semantics = [#tpu.dimension_semantics<core_parallel>, #tpu.dimension_semantics<subcore_parallel>], iteration_bounds = array<i64: 2, 16>, scalar_prefetch = 0 : i64, scratch_operands = 5 : i64, tpu.core_type = #tpu.core_type<sc_vector_subcore>, window_params = [{transform_indices = #map}, {transform_indices = #map1}]} {
    %broadcast_in_dim3A = arith.constant 0.000000e+00 : f32
    %broadcast_in_dim3A_0 = vector.broadcast %broadcast_in_dim3A : f32 to vector<16xf32>
    %broadcast_in_dim3A_1 = arith.constant 1.000000e+00 : f32
    %broadcast_in_dim3A_2 = vector.broadcast %broadcast_in_dim3A_1 : f32 to vector<16xf32>
    %scan3A = arith.constant 0 : i32
    %scan3A_3 = arith.constant 125 : i32
    %scan3A_4 = arith.addi %scan3A, %scan3A_3 : i32
    %scan3A_5 = arith.constant 1 : i32
    scf.for %scan3A_33 = %scan3A to %scan3A_4 step %scan3A_5  : i32 {
      %swap3A = arith.index_cast %scan3A_33 : i32 to index
      %swap3A_34 = arith.constant 0 : index
      %swap3A_35 = tpu.vector_load %arg5[%swap3A, %swap3A_34] {strides = array<i32>} : memref<125x16xf32, #tpu.memory_space<vmem>>, vector<1x16xf32>,
      %swap3A_36 = vector.shape_cast %swap3A_35 : vector<1x16xf32> to vector<16xf32>
      %swap3A_37 = vector.shape_cast %broadcast_in_dim3A_2 : vector<16xf32> to vector<1x16xf32>
      tpu.vector_store %arg5[%swap3A, %swap3A_34], %swap3A_37 {strides = array<i32>} : memref<125x16xf32, #tpu.memory_space<vmem>>, vector<1x16xf32>,
    }
    %scan3A_6 = arith.constant 125 : i32
    %scan3A_7 = arith.constant 0 : i32
    %scan3A_8 = arith.constant 128 : i32
    %scan3A_9 = arith.addi %scan3A_7, %scan3A_8 : i32
    %scan3A_10 = arith.constant 1 : i32
    scf.for %scan3A_33 = %scan3A_7 to %scan3A_9 step %scan3A_10  : i32 {
      %swap3A = arith.index_cast %scan3A_33 : i32 to index
      %swap3A_34 = arith.constant 0 : index
      %swap3A_35 = tpu.vector_load %arg6[%swap3A, %swap3A_34] {strides = array<i32>} : memref<128x16xf32, #tpu.memory_space<vmem>>, vector<1x16xf32>,
      %swap3A_36 = vector.shape_cast %swap3A_35 : vector<1x16xf32> to vector<16xf32>
      %swap3A_37 = vector.shape_cast %broadcast_in_dim3A_0 : vector<16xf32> to vector<1x16xf32>
      tpu.vector_store %arg6[%swap3A, %swap3A_34], %swap3A_37 {strides = array<i32>} : memref<128x16xf32, #tpu.memory_space<vmem>>, vector<1x16xf32>,
    }
    %scan3A_11 = arith.constant 128 : i32
    %scan3A_12 = arith.constant 0 : i32
    %scan3A_13 = arith.constant 5 : i32
    %scan3A_14 = arith.addi %scan3A_12, %scan3A_13 : i32
    %scan3A_15 = arith.constant 1 : i32
    scf.for %scan3A_33 = %scan3A_12 to %scan3A_14 step %scan3A_15  : i32 {
      %mul3A_34 = arith.constant 640 : i32
      %mul3A_35 = arith.muli %arg1, %mul3A_34 : i32
      %mul3A_36 = arith.constant 128 : i32
      %mul3A_37 = arith.muli %scan3A_33, %mul3A_36 : i32
      %add3A_38 = arith.addi %mul3A_35, %mul3A_37 : i32
      "tpu.region"() ({
        %run_scoped3A = tpu.sem_alloc : memref<!tpu.dma_semaphore, #tpu.memory_space<semaphore_mem>>
        %dma_start3A = arith.constant 0 : i32
        %dma_start3A_39 = tpu.memref_slice %arg7[%add3A_38, %dma_start3A] : memref<10240x16xf32, #tpu.memory_space<vmem_shared>> -> memref<128x16xf32, #tpu.memory_space<vmem_shared>>
        %dma_start3A_40 = arith.constant 0 : i32
        %dma_start3A_41 = tpu.memref_slice %arg7[%add3A_38, %dma_start3A_40] : memref<10240x16xf32, #tpu.memory_space<vmem_shared>> -> memref<128x16xf32, #tpu.memory_space<vmem_shared>>
        tpu.enqueue_dma source(%arg6 : memref<128x16xf32, #tpu.memory_space<vmem>>) target(%dma_start3A_41 : memref<128x16xf32, #tpu.memory_space<vmem_shared>>) target_semaphore(%run_scoped3A : memref<!tpu.dma_semaphore, #tpu.memory_space<semaphore_mem>>)
        %dma_wait3A = arith.constant 0 : i32
        %dma_wait3A_42 = tpu.memref_slice %arg7[%add3A_38, %dma_wait3A] : memref<10240x16xf32, #tpu.memory_space<vmem_shared>> -> memref<128x16xf32, #tpu.memory_space<vmem_shared>>
        %dma_wait3A_43 = arith.constant 0 : i32
        %dma_wait3A_44 = tpu.memref_slice %arg7[%add3A_38, %dma_wait3A_43] : memref<10240x16xf32, #tpu.memory_space<vmem_shared>> -> memref<128x16xf32, #tpu.memory_space<vmem_shared>>
        tpu.wait_dma2 semaphore(%run_scoped3A : memref<!tpu.dma_semaphore, #tpu.memory_space<semaphore_mem>>) src(%arg6 : memref<128x16xf32, #tpu.memory_space<vmem>>) dst(%dma_wait3A_44 : memref<128x16xf32, #tpu.memory_space<vmem_shared>>)
        tpu.yield
      }) : () -> ()
    }
    %scan3A_16 = arith.constant 5 : i32
    %barrier3A = arith.constant 0 : index
    tpu.barrier barrier_id(%barrier3A)
    %mul3A = arith.constant 16 : i32
    %mul3A_17 = arith.muli %arg0, %mul3A : i32
    %add3A = arith.addi %mul3A_17, %arg1 : i32
    %mul3A_18 = arith.constant 80 : i32
    %mul3A_19 = arith.muli %add3A, %mul3A_18 : i32
    "tpu.region"() ({
      %run_scoped3A = tpu.sem_alloc : memref<!tpu.dma_semaphore, #tpu.memory_space<semaphore_mem>>
      %dma_start3A = arith.constant 0 : i32
      %dma_start3A_33 = tpu.memref_slice %arg2[%mul3A_19, %dma_start3A] : memref<2560x125xi32, #tpu.memory_space<hbm>> -> memref<80x125xi32, #tpu.memory_space<hbm>>
      %dma_start3A_34 = arith.constant 0 : i32
      %dma_start3A_35 = tpu.memref_slice %arg2[%mul3A_19, %dma_start3A_34] : memref<2560x125xi32, #tpu.memory_space<hbm>> -> memref<80x125xi32, #tpu.memory_space<hbm>>
      tpu.enqueue_dma source(%dma_start3A_35 : memref<80x125xi32, #tpu.memory_space<hbm>>) target(%arg4 : memref<80x125xi32, #tpu.memory_space<vmem>>) target_semaphore(%run_scoped3A : memref<!tpu.dma_semaphore, #tpu.memory_space<semaphore_mem>>)
      %dma_wait3A = arith.constant 0 : i32
      %dma_wait3A_36 = tpu.memref_slice %arg2[%mul3A_19, %dma_wait3A] : memref<2560x125xi32, #tpu.memory_space<hbm>> -> memref<80x125xi32, #tpu.memory_space<hbm>>
      %dma_wait3A_37 = arith.constant 0 : i32
      %dma_wait3A_38 = tpu.memref_slice %arg2[%mul3A_19, %dma_wait3A_37] : memref<2560x125xi32, #tpu.memory_space<hbm>> -> memref<80x125xi32, #tpu.memory_space<hbm>>
      tpu.wait_dma2 semaphore(%run_scoped3A : memref<!tpu.dma_semaphore, #tpu.memory_space<semaphore_mem>>) src(%dma_wait3A_38 : memref<80x125xi32, #tpu.memory_space<hbm>>) dst(%arg4 : memref<80x125xi32, #tpu.memory_space<vmem>>)
      tpu.yield
    }) : () -> ()
    %scan3A_20 = arith.constant 0 : i32
    %scan3A_21 = arith.constant 80 : i32
    %scan3A_22 = arith.addi %scan3A_20, %scan3A_21 : i32
    %scan3A_23 = arith.constant 1 : i32
    scf.for %scan3A_33 = %scan3A_20 to %scan3A_22 step %scan3A_23  : i32 {
      %dma_start3A = arith.constant 0 : i32
      %dma_start3A_34 = tpu.memref_slice %arg4[%scan3A_33, %dma_start3A] : memref<80x125xi32, #tpu.memory_space<vmem>> -> memref<1x125xi32, #tpu.memory_space<vmem>>
      %dma_start3A_35 = tpu.memref_squeeze %dma_start3A_34 : memref<1x125xi32, #tpu.memory_space<vmem>> -> memref<125xi32, #tpu.memory_space<vmem>>
      %dma_start3A_36 = arith.constant 0 : i32
      %dma_start3A_37 = arith.constant 0 : i32
      %dma_start3A_38 = tpu.memref_slice %arg7[%dma_start3A_36, %dma_start3A_37] : memref<10240x16xf32, #tpu.memory_space<vmem_shared>> -> memref<10240x16xf32, #tpu.memory_space<vmem_shared>>
      tpu.enqueue_indirect_dma source(%arg5 : memref<125x16xf32, #tpu.memory_space<vmem>>) target(%dma_start3A_38 : memref<10240x16xf32, #tpu.memory_space<vmem_shared>>) offsets(%dma_start3A_35 : memref<125xi32, #tpu.memory_space<vmem>>) semaphore(%arg8 : memref<!tpu.dma_semaphore, #tpu.memory_space<semaphore_mem>>) {add = true}
    }
    %scan3A_24 = arith.constant 80 : i32
    %scan3A_25 = arith.constant 0 : i32
    %scan3A_26 = arith.constant 80 : i32
    %scan3A_27 = arith.addi %scan3A_25, %scan3A_26 : i32
    %scan3A_28 = arith.constant 1 : i32
    scf.for %scan3A_33 = %scan3A_25 to %scan3A_27 step %scan3A_28  : i32 {
      %dma_wait3A = arith.constant 0 : i32
      %dma_wait3A_34 = tpu.memref_slice %arg4[%scan3A_33, %dma_wait3A] : memref<80x125xi32, #tpu.memory_space<vmem>> -> memref<1x125xi32, #tpu.memory_space<vmem>>
      %dma_wait3A_35 = tpu.memref_squeeze %dma_wait3A_34 : memref<1x125xi32, #tpu.memory_space<vmem>> -> memref<125xi32, #tpu.memory_space<vmem>>
      %dma_wait3A_36 = arith.constant 0 : i32
      %dma_wait3A_37 = arith.constant 0 : i32
      %dma_wait3A_38 = tpu.memref_slice %arg7[%dma_wait3A_36, %dma_wait3A_37] : memref<10240x16xf32, #tpu.memory_space<vmem_shared>> -> memref<10240x16xf32, #tpu.memory_space<vmem_shared>>
      tpu.wait_indirect_dma semaphore(%arg8 : memref<!tpu.dma_semaphore, #tpu.memory_space<semaphore_mem>>) src(%arg5 : memref<125x16xf32, #tpu.memory_space<vmem>>) dst(%dma_wait3A_38 : memref<10240x16xf32, #tpu.memory_space<vmem_shared>>)
    }
    %scan3A_29 = arith.constant 80 : i32
    %barrier3A_30 = arith.constant 0 : index
    tpu.barrier barrier_id(%barrier3A_30)
    %mul3A_31 = arith.constant 640 : i32
    %mul3A_32 = arith.muli %arg1, %mul3A_31 : i32
    "tpu.region"() ({
      %run_scoped3A = tpu.sem_alloc : memref<!tpu.dma_semaphore, #tpu.memory_space<semaphore_mem>>
      %dma_start3A = arith.constant 0 : i32
      %dma_start3A_33 = tpu.memref_slice %arg3[%arg0, %mul3A_32, %dma_start3A] : memref<2x10240x16xf32, #tpu.memory_space<hbm>> -> memref<1x640x16xf32, #tpu.memory_space<hbm>>
      %dma_start3A_34 = tpu.memref_squeeze %dma_start3A_33 : memref<1x640x16xf32, #tpu.memory_space<hbm>> -> memref<640x16xf32, #tpu.memory_space<hbm>>
      %dma_start3A_35 = arith.constant 0 : i32
      %dma_start3A_36 = tpu.memref_slice %arg7[%mul3A_32, %dma_start3A_35] : memref<10240x16xf32, #tpu.memory_space<vmem_shared>> -> memref<640x16xf32, #tpu.memory_space<vmem_shared>>
      tpu.enqueue_dma source(%dma_start3A_36 : memref<640x16xf32, #tpu.memory_space<vmem_shared>>) target(%dma_start3A_34 : memref<640x16xf32, #tpu.memory_space<hbm>>) target_semaphore(%run_scoped3A : memref<!tpu.dma_semaphore, #tpu.memory_space<semaphore_mem>>)
      %dma_wait3A = arith.constant 0 : i32
      %dma_wait3A_37 = tpu.memref_slice %arg3[%arg0, %mul3A_32, %dma_wait3A] : memref<2x10240x16xf32, #tpu.memory_space<hbm>> -> memref<1x640x16xf32, #tpu.memory_space<hbm>>
      %dma_wait3A_38 = tpu.memref_squeeze %dma_wait3A_37 : memref<1x640x16xf32, #tpu.memory_space<hbm>> -> memref<640x16xf32, #tpu.memory_space<hbm>>
      %dma_wait3A_39 = arith.constant 0 : i32
      %dma_wait3A_40 = tpu.memref_slice %arg7[%mul3A_32, %dma_wait3A_39] : memref<10240x16xf32, #tpu.memory_space<vmem_shared>> -> memref<640x16xf32, #tpu.memory_space<vmem_shared>>
      tpu.wait_dma2 semaphore(%run_scoped3A : memref<!tpu.dma_semaphore, #tpu.memory_space<semaphore_mem>>) src(%dma_wait3A_40 : memref<640x16xf32, #tpu.memory_space<vmem_shared>>) dst(%dma_wait3A_38 : memref<640x16xf32, #tpu.memory_space<hbm>>)
      tpu.yield
    }) : () -> ()
    return
  }
}

#map = affine_map<(d0, d1) -> (0, 0)>
#map1 = affine_map<(d0, d1) -> (0, 0, 0)>
module attributes {stable_mosaic.version = 14 : i64} {
  func.func @k(%arg0: i32, %arg1: i32, %arg2: memref<20480x64xf32, #tpu.memory_space<hbm>>, %arg3: memref<2x2560x125xi32, #tpu.memory_space<hbm>>, %arg4: memref<2560x125xi32, #tpu.memory_space<hbm>>, %arg5: memref<2x10240x64xf32, #tpu.memory_space<hbm>>, %arg6: memref<160x125xi32, #tpu.memory_space<vmem>>, %arg7: memref<160x125xi32, #tpu.memory_space<vmem>>, %arg8: memref<125x64xf32, #tpu.memory_space<vmem>>, %arg9: memref<125x64xf32, #tpu.memory_space<vmem>>, %arg10: memref<125x64xf32, #tpu.memory_space<vmem>>, %arg11: memref<125x64xf32, #tpu.memory_space<vmem>>, %arg12: memref<125x64xf32, #tpu.memory_space<vmem>>, %arg13: memref<125x64xf32, #tpu.memory_space<vmem>>, %arg14: memref<10240x64xf32, #tpu.memory_space<vmem_shared>>, %arg15: memref<!tpu.dma_semaphore, #tpu.memory_space<semaphore_mem>>, %arg16: memref<!tpu.dma_semaphore, #tpu.memory_space<semaphore_mem>>, %arg17: memref<!tpu.dma_semaphore, #tpu.memory_space<semaphore_mem>>, %arg18: memref<!tpu.dma_semaphore, #tpu.memory_space<semaphore_mem>>, %arg19: memref<!tpu.dma_semaphore, #tpu.memory_space<semaphore_mem>>, %arg20: memref<!tpu.dma_semaphore, #tpu.memory_space<semaphore_mem>>, %arg21: memref<!tpu.dma_semaphore, #tpu.memory_space<semaphore_mem>>, %arg22: memref<!tpu.dma_semaphore, #tpu.memory_space<semaphore_mem>>, %arg23: memref<!tpu.dma_semaphore, #tpu.memory_space<semaphore_mem>>, %arg24: memref<!tpu.dma_semaphore, #tpu.memory_space<semaphore_mem>>, %arg25: memref<!tpu.dma_semaphore, #tpu.memory_space<semaphore_mem>>, %arg26: memref<!tpu.dma_semaphore, #tpu.memory_space<semaphore_mem>>) attributes {dimension_semantics = [#tpu.dimension_semantics<core_parallel>, #tpu.dimension_semantics<subcore_parallel>], iteration_bounds = array<i64: 2, 16>, scalar_prefetch = 0 : i64, scratch_operands = 21 : i64, tpu.core_type = #tpu.core_type<sc_vector_subcore>, window_params = [{transform_indices = #map}, {transform_indices = #map1}, {transform_indices = #map}, {transform_indices = #map1}]} {
    %broadcast_in_dim3A = arith.constant 0.000000e+00 : f32
    %broadcast_in_dim3A_0 = vector.broadcast %broadcast_in_dim3A : f32 to vector<16xf32>
    %scan3A = arith.constant 0 : i32
    %scan3A_1 = arith.constant 125 : i32
    %scan3A_2 = arith.addi %scan3A, %scan3A_1 : i32
    %scan3A_3 = arith.constant 1 : i32
    scf.for %scan3A_297 = %scan3A to %scan3A_2 step %scan3A_3  : i32 {
      %scan3A_298 = arith.constant 0 : i32
      %scan3A_299 = arith.constant 4 : i32
      %scan3A_300 = arith.addi %scan3A_298, %scan3A_299 : i32
      %scan3A_301 = arith.constant 1 : i32
      scf.for %scan3A_303 = %scan3A_298 to %scan3A_300 step %scan3A_301  : i32 {
        %mul3A_304 = arith.constant 16 : i32
        %mul3A_305 = arith.muli %scan3A_303, %mul3A_304 : i32
        %swap3A = arith.index_cast %scan3A_297 : i32 to index
        %swap3A_306 = arith.index_cast %mul3A_305 : i32 to index
        %swap3A_307 = tpu.vector_load %arg8[%swap3A, %swap3A_306] {strides = array<i32>} : memref<125x64xf32, #tpu.memory_space<vmem>>, vector<1x16xf32>,
        %swap3A_308 = vector.shape_cast %swap3A_307 : vector<1x16xf32> to vector<16xf32>
        %swap3A_309 = vector.shape_cast %broadcast_in_dim3A_0 : vector<16xf32> to vector<1x16xf32>
        tpu.vector_store %arg8[%swap3A, %swap3A_306], %swap3A_309 {strides = array<i32>} : memref<125x64xf32, #tpu.memory_space<vmem>>, vector<1x16xf32>,
      }
      %scan3A_302 = arith.constant 4 : i32
    }
    %scan3A_4 = arith.constant 125 : i32
    %scan3A_5 = arith.constant 0 : i32
    %scan3A_6 = arith.constant 8 : i32
    %scan3A_7 = arith.addi %scan3A_5, %scan3A_6 : i32
    %scan3A_8 = arith.constant 1 : i32
    scf.for %scan3A_297 = %scan3A_5 to %scan3A_7 step %scan3A_8  : i32 {
      %mul3A_298 = arith.constant 640 : i32
      %mul3A_299 = arith.muli %arg1, %mul3A_298 : i32
      %mul3A_300 = arith.constant 80 : i32
      %mul3A_301 = arith.muli %scan3A_297, %mul3A_300 : i32
      %add3A = arith.addi %mul3A_299, %mul3A_301 : i32
      "tpu.region"() ({
        %run_scoped3A = tpu.sem_alloc : memref<!tpu.dma_semaphore, #tpu.memory_space<semaphore_mem>>
        %dma_start3A_302 = arith.constant 0 : i32
        %dma_start3A_303 = arith.constant 0 : i32
        %dma_start3A_304 = tpu.memref_slice %arg8[%dma_start3A_302, %dma_start3A_303] : memref<125x64xf32, #tpu.memory_space<vmem>> -> memref<80x64xf32, #tpu.memory_space<vmem>>
        %dma_start3A_305 = arith.constant 0 : i32
        %dma_start3A_306 = tpu.memref_slice %arg14[%add3A, %dma_start3A_305] : memref<10240x64xf32, #tpu.memory_space<vmem_shared>> -> memref<80x64xf32, #tpu.memory_space<vmem_shared>>
        %dma_start3A_307 = arith.constant 0 : i32
        %dma_start3A_308 = tpu.memref_slice %arg14[%add3A, %dma_start3A_307] : memref<10240x64xf32, #tpu.memory_space<vmem_shared>> -> memref<80x64xf32, #tpu.memory_space<vmem_shared>>
        %dma_start3A_309 = arith.constant 0 : i32
        %dma_start3A_310 = arith.constant 0 : i32
        %dma_start3A_311 = tpu.memref_slice %arg8[%dma_start3A_309, %dma_start3A_310] : memref<125x64xf32, #tpu.memory_space<vmem>> -> memref<80x64xf32, #tpu.memory_space<vmem>>
        tpu.enqueue_dma source(%dma_start3A_311 : memref<80x64xf32, #tpu.memory_space<vmem>>) target(%dma_start3A_308 : memref<80x64xf32, #tpu.memory_space<vmem_shared>>) target_semaphore(%run_scoped3A : memref<!tpu.dma_semaphore, #tpu.memory_space<semaphore_mem>>)
        %dma_wait3A_312 = arith.constant 0 : i32
        %dma_wait3A_313 = arith.constant 0 : i32
        %dma_wait3A_314 = tpu.memref_slice %arg8[%dma_wait3A_312, %dma_wait3A_313] : memref<125x64xf32, #tpu.memory_space<vmem>> -> memref<80x64xf32, #tpu.memory_space<vmem>>
        %dma_wait3A_315 = arith.constant 0 : i32
        %dma_wait3A_316 = tpu.memref_slice %arg14[%add3A, %dma_wait3A_315] : memref<10240x64xf32, #tpu.memory_space<vmem_shared>> -> memref<80x64xf32, #tpu.memory_space<vmem_shared>>
        %dma_wait3A_317 = arith.constant 0 : i32
        %dma_wait3A_318 = tpu.memref_slice %arg14[%add3A, %dma_wait3A_317] : memref<10240x64xf32, #tpu.memory_space<vmem_shared>> -> memref<80x64xf32, #tpu.memory_space<vmem_shared>>
        %dma_wait3A_319 = arith.constant 0 : i32
        %dma_wait3A_320 = arith.constant 0 : i32
        %dma_wait3A_321 = tpu.memref_slice %arg8[%dma_wait3A_319, %dma_wait3A_320] : memref<125x64xf32, #tpu.memory_space<vmem>> -> memref<80x64xf32, #tpu.memory_space<vmem>>
        tpu.wait_dma2 semaphore(%run_scoped3A : memref<!tpu.dma_semaphore, #tpu.memory_space<semaphore_mem>>) src(%dma_wait3A_321 : memref<80x64xf32, #tpu.memory_space<vmem>>) dst(%dma_wait3A_318 : memref<80x64xf32, #tpu.memory_space<vmem_shared>>)
        tpu.yield
      }) : () -> ()
    }
    %scan3A_9 = arith.constant 8 : i32
    %barrier3A = arith.constant 0 : index
    tpu.barrier barrier_id(%barrier3A)
    %mul3A = arith.constant 160 : i32
    %mul3A_10 = arith.muli %arg1, %mul3A : i32
    "tpu.region"() ({
      %run_scoped3A = tpu.sem_alloc : memref<!tpu.dma_semaphore, #tpu.memory_space<semaphore_mem>>
      %dma_start3A_297 = arith.constant 0 : i32
      %dma_start3A_298 = tpu.memref_slice %arg3[%arg0, %mul3A_10, %dma_start3A_297] : memref<2x2560x125xi32, #tpu.memory_space<hbm>> -> memref<1x160x125xi32, #tpu.memory_space<hbm>>
      %dma_start3A_299 = tpu.memref_squeeze %dma_start3A_298 : memref<1x160x125xi32, #tpu.memory_space<hbm>> -> memref<160x125xi32, #tpu.memory_space<hbm>>
      %dma_start3A_300 = arith.constant 0 : i32
      %dma_start3A_301 = tpu.memref_slice %arg3[%arg0, %mul3A_10, %dma_start3A_300] : memref<2x2560x125xi32, #tpu.memory_space<hbm>> -> memref<1x160x125xi32, #tpu.memory_space<hbm>>
      %dma_start3A_302 = tpu.memref_squeeze %dma_start3A_301 : memref<1x160x125xi32, #tpu.memory_space<hbm>> -> memref<160x125xi32, #tpu.memory_space<hbm>>
      tpu.enqueue_dma source(%dma_start3A_302 : memref<160x125xi32, #tpu.memory_space<hbm>>) target(%arg6 : memref<160x125xi32, #tpu.memory_space<vmem>>) target_semaphore(%run_scoped3A : memref<!tpu.dma_semaphore, #tpu.memory_space<semaphore_mem>>)
      %dma_wait3A_303 = arith.constant 0 : i32
      %dma_wait3A_304 = tpu.memref_slice %arg3[%arg0, %mul3A_10, %dma_wait3A_303] : memref<2x2560x125xi32, #tpu.memory_space<hbm>> -> memref<1x160x125xi32, #tpu.memory_space<hbm>>
      %dma_wait3A_305 = tpu.memref_squeeze %dma_wait3A_304 : memref<1x160x125xi32, #tpu.memory_space<hbm>> -> memref<160x125xi32, #tpu.memory_space<hbm>>
      %dma_wait3A_306 = arith.constant 0 : i32
      %dma_wait3A_307 = tpu.memref_slice %arg3[%arg0, %mul3A_10, %dma_wait3A_306] : memref<2x2560x125xi32, #tpu.memory_space<hbm>> -> memref<1x160x125xi32, #tpu.memory_space<hbm>>
      %dma_wait3A_308 = tpu.memref_squeeze %dma_wait3A_307 : memref<1x160x125xi32, #tpu.memory_space<hbm>> -> memref<160x125xi32, #tpu.memory_space<hbm>>
      tpu.wait_dma2 semaphore(%run_scoped3A : memref<!tpu.dma_semaphore, #tpu.memory_space<semaphore_mem>>) src(%dma_wait3A_308 : memref<160x125xi32, #tpu.memory_space<hbm>>) dst(%arg6 : memref<160x125xi32, #tpu.memory_space<vmem>>)
      tpu.yield
    }) : () -> ()
    "tpu.region"() ({
      %run_scoped3A = tpu.sem_alloc : memref<!tpu.dma_semaphore, #tpu.memory_space<semaphore_mem>>
      %dma_start3A_297 = arith.constant 0 : i32
      %dma_start3A_298 = tpu.memref_slice %arg4[%mul3A_10, %dma_start3A_297] : memref<2560x125xi32, #tpu.memory_space<hbm>> -> memref<160x125xi32, #tpu.memory_space<hbm>>
      %dma_start3A_299 = arith.constant 0 : i32
      %dma_start3A_300 = tpu.memref_slice %arg4[%mul3A_10, %dma_start3A_299] : memref<2560x125xi32, #tpu.memory_space<hbm>> -> memref<160x125xi32, #tpu.memory_space<hbm>>
      tpu.enqueue_dma source(%dma_start3A_300 : memref<160x125xi32, #tpu.memory_space<hbm>>) target(%arg7 : memref<160x125xi32, #tpu.memory_space<vmem>>) target_semaphore(%run_scoped3A : memref<!tpu.dma_semaphore, #tpu.memory_space<semaphore_mem>>)
      %dma_wait3A_301 = arith.constant 0 : i32
      %dma_wait3A_302 = tpu.memref_slice %arg4[%mul3A_10, %dma_wait3A_301] : memref<2560x125xi32, #tpu.memory_space<hbm>> -> memref<160x125xi32, #tpu.memory_space<hbm>>
      %dma_wait3A_303 = arith.constant 0 : i32
      %dma_wait3A_304 = tpu.memref_slice %arg4[%mul3A_10, %dma_wait3A_303] : memref<2560x125xi32, #tpu.memory_space<hbm>> -> memref<160x125xi32, #tpu.memory_space<hbm>>
      tpu.wait_dma2 semaphore(%run_scoped3A : memref<!tpu.dma_semaphore, #tpu.memory_space<semaphore_mem>>) src(%dma_wait3A_304 : memref<160x125xi32, #tpu.memory_space<hbm>>) dst(%arg7 : memref<160x125xi32, #tpu.memory_space<vmem>>)
      tpu.yield
    }) : () -> ()
    %dma_start3A = arith.constant 0 : i32
    %dma_start3A_11 = arith.constant 0 : i32
    %dma_start3A_12 = tpu.memref_slice %arg6[%dma_start3A, %dma_start3A_11] : memref<160x125xi32, #tpu.memory_space<vmem>> -> memref<1x125xi32, #tpu.memory_space<vmem>>
    %dma_start3A_13 = tpu.memref_squeeze %dma_start3A_12 : memref<1x125xi32, #tpu.memory_space<vmem>> -> memref<125xi32, #tpu.memory_space<vmem>>
    %dma_start3A_14 = arith.constant 0 : i32
    %dma_start3A_15 = arith.constant 0 : i32
    %dma_start3A_16 = tpu.memref_slice %arg2[%dma_start3A_14, %dma_start3A_15] : memref<20480x64xf32, #tpu.memory_space<hbm>> -> memref<20480x64xf32, #tpu.memory_space<hbm>>
    tpu.enqueue_indirect_dma source(%dma_start3A_16 : memref<20480x64xf32, #tpu.memory_space<hbm>>) target(%arg8 : memref<125x64xf32, #tpu.memory_space<vmem>>) offsets(%dma_start3A_13 : memref<125xi32, #tpu.memory_space<vmem>>) semaphore(%arg15 : memref<!tpu.dma_semaphore, #tpu.memory_space<semaphore_mem>>)
    %dma_start3A_17 = arith.constant 1 : i32
    %dma_start3A_18 = arith.constant 0 : i32
    %dma_start3A_19 = tpu.memref_slice %arg6[%dma_start3A_17, %dma_start3A_18] : memref<160x125xi32, #tpu.memory_space<vmem>> -> memref<1x125xi32, #tpu.memory_space<vmem>>
    %dma_start3A_20 = tpu.memref_squeeze %dma_start3A_19 : memref<1x125xi32, #tpu.memory_space<vmem>> -> memref<125xi32, #tpu.memory_space<vmem>>
    %dma_start3A_21 = arith.constant 0 : i32
    %dma_start3A_22 = arith.constant 0 : i32
    %dma_start3A_23 = tpu.memref_slice %arg2[%dma_start3A_21, %dma_start3A_22] : memref<20480x64xf32, #tpu.memory_space<hbm>> -> memref<20480x64xf32, #tpu.memory_space<hbm>>
    tpu.enqueue_indirect_dma source(%dma_start3A_23 : memref<20480x64xf32, #tpu.memory_space<hbm>>) target(%arg9 : memref<125x64xf32, #tpu.memory_space<vmem>>) offsets(%dma_start3A_20 : memref<125xi32, #tpu.memory_space<vmem>>) semaphore(%arg16 : memref<!tpu.dma_semaphore, #tpu.memory_space<semaphore_mem>>)
    %dma_start3A_24 = arith.constant 2 : i32
    %dma_start3A_25 = arith.constant 0 : i32
    %dma_start3A_26 = tpu.memref_slice %arg6[%dma_start3A_24, %dma_start3A_25] : memref<160x125xi32, #tpu.memory_space<vmem>> -> memref<1x125xi32, #tpu.memory_space<vmem>>
    %dma_start3A_27 = tpu.memref_squeeze %dma_start3A_26 : memref<1x125xi32, #tpu.memory_space<vmem>> -> memref<125xi32, #tpu.memory_space<vmem>>
    %dma_start3A_28 = arith.constant 0 : i32
    %dma_start3A_29 = arith.constant 0 : i32
    %dma_start3A_30 = tpu.memref_slice %arg2[%dma_start3A_28, %dma_start3A_29] : memref<20480x64xf32, #tpu.memory_space<hbm>> -> memref<20480x64xf32, #tpu.memory_space<hbm>>
    tpu.enqueue_indirect_dma source(%dma_start3A_30 : memref<20480x64xf32, #tpu.memory_space<hbm>>) target(%arg10 : memref<125x64xf32, #tpu.memory_space<vmem>>) offsets(%dma_start3A_27 : memref<125xi32, #tpu.memory_space<vmem>>) semaphore(%arg17 : memref<!tpu.dma_semaphore, #tpu.memory_space<semaphore_mem>>)
    %dma_start3A_31 = arith.constant 3 : i32
    %dma_start3A_32 = arith.constant 0 : i32
    %dma_start3A_33 = tpu.memref_slice %arg6[%dma_start3A_31, %dma_start3A_32] : memref<160x125xi32, #tpu.memory_space<vmem>> -> memref<1x125xi32, #tpu.memory_space<vmem>>
    %dma_start3A_34 = tpu.memref_squeeze %dma_start3A_33 : memref<1x125xi32, #tpu.memory_space<vmem>> -> memref<125xi32, #tpu.memory_space<vmem>>
    %dma_start3A_35 = arith.constant 0 : i32
    %dma_start3A_36 = arith.constant 0 : i32
    %dma_start3A_37 = tpu.memref_slice %arg2[%dma_start3A_35, %dma_start3A_36] : memref<20480x64xf32, #tpu.memory_space<hbm>> -> memref<20480x64xf32, #tpu.memory_space<hbm>>
    tpu.enqueue_indirect_dma source(%dma_start3A_37 : memref<20480x64xf32, #tpu.memory_space<hbm>>) target(%arg11 : memref<125x64xf32, #tpu.memory_space<vmem>>) offsets(%dma_start3A_34 : memref<125xi32, #tpu.memory_space<vmem>>) semaphore(%arg18 : memref<!tpu.dma_semaphore, #tpu.memory_space<semaphore_mem>>)
    %dma_wait3A = arith.constant 0 : i32
    %dma_wait3A_38 = arith.constant 0 : i32
    %dma_wait3A_39 = tpu.memref_slice %arg6[%dma_wait3A, %dma_wait3A_38] : memref<160x125xi32, #tpu.memory_space<vmem>> -> memref<1x125xi32, #tpu.memory_space<vmem>>
    %dma_wait3A_40 = tpu.memref_squeeze %dma_wait3A_39 : memref<1x125xi32, #tpu.memory_space<vmem>> -> memref<125xi32, #tpu.memory_space<vmem>>
    %dma_wait3A_41 = arith.constant 0 : i32
    %dma_wait3A_42 = arith.constant 0 : i32
    %dma_wait3A_43 = tpu.memref_slice %arg2[%dma_wait3A_41, %dma_wait3A_42] : memref<20480x64xf32, #tpu.memory_space<hbm>> -> memref<20480x64xf32, #tpu.memory_space<hbm>>
    tpu.wait_indirect_dma semaphore(%arg15 : memref<!tpu.dma_semaphore, #tpu.memory_space<semaphore_mem>>) src(%dma_wait3A_43 : memref<20480x64xf32, #tpu.memory_space<hbm>>) dst(%arg8 : memref<125x64xf32, #tpu.memory_space<vmem>>)
    %dma_start3A_44 = arith.constant 0 : i32
    %dma_start3A_45 = arith.constant 0 : i32
    %dma_start3A_46 = tpu.memref_slice %arg7[%dma_start3A_44, %dma_start3A_45] : memref<160x125xi32, #tpu.memory_space<vmem>> -> memref<1x125xi32, #tpu.memory_space<vmem>>
    %dma_start3A_47 = tpu.memref_squeeze %dma_start3A_46 : memref<1x125xi32, #tpu.memory_space<vmem>> -> memref<125xi32, #tpu.memory_space<vmem>>
    %dma_start3A_48 = arith.constant 0 : i32
    %dma_start3A_49 = arith.constant 0 : i32
    %dma_start3A_50 = tpu.memref_slice %arg14[%dma_start3A_48, %dma_start3A_49] : memref<10240x64xf32, #tpu.memory_space<vmem_shared>> -> memref<10240x64xf32, #tpu.memory_space<vmem_shared>>
    tpu.enqueue_indirect_dma source(%arg8 : memref<125x64xf32, #tpu.memory_space<vmem>>) target(%dma_start3A_50 : memref<10240x64xf32, #tpu.memory_space<vmem_shared>>) offsets(%dma_start3A_47 : memref<125xi32, #tpu.memory_space<vmem>>) semaphore(%arg21 : memref<!tpu.dma_semaphore, #tpu.memory_space<semaphore_mem>>) {add = true}
    %dma_start3A_51 = arith.constant 4 : i32
    %dma_start3A_52 = arith.constant 0 : i32
    %dma_start3A_53 = tpu.memref_slice %arg6[%dma_start3A_51, %dma_start3A_52] : memref<160x125xi32, #tpu.memory_space<vmem>> -> memref<1x125xi32, #tpu.memory_space<vmem>>
    %dma_start3A_54 = tpu.memref_squeeze %dma_start3A_53 : memref<1x125xi32, #tpu.memory_space<vmem>> -> memref<125xi32, #tpu.memory_space<vmem>>
    %dma_start3A_55 = arith.constant 0 : i32
    %dma_start3A_56 = arith.constant 0 : i32
    %dma_start3A_57 = tpu.memref_slice %arg2[%dma_start3A_55, %dma_start3A_56] : memref<20480x64xf32, #tpu.memory_space<hbm>> -> memref<20480x64xf32, #tpu.memory_space<hbm>>
    tpu.enqueue_indirect_dma source(%dma_start3A_57 : memref<20480x64xf32, #tpu.memory_space<hbm>>) target(%arg12 : memref<125x64xf32, #tpu.memory_space<vmem>>) offsets(%dma_start3A_54 : memref<125xi32, #tpu.memory_space<vmem>>) semaphore(%arg19 : memref<!tpu.dma_semaphore, #tpu.memory_space<semaphore_mem>>)
    %dma_wait3A_58 = arith.constant 1 : i32
    %dma_wait3A_59 = arith.constant 0 : i32
    %dma_wait3A_60 = tpu.memref_slice %arg6[%dma_wait3A_58, %dma_wait3A_59] : memref<160x125xi32, #tpu.memory_space<vmem>> -> memref<1x125xi32, #tpu.memory_space<vmem>>
    %dma_wait3A_61 = tpu.memref_squeeze %dma_wait3A_60 : memref<1x125xi32, #tpu.memory_space<vmem>> -> memref<125xi32, #tpu.memory_space<vmem>>
    %dma_wait3A_62 = arith.constant 0 : i32
    %dma_wait3A_63 = arith.constant 0 : i32
    %dma_wait3A_64 = tpu.memref_slice %arg2[%dma_wait3A_62, %dma_wait3A_63] : memref<20480x64xf32, #tpu.memory_space<hbm>> -> memref<20480x64xf32, #tpu.memory_space<hbm>>
    tpu.wait_indirect_dma semaphore(%arg16 : memref<!tpu.dma_semaphore, #tpu.memory_space<semaphore_mem>>) src(%dma_wait3A_64 : memref<20480x64xf32, #tpu.memory_space<hbm>>) dst(%arg9 : memref<125x64xf32, #tpu.memory_space<vmem>>)
    %dma_start3A_65 = arith.constant 1 : i32
    %dma_start3A_66 = arith.constant 0 : i32
    %dma_start3A_67 = tpu.memref_slice %arg7[%dma_start3A_65, %dma_start3A_66] : memref<160x125xi32, #tpu.memory_space<vmem>> -> memref<1x125xi32, #tpu.memory_space<vmem>>
    %dma_start3A_68 = tpu.memref_squeeze %dma_start3A_67 : memref<1x125xi32, #tpu.memory_space<vmem>> -> memref<125xi32, #tpu.memory_space<vmem>>
    %dma_start3A_69 = arith.constant 0 : i32
    %dma_start3A_70 = arith.constant 0 : i32
    %dma_start3A_71 = tpu.memref_slice %arg14[%dma_start3A_69, %dma_start3A_70] : memref<10240x64xf32, #tpu.memory_space<vmem_shared>> -> memref<10240x64xf32, #tpu.memory_space<vmem_shared>>
    tpu.enqueue_indirect_dma source(%arg9 : memref<125x64xf32, #tpu.memory_space<vmem>>) target(%dma_start3A_71 : memref<10240x64xf32, #tpu.memory_space<vmem_shared>>) offsets(%dma_start3A_68 : memref<125xi32, #tpu.memory_space<vmem>>) semaphore(%arg22 : memref<!tpu.dma_semaphore, #tpu.memory_space<semaphore_mem>>) {add = true}
    %dma_start3A_72 = arith.constant 5 : i32
    %dma_start3A_73 = arith.constant 0 : i32
    %dma_start3A_74 = tpu.memref_slice %arg6[%dma_start3A_72, %dma_start3A_73] : memref<160x125xi32, #tpu.memory_space<vmem>> -> memref<1x125xi32, #tpu.memory_space<vmem>>
    %dma_start3A_75 = tpu.memref_squeeze %dma_start3A_74 : memref<1x125xi32, #tpu.memory_space<vmem>> -> memref<125xi32, #tpu.memory_space<vmem>>
    %dma_start3A_76 = arith.constant 0 : i32
    %dma_start3A_77 = arith.constant 0 : i32
    %dma_start3A_78 = tpu.memref_slice %arg2[%dma_start3A_76, %dma_start3A_77] : memref<20480x64xf32, #tpu.memory_space<hbm>> -> memref<20480x64xf32, #tpu.memory_space<hbm>>
    tpu.enqueue_indirect_dma source(%dma_start3A_78 : memref<20480x64xf32, #tpu.memory_space<hbm>>) target(%arg13 : memref<125x64xf32, #tpu.memory_space<vmem>>) offsets(%dma_start3A_75 : memref<125xi32, #tpu.memory_space<vmem>>) semaphore(%arg20 : memref<!tpu.dma_semaphore, #tpu.memory_space<semaphore_mem>>)
    %dma_wait3A_79 = arith.constant 2 : i32
    %dma_wait3A_80 = arith.constant 0 : i32
    %dma_wait3A_81 = tpu.memref_slice %arg6[%dma_wait3A_79, %dma_wait3A_80] : memref<160x125xi32, #tpu.memory_space<vmem>> -> memref<1x125xi32, #tpu.memory_space<vmem>>
    %dma_wait3A_82 = tpu.memref_squeeze %dma_wait3A_81 : memref<1x125xi32, #tpu.memory_space<vmem>> -> memref<125xi32, #tpu.memory_space<vmem>>
    %dma_wait3A_83 = arith.constant 0 : i32
    %dma_wait3A_84 = arith.constant 0 : i32
    %dma_wait3A_85 = tpu.memref_slice %arg2[%dma_wait3A_83, %dma_wait3A_84] : memref<20480x64xf32, #tpu.memory_space<hbm>> -> memref<20480x64xf32, #tpu.memory_space<hbm>>
    tpu.wait_indirect_dma semaphore(%arg17 : memref<!tpu.dma_semaphore, #tpu.memory_space<semaphore_mem>>) src(%dma_wait3A_85 : memref<20480x64xf32, #tpu.memory_space<hbm>>) dst(%arg10 : memref<125x64xf32, #tpu.memory_space<vmem>>)
    %dma_start3A_86 = arith.constant 2 : i32
    %dma_start3A_87 = arith.constant 0 : i32
    %dma_start3A_88 = tpu.memref_slice %arg7[%dma_start3A_86, %dma_start3A_87] : memref<160x125xi32, #tpu.memory_space<vmem>> -> memref<1x125xi32, #tpu.memory_space<vmem>>
    %dma_start3A_89 = tpu.memref_squeeze %dma_start3A_88 : memref<1x125xi32, #tpu.memory_space<vmem>> -> memref<125xi32, #tpu.memory_space<vmem>>
    %dma_start3A_90 = arith.constant 0 : i32
    %dma_start3A_91 = arith.constant 0 : i32
    %dma_start3A_92 = tpu.memref_slice %arg14[%dma_start3A_90, %dma_start3A_91] : memref<10240x64xf32, #tpu.memory_space<vmem_shared>> -> memref<10240x64xf32, #tpu.memory_space<vmem_shared>>
    tpu.enqueue_indirect_dma source(%arg10 : memref<125x64xf32, #tpu.memory_space<vmem>>) target(%dma_start3A_92 : memref<10240x64xf32, #tpu.memory_space<vmem_shared>>) offsets(%dma_start3A_89 : memref<125xi32, #tpu.memory_space<vmem>>) semaphore(%arg23 : memref<!tpu.dma_semaphore, #tpu.memory_space<semaphore_mem>>) {add = true}
    %scan3A_93 = arith.constant 0 : i32
    %scan3A_94 = arith.constant 25 : i32
    %scan3A_95 = arith.addi %scan3A_93, %scan3A_94 : i32
    %scan3A_96 = arith.constant 1 : i32
    scf.for %scan3A_297 = %scan3A_93 to %scan3A_95 step %scan3A_96  : i32 {
      %mul3A_298 = arith.constant 6 : i32
      %mul3A_299 = arith.muli %mul3A_298, %scan3A_297 : i32
      %add3A = arith.constant 3 : i32
      %add3A_300 = arith.addi %mul3A_299, %add3A : i32
      %add3A_301 = arith.constant 0 : i32
      %add3A_302 = arith.addi %add3A_300, %add3A_301 : i32
      %sub3A = arith.constant 3 : i32
      %sub3A_303 = arith.subi %add3A_302, %sub3A : i32
      %dma_wait3A_304 = arith.constant 0 : i32
      %dma_wait3A_305 = tpu.memref_slice %arg7[%sub3A_303, %dma_wait3A_304] : memref<160x125xi32, #tpu.memory_space<vmem>> -> memref<1x125xi32, #tpu.memory_space<vmem>>
      %dma_wait3A_306 = tpu.memref_squeeze %dma_wait3A_305 : memref<1x125xi32, #tpu.memory_space<vmem>> -> memref<125xi32, #tpu.memory_space<vmem>>
      %dma_wait3A_307 = arith.constant 0 : i32
      %dma_wait3A_308 = arith.constant 0 : i32
      %dma_wait3A_309 = tpu.memref_slice %arg14[%dma_wait3A_307, %dma_wait3A_308] : memref<10240x64xf32, #tpu.memory_space<vmem_shared>> -> memref<10240x64xf32, #tpu.memory_space<vmem_shared>>
      tpu.wait_indirect_dma semaphore(%arg21 : memref<!tpu.dma_semaphore, #tpu.memory_space<semaphore_mem>>) src(%arg8 : memref<125x64xf32, #tpu.memory_space<vmem>>) dst(%dma_wait3A_309 : memref<10240x64xf32, #tpu.memory_space<vmem_shared>>)
      %add3A_310 = arith.constant 3 : i32
      %add3A_311 = arith.addi %add3A_302, %add3A_310 : i32
      %dma_start3A_312 = arith.constant 0 : i32
      %dma_start3A_313 = tpu.memref_slice %arg6[%add3A_311, %dma_start3A_312] : memref<160x125xi32, #tpu.memory_space<vmem>> -> memref<1x125xi32, #tpu.memory_space<vmem>>
      %dma_start3A_314 = tpu.memref_squeeze %dma_start3A_313 : memref<1x125xi32, #tpu.memory_space<vmem>> -> memref<125xi32, #tpu.memory_space<vmem>>
      %dma_start3A_315 = arith.constant 0 : i32
      %dma_start3A_316 = arith.constant 0 : i32
      %dma_start3A_317 = tpu.memref_slice %arg2[%dma_start3A_315, %dma_start3A_316] : memref<20480x64xf32, #tpu.memory_space<hbm>> -> memref<20480x64xf32, #tpu.memory_space<hbm>>
      tpu.enqueue_indirect_dma source(%dma_start3A_317 : memref<20480x64xf32, #tpu.memory_space<hbm>>) target(%arg8 : memref<125x64xf32, #tpu.memory_space<vmem>>) offsets(%dma_start3A_314 : memref<125xi32, #tpu.memory_space<vmem>>) semaphore(%arg15 : memref<!tpu.dma_semaphore, #tpu.memory_space<semaphore_mem>>)
      %dma_wait3A_318 = arith.constant 0 : i32
      %dma_wait3A_319 = tpu.memref_slice %arg6[%add3A_302, %dma_wait3A_318] : memref<160x125xi32, #tpu.memory_space<vmem>> -> memref<1x125xi32, #tpu.memory_space<vmem>>
      %dma_wait3A_320 = tpu.memref_squeeze %dma_wait3A_319 : memref<1x125xi32, #tpu.memory_space<vmem>> -> memref<125xi32, #tpu.memory_space<vmem>>
      %dma_wait3A_321 = arith.constant 0 : i32
      %dma_wait3A_322 = arith.constant 0 : i32
      %dma_wait3A_323 = tpu.memref_slice %arg2[%dma_wait3A_321, %dma_wait3A_322] : memref<20480x64xf32, #tpu.memory_space<hbm>> -> memref<20480x64xf32, #tpu.memory_space<hbm>>
      tpu.wait_indirect_dma semaphore(%arg18 : memref<!tpu.dma_semaphore, #tpu.memory_space<semaphore_mem>>) src(%dma_wait3A_323 : memref<20480x64xf32, #tpu.memory_space<hbm>>) dst(%arg11 : memref<125x64xf32, #tpu.memory_space<vmem>>)
      %dma_start3A_324 = arith.constant 0 : i32
      %dma_start3A_325 = tpu.memref_slice %arg7[%add3A_302, %dma_start3A_324] : memref<160x125xi32, #tpu.memory_space<vmem>> -> memref<1x125xi32, #tpu.memory_space<vmem>>
      %dma_start3A_326 = tpu.memref_squeeze %dma_start3A_325 : memref<1x125xi32, #tpu.memory_space<vmem>> -> memref<125xi32, #tpu.memory_space<vmem>>
      %dma_start3A_327 = arith.constant 0 : i32
      %dma_start3A_328 = arith.constant 0 : i32
      %dma_start3A_329 = tpu.memref_slice %arg14[%dma_start3A_327, %dma_start3A_328] : memref<10240x64xf32, #tpu.memory_space<vmem_shared>> -> memref<10240x64xf32, #tpu.memory_space<vmem_shared>>
      tpu.enqueue_indirect_dma source(%arg11 : memref<125x64xf32, #tpu.memory_space<vmem>>) target(%dma_start3A_329 : memref<10240x64xf32, #tpu.memory_space<vmem_shared>>) offsets(%dma_start3A_326 : memref<125xi32, #tpu.memory_space<vmem>>) semaphore(%arg24 : memref<!tpu.dma_semaphore, #tpu.memory_space<semaphore_mem>>) {add = true}
      %mul3A_330 = arith.constant 6 : i32
      %mul3A_331 = arith.muli %mul3A_330, %scan3A_297 : i32
      %add3A_332 = arith.constant 3 : i32
      %add3A_333 = arith.addi %mul3A_331, %add3A_332 : i32
      %add3A_334 = arith.constant 1 : i32
      %add3A_335 = arith.addi %add3A_333, %add3A_334 : i32
      %sub3A_336 = arith.constant 3 : i32
      %sub3A_337 = arith.subi %add3A_335, %sub3A_336 : i32
      %dma_wait3A_338 = arith.constant 0 : i32
      %dma_wait3A_339 = tpu.memref_slice %arg7[%sub3A_337, %dma_wait3A_338] : memref<160x125xi32, #tpu.memory_space<vmem>> -> memref<1x125xi32, #tpu.memory_space<vmem>>
      %dma_wait3A_340 = tpu.memref_squeeze %dma_wait3A_339 : memref<1x125xi32, #tpu.memory_space<vmem>> -> memref<125xi32, #tpu.memory_space<vmem>>
      %dma_wait3A_341 = arith.constant 0 : i32
      %dma_wait3A_342 = arith.constant 0 : i32
      %dma_wait3A_343 = tpu.memref_slice %arg14[%dma_wait3A_341, %dma_wait3A_342] : memref<10240x64xf32, #tpu.memory_space<vmem_shared>> -> memref<10240x64xf32, #tpu.memory_space<vmem_shared>>
      tpu.wait_indirect_dma semaphore(%arg22 : memref<!tpu.dma_semaphore, #tpu.memory_space<semaphore_mem>>) src(%arg9 : memref<125x64xf32, #tpu.memory_space<vmem>>) dst(%dma_wait3A_343 : memref<10240x64xf32, #tpu.memory_space<vmem_shared>>)
      %add3A_344 = arith.constant 3 : i32
      %add3A_345 = arith.addi %add3A_335, %add3A_344 : i32
      %dma_start3A_346 = arith.constant 0 : i32
      %dma_start3A_347 = tpu.memref_slice %arg6[%add3A_345, %dma_start3A_346] : memref<160x125xi32, #tpu.memory_space<vmem>> -> memref<1x125xi32, #tpu.memory_space<vmem>>
      %dma_start3A_348 = tpu.memref_squeeze %dma_start3A_347 : memref<1x125xi32, #tpu.memory_space<vmem>> -> memref<125xi32, #tpu.memory_space<vmem>>
      %dma_start3A_349 = arith.constant 0 : i32
      %dma_start3A_350 = arith.constant 0 : i32
      %dma_start3A_351 = tpu.memref_slice %arg2[%dma_start3A_349, %dma_start3A_350] : memref<20480x64xf32, #tpu.memory_space<hbm>> -> memref<20480x64xf32, #tpu.memory_space<hbm>>
      tpu.enqueue_indirect_dma source(%dma_start3A_351 : memref<20480x64xf32, #tpu.memory_space<hbm>>) target(%arg9 : memref<125x64xf32, #tpu.memory_space<vmem>>) offsets(%dma_start3A_348 : memref<125xi32, #tpu.memory_space<vmem>>) semaphore(%arg16 : memref<!tpu.dma_semaphore, #tpu.memory_space<semaphore_mem>>)
      %dma_wait3A_352 = arith.constant 0 : i32
      %dma_wait3A_353 = tpu.memref_slice %arg6[%add3A_335, %dma_wait3A_352] : memref<160x125xi32, #tpu.memory_space<vmem>> -> memref<1x125xi32, #tpu.memory_space<vmem>>
      %dma_wait3A_354 = tpu.memref_squeeze %dma_wait3A_353 : memref<1x125xi32, #tpu.memory_space<vmem>> -> memref<125xi32, #tpu.memory_space<vmem>>
      %dma_wait3A_355 = arith.constant 0 : i32
      %dma_wait3A_356 = arith.constant 0 : i32
      %dma_wait3A_357 = tpu.memref_slice %arg2[%dma_wait3A_355, %dma_wait3A_356] : memref<20480x64xf32, #tpu.memory_space<hbm>> -> memref<20480x64xf32, #tpu.memory_space<hbm>>
      tpu.wait_indirect_dma semaphore(%arg19 : memref<!tpu.dma_semaphore, #tpu.memory_space<semaphore_mem>>) src(%dma_wait3A_357 : memref<20480x64xf32, #tpu.memory_space<hbm>>) dst(%arg12 : memref<125x64xf32, #tpu.memory_space<vmem>>)
      %dma_start3A_358 = arith.constant 0 : i32
      %dma_start3A_359 = tpu.memref_slice %arg7[%add3A_335, %dma_start3A_358] : memref<160x125xi32, #tpu.memory_space<vmem>> -> memref<1x125xi32, #tpu.memory_space<vmem>>
      %dma_start3A_360 = tpu.memref_squeeze %dma_start3A_359 : memref<1x125xi32, #tpu.memory_space<vmem>> -> memref<125xi32, #tpu.memory_space<vmem>>
      %dma_start3A_361 = arith.constant 0 : i32
      %dma_start3A_362 = arith.constant 0 : i32
      %dma_start3A_363 = tpu.memref_slice %arg14[%dma_start3A_361, %dma_start3A_362] : memref<10240x64xf32, #tpu.memory_space<vmem_shared>> -> memref<10240x64xf32, #tpu.memory_space<vmem_shared>>
      tpu.enqueue_indirect_dma source(%arg12 : memref<125x64xf32, #tpu.memory_space<vmem>>) target(%dma_start3A_363 : memref<10240x64xf32, #tpu.memory_space<vmem_shared>>) offsets(%dma_start3A_360 : memref<125xi32, #tpu.memory_space<vmem>>) semaphore(%arg25 : memref<!tpu.dma_semaphore, #tpu.memory_space<semaphore_mem>>) {add = true}
      %mul3A_364 = arith.constant 6 : i32
      %mul3A_365 = arith.muli %mul3A_364, %scan3A_297 : i32
      %add3A_366 = arith.constant 3 : i32
      %add3A_367 = arith.addi %mul3A_365, %add3A_366 : i32
      %add3A_368 = arith.constant 2 : i32
      %add3A_369 = arith.addi %add3A_367, %add3A_368 : i32
      %sub3A_370 = arith.constant 3 : i32
      %sub3A_371 = arith.subi %add3A_369, %sub3A_370 : i32
      %dma_wait3A_372 = arith.constant 0 : i32
      %dma_wait3A_373 = tpu.memref_slice %arg7[%sub3A_371, %dma_wait3A_372] : memref<160x125xi32, #tpu.memory_space<vmem>> -> memref<1x125xi32, #tpu.memory_space<vmem>>
      %dma_wait3A_374 = tpu.memref_squeeze %dma_wait3A_373 : memref<1x125xi32, #tpu.memory_space<vmem>> -> memref<125xi32, #tpu.memory_space<vmem>>
      %dma_wait3A_375 = arith.constant 0 : i32
      %dma_wait3A_376 = arith.constant 0 : i32
      %dma_wait3A_377 = tpu.memref_slice %arg14[%dma_wait3A_375, %dma_wait3A_376] : memref<10240x64xf32, #tpu.memory_space<vmem_shared>> -> memref<10240x64xf32, #tpu.memory_space<vmem_shared>>
      tpu.wait_indirect_dma semaphore(%arg23 : memref<!tpu.dma_semaphore, #tpu.memory_space<semaphore_mem>>) src(%arg10 : memref<125x64xf32, #tpu.memory_space<vmem>>) dst(%dma_wait3A_377 : memref<10240x64xf32, #tpu.memory_space<vmem_shared>>)
      %add3A_378 = arith.constant 3 : i32
      %add3A_379 = arith.addi %add3A_369, %add3A_378 : i32
      %dma_start3A_380 = arith.constant 0 : i32
      %dma_start3A_381 = tpu.memref_slice %arg6[%add3A_379, %dma_start3A_380] : memref<160x125xi32, #tpu.memory_space<vmem>> -> memref<1x125xi32, #tpu.memory_space<vmem>>
      %dma_start3A_382 = tpu.memref_squeeze %dma_start3A_381 : memref<1x125xi32, #tpu.memory_space<vmem>> -> memref<125xi32, #tpu.memory_space<vmem>>
      %dma_start3A_383 = arith.constant 0 : i32
      %dma_start3A_384 = arith.constant 0 : i32
      %dma_start3A_385 = tpu.memref_slice %arg2[%dma_start3A_383, %dma_start3A_384] : memref<20480x64xf32, #tpu.memory_space<hbm>> -> memref<20480x64xf32, #tpu.memory_space<hbm>>
      tpu.enqueue_indirect_dma source(%dma_start3A_385 : memref<20480x64xf32, #tpu.memory_space<hbm>>) target(%arg10 : memref<125x64xf32, #tpu.memory_space<vmem>>) offsets(%dma_start3A_382 : memref<125xi32, #tpu.memory_space<vmem>>) semaphore(%arg17 : memref<!tpu.dma_semaphore, #tpu.memory_space<semaphore_mem>>)
      %dma_wait3A_386 = arith.constant 0 : i32
      %dma_wait3A_387 = tpu.memref_slice %arg6[%add3A_369, %dma_wait3A_386] : memref<160x125xi32, #tpu.memory_space<vmem>> -> memref<1x125xi32, #tpu.memory_space<vmem>>
      %dma_wait3A_388 = tpu.memref_squeeze %dma_wait3A_387 : memref<1x125xi32, #tpu.memory_space<vmem>> -> memref<125xi32, #tpu.memory_space<vmem>>
      %dma_wait3A_389 = arith.constant 0 : i32
      %dma_wait3A_390 = arith.constant 0 : i32
      %dma_wait3A_391 = tpu.memref_slice %arg2[%dma_wait3A_389, %dma_wait3A_390] : memref<20480x64xf32, #tpu.memory_space<hbm>> -> memref<20480x64xf32, #tpu.memory_space<hbm>>
      tpu.wait_indirect_dma semaphore(%arg20 : memref<!tpu.dma_semaphore, #tpu.memory_space<semaphore_mem>>) src(%dma_wait3A_391 : memref<20480x64xf32, #tpu.memory_space<hbm>>) dst(%arg13 : memref<125x64xf32, #tpu.memory_space<vmem>>)
      %dma_start3A_392 = arith.constant 0 : i32
      %dma_start3A_393 = tpu.memref_slice %arg7[%add3A_369, %dma_start3A_392] : memref<160x125xi32, #tpu.memory_space<vmem>> -> memref<1x125xi32, #tpu.memory_space<vmem>>
      %dma_start3A_394 = tpu.memref_squeeze %dma_start3A_393 : memref<1x125xi32, #tpu.memory_space<vmem>> -> memref<125xi32, #tpu.memory_space<vmem>>
      %dma_start3A_395 = arith.constant 0 : i32
      %dma_start3A_396 = arith.constant 0 : i32
      %dma_start3A_397 = tpu.memref_slice %arg14[%dma_start3A_395, %dma_start3A_396] : memref<10240x64xf32, #tpu.memory_space<vmem_shared>> -> memref<10240x64xf32, #tpu.memory_space<vmem_shared>>
      tpu.enqueue_indirect_dma source(%arg13 : memref<125x64xf32, #tpu.memory_space<vmem>>) target(%dma_start3A_397 : memref<10240x64xf32, #tpu.memory_space<vmem_shared>>) offsets(%dma_start3A_394 : memref<125xi32, #tpu.memory_space<vmem>>) semaphore(%arg26 : memref<!tpu.dma_semaphore, #tpu.memory_space<semaphore_mem>>) {add = true}
      %mul3A_398 = arith.constant 6 : i32
      %mul3A_399 = arith.muli %mul3A_398, %scan3A_297 : i32
      %add3A_400 = arith.constant 3 : i32
      %add3A_401 = arith.addi %mul3A_399, %add3A_400 : i32
      %add3A_402 = arith.constant 3 : i32
      %add3A_403 = arith.addi %add3A_401, %add3A_402 : i32
      %sub3A_404 = arith.constant 3 : i32
      %sub3A_405 = arith.subi %add3A_403, %sub3A_404 : i32
      %dma_wait3A_406 = arith.constant 0 : i32
      %dma_wait3A_407 = tpu.memref_slice %arg7[%sub3A_405, %dma_wait3A_406] : memref<160x125xi32, #tpu.memory_space<vmem>> -> memref<1x125xi32, #tpu.memory_space<vmem>>
      %dma_wait3A_408 = tpu.memref_squeeze %dma_wait3A_407 : memref<1x125xi32, #tpu.memory_space<vmem>> -> memref<125xi32, #tpu.memory_space<vmem>>
      %dma_wait3A_409 = arith.constant 0 : i32
      %dma_wait3A_410 = arith.constant 0 : i32
      %dma_wait3A_411 = tpu.memref_slice %arg14[%dma_wait3A_409, %dma_wait3A_410] : memref<10240x64xf32, #tpu.memory_space<vmem_shared>> -> memref<10240x64xf32, #tpu.memory_space<vmem_shared>>
      tpu.wait_indirect_dma semaphore(%arg24 : memref<!tpu.dma_semaphore, #tpu.memory_space<semaphore_mem>>) src(%arg11 : memref<125x64xf32, #tpu.memory_space<vmem>>) dst(%dma_wait3A_411 : memref<10240x64xf32, #tpu.memory_space<vmem_shared>>)
      %add3A_412 = arith.constant 3 : i32
      %add3A_413 = arith.addi %add3A_403, %add3A_412 : i32
      %dma_start3A_414 = arith.constant 0 : i32
      %dma_start3A_415 = tpu.memref_slice %arg6[%add3A_413, %dma_start3A_414] : memref<160x125xi32, #tpu.memory_space<vmem>> -> memref<1x125xi32, #tpu.memory_space<vmem>>
      %dma_start3A_416 = tpu.memref_squeeze %dma_start3A_415 : memref<1x125xi32, #tpu.memory_space<vmem>> -> memref<125xi32, #tpu.memory_space<vmem>>
      %dma_start3A_417 = arith.constant 0 : i32
      %dma_start3A_418 = arith.constant 0 : i32
      %dma_start3A_419 = tpu.memref_slice %arg2[%dma_start3A_417, %dma_start3A_418] : memref<20480x64xf32, #tpu.memory_space<hbm>> -> memref<20480x64xf32, #tpu.memory_space<hbm>>
      tpu.enqueue_indirect_dma source(%dma_start3A_419 : memref<20480x64xf32, #tpu.memory_space<hbm>>) target(%arg11 : memref<125x64xf32, #tpu.memory_space<vmem>>) offsets(%dma_start3A_416 : memref<125xi32, #tpu.memory_space<vmem>>) semaphore(%arg18 : memref<!tpu.dma_semaphore, #tpu.memory_space<semaphore_mem>>)
      %dma_wait3A_420 = arith.constant 0 : i32
      %dma_wait3A_421 = tpu.memref_slice %arg6[%add3A_403, %dma_wait3A_420] : memref<160x125xi32, #tpu.memory_space<vmem>> -> memref<1x125xi32, #tpu.memory_space<vmem>>
      %dma_wait3A_422 = tpu.memref_squeeze %dma_wait3A_421 : memref<1x125xi32, #tpu.memory_space<vmem>> -> memref<125xi32, #tpu.memory_space<vmem>>
      %dma_wait3A_423 = arith.constant 0 : i32
      %dma_wait3A_424 = arith.constant 0 : i32
      %dma_wait3A_425 = tpu.memref_slice %arg2[%dma_wait3A_423, %dma_wait3A_424] : memref<20480x64xf32, #tpu.memory_space<hbm>> -> memref<20480x64xf32, #tpu.memory_space<hbm>>
      tpu.wait_indirect_dma semaphore(%arg15 : memref<!tpu.dma_semaphore, #tpu.memory_space<semaphore_mem>>) src(%dma_wait3A_425 : memref<20480x64xf32, #tpu.memory_space<hbm>>) dst(%arg8 : memref<125x64xf32, #tpu.memory_space<vmem>>)
      %dma_start3A_426 = arith.constant 0 : i32
      %dma_start3A_427 = tpu.memref_slice %arg7[%add3A_403, %dma_start3A_426] : memref<160x125xi32, #tpu.memory_space<vmem>> -> memref<1x125xi32, #tpu.memory_space<vmem>>
      %dma_start3A_428 = tpu.memref_squeeze %dma_start3A_427 : memref<1x125xi32, #tpu.memory_space<vmem>> -> memref<125xi32, #tpu.memory_space<vmem>>
      %dma_start3A_429 = arith.constant 0 : i32
      %dma_start3A_430 = arith.constant 0 : i32
      %dma_start3A_431 = tpu.memref_slice %arg14[%dma_start3A_429, %dma_start3A_430] : memref<10240x64xf32, #tpu.memory_space<vmem_shared>> -> memref<10240x64xf32, #tpu.memory_space<vmem_shared>>
      tpu.enqueue_indirect_dma source(%arg8 : memref<125x64xf32, #tpu.memory_space<vmem>>) target(%dma_start3A_431 : memref<10240x64xf32, #tpu.memory_space<vmem_shared>>) offsets(%dma_start3A_428 : memref<125xi32, #tpu.memory_space<vmem>>) semaphore(%arg21 : memref<!tpu.dma_semaphore, #tpu.memory_space<semaphore_mem>>) {add = true}
      %mul3A_432 = arith.constant 6 : i32
      %mul3A_433 = arith.muli %mul3A_432, %scan3A_297 : i32
      %add3A_434 = arith.constant 3 : i32
      %add3A_435 = arith.addi %mul3A_433, %add3A_434 : i32
      %add3A_436 = arith.constant 4 : i32
      %add3A_437 = arith.addi %add3A_435, %add3A_436 : i32
      %sub3A_438 = arith.constant 3 : i32
      %sub3A_439 = arith.subi %add3A_437, %sub3A_438 : i32
      %dma_wait3A_440 = arith.constant 0 : i32
      %dma_wait3A_441 = tpu.memref_slice %arg7[%sub3A_439, %dma_wait3A_440] : memref<160x125xi32, #tpu.memory_space<vmem>> -> memref<1x125xi32, #tpu.memory_space<vmem>>
      %dma_wait3A_442 = tpu.memref_squeeze %dma_wait3A_441 : memref<1x125xi32, #tpu.memory_space<vmem>> -> memref<125xi32, #tpu.memory_space<vmem>>
      %dma_wait3A_443 = arith.constant 0 : i32
      %dma_wait3A_444 = arith.constant 0 : i32
      %dma_wait3A_445 = tpu.memref_slice %arg14[%dma_wait3A_443, %dma_wait3A_444] : memref<10240x64xf32, #tpu.memory_space<vmem_shared>> -> memref<10240x64xf32, #tpu.memory_space<vmem_shared>>
      tpu.wait_indirect_dma semaphore(%arg25 : memref<!tpu.dma_semaphore, #tpu.memory_space<semaphore_mem>>) src(%arg12 : memref<125x64xf32, #tpu.memory_space<vmem>>) dst(%dma_wait3A_445 : memref<10240x64xf32, #tpu.memory_space<vmem_shared>>)
      %add3A_446 = arith.constant 3 : i32
      %add3A_447 = arith.addi %add3A_437, %add3A_446 : i32
      %dma_start3A_448 = arith.constant 0 : i32
      %dma_start3A_449 = tpu.memref_slice %arg6[%add3A_447, %dma_start3A_448] : memref<160x125xi32, #tpu.memory_space<vmem>> -> memref<1x125xi32, #tpu.memory_space<vmem>>
      %dma_start3A_450 = tpu.memref_squeeze %dma_start3A_449 : memref<1x125xi32, #tpu.memory_space<vmem>> -> memref<125xi32, #tpu.memory_space<vmem>>
      %dma_start3A_451 = arith.constant 0 : i32
      %dma_start3A_452 = arith.constant 0 : i32
      %dma_start3A_453 = tpu.memref_slice %arg2[%dma_start3A_451, %dma_start3A_452] : memref<20480x64xf32, #tpu.memory_space<hbm>> -> memref<20480x64xf32, #tpu.memory_space<hbm>>
      tpu.enqueue_indirect_dma source(%dma_start3A_453 : memref<20480x64xf32, #tpu.memory_space<hbm>>) target(%arg12 : memref<125x64xf32, #tpu.memory_space<vmem>>) offsets(%dma_start3A_450 : memref<125xi32, #tpu.memory_space<vmem>>) semaphore(%arg19 : memref<!tpu.dma_semaphore, #tpu.memory_space<semaphore_mem>>)
      %dma_wait3A_454 = arith.constant 0 : i32
      %dma_wait3A_455 = tpu.memref_slice %arg6[%add3A_437, %dma_wait3A_454] : memref<160x125xi32, #tpu.memory_space<vmem>> -> memref<1x125xi32, #tpu.memory_space<vmem>>
      %dma_wait3A_456 = tpu.memref_squeeze %dma_wait3A_455 : memref<1x125xi32, #tpu.memory_space<vmem>> -> memref<125xi32, #tpu.memory_space<vmem>>
      %dma_wait3A_457 = arith.constant 0 : i32
      %dma_wait3A_458 = arith.constant 0 : i32
      %dma_wait3A_459 = tpu.memref_slice %arg2[%dma_wait3A_457, %dma_wait3A_458] : memref<20480x64xf32, #tpu.memory_space<hbm>> -> memref<20480x64xf32, #tpu.memory_space<hbm>>
      tpu.wait_indirect_dma semaphore(%arg16 : memref<!tpu.dma_semaphore, #tpu.memory_space<semaphore_mem>>) src(%dma_wait3A_459 : memref<20480x64xf32, #tpu.memory_space<hbm>>) dst(%arg9 : memref<125x64xf32, #tpu.memory_space<vmem>>)
      %dma_start3A_460 = arith.constant 0 : i32
      %dma_start3A_461 = tpu.memref_slice %arg7[%add3A_437, %dma_start3A_460] : memref<160x125xi32, #tpu.memory_space<vmem>> -> memref<1x125xi32, #tpu.memory_space<vmem>>
      %dma_start3A_462 = tpu.memref_squeeze %dma_start3A_461 : memref<1x125xi32, #tpu.memory_space<vmem>> -> memref<125xi32, #tpu.memory_space<vmem>>
      %dma_start3A_463 = arith.constant 0 : i32
      %dma_start3A_464 = arith.constant 0 : i32
      %dma_start3A_465 = tpu.memref_slice %arg14[%dma_start3A_463, %dma_start3A_464] : memref<10240x64xf32, #tpu.memory_space<vmem_shared>> -> memref<10240x64xf32, #tpu.memory_space<vmem_shared>>
      tpu.enqueue_indirect_dma source(%arg9 : memref<125x64xf32, #tpu.memory_space<vmem>>) target(%dma_start3A_465 : memref<10240x64xf32, #tpu.memory_space<vmem_shared>>) offsets(%dma_start3A_462 : memref<125xi32, #tpu.memory_space<vmem>>) semaphore(%arg22 : memref<!tpu.dma_semaphore, #tpu.memory_space<semaphore_mem>>) {add = true}
      %mul3A_466 = arith.constant 6 : i32
      %mul3A_467 = arith.muli %mul3A_466, %scan3A_297 : i32
      %add3A_468 = arith.constant 3 : i32
      %add3A_469 = arith.addi %mul3A_467, %add3A_468 : i32
      %add3A_470 = arith.constant 5 : i32
      %add3A_471 = arith.addi %add3A_469, %add3A_470 : i32
      %sub3A_472 = arith.constant 3 : i32
      %sub3A_473 = arith.subi %add3A_471, %sub3A_472 : i32
      %dma_wait3A_474 = arith.constant 0 : i32
      %dma_wait3A_475 = tpu.memref_slice %arg7[%sub3A_473, %dma_wait3A_474] : memref<160x125xi32, #tpu.memory_space<vmem>> -> memref<1x125xi32, #tpu.memory_space<vmem>>
      %dma_wait3A_476 = tpu.memref_squeeze %dma_wait3A_475 : memref<1x125xi32, #tpu.memory_space<vmem>> -> memref<125xi32, #tpu.memory_space<vmem>>
      %dma_wait3A_477 = arith.constant 0 : i32
      %dma_wait3A_478 = arith.constant 0 : i32
      %dma_wait3A_479 = tpu.memref_slice %arg14[%dma_wait3A_477, %dma_wait3A_478] : memref<10240x64xf32, #tpu.memory_space<vmem_shared>> -> memref<10240x64xf32, #tpu.memory_space<vmem_shared>>
      tpu.wait_indirect_dma semaphore(%arg26 : memref<!tpu.dma_semaphore, #tpu.memory_space<semaphore_mem>>) src(%arg13 : memref<125x64xf32, #tpu.memory_space<vmem>>) dst(%dma_wait3A_479 : memref<10240x64xf32, #tpu.memory_space<vmem_shared>>)
      %add3A_480 = arith.constant 3 : i32
      %add3A_481 = arith.addi %add3A_471, %add3A_480 : i32
      %dma_start3A_482 = arith.constant 0 : i32
      %dma_start3A_483 = tpu.memref_slice %arg6[%add3A_481, %dma_start3A_482] : memref<160x125xi32, #tpu.memory_space<vmem>> -> memref<1x125xi32, #tpu.memory_space<vmem>>
      %dma_start3A_484 = tpu.memref_squeeze %dma_start3A_483 : memref<1x125xi32, #tpu.memory_space<vmem>> -> memref<125xi32, #tpu.memory_space<vmem>>
      %dma_start3A_485 = arith.constant 0 : i32
      %dma_start3A_486 = arith.constant 0 : i32
      %dma_start3A_487 = tpu.memref_slice %arg2[%dma_start3A_485, %dma_start3A_486] : memref<20480x64xf32, #tpu.memory_space<hbm>> -> memref<20480x64xf32, #tpu.memory_space<hbm>>
      tpu.enqueue_indirect_dma source(%dma_start3A_487 : memref<20480x64xf32, #tpu.memory_space<hbm>>) target(%arg13 : memref<125x64xf32, #tpu.memory_space<vmem>>) offsets(%dma_start3A_484 : memref<125xi32, #tpu.memory_space<vmem>>) semaphore(%arg20 : memref<!tpu.dma_semaphore, #tpu.memory_space<semaphore_mem>>)
      %dma_wait3A_488 = arith.constant 0 : i32
      %dma_wait3A_489 = tpu.memref_slice %arg6[%add3A_471, %dma_wait3A_488] : memref<160x125xi32, #tpu.memory_space<vmem>> -> memref<1x125xi32, #tpu.memory_space<vmem>>
      %dma_wait3A_490 = tpu.memref_squeeze %dma_wait3A_489 : memref<1x125xi32, #tpu.memory_space<vmem>> -> memref<125xi32, #tpu.memory_space<vmem>>
      %dma_wait3A_491 = arith.constant 0 : i32
      %dma_wait3A_492 = arith.constant 0 : i32
      %dma_wait3A_493 = tpu.memref_slice %arg2[%dma_wait3A_491, %dma_wait3A_492] : memref<20480x64xf32, #tpu.memory_space<hbm>> -> memref<20480x64xf32, #tpu.memory_space<hbm>>
      tpu.wait_indirect_dma semaphore(%arg17 : memref<!tpu.dma_semaphore, #tpu.memory_space<semaphore_mem>>) src(%dma_wait3A_493 : memref<20480x64xf32, #tpu.memory_space<hbm>>) dst(%arg10 : memref<125x64xf32, #tpu.memory_space<vmem>>)
      %dma_start3A_494 = arith.constant 0 : i32
      %dma_start3A_495 = tpu.memref_slice %arg7[%add3A_471, %dma_start3A_494] : memref<160x125xi32, #tpu.memory_space<vmem>> -> memref<1x125xi32, #tpu.memory_space<vmem>>
      %dma_start3A_496 = tpu.memref_squeeze %dma_start3A_495 : memref<1x125xi32, #tpu.memory_space<vmem>> -> memref<125xi32, #tpu.memory_space<vmem>>
      %dma_start3A_497 = arith.constant 0 : i32
      %dma_start3A_498 = arith.constant 0 : i32
      %dma_start3A_499 = tpu.memref_slice %arg14[%dma_start3A_497, %dma_start3A_498] : memref<10240x64xf32, #tpu.memory_space<vmem_shared>> -> memref<10240x64xf32, #tpu.memory_space<vmem_shared>>
      tpu.enqueue_indirect_dma source(%arg10 : memref<125x64xf32, #tpu.memory_space<vmem>>) target(%dma_start3A_499 : memref<10240x64xf32, #tpu.memory_space<vmem_shared>>) offsets(%dma_start3A_496 : memref<125xi32, #tpu.memory_space<vmem>>) semaphore(%arg23 : memref<!tpu.dma_semaphore, #tpu.memory_space<semaphore_mem>>) {add = true}
    }
    %scan3A_97 = arith.constant 25 : i32
    %dma_wait3A_98 = arith.constant 150 : i32
    %dma_wait3A_99 = arith.constant 0 : i32
    %dma_wait3A_100 = tpu.memref_slice %arg7[%dma_wait3A_98, %dma_wait3A_99] : memref<160x125xi32, #tpu.memory_space<vmem>> -> memref<1x125xi32, #tpu.memory_space<vmem>>
    %dma_wait3A_101 = tpu.memref_squeeze %dma_wait3A_100 : memref<1x125xi32, #tpu.memory_space<vmem>> -> memref<125xi32, #tpu.memory_space<vmem>>
    %dma_wait3A_102 = arith.constant 0 : i32
    %dma_wait3A_103 = arith.constant 0 : i32
    %dma_wait3A_104 = tpu.memref_slice %arg14[%dma_wait3A_102, %dma_wait3A_103] : memref<10240x64xf32, #tpu.memory_space<vmem_shared>> -> memref<10240x64xf32, #tpu.memory_space<vmem_shared>>
    tpu.wait_indirect_dma semaphore(%arg21 : memref<!tpu.dma_semaphore, #tpu.memory_space<semaphore_mem>>) src(%arg8 : memref<125x64xf32, #tpu.memory_space<vmem>>) dst(%dma_wait3A_104 : memref<10240x64xf32, #tpu.memory_space<vmem_shared>>)
    %dma_start3A_105 = arith.constant 156 : i32
    %dma_start3A_106 = arith.constant 0 : i32
    %dma_start3A_107 = tpu.memref_slice %arg6[%dma_start3A_105, %dma_start3A_106] : memref<160x125xi32, #tpu.memory_space<vmem>> -> memref<1x125xi32, #tpu.memory_space<vmem>>
    %dma_start3A_108 = tpu.memref_squeeze %dma_start3A_107 : memref<1x125xi32, #tpu.memory_space<vmem>> -> memref<125xi32, #tpu.memory_space<vmem>>
    %dma_start3A_109 = arith.constant 0 : i32
    %dma_start3A_110 = arith.constant 0 : i32
    %dma_start3A_111 = tpu.memref_slice %arg2[%dma_start3A_109, %dma_start3A_110] : memref<20480x64xf32, #tpu.memory_space<hbm>> -> memref<20480x64xf32, #tpu.memory_space<hbm>>
    tpu.enqueue_indirect_dma source(%dma_start3A_111 : memref<20480x64xf32, #tpu.memory_space<hbm>>) target(%arg8 : memref<125x64xf32, #tpu.memory_space<vmem>>) offsets(%dma_start3A_108 : memref<125xi32, #tpu.memory_space<vmem>>) semaphore(%arg15 : memref<!tpu.dma_semaphore, #tpu.memory_space<semaphore_mem>>)
    %dma_wait3A_112 = arith.constant 153 : i32
    %dma_wait3A_113 = arith.constant 0 : i32
    %dma_wait3A_114 = tpu.memref_slice %arg6[%dma_wait3A_112, %dma_wait3A_113] : memref<160x125xi32, #tpu.memory_space<vmem>> -> memref<1x125xi32, #tpu.memory_space<vmem>>
    %dma_wait3A_115 = tpu.memref_squeeze %dma_wait3A_114 : memref<1x125xi32, #tpu.memory_space<vmem>> -> memref<125xi32, #tpu.memory_space<vmem>>
    %dma_wait3A_116 = arith.constant 0 : i32
    %dma_wait3A_117 = arith.constant 0 : i32
    %dma_wait3A_118 = tpu.memref_slice %arg2[%dma_wait3A_116, %dma_wait3A_117] : memref<20480x64xf32, #tpu.memory_space<hbm>> -> memref<20480x64xf32, #tpu.memory_space<hbm>>
    tpu.wait_indirect_dma semaphore(%arg18 : memref<!tpu.dma_semaphore, #tpu.memory_space<semaphore_mem>>) src(%dma_wait3A_118 : memref<20480x64xf32, #tpu.memory_space<hbm>>) dst(%arg11 : memref<125x64xf32, #tpu.memory_space<vmem>>)
    %dma_start3A_119 = arith.constant 153 : i32
    %dma_start3A_120 = arith.constant 0 : i32
    %dma_start3A_121 = tpu.memref_slice %arg7[%dma_start3A_119, %dma_start3A_120] : memref<160x125xi32, #tpu.memory_space<vmem>> -> memref<1x125xi32, #tpu.memory_space<vmem>>
    %dma_start3A_122 = tpu.memref_squeeze %dma_start3A_121 : memref<1x125xi32, #tpu.memory_space<vmem>> -> memref<125xi32, #tpu.memory_space<vmem>>
    %dma_start3A_123 = arith.constant 0 : i32
    %dma_start3A_124 = arith.constant 0 : i32
    %dma_start3A_125 = tpu.memref_slice %arg14[%dma_start3A_123, %dma_start3A_124] : memref<10240x64xf32, #tpu.memory_space<vmem_shared>> -> memref<10240x64xf32, #tpu.memory_space<vmem_shared>>
    tpu.enqueue_indirect_dma source(%arg11 : memref<125x64xf32, #tpu.memory_space<vmem>>) target(%dma_start3A_125 : memref<10240x64xf32, #tpu.memory_space<vmem_shared>>) offsets(%dma_start3A_122 : memref<125xi32, #tpu.memory_space<vmem>>) semaphore(%arg24 : memref<!tpu.dma_semaphore, #tpu.memory_space<semaphore_mem>>) {add = true}
    %dma_wait3A_126 = arith.constant 151 : i32
    %dma_wait3A_127 = arith.constant 0 : i32
    %dma_wait3A_128 = tpu.memref_slice %arg7[%dma_wait3A_126, %dma_wait3A_127] : memref<160x125xi32, #tpu.memory_space<vmem>> -> memref<1x125xi32, #tpu.memory_space<vmem>>
    %dma_wait3A_129 = tpu.memref_squeeze %dma_wait3A_128 : memref<1x125xi32, #tpu.memory_space<vmem>> -> memref<125xi32, #tpu.memory_space<vmem>>
    %dma_wait3A_130 = arith.constant 0 : i32
    %dma_wait3A_131 = arith.constant 0 : i32
    %dma_wait3A_132 = tpu.memref_slice %arg14[%dma_wait3A_130, %dma_wait3A_131] : memref<10240x64xf32, #tpu.memory_space<vmem_shared>> -> memref<10240x64xf32, #tpu.memory_space<vmem_shared>>
    tpu.wait_indirect_dma semaphore(%arg22 : memref<!tpu.dma_semaphore, #tpu.memory_space<semaphore_mem>>) src(%arg9 : memref<125x64xf32, #tpu.memory_space<vmem>>) dst(%dma_wait3A_132 : memref<10240x64xf32, #tpu.memory_space<vmem_shared>>)
    %dma_start3A_133 = arith.constant 157 : i32
    %dma_start3A_134 = arith.constant 0 : i32
    %dma_start3A_135 = tpu.memref_slice %arg6[%dma_start3A_133, %dma_start3A_134] : memref<160x125xi32, #tpu.memory_space<vmem>> -> memref<1x125xi32, #tpu.memory_space<vmem>>
    %dma_start3A_136 = tpu.memref_squeeze %dma_start3A_135 : memref<1x125xi32, #tpu.memory_space<vmem>> -> memref<125xi32, #tpu.memory_space<vmem>>
    %dma_start3A_137 = arith.constant 0 : i32
    %dma_start3A_138 = arith.constant 0 : i32
    %dma_start3A_139 = tpu.memref_slice %arg2[%dma_start3A_137, %dma_start3A_138] : memref<20480x64xf32, #tpu.memory_space<hbm>> -> memref<20480x64xf32, #tpu.memory_space<hbm>>
    tpu.enqueue_indirect_dma source(%dma_start3A_139 : memref<20480x64xf32, #tpu.memory_space<hbm>>) target(%arg9 : memref<125x64xf32, #tpu.memory_space<vmem>>) offsets(%dma_start3A_136 : memref<125xi32, #tpu.memory_space<vmem>>) semaphore(%arg16 : memref<!tpu.dma_semaphore, #tpu.memory_space<semaphore_mem>>)
    %dma_wait3A_140 = arith.constant 154 : i32
    %dma_wait3A_141 = arith.constant 0 : i32
    %dma_wait3A_142 = tpu.memref_slice %arg6[%dma_wait3A_140, %dma_wait3A_141] : memref<160x125xi32, #tpu.memory_space<vmem>> -> memref<1x125xi32, #tpu.memory_space<vmem>>
    %dma_wait3A_143 = tpu.memref_squeeze %dma_wait3A_142 : memref<1x125xi32, #tpu.memory_space<vmem>> -> memref<125xi32, #tpu.memory_space<vmem>>
    %dma_wait3A_144 = arith.constant 0 : i32
    %dma_wait3A_145 = arith.constant 0 : i32
    %dma_wait3A_146 = tpu.memref_slice %arg2[%dma_wait3A_144, %dma_wait3A_145] : memref<20480x64xf32, #tpu.memory_space<hbm>> -> memref<20480x64xf32, #tpu.memory_space<hbm>>
    tpu.wait_indirect_dma semaphore(%arg19 : memref<!tpu.dma_semaphore, #tpu.memory_space<semaphore_mem>>) src(%dma_wait3A_146 : memref<20480x64xf32, #tpu.memory_space<hbm>>) dst(%arg12 : memref<125x64xf32, #tpu.memory_space<vmem>>)
    %dma_start3A_147 = arith.constant 154 : i32
    %dma_start3A_148 = arith.constant 0 : i32
    %dma_start3A_149 = tpu.memref_slice %arg7[%dma_start3A_147, %dma_start3A_148] : memref<160x125xi32, #tpu.memory_space<vmem>> -> memref<1x125xi32, #tpu.memory_space<vmem>>
    %dma_start3A_150 = tpu.memref_squeeze %dma_start3A_149 : memref<1x125xi32, #tpu.memory_space<vmem>> -> memref<125xi32, #tpu.memory_space<vmem>>
    %dma_start3A_151 = arith.constant 0 : i32
    %dma_start3A_152 = arith.constant 0 : i32
    %dma_start3A_153 = tpu.memref_slice %arg14[%dma_start3A_151, %dma_start3A_152] : memref<10240x64xf32, #tpu.memory_space<vmem_shared>> -> memref<10240x64xf32, #tpu.memory_space<vmem_shared>>
    tpu.enqueue_indirect_dma source(%arg12 : memref<125x64xf32, #tpu.memory_space<vmem>>) target(%dma_start3A_153 : memref<10240x64xf32, #tpu.memory_space<vmem_shared>>) offsets(%dma_start3A_150 : memref<125xi32, #tpu.memory_space<vmem>>) semaphore(%arg25 : memref<!tpu.dma_semaphore, #tpu.memory_space<semaphore_mem>>) {add = true}
    %dma_wait3A_154 = arith.constant 152 : i32
    %dma_wait3A_155 = arith.constant 0 : i32
    %dma_wait3A_156 = tpu.memref_slice %arg7[%dma_wait3A_154, %dma_wait3A_155] : memref<160x125xi32, #tpu.memory_space<vmem>> -> memref<1x125xi32, #tpu.memory_space<vmem>>
    %dma_wait3A_157 = tpu.memref_squeeze %dma_wait3A_156 : memref<1x125xi32, #tpu.memory_space<vmem>> -> memref<125xi32, #tpu.memory_space<vmem>>
    %dma_wait3A_158 = arith.constant 0 : i32
    %dma_wait3A_159 = arith.constant 0 : i32
    %dma_wait3A_160 = tpu.memref_slice %arg14[%dma_wait3A_158, %dma_wait3A_159] : memref<10240x64xf32, #tpu.memory_space<vmem_shared>> -> memref<10240x64xf32, #tpu.memory_space<vmem_shared>>
    tpu.wait_indirect_dma semaphore(%arg23 : memref<!tpu.dma_semaphore, #tpu.memory_space<semaphore_mem>>) src(%arg10 : memref<125x64xf32, #tpu.memory_space<vmem>>) dst(%dma_wait3A_160 : memref<10240x64xf32, #tpu.memory_space<vmem_shared>>)
    %dma_start3A_161 = arith.constant 158 : i32
    %dma_start3A_162 = arith.constant 0 : i32
    %dma_start3A_163 = tpu.memref_slice %arg6[%dma_start3A_161, %dma_start3A_162] : memref<160x125xi32, #tpu.memory_space<vmem>> -> memref<1x125xi32, #tpu.memory_space<vmem>>
    %dma_start3A_164 = tpu.memref_squeeze %dma_start3A_163 : memref<1x125xi32, #tpu.memory_space<vmem>> -> memref<125xi32, #tpu.memory_space<vmem>>
    %dma_start3A_165 = arith.constant 0 : i32
    %dma_start3A_166 = arith.constant 0 : i32
    %dma_start3A_167 = tpu.memref_slice %arg2[%dma_start3A_165, %dma_start3A_166] : memref<20480x64xf32, #tpu.memory_space<hbm>> -> memref<20480x64xf32, #tpu.memory_space<hbm>>
    tpu.enqueue_indirect_dma source(%dma_start3A_167 : memref<20480x64xf32, #tpu.memory_space<hbm>>) target(%arg10 : memref<125x64xf32, #tpu.memory_space<vmem>>) offsets(%dma_start3A_164 : memref<125xi32, #tpu.memory_space<vmem>>) semaphore(%arg17 : memref<!tpu.dma_semaphore, #tpu.memory_space<semaphore_mem>>)
    %dma_wait3A_168 = arith.constant 155 : i32
    %dma_wait3A_169 = arith.constant 0 : i32
    %dma_wait3A_170 = tpu.memref_slice %arg6[%dma_wait3A_168, %dma_wait3A_169] : memref<160x125xi32, #tpu.memory_space<vmem>> -> memref<1x125xi32, #tpu.memory_space<vmem>>
    %dma_wait3A_171 = tpu.memref_squeeze %dma_wait3A_170 : memref<1x125xi32, #tpu.memory_space<vmem>> -> memref<125xi32, #tpu.memory_space<vmem>>
    %dma_wait3A_172 = arith.constant 0 : i32
    %dma_wait3A_173 = arith.constant 0 : i32
    %dma_wait3A_174 = tpu.memref_slice %arg2[%dma_wait3A_172, %dma_wait3A_173] : memref<20480x64xf32, #tpu.memory_space<hbm>> -> memref<20480x64xf32, #tpu.memory_space<hbm>>
    tpu.wait_indirect_dma semaphore(%arg20 : memref<!tpu.dma_semaphore, #tpu.memory_space<semaphore_mem>>) src(%dma_wait3A_174 : memref<20480x64xf32, #tpu.memory_space<hbm>>) dst(%arg13 : memref<125x64xf32, #tpu.memory_space<vmem>>)
    %dma_start3A_175 = arith.constant 155 : i32
    %dma_start3A_176 = arith.constant 0 : i32
    %dma_start3A_177 = tpu.memref_slice %arg7[%dma_start3A_175, %dma_start3A_176] : memref<160x125xi32, #tpu.memory_space<vmem>> -> memref<1x125xi32, #tpu.memory_space<vmem>>
    %dma_start3A_178 = tpu.memref_squeeze %dma_start3A_177 : memref<1x125xi32, #tpu.memory_space<vmem>> -> memref<125xi32, #tpu.memory_space<vmem>>
    %dma_start3A_179 = arith.constant 0 : i32
    %dma_start3A_180 = arith.constant 0 : i32
    %dma_start3A_181 = tpu.memref_slice %arg14[%dma_start3A_179, %dma_start3A_180] : memref<10240x64xf32, #tpu.memory_space<vmem_shared>> -> memref<10240x64xf32, #tpu.memory_space<vmem_shared>>
    tpu.enqueue_indirect_dma source(%arg13 : memref<125x64xf32, #tpu.memory_space<vmem>>) target(%dma_start3A_181 : memref<10240x64xf32, #tpu.memory_space<vmem_shared>>) offsets(%dma_start3A_178 : memref<125xi32, #tpu.memory_space<vmem>>) semaphore(%arg26 : memref<!tpu.dma_semaphore, #tpu.memory_space<semaphore_mem>>) {add = true}
    %dma_wait3A_182 = arith.constant 153 : i32
    %dma_wait3A_183 = arith.constant 0 : i32
    %dma_wait3A_184 = tpu.memref_slice %arg7[%dma_wait3A_182, %dma_wait3A_183] : memref<160x125xi32, #tpu.memory_space<vmem>> -> memref<1x125xi32, #tpu.memory_space<vmem>>
    %dma_wait3A_185 = tpu.memref_squeeze %dma_wait3A_184 : memref<1x125xi32, #tpu.memory_space<vmem>> -> memref<125xi32, #tpu.memory_space<vmem>>
    %dma_wait3A_186 = arith.constant 0 : i32
    %dma_wait3A_187 = arith.constant 0 : i32
    %dma_wait3A_188 = tpu.memref_slice %arg14[%dma_wait3A_186, %dma_wait3A_187] : memref<10240x64xf32, #tpu.memory_space<vmem_shared>> -> memref<10240x64xf32, #tpu.memory_space<vmem_shared>>
    tpu.wait_indirect_dma semaphore(%arg24 : memref<!tpu.dma_semaphore, #tpu.memory_space<semaphore_mem>>) src(%arg11 : memref<125x64xf32, #tpu.memory_space<vmem>>) dst(%dma_wait3A_188 : memref<10240x64xf32, #tpu.memory_space<vmem_shared>>)
    %dma_start3A_189 = arith.constant 159 : i32
    %dma_start3A_190 = arith.constant 0 : i32
    %dma_start3A_191 = tpu.memref_slice %arg6[%dma_start3A_189, %dma_start3A_190] : memref<160x125xi32, #tpu.memory_space<vmem>> -> memref<1x125xi32, #tpu.memory_space<vmem>>
    %dma_start3A_192 = tpu.memref_squeeze %dma_start3A_191 : memref<1x125xi32, #tpu.memory_space<vmem>> -> memref<125xi32, #tpu.memory_space<vmem>>
    %dma_start3A_193 = arith.constant 0 : i32
    %dma_start3A_194 = arith.constant 0 : i32
    %dma_start3A_195 = tpu.memref_slice %arg2[%dma_start3A_193, %dma_start3A_194] : memref<20480x64xf32, #tpu.memory_space<hbm>> -> memref<20480x64xf32, #tpu.memory_space<hbm>>
    tpu.enqueue_indirect_dma source(%dma_start3A_195 : memref<20480x64xf32, #tpu.memory_space<hbm>>) target(%arg11 : memref<125x64xf32, #tpu.memory_space<vmem>>) offsets(%dma_start3A_192 : memref<125xi32, #tpu.memory_space<vmem>>) semaphore(%arg18 : memref<!tpu.dma_semaphore, #tpu.memory_space<semaphore_mem>>)
    %dma_wait3A_196 = arith.constant 156 : i32
    %dma_wait3A_197 = arith.constant 0 : i32
    %dma_wait3A_198 = tpu.memref_slice %arg6[%dma_wait3A_196, %dma_wait3A_197] : memref<160x125xi32, #tpu.memory_space<vmem>> -> memref<1x125xi32, #tpu.memory_space<vmem>>
    %dma_wait3A_199 = tpu.memref_squeeze %dma_wait3A_198 : memref<1x125xi32, #tpu.memory_space<vmem>> -> memref<125xi32, #tpu.memory_space<vmem>>
    %dma_wait3A_200 = arith.constant 0 : i32
    %dma_wait3A_201 = arith.constant 0 : i32
    %dma_wait3A_202 = tpu.memref_slice %arg2[%dma_wait3A_200, %dma_wait3A_201] : memref<20480x64xf32, #tpu.memory_space<hbm>> -> memref<20480x64xf32, #tpu.memory_space<hbm>>
    tpu.wait_indirect_dma semaphore(%arg15 : memref<!tpu.dma_semaphore, #tpu.memory_space<semaphore_mem>>) src(%dma_wait3A_202 : memref<20480x64xf32, #tpu.memory_space<hbm>>) dst(%arg8 : memref<125x64xf32, #tpu.memory_space<vmem>>)
    %dma_start3A_203 = arith.constant 156 : i32
    %dma_start3A_204 = arith.constant 0 : i32
    %dma_start3A_205 = tpu.memref_slice %arg7[%dma_start3A_203, %dma_start3A_204] : memref<160x125xi32, #tpu.memory_space<vmem>> -> memref<1x125xi32, #tpu.memory_space<vmem>>
    %dma_start3A_206 = tpu.memref_squeeze %dma_start3A_205 : memref<1x125xi32, #tpu.memory_space<vmem>> -> memref<125xi32, #tpu.memory_space<vmem>>
    %dma_start3A_207 = arith.constant 0 : i32
    %dma_start3A_208 = arith.constant 0 : i32
    %dma_start3A_209 = tpu.memref_slice %arg14[%dma_start3A_207, %dma_start3A_208] : memref<10240x64xf32, #tpu.memory_space<vmem_shared>> -> memref<10240x64xf32, #tpu.memory_space<vmem_shared>>
    tpu.enqueue_indirect_dma source(%arg8 : memref<125x64xf32, #tpu.memory_space<vmem>>) target(%dma_start3A_209 : memref<10240x64xf32, #tpu.memory_space<vmem_shared>>) offsets(%dma_start3A_206 : memref<125xi32, #tpu.memory_space<vmem>>) semaphore(%arg21 : memref<!tpu.dma_semaphore, #tpu.memory_space<semaphore_mem>>) {add = true}
    %dma_wait3A_210 = arith.constant 154 : i32
    %dma_wait3A_211 = arith.constant 0 : i32
    %dma_wait3A_212 = tpu.memref_slice %arg7[%dma_wait3A_210, %dma_wait3A_211] : memref<160x125xi32, #tpu.memory_space<vmem>> -> memref<1x125xi32, #tpu.memory_space<vmem>>
    %dma_wait3A_213 = tpu.memref_squeeze %dma_wait3A_212 : memref<1x125xi32, #tpu.memory_space<vmem>> -> memref<125xi32, #tpu.memory_space<vmem>>
    %dma_wait3A_214 = arith.constant 0 : i32
    %dma_wait3A_215 = arith.constant 0 : i32
    %dma_wait3A_216 = tpu.memref_slice %arg14[%dma_wait3A_214, %dma_wait3A_215] : memref<10240x64xf32, #tpu.memory_space<vmem_shared>> -> memref<10240x64xf32, #tpu.memory_space<vmem_shared>>
    tpu.wait_indirect_dma semaphore(%arg25 : memref<!tpu.dma_semaphore, #tpu.memory_space<semaphore_mem>>) src(%arg12 : memref<125x64xf32, #tpu.memory_space<vmem>>) dst(%dma_wait3A_216 : memref<10240x64xf32, #tpu.memory_space<vmem_shared>>)
    %dma_wait3A_217 = arith.constant 157 : i32
    %dma_wait3A_218 = arith.constant 0 : i32
    %dma_wait3A_219 = tpu.memref_slice %arg6[%dma_wait3A_217, %dma_wait3A_218] : memref<160x125xi32, #tpu.memory_space<vmem>> -> memref<1x125xi32, #tpu.memory_space<vmem>>
    %dma_wait3A_220 = tpu.memref_squeeze %dma_wait3A_219 : memref<1x125xi32, #tpu.memory_space<vmem>> -> memref<125xi32, #tpu.memory_space<vmem>>
    %dma_wait3A_221 = arith.constant 0 : i32
    %dma_wait3A_222 = arith.constant 0 : i32
    %dma_wait3A_223 = tpu.memref_slice %arg2[%dma_wait3A_221, %dma_wait3A_222] : memref<20480x64xf32, #tpu.memory_space<hbm>> -> memref<20480x64xf32, #tpu.memory_space<hbm>>
    tpu.wait_indirect_dma semaphore(%arg16 : memref<!tpu.dma_semaphore, #tpu.memory_space<semaphore_mem>>) src(%dma_wait3A_223 : memref<20480x64xf32, #tpu.memory_space<hbm>>) dst(%arg9 : memref<125x64xf32, #tpu.memory_space<vmem>>)
    %dma_start3A_224 = arith.constant 157 : i32
    %dma_start3A_225 = arith.constant 0 : i32
    %dma_start3A_226 = tpu.memref_slice %arg7[%dma_start3A_224, %dma_start3A_225] : memref<160x125xi32, #tpu.memory_space<vmem>> -> memref<1x125xi32, #tpu.memory_space<vmem>>
    %dma_start3A_227 = tpu.memref_squeeze %dma_start3A_226 : memref<1x125xi32, #tpu.memory_space<vmem>> -> memref<125xi32, #tpu.memory_space<vmem>>
    %dma_start3A_228 = arith.constant 0 : i32
    %dma_start3A_229 = arith.constant 0 : i32
    %dma_start3A_230 = tpu.memref_slice %arg14[%dma_start3A_228, %dma_start3A_229] : memref<10240x64xf32, #tpu.memory_space<vmem_shared>> -> memref<10240x64xf32, #tpu.memory_space<vmem_shared>>
    tpu.enqueue_indirect_dma source(%arg9 : memref<125x64xf32, #tpu.memory_space<vmem>>) target(%dma_start3A_230 : memref<10240x64xf32, #tpu.memory_space<vmem_shared>>) offsets(%dma_start3A_227 : memref<125xi32, #tpu.memory_space<vmem>>) semaphore(%arg22 : memref<!tpu.dma_semaphore, #tpu.memory_space<semaphore_mem>>) {add = true}
    %dma_wait3A_231 = arith.constant 155 : i32
    %dma_wait3A_232 = arith.constant 0 : i32
    %dma_wait3A_233 = tpu.memref_slice %arg7[%dma_wait3A_231, %dma_wait3A_232] : memref<160x125xi32, #tpu.memory_space<vmem>> -> memref<1x125xi32, #tpu.memory_space<vmem>>
    %dma_wait3A_234 = tpu.memref_squeeze %dma_wait3A_233 : memref<1x125xi32, #tpu.memory_space<vmem>> -> memref<125xi32, #tpu.memory_space<vmem>>
    %dma_wait3A_235 = arith.constant 0 : i32
    %dma_wait3A_236 = arith.constant 0 : i32
    %dma_wait3A_237 = tpu.memref_slice %arg14[%dma_wait3A_235, %dma_wait3A_236] : memref<10240x64xf32, #tpu.memory_space<vmem_shared>> -> memref<10240x64xf32, #tpu.memory_space<vmem_shared>>
    tpu.wait_indirect_dma semaphore(%arg26 : memref<!tpu.dma_semaphore, #tpu.memory_space<semaphore_mem>>) src(%arg13 : memref<125x64xf32, #tpu.memory_space<vmem>>) dst(%dma_wait3A_237 : memref<10240x64xf32, #tpu.memory_space<vmem_shared>>)
    %dma_wait3A_238 = arith.constant 158 : i32
    %dma_wait3A_239 = arith.constant 0 : i32
    %dma_wait3A_240 = tpu.memref_slice %arg6[%dma_wait3A_238, %dma_wait3A_239] : memref<160x125xi32, #tpu.memory_space<vmem>> -> memref<1x125xi32, #tpu.memory_space<vmem>>
    %dma_wait3A_241 = tpu.memref_squeeze %dma_wait3A_240 : memref<1x125xi32, #tpu.memory_space<vmem>> -> memref<125xi32, #tpu.memory_space<vmem>>
    %dma_wait3A_242 = arith.constant 0 : i32
    %dma_wait3A_243 = arith.constant 0 : i32
    %dma_wait3A_244 = tpu.memref_slice %arg2[%dma_wait3A_242, %dma_wait3A_243] : memref<20480x64xf32, #tpu.memory_space<hbm>> -> memref<20480x64xf32, #tpu.memory_space<hbm>>
    tpu.wait_indirect_dma semaphore(%arg17 : memref<!tpu.dma_semaphore, #tpu.memory_space<semaphore_mem>>) src(%dma_wait3A_244 : memref<20480x64xf32, #tpu.memory_space<hbm>>) dst(%arg10 : memref<125x64xf32, #tpu.memory_space<vmem>>)
    %dma_start3A_245 = arith.constant 158 : i32
    %dma_start3A_246 = arith.constant 0 : i32
    %dma_start3A_247 = tpu.memref_slice %arg7[%dma_start3A_245, %dma_start3A_246] : memref<160x125xi32, #tpu.memory_space<vmem>> -> memref<1x125xi32, #tpu.memory_space<vmem>>
    %dma_start3A_248 = tpu.memref_squeeze %dma_start3A_247 : memref<1x125xi32, #tpu.memory_space<vmem>> -> memref<125xi32, #tpu.memory_space<vmem>>
    %dma_start3A_249 = arith.constant 0 : i32
    %dma_start3A_250 = arith.constant 0 : i32
    %dma_start3A_251 = tpu.memref_slice %arg14[%dma_start3A_249, %dma_start3A_250] : memref<10240x64xf32, #tpu.memory_space<vmem_shared>> -> memref<10240x64xf32, #tpu.memory_space<vmem_shared>>
    tpu.enqueue_indirect_dma source(%arg10 : memref<125x64xf32, #tpu.memory_space<vmem>>) target(%dma_start3A_251 : memref<10240x64xf32, #tpu.memory_space<vmem_shared>>) offsets(%dma_start3A_248 : memref<125xi32, #tpu.memory_space<vmem>>) semaphore(%arg23 : memref<!tpu.dma_semaphore, #tpu.memory_space<semaphore_mem>>) {add = true}
    %dma_wait3A_252 = arith.constant 156 : i32
    %dma_wait3A_253 = arith.constant 0 : i32
    %dma_wait3A_254 = tpu.memref_slice %arg7[%dma_wait3A_252, %dma_wait3A_253] : memref<160x125xi32, #tpu.memory_space<vmem>> -> memref<1x125xi32, #tpu.memory_space<vmem>>
    %dma_wait3A_255 = tpu.memref_squeeze %dma_wait3A_254 : memref<1x125xi32, #tpu.memory_space<vmem>> -> memref<125xi32, #tpu.memory_space<vmem>>
    %dma_wait3A_256 = arith.constant 0 : i32
    %dma_wait3A_257 = arith.constant 0 : i32
    %dma_wait3A_258 = tpu.memref_slice %arg14[%dma_wait3A_256, %dma_wait3A_257] : memref<10240x64xf32, #tpu.memory_space<vmem_shared>> -> memref<10240x64xf32, #tpu.memory_space<vmem_shared>>
    tpu.wait_indirect_dma semaphore(%arg21 : memref<!tpu.dma_semaphore, #tpu.memory_space<semaphore_mem>>) src(%arg8 : memref<125x64xf32, #tpu.memory_space<vmem>>) dst(%dma_wait3A_258 : memref<10240x64xf32, #tpu.memory_space<vmem_shared>>)
    %dma_wait3A_259 = arith.constant 159 : i32
    %dma_wait3A_260 = arith.constant 0 : i32
    %dma_wait3A_261 = tpu.memref_slice %arg6[%dma_wait3A_259, %dma_wait3A_260] : memref<160x125xi32, #tpu.memory_space<vmem>> -> memref<1x125xi32, #tpu.memory_space<vmem>>
    %dma_wait3A_262 = tpu.memref_squeeze %dma_wait3A_261 : memref<1x125xi32, #tpu.memory_space<vmem>> -> memref<125xi32, #tpu.memory_space<vmem>>
    %dma_wait3A_263 = arith.constant 0 : i32
    %dma_wait3A_264 = arith.constant 0 : i32
    %dma_wait3A_265 = tpu.memref_slice %arg2[%dma_wait3A_263, %dma_wait3A_264] : memref<20480x64xf32, #tpu.memory_space<hbm>> -> memref<20480x64xf32, #tpu.memory_space<hbm>>
    tpu.wait_indirect_dma semaphore(%arg18 : memref<!tpu.dma_semaphore, #tpu.memory_space<semaphore_mem>>) src(%dma_wait3A_265 : memref<20480x64xf32, #tpu.memory_space<hbm>>) dst(%arg11 : memref<125x64xf32, #tpu.memory_space<vmem>>)
    %dma_start3A_266 = arith.constant 159 : i32
    %dma_start3A_267 = arith.constant 0 : i32
    %dma_start3A_268 = tpu.memref_slice %arg7[%dma_start3A_266, %dma_start3A_267] : memref<160x125xi32, #tpu.memory_space<vmem>> -> memref<1x125xi32, #tpu.memory_space<vmem>>
    %dma_start3A_269 = tpu.memref_squeeze %dma_start3A_268 : memref<1x125xi32, #tpu.memory_space<vmem>> -> memref<125xi32, #tpu.memory_space<vmem>>
    %dma_start3A_270 = arith.constant 0 : i32
    %dma_start3A_271 = arith.constant 0 : i32
    %dma_start3A_272 = tpu.memref_slice %arg14[%dma_start3A_270, %dma_start3A_271] : memref<10240x64xf32, #tpu.memory_space<vmem_shared>> -> memref<10240x64xf32, #tpu.memory_space<vmem_shared>>
    tpu.enqueue_indirect_dma source(%arg11 : memref<125x64xf32, #tpu.memory_space<vmem>>) target(%dma_start3A_272 : memref<10240x64xf32, #tpu.memory_space<vmem_shared>>) offsets(%dma_start3A_269 : memref<125xi32, #tpu.memory_space<vmem>>) semaphore(%arg24 : memref<!tpu.dma_semaphore, #tpu.memory_space<semaphore_mem>>) {add = true}
    %dma_wait3A_273 = arith.constant 157 : i32
    %dma_wait3A_274 = arith.constant 0 : i32
    %dma_wait3A_275 = tpu.memref_slice %arg7[%dma_wait3A_273, %dma_wait3A_274] : memref<160x125xi32, #tpu.memory_space<vmem>> -> memref<1x125xi32, #tpu.memory_space<vmem>>
    %dma_wait3A_276 = tpu.memref_squeeze %dma_wait3A_275 : memref<1x125xi32, #tpu.memory_space<vmem>> -> memref<125xi32, #tpu.memory_space<vmem>>
    %dma_wait3A_277 = arith.constant 0 : i32
    %dma_wait3A_278 = arith.constant 0 : i32
    %dma_wait3A_279 = tpu.memref_slice %arg14[%dma_wait3A_277, %dma_wait3A_278] : memref<10240x64xf32, #tpu.memory_space<vmem_shared>> -> memref<10240x64xf32, #tpu.memory_space<vmem_shared>>
    tpu.wait_indirect_dma semaphore(%arg22 : memref<!tpu.dma_semaphore, #tpu.memory_space<semaphore_mem>>) src(%arg9 : memref<125x64xf32, #tpu.memory_space<vmem>>) dst(%dma_wait3A_279 : memref<10240x64xf32, #tpu.memory_space<vmem_shared>>)
    %dma_wait3A_280 = arith.constant 158 : i32
    %dma_wait3A_281 = arith.constant 0 : i32
    %dma_wait3A_282 = tpu.memref_slice %arg7[%dma_wait3A_280, %dma_wait3A_281] : memref<160x125xi32, #tpu.memory_space<vmem>> -> memref<1x125xi32, #tpu.memory_space<vmem>>
    %dma_wait3A_283 = tpu.memref_squeeze %dma_wait3A_282 : memref<1x125xi32, #tpu.memory_space<vmem>> -> memref<125xi32, #tpu.memory_space<vmem>>
    %dma_wait3A_284 = arith.constant 0 : i32
    %dma_wait3A_285 = arith.constant 0 : i32
    %dma_wait3A_286 = tpu.memref_slice %arg14[%dma_wait3A_284, %dma_wait3A_285] : memref<10240x64xf32, #tpu.memory_space<vmem_shared>> -> memref<10240x64xf32, #tpu.memory_space<vmem_shared>>
    tpu.wait_indirect_dma semaphore(%arg23 : memref<!tpu.dma_semaphore, #tpu.memory_space<semaphore_mem>>) src(%arg10 : memref<125x64xf32, #tpu.memory_space<vmem>>) dst(%dma_wait3A_286 : memref<10240x64xf32, #tpu.memory_space<vmem_shared>>)
    %dma_wait3A_287 = arith.constant 159 : i32
    %dma_wait3A_288 = arith.constant 0 : i32
    %dma_wait3A_289 = tpu.memref_slice %arg7[%dma_wait3A_287, %dma_wait3A_288] : memref<160x125xi32, #tpu.memory_space<vmem>> -> memref<1x125xi32, #tpu.memory_space<vmem>>
    %dma_wait3A_290 = tpu.memref_squeeze %dma_wait3A_289 : memref<1x125xi32, #tpu.memory_space<vmem>> -> memref<125xi32, #tpu.memory_space<vmem>>
    %dma_wait3A_291 = arith.constant 0 : i32
    %dma_wait3A_292 = arith.constant 0 : i32
    %dma_wait3A_293 = tpu.memref_slice %arg14[%dma_wait3A_291, %dma_wait3A_292] : memref<10240x64xf32, #tpu.memory_space<vmem_shared>> -> memref<10240x64xf32, #tpu.memory_space<vmem_shared>>
    tpu.wait_indirect_dma semaphore(%arg24 : memref<!tpu.dma_semaphore, #tpu.memory_space<semaphore_mem>>) src(%arg11 : memref<125x64xf32, #tpu.memory_space<vmem>>) dst(%dma_wait3A_293 : memref<10240x64xf32, #tpu.memory_space<vmem_shared>>)
    %barrier3A_294 = arith.constant 0 : index
    tpu.barrier barrier_id(%barrier3A_294)
    %mul3A_295 = arith.constant 640 : i32
    %mul3A_296 = arith.muli %arg1, %mul3A_295 : i32
    "tpu.region"() ({
      %run_scoped3A = tpu.sem_alloc : memref<!tpu.dma_semaphore, #tpu.memory_space<semaphore_mem>>
      %dma_start3A_297 = arith.constant 0 : i32
      %dma_start3A_298 = tpu.memref_slice %arg5[%arg0, %mul3A_296, %dma_start3A_297] : memref<2x10240x64xf32, #tpu.memory_space<hbm>> -> memref<1x640x64xf32, #tpu.memory_space<hbm>>
      %dma_start3A_299 = tpu.memref_squeeze %dma_start3A_298 : memref<1x640x64xf32, #tpu.memory_space<hbm>> -> memref<640x64xf32, #tpu.memory_space<hbm>>
      %dma_start3A_300 = arith.constant 0 : i32
      %dma_start3A_301 = tpu.memref_slice %arg14[%mul3A_296, %dma_start3A_300] : memref<10240x64xf32, #tpu.memory_space<vmem_shared>> -> memref<640x64xf32, #tpu.memory_space<vmem_shared>>
      tpu.enqueue_dma source(%dma_start3A_301 : memref<640x64xf32, #tpu.memory_space<vmem_shared>>) target(%dma_start3A_299 : memref<640x64xf32, #tpu.memory_space<hbm>>) target_semaphore(%run_scoped3A : memref<!tpu.dma_semaphore, #tpu.memory_space<semaphore_mem>>)
      %dma_wait3A_302 = arith.constant 0 : i32
      %dma_wait3A_303 = tpu.memref_slice %arg5[%arg0, %mul3A_296, %dma_wait3A_302] : memref<2x10240x64xf32, #tpu.memory_space<hbm>> -> memref<1x640x64xf32, #tpu.memory_space<hbm>>
      %dma_wait3A_304 = tpu.memref_squeeze %dma_wait3A_303 : memref<1x640x64xf32, #tpu.memory_space<hbm>> -> memref<640x64xf32, #tpu.memory_space<hbm>>
      %dma_wait3A_305 = arith.constant 0 : i32
      %dma_wait3A_306 = tpu.memref_slice %arg14[%mul3A_296, %dma_wait3A_305] : memref<10240x64xf32, #tpu.memory_space<vmem_shared>> -> memref<640x64xf32, #tpu.memory_space<vmem_shared>>
      tpu.wait_dma2 semaphore(%run_scoped3A : memref<!tpu.dma_semaphore, #tpu.memory_space<semaphore_mem>>) src(%dma_wait3A_306 : memref<640x64xf32, #tpu.memory_space<vmem_shared>>) dst(%dma_wait3A_304 : memref<640x64xf32, #tpu.memory_space<hbm>>)
      tpu.yield
    }) : () -> ()
    return
  }
}

#map = affine_map<(d0, d1) -> (0, 0)>
#map1 = affine_map<(d0, d1) -> (0, 0, 0)>
module attributes {stable_mosaic.version = 14 : i64} {
  func.func @k(%arg0: i32, %arg1: i32, %arg2: memref<81920x16xf32, #tpu.memory_space<hbm>>, %arg3: memref<2560x125xi32, #tpu.memory_space<hbm>>, %arg4: memref<2560x125xi32, #tpu.memory_space<hbm>>, %arg5: memref<2x10240x16xf32, #tpu.memory_space<hbm>>, %arg6: memref<80x125xi32, #tpu.memory_space<vmem>>, %arg7: memref<80x125xi32, #tpu.memory_space<vmem>>, %arg8: memref<125x16xf32, #tpu.memory_space<vmem>>, %arg9: memref<125x16xf32, #tpu.memory_space<vmem>>, %arg10: memref<125x16xf32, #tpu.memory_space<vmem>>, %arg11: memref<125x16xf32, #tpu.memory_space<vmem>>, %arg12: memref<125x16xf32, #tpu.memory_space<vmem>>, %arg13: memref<125x16xf32, #tpu.memory_space<vmem>>, %arg14: memref<128x16xf32, #tpu.memory_space<vmem>>, %arg15: memref<10240x16xf32, #tpu.memory_space<vmem_shared>>, %arg16: memref<!tpu.dma_semaphore, #tpu.memory_space<semaphore_mem>>, %arg17: memref<!tpu.dma_semaphore, #tpu.memory_space<semaphore_mem>>, %arg18: memref<!tpu.dma_semaphore, #tpu.memory_space<semaphore_mem>>, %arg19: memref<!tpu.dma_semaphore, #tpu.memory_space<semaphore_mem>>, %arg20: memref<!tpu.dma_semaphore, #tpu.memory_space<semaphore_mem>>, %arg21: memref<!tpu.dma_semaphore, #tpu.memory_space<semaphore_mem>>, %arg22: memref<!tpu.dma_semaphore, #tpu.memory_space<semaphore_mem>>, %arg23: memref<!tpu.dma_semaphore, #tpu.memory_space<semaphore_mem>>, %arg24: memref<!tpu.dma_semaphore, #tpu.memory_space<semaphore_mem>>, %arg25: memref<!tpu.dma_semaphore, #tpu.memory_space<semaphore_mem>>, %arg26: memref<!tpu.dma_semaphore, #tpu.memory_space<semaphore_mem>>, %arg27: memref<!tpu.dma_semaphore, #tpu.memory_space<semaphore_mem>>) attributes {dimension_semantics = [#tpu.dimension_semantics<core_parallel>, #tpu.dimension_semantics<subcore_parallel>], iteration_bounds = array<i64: 2, 16>, scalar_prefetch = 0 : i64, scratch_operands = 22 : i64, tpu.core_type = #tpu.core_type<sc_vector_subcore>, window_params = [{transform_indices = #map}, {transform_indices = #map}, {transform_indices = #map}, {transform_indices = #map1}]} {
    %broadcast_in_dim3A = arith.constant 0.000000e+00 : f32
    %broadcast_in_dim3A_0 = vector.broadcast %broadcast_in_dim3A : f32 to vector<16xf32>
    %scan3A = arith.constant 0 : i32
    %scan3A_1 = arith.constant 128 : i32
    %scan3A_2 = arith.addi %scan3A, %scan3A_1 : i32
    %scan3A_3 = arith.constant 1 : i32
    scf.for %scan3A_411 = %scan3A to %scan3A_2 step %scan3A_3  : i32 {
      %swap3A = arith.index_cast %scan3A_411 : i32 to index
      %swap3A_412 = arith.constant 0 : index
      %swap3A_413 = tpu.vector_load %arg14[%swap3A, %swap3A_412] {strides = array<i32>} : memref<128x16xf32, #tpu.memory_space<vmem>>, vector<1x16xf32>,
      %swap3A_414 = vector.shape_cast %swap3A_413 : vector<1x16xf32> to vector<16xf32>
      %swap3A_415 = vector.shape_cast %broadcast_in_dim3A_0 : vector<16xf32> to vector<1x16xf32>
      tpu.vector_store %arg14[%swap3A, %swap3A_412], %swap3A_415 {strides = array<i32>} : memref<128x16xf32, #tpu.memory_space<vmem>>, vector<1x16xf32>,
    }
    %scan3A_4 = arith.constant 128 : i32
    %scan3A_5 = arith.constant 0 : i32
    %scan3A_6 = arith.constant 5 : i32
    %scan3A_7 = arith.addi %scan3A_5, %scan3A_6 : i32
    %scan3A_8 = arith.constant 1 : i32
    scf.for %scan3A_411 = %scan3A_5 to %scan3A_7 step %scan3A_8  : i32 {
      %mul3A_412 = arith.constant 640 : i32
      %mul3A_413 = arith.muli %arg1, %mul3A_412 : i32
      %mul3A_414 = arith.constant 128 : i32
      %mul3A_415 = arith.muli %scan3A_411, %mul3A_414 : i32
      %add3A_416 = arith.addi %mul3A_413, %mul3A_415 : i32
      "tpu.region"() ({
        %run_scoped3A = tpu.sem_alloc : memref<!tpu.dma_semaphore, #tpu.memory_space<semaphore_mem>>
        %dma_start3A_417 = arith.constant 0 : i32
        %dma_start3A_418 = tpu.memref_slice %arg15[%add3A_416, %dma_start3A_417] : memref<10240x16xf32, #tpu.memory_space<vmem_shared>> -> memref<128x16xf32, #tpu.memory_space<vmem_shared>>
        %dma_start3A_419 = arith.constant 0 : i32
        %dma_start3A_420 = tpu.memref_slice %arg15[%add3A_416, %dma_start3A_419] : memref<10240x16xf32, #tpu.memory_space<vmem_shared>> -> memref<128x16xf32, #tpu.memory_space<vmem_shared>>
        tpu.enqueue_dma source(%arg14 : memref<128x16xf32, #tpu.memory_space<vmem>>) target(%dma_start3A_420 : memref<128x16xf32, #tpu.memory_space<vmem_shared>>) target_semaphore(%run_scoped3A : memref<!tpu.dma_semaphore, #tpu.memory_space<semaphore_mem>>)
        %dma_wait3A_421 = arith.constant 0 : i32
        %dma_wait3A_422 = tpu.memref_slice %arg15[%add3A_416, %dma_wait3A_421] : memref<10240x16xf32, #tpu.memory_space<vmem_shared>> -> memref<128x16xf32, #tpu.memory_space<vmem_shared>>
        %dma_wait3A_423 = arith.constant 0 : i32
        %dma_wait3A_424 = tpu.memref_slice %arg15[%add3A_416, %dma_wait3A_423] : memref<10240x16xf32, #tpu.memory_space<vmem_shared>> -> memref<128x16xf32, #tpu.memory_space<vmem_shared>>
        tpu.wait_dma2 semaphore(%run_scoped3A : memref<!tpu.dma_semaphore, #tpu.memory_space<semaphore_mem>>) src(%arg14 : memref<128x16xf32, #tpu.memory_space<vmem>>) dst(%dma_wait3A_424 : memref<128x16xf32, #tpu.memory_space<vmem_shared>>)
        tpu.yield
      }) : () -> ()
    }
    %scan3A_9 = arith.constant 5 : i32
    %barrier3A = arith.constant 0 : index
    tpu.barrier barrier_id(%barrier3A)
    %mul3A = arith.constant 16 : i32
    %mul3A_10 = arith.muli %arg0, %mul3A : i32
    %add3A = arith.addi %mul3A_10, %arg1 : i32
    %mul3A_11 = arith.constant 80 : i32
    %mul3A_12 = arith.muli %add3A, %mul3A_11 : i32
    "tpu.region"() ({
      %run_scoped3A = tpu.sem_alloc : memref<!tpu.dma_semaphore, #tpu.memory_space<semaphore_mem>>
      %dma_start3A_411 = arith.constant 0 : i32
      %dma_start3A_412 = tpu.memref_slice %arg3[%mul3A_12, %dma_start3A_411] : memref<2560x125xi32, #tpu.memory_space<hbm>> -> memref<80x125xi32, #tpu.memory_space<hbm>>
      %dma_start3A_413 = arith.constant 0 : i32
      %dma_start3A_414 = tpu.memref_slice %arg3[%mul3A_12, %dma_start3A_413] : memref<2560x125xi32, #tpu.memory_space<hbm>> -> memref<80x125xi32, #tpu.memory_space<hbm>>
      tpu.enqueue_dma source(%dma_start3A_414 : memref<80x125xi32, #tpu.memory_space<hbm>>) target(%arg6 : memref<80x125xi32, #tpu.memory_space<vmem>>) target_semaphore(%run_scoped3A : memref<!tpu.dma_semaphore, #tpu.memory_space<semaphore_mem>>)
      %dma_wait3A_415 = arith.constant 0 : i32
      %dma_wait3A_416 = tpu.memref_slice %arg3[%mul3A_12, %dma_wait3A_415] : memref<2560x125xi32, #tpu.memory_space<hbm>> -> memref<80x125xi32, #tpu.memory_space<hbm>>
      %dma_wait3A_417 = arith.constant 0 : i32
      %dma_wait3A_418 = tpu.memref_slice %arg3[%mul3A_12, %dma_wait3A_417] : memref<2560x125xi32, #tpu.memory_space<hbm>> -> memref<80x125xi32, #tpu.memory_space<hbm>>
      tpu.wait_dma2 semaphore(%run_scoped3A : memref<!tpu.dma_semaphore, #tpu.memory_space<semaphore_mem>>) src(%dma_wait3A_418 : memref<80x125xi32, #tpu.memory_space<hbm>>) dst(%arg6 : memref<80x125xi32, #tpu.memory_space<vmem>>)
      tpu.yield
    }) : () -> ()
    "tpu.region"() ({
      %run_scoped3A = tpu.sem_alloc : memref<!tpu.dma_semaphore, #tpu.memory_space<semaphore_mem>>
      %dma_start3A_411 = arith.constant 0 : i32
      %dma_start3A_412 = tpu.memref_slice %arg4[%mul3A_12, %dma_start3A_411] : memref<2560x125xi32, #tpu.memory_space<hbm>> -> memref<80x125xi32, #tpu.memory_space<hbm>>
      %dma_start3A_413 = arith.constant 0 : i32
      %dma_start3A_414 = tpu.memref_slice %arg4[%mul3A_12, %dma_start3A_413] : memref<2560x125xi32, #tpu.memory_space<hbm>> -> memref<80x125xi32, #tpu.memory_space<hbm>>
      tpu.enqueue_dma source(%dma_start3A_414 : memref<80x125xi32, #tpu.memory_space<hbm>>) target(%arg7 : memref<80x125xi32, #tpu.memory_space<vmem>>) target_semaphore(%run_scoped3A : memref<!tpu.dma_semaphore, #tpu.memory_space<semaphore_mem>>)
      %dma_wait3A_415 = arith.constant 0 : i32
      %dma_wait3A_416 = tpu.memref_slice %arg4[%mul3A_12, %dma_wait3A_415] : memref<2560x125xi32, #tpu.memory_space<hbm>> -> memref<80x125xi32, #tpu.memory_space<hbm>>
      %dma_wait3A_417 = arith.constant 0 : i32
      %dma_wait3A_418 = tpu.memref_slice %arg4[%mul3A_12, %dma_wait3A_417] : memref<2560x125xi32, #tpu.memory_space<hbm>> -> memref<80x125xi32, #tpu.memory_space<hbm>>
      tpu.wait_dma2 semaphore(%run_scoped3A : memref<!tpu.dma_semaphore, #tpu.memory_space<semaphore_mem>>) src(%dma_wait3A_418 : memref<80x125xi32, #tpu.memory_space<hbm>>) dst(%arg7 : memref<80x125xi32, #tpu.memory_space<vmem>>)
      tpu.yield
    }) : () -> ()
    %dma_start3A = arith.constant 0 : i32
    %dma_start3A_13 = arith.constant 0 : i32
    %dma_start3A_14 = tpu.memref_slice %arg6[%dma_start3A, %dma_start3A_13] : memref<80x125xi32, #tpu.memory_space<vmem>> -> memref<1x125xi32, #tpu.memory_space<vmem>>
    %dma_start3A_15 = tpu.memref_squeeze %dma_start3A_14 : memref<1x125xi32, #tpu.memory_space<vmem>> -> memref<125xi32, #tpu.memory_space<vmem>>
    %dma_start3A_16 = arith.constant 0 : i32
    %dma_start3A_17 = arith.constant 0 : i32
    %dma_start3A_18 = tpu.memref_slice %arg2[%dma_start3A_16, %dma_start3A_17] : memref<81920x16xf32, #tpu.memory_space<hbm>> -> memref<81920x16xf32, #tpu.memory_space<hbm>>
    tpu.enqueue_indirect_dma source(%dma_start3A_18 : memref<81920x16xf32, #tpu.memory_space<hbm>>) target(%arg8 : memref<125x16xf32, #tpu.memory_space<vmem>>) offsets(%dma_start3A_15 : memref<125xi32, #tpu.memory_space<vmem>>) semaphore(%arg16 : memref<!tpu.dma_semaphore, #tpu.memory_space<semaphore_mem>>)
    %dma_start3A_19 = arith.constant 1 : i32
    %dma_start3A_20 = arith.constant 0 : i32
    %dma_start3A_21 = tpu.memref_slice %arg6[%dma_start3A_19, %dma_start3A_20] : memref<80x125xi32, #tpu.memory_space<vmem>> -> memref<1x125xi32, #tpu.memory_space<vmem>>
    %dma_start3A_22 = tpu.memref_squeeze %dma_start3A_21 : memref<1x125xi32, #tpu.memory_space<vmem>> -> memref<125xi32, #tpu.memory_space<vmem>>
    %dma_start3A_23 = arith.constant 0 : i32
    %dma_start3A_24 = arith.constant 0 : i32
    %dma_start3A_25 = tpu.memref_slice %arg2[%dma_start3A_23, %dma_start3A_24] : memref<81920x16xf32, #tpu.memory_space<hbm>> -> memref<81920x16xf32, #tpu.memory_space<hbm>>
    tpu.enqueue_indirect_dma source(%dma_start3A_25 : memref<81920x16xf32, #tpu.memory_space<hbm>>) target(%arg9 : memref<125x16xf32, #tpu.memory_space<vmem>>) offsets(%dma_start3A_22 : memref<125xi32, #tpu.memory_space<vmem>>) semaphore(%arg17 : memref<!tpu.dma_semaphore, #tpu.memory_space<semaphore_mem>>)
    %dma_start3A_26 = arith.constant 2 : i32
    %dma_start3A_27 = arith.constant 0 : i32
    %dma_start3A_28 = tpu.memref_slice %arg6[%dma_start3A_26, %dma_start3A_27] : memref<80x125xi32, #tpu.memory_space<vmem>> -> memref<1x125xi32, #tpu.memory_space<vmem>>
    %dma_start3A_29 = tpu.memref_squeeze %dma_start3A_28 : memref<1x125xi32, #tpu.memory_space<vmem>> -> memref<125xi32, #tpu.memory_space<vmem>>
    %dma_start3A_30 = arith.constant 0 : i32
    %dma_start3A_31 = arith.constant 0 : i32
    %dma_start3A_32 = tpu.memref_slice %arg2[%dma_start3A_30, %dma_start3A_31] : memref<81920x16xf32, #tpu.memory_space<hbm>> -> memref<81920x16xf32, #tpu.memory_space<hbm>>
    tpu.enqueue_indirect_dma source(%dma_start3A_32 : memref<81920x16xf32, #tpu.memory_space<hbm>>) target(%arg10 : memref<125x16xf32, #tpu.memory_space<vmem>>) offsets(%dma_start3A_29 : memref<125xi32, #tpu.memory_space<vmem>>) semaphore(%arg18 : memref<!tpu.dma_semaphore, #tpu.memory_space<semaphore_mem>>)
    %dma_start3A_33 = arith.constant 3 : i32
    %dma_start3A_34 = arith.constant 0 : i32
    %dma_start3A_35 = tpu.memref_slice %arg6[%dma_start3A_33, %dma_start3A_34] : memref<80x125xi32, #tpu.memory_space<vmem>> -> memref<1x125xi32, #tpu.memory_space<vmem>>
    %dma_start3A_36 = tpu.memref_squeeze %dma_start3A_35 : memref<1x125xi32, #tpu.memory_space<vmem>> -> memref<125xi32, #tpu.memory_space<vmem>>
    %dma_start3A_37 = arith.constant 0 : i32
    %dma_start3A_38 = arith.constant 0 : i32
    %dma_start3A_39 = tpu.memref_slice %arg2[%dma_start3A_37, %dma_start3A_38] : memref<81920x16xf32, #tpu.memory_space<hbm>> -> memref<81920x16xf32, #tpu.memory_space<hbm>>
    tpu.enqueue_indirect_dma source(%dma_start3A_39 : memref<81920x16xf32, #tpu.memory_space<hbm>>) target(%arg11 : memref<125x16xf32, #tpu.memory_space<vmem>>) offsets(%dma_start3A_36 : memref<125xi32, #tpu.memory_space<vmem>>) semaphore(%arg19 : memref<!tpu.dma_semaphore, #tpu.memory_space<semaphore_mem>>)
    %dma_wait3A = arith.constant 0 : i32
    %dma_wait3A_40 = arith.constant 0 : i32
    %dma_wait3A_41 = tpu.memref_slice %arg6[%dma_wait3A, %dma_wait3A_40] : memref<80x125xi32, #tpu.memory_space<vmem>> -> memref<1x125xi32, #tpu.memory_space<vmem>>
    %dma_wait3A_42 = tpu.memref_squeeze %dma_wait3A_41 : memref<1x125xi32, #tpu.memory_space<vmem>> -> memref<125xi32, #tpu.memory_space<vmem>>
    %dma_wait3A_43 = arith.constant 0 : i32
    %dma_wait3A_44 = arith.constant 0 : i32
    %dma_wait3A_45 = tpu.memref_slice %arg2[%dma_wait3A_43, %dma_wait3A_44] : memref<81920x16xf32, #tpu.memory_space<hbm>> -> memref<81920x16xf32, #tpu.memory_space<hbm>>
    tpu.wait_indirect_dma semaphore(%arg16 : memref<!tpu.dma_semaphore, #tpu.memory_space<semaphore_mem>>) src(%dma_wait3A_45 : memref<81920x16xf32, #tpu.memory_space<hbm>>) dst(%arg8 : memref<125x16xf32, #tpu.memory_space<vmem>>)
    %dma_start3A_46 = arith.constant 0 : i32
    %dma_start3A_47 = arith.constant 0 : i32
    %dma_start3A_48 = tpu.memref_slice %arg7[%dma_start3A_46, %dma_start3A_47] : memref<80x125xi32, #tpu.memory_space<vmem>> -> memref<1x125xi32, #tpu.memory_space<vmem>>
    %dma_start3A_49 = tpu.memref_squeeze %dma_start3A_48 : memref<1x125xi32, #tpu.memory_space<vmem>> -> memref<125xi32, #tpu.memory_space<vmem>>
    %dma_start3A_50 = arith.constant 0 : i32
    %dma_start3A_51 = arith.constant 0 : i32
    %dma_start3A_52 = tpu.memref_slice %arg15[%dma_start3A_50, %dma_start3A_51] : memref<10240x16xf32, #tpu.memory_space<vmem_shared>> -> memref<10240x16xf32, #tpu.memory_space<vmem_shared>>
    tpu.enqueue_indirect_dma source(%arg8 : memref<125x16xf32, #tpu.memory_space<vmem>>) target(%dma_start3A_52 : memref<10240x16xf32, #tpu.memory_space<vmem_shared>>) offsets(%dma_start3A_49 : memref<125xi32, #tpu.memory_space<vmem>>) semaphore(%arg22 : memref<!tpu.dma_semaphore, #tpu.memory_space<semaphore_mem>>) {add = true}
    %dma_start3A_53 = arith.constant 4 : i32
    %dma_start3A_54 = arith.constant 0 : i32
    %dma_start3A_55 = tpu.memref_slice %arg6[%dma_start3A_53, %dma_start3A_54] : memref<80x125xi32, #tpu.memory_space<vmem>> -> memref<1x125xi32, #tpu.memory_space<vmem>>
    %dma_start3A_56 = tpu.memref_squeeze %dma_start3A_55 : memref<1x125xi32, #tpu.memory_space<vmem>> -> memref<125xi32, #tpu.memory_space<vmem>>
    %dma_start3A_57 = arith.constant 0 : i32
    %dma_start3A_58 = arith.constant 0 : i32
    %dma_start3A_59 = tpu.memref_slice %arg2[%dma_start3A_57, %dma_start3A_58] : memref<81920x16xf32, #tpu.memory_space<hbm>> -> memref<81920x16xf32, #tpu.memory_space<hbm>>
    tpu.enqueue_indirect_dma source(%dma_start3A_59 : memref<81920x16xf32, #tpu.memory_space<hbm>>) target(%arg12 : memref<125x16xf32, #tpu.memory_space<vmem>>) offsets(%dma_start3A_56 : memref<125xi32, #tpu.memory_space<vmem>>) semaphore(%arg20 : memref<!tpu.dma_semaphore, #tpu.memory_space<semaphore_mem>>)
    %dma_wait3A_60 = arith.constant 1 : i32
    %dma_wait3A_61 = arith.constant 0 : i32
    %dma_wait3A_62 = tpu.memref_slice %arg6[%dma_wait3A_60, %dma_wait3A_61] : memref<80x125xi32, #tpu.memory_space<vmem>> -> memref<1x125xi32, #tpu.memory_space<vmem>>
    %dma_wait3A_63 = tpu.memref_squeeze %dma_wait3A_62 : memref<1x125xi32, #tpu.memory_space<vmem>> -> memref<125xi32, #tpu.memory_space<vmem>>
    %dma_wait3A_64 = arith.constant 0 : i32
    %dma_wait3A_65 = arith.constant 0 : i32
    %dma_wait3A_66 = tpu.memref_slice %arg2[%dma_wait3A_64, %dma_wait3A_65] : memref<81920x16xf32, #tpu.memory_space<hbm>> -> memref<81920x16xf32, #tpu.memory_space<hbm>>
    tpu.wait_indirect_dma semaphore(%arg17 : memref<!tpu.dma_semaphore, #tpu.memory_space<semaphore_mem>>) src(%dma_wait3A_66 : memref<81920x16xf32, #tpu.memory_space<hbm>>) dst(%arg9 : memref<125x16xf32, #tpu.memory_space<vmem>>)
    %dma_start3A_67 = arith.constant 1 : i32
    %dma_start3A_68 = arith.constant 0 : i32
    %dma_start3A_69 = tpu.memref_slice %arg7[%dma_start3A_67, %dma_start3A_68] : memref<80x125xi32, #tpu.memory_space<vmem>> -> memref<1x125xi32, #tpu.memory_space<vmem>>
    %dma_start3A_70 = tpu.memref_squeeze %dma_start3A_69 : memref<1x125xi32, #tpu.memory_space<vmem>> -> memref<125xi32, #tpu.memory_space<vmem>>
    %dma_start3A_71 = arith.constant 0 : i32
    %dma_start3A_72 = arith.constant 0 : i32
    %dma_start3A_73 = tpu.memref_slice %arg15[%dma_start3A_71, %dma_start3A_72] : memref<10240x16xf32, #tpu.memory_space<vmem_shared>> -> memref<10240x16xf32, #tpu.memory_space<vmem_shared>>
    tpu.enqueue_indirect_dma source(%arg9 : memref<125x16xf32, #tpu.memory_space<vmem>>) target(%dma_start3A_73 : memref<10240x16xf32, #tpu.memory_space<vmem_shared>>) offsets(%dma_start3A_70 : memref<125xi32, #tpu.memory_space<vmem>>) semaphore(%arg23 : memref<!tpu.dma_semaphore, #tpu.memory_space<semaphore_mem>>) {add = true}
    %dma_start3A_74 = arith.constant 5 : i32
    %dma_start3A_75 = arith.constant 0 : i32
    %dma_start3A_76 = tpu.memref_slice %arg6[%dma_start3A_74, %dma_start3A_75] : memref<80x125xi32, #tpu.memory_space<vmem>> -> memref<1x125xi32, #tpu.memory_space<vmem>>
    %dma_start3A_77 = tpu.memref_squeeze %dma_start3A_76 : memref<1x125xi32, #tpu.memory_space<vmem>> -> memref<125xi32, #tpu.memory_space<vmem>>
    %dma_start3A_78 = arith.constant 0 : i32
    %dma_start3A_79 = arith.constant 0 : i32
    %dma_start3A_80 = tpu.memref_slice %arg2[%dma_start3A_78, %dma_start3A_79] : memref<81920x16xf32, #tpu.memory_space<hbm>> -> memref<81920x16xf32, #tpu.memory_space<hbm>>
    tpu.enqueue_indirect_dma source(%dma_start3A_80 : memref<81920x16xf32, #tpu.memory_space<hbm>>) target(%arg13 : memref<125x16xf32, #tpu.memory_space<vmem>>) offsets(%dma_start3A_77 : memref<125xi32, #tpu.memory_space<vmem>>) semaphore(%arg21 : memref<!tpu.dma_semaphore, #tpu.memory_space<semaphore_mem>>)
    %dma_wait3A_81 = arith.constant 2 : i32
    %dma_wait3A_82 = arith.constant 0 : i32
    %dma_wait3A_83 = tpu.memref_slice %arg6[%dma_wait3A_81, %dma_wait3A_82] : memref<80x125xi32, #tpu.memory_space<vmem>> -> memref<1x125xi32, #tpu.memory_space<vmem>>
    %dma_wait3A_84 = tpu.memref_squeeze %dma_wait3A_83 : memref<1x125xi32, #tpu.memory_space<vmem>> -> memref<125xi32, #tpu.memory_space<vmem>>
    %dma_wait3A_85 = arith.constant 0 : i32
    %dma_wait3A_86 = arith.constant 0 : i32
    %dma_wait3A_87 = tpu.memref_slice %arg2[%dma_wait3A_85, %dma_wait3A_86] : memref<81920x16xf32, #tpu.memory_space<hbm>> -> memref<81920x16xf32, #tpu.memory_space<hbm>>
    tpu.wait_indirect_dma semaphore(%arg18 : memref<!tpu.dma_semaphore, #tpu.memory_space<semaphore_mem>>) src(%dma_wait3A_87 : memref<81920x16xf32, #tpu.memory_space<hbm>>) dst(%arg10 : memref<125x16xf32, #tpu.memory_space<vmem>>)
    %dma_start3A_88 = arith.constant 2 : i32
    %dma_start3A_89 = arith.constant 0 : i32
    %dma_start3A_90 = tpu.memref_slice %arg7[%dma_start3A_88, %dma_start3A_89] : memref<80x125xi32, #tpu.memory_space<vmem>> -> memref<1x125xi32, #tpu.memory_space<vmem>>
    %dma_start3A_91 = tpu.memref_squeeze %dma_start3A_90 : memref<1x125xi32, #tpu.memory_space<vmem>> -> memref<125xi32, #tpu.memory_space<vmem>>
    %dma_start3A_92 = arith.constant 0 : i32
    %dma_start3A_93 = arith.constant 0 : i32
    %dma_start3A_94 = tpu.memref_slice %arg15[%dma_start3A_92, %dma_start3A_93] : memref<10240x16xf32, #tpu.memory_space<vmem_shared>> -> memref<10240x16xf32, #tpu.memory_space<vmem_shared>>
    tpu.enqueue_indirect_dma source(%arg10 : memref<125x16xf32, #tpu.memory_space<vmem>>) target(%dma_start3A_94 : memref<10240x16xf32, #tpu.memory_space<vmem_shared>>) offsets(%dma_start3A_91 : memref<125xi32, #tpu.memory_space<vmem>>) semaphore(%arg24 : memref<!tpu.dma_semaphore, #tpu.memory_space<semaphore_mem>>) {add = true}
    %scan3A_95 = arith.constant 0 : i32
    %scan3A_96 = arith.constant 11 : i32
    %scan3A_97 = arith.addi %scan3A_95, %scan3A_96 : i32
    %scan3A_98 = arith.constant 1 : i32
    scf.for %scan3A_411 = %scan3A_95 to %scan3A_97 step %scan3A_98  : i32 {
      %mul3A_412 = arith.constant 6 : i32
      %mul3A_413 = arith.muli %mul3A_412, %scan3A_411 : i32
      %add3A_414 = arith.constant 3 : i32
      %add3A_415 = arith.addi %mul3A_413, %add3A_414 : i32
      %add3A_416 = arith.constant 0 : i32
      %add3A_417 = arith.addi %add3A_415, %add3A_416 : i32
      %sub3A = arith.constant 3 : i32
      %sub3A_418 = arith.subi %add3A_417, %sub3A : i32
      %dma_wait3A_419 = arith.constant 0 : i32
      %dma_wait3A_420 = tpu.memref_slice %arg7[%sub3A_418, %dma_wait3A_419] : memref<80x125xi32, #tpu.memory_space<vmem>> -> memref<1x125xi32, #tpu.memory_space<vmem>>
      %dma_wait3A_421 = tpu.memref_squeeze %dma_wait3A_420 : memref<1x125xi32, #tpu.memory_space<vmem>> -> memref<125xi32, #tpu.memory_space<vmem>>
      %dma_wait3A_422 = arith.constant 0 : i32
      %dma_wait3A_423 = arith.constant 0 : i32
      %dma_wait3A_424 = tpu.memref_slice %arg15[%dma_wait3A_422, %dma_wait3A_423] : memref<10240x16xf32, #tpu.memory_space<vmem_shared>> -> memref<10240x16xf32, #tpu.memory_space<vmem_shared>>
      tpu.wait_indirect_dma semaphore(%arg22 : memref<!tpu.dma_semaphore, #tpu.memory_space<semaphore_mem>>) src(%arg8 : memref<125x16xf32, #tpu.memory_space<vmem>>) dst(%dma_wait3A_424 : memref<10240x16xf32, #tpu.memory_space<vmem_shared>>)
      %add3A_425 = arith.constant 3 : i32
      %add3A_426 = arith.addi %add3A_417, %add3A_425 : i32
      %dma_start3A_427 = arith.constant 0 : i32
      %dma_start3A_428 = tpu.memref_slice %arg6[%add3A_426, %dma_start3A_427] : memref<80x125xi32, #tpu.memory_space<vmem>> -> memref<1x125xi32, #tpu.memory_space<vmem>>
      %dma_start3A_429 = tpu.memref_squeeze %dma_start3A_428 : memref<1x125xi32, #tpu.memory_space<vmem>> -> memref<125xi32, #tpu.memory_space<vmem>>
      %dma_start3A_430 = arith.constant 0 : i32
      %dma_start3A_431 = arith.constant 0 : i32
      %dma_start3A_432 = tpu.memref_slice %arg2[%dma_start3A_430, %dma_start3A_431] : memref<81920x16xf32, #tpu.memory_space<hbm>> -> memref<81920x16xf32, #tpu.memory_space<hbm>>
      tpu.enqueue_indirect_dma source(%dma_start3A_432 : memref<81920x16xf32, #tpu.memory_space<hbm>>) target(%arg8 : memref<125x16xf32, #tpu.memory_space<vmem>>) offsets(%dma_start3A_429 : memref<125xi32, #tpu.memory_space<vmem>>) semaphore(%arg16 : memref<!tpu.dma_semaphore, #tpu.memory_space<semaphore_mem>>)
      %dma_wait3A_433 = arith.constant 0 : i32
      %dma_wait3A_434 = tpu.memref_slice %arg6[%add3A_417, %dma_wait3A_433] : memref<80x125xi32, #tpu.memory_space<vmem>> -> memref<1x125xi32, #tpu.memory_space<vmem>>
      %dma_wait3A_435 = tpu.memref_squeeze %dma_wait3A_434 : memref<1x125xi32, #tpu.memory_space<vmem>> -> memref<125xi32, #tpu.memory_space<vmem>>
      %dma_wait3A_436 = arith.constant 0 : i32
      %dma_wait3A_437 = arith.constant 0 : i32
      %dma_wait3A_438 = tpu.memref_slice %arg2[%dma_wait3A_436, %dma_wait3A_437] : memref<81920x16xf32, #tpu.memory_space<hbm>> -> memref<81920x16xf32, #tpu.memory_space<hbm>>
      tpu.wait_indirect_dma semaphore(%arg19 : memref<!tpu.dma_semaphore, #tpu.memory_space<semaphore_mem>>) src(%dma_wait3A_438 : memref<81920x16xf32, #tpu.memory_space<hbm>>) dst(%arg11 : memref<125x16xf32, #tpu.memory_space<vmem>>)
      %dma_start3A_439 = arith.constant 0 : i32
      %dma_start3A_440 = tpu.memref_slice %arg7[%add3A_417, %dma_start3A_439] : memref<80x125xi32, #tpu.memory_space<vmem>> -> memref<1x125xi32, #tpu.memory_space<vmem>>
      %dma_start3A_441 = tpu.memref_squeeze %dma_start3A_440 : memref<1x125xi32, #tpu.memory_space<vmem>> -> memref<125xi32, #tpu.memory_space<vmem>>
      %dma_start3A_442 = arith.constant 0 : i32
      %dma_start3A_443 = arith.constant 0 : i32
      %dma_start3A_444 = tpu.memref_slice %arg15[%dma_start3A_442, %dma_start3A_443] : memref<10240x16xf32, #tpu.memory_space<vmem_shared>> -> memref<10240x16xf32, #tpu.memory_space<vmem_shared>>
      tpu.enqueue_indirect_dma source(%arg11 : memref<125x16xf32, #tpu.memory_space<vmem>>) target(%dma_start3A_444 : memref<10240x16xf32, #tpu.memory_space<vmem_shared>>) offsets(%dma_start3A_441 : memref<125xi32, #tpu.memory_space<vmem>>) semaphore(%arg25 : memref<!tpu.dma_semaphore, #tpu.memory_space<semaphore_mem>>) {add = true}
      %mul3A_445 = arith.constant 6 : i32
      %mul3A_446 = arith.muli %mul3A_445, %scan3A_411 : i32
      %add3A_447 = arith.constant 3 : i32
      %add3A_448 = arith.addi %mul3A_446, %add3A_447 : i32
      %add3A_449 = arith.constant 1 : i32
      %add3A_450 = arith.addi %add3A_448, %add3A_449 : i32
      %sub3A_451 = arith.constant 3 : i32
      %sub3A_452 = arith.subi %add3A_450, %sub3A_451 : i32
      %dma_wait3A_453 = arith.constant 0 : i32
      %dma_wait3A_454 = tpu.memref_slice %arg7[%sub3A_452, %dma_wait3A_453] : memref<80x125xi32, #tpu.memory_space<vmem>> -> memref<1x125xi32, #tpu.memory_space<vmem>>
      %dma_wait3A_455 = tpu.memref_squeeze %dma_wait3A_454 : memref<1x125xi32, #tpu.memory_space<vmem>> -> memref<125xi32, #tpu.memory_space<vmem>>
      %dma_wait3A_456 = arith.constant 0 : i32
      %dma_wait3A_457 = arith.constant 0 : i32
      %dma_wait3A_458 = tpu.memref_slice %arg15[%dma_wait3A_456, %dma_wait3A_457] : memref<10240x16xf32, #tpu.memory_space<vmem_shared>> -> memref<10240x16xf32, #tpu.memory_space<vmem_shared>>
      tpu.wait_indirect_dma semaphore(%arg23 : memref<!tpu.dma_semaphore, #tpu.memory_space<semaphore_mem>>) src(%arg9 : memref<125x16xf32, #tpu.memory_space<vmem>>) dst(%dma_wait3A_458 : memref<10240x16xf32, #tpu.memory_space<vmem_shared>>)
      %add3A_459 = arith.constant 3 : i32
      %add3A_460 = arith.addi %add3A_450, %add3A_459 : i32
      %dma_start3A_461 = arith.constant 0 : i32
      %dma_start3A_462 = tpu.memref_slice %arg6[%add3A_460, %dma_start3A_461] : memref<80x125xi32, #tpu.memory_space<vmem>> -> memref<1x125xi32, #tpu.memory_space<vmem>>
      %dma_start3A_463 = tpu.memref_squeeze %dma_start3A_462 : memref<1x125xi32, #tpu.memory_space<vmem>> -> memref<125xi32, #tpu.memory_space<vmem>>
      %dma_start3A_464 = arith.constant 0 : i32
      %dma_start3A_465 = arith.constant 0 : i32
      %dma_start3A_466 = tpu.memref_slice %arg2[%dma_start3A_464, %dma_start3A_465] : memref<81920x16xf32, #tpu.memory_space<hbm>> -> memref<81920x16xf32, #tpu.memory_space<hbm>>
      tpu.enqueue_indirect_dma source(%dma_start3A_466 : memref<81920x16xf32, #tpu.memory_space<hbm>>) target(%arg9 : memref<125x16xf32, #tpu.memory_space<vmem>>) offsets(%dma_start3A_463 : memref<125xi32, #tpu.memory_space<vmem>>) semaphore(%arg17 : memref<!tpu.dma_semaphore, #tpu.memory_space<semaphore_mem>>)
      %dma_wait3A_467 = arith.constant 0 : i32
      %dma_wait3A_468 = tpu.memref_slice %arg6[%add3A_450, %dma_wait3A_467] : memref<80x125xi32, #tpu.memory_space<vmem>> -> memref<1x125xi32, #tpu.memory_space<vmem>>
      %dma_wait3A_469 = tpu.memref_squeeze %dma_wait3A_468 : memref<1x125xi32, #tpu.memory_space<vmem>> -> memref<125xi32, #tpu.memory_space<vmem>>
      %dma_wait3A_470 = arith.constant 0 : i32
      %dma_wait3A_471 = arith.constant 0 : i32
      %dma_wait3A_472 = tpu.memref_slice %arg2[%dma_wait3A_470, %dma_wait3A_471] : memref<81920x16xf32, #tpu.memory_space<hbm>> -> memref<81920x16xf32, #tpu.memory_space<hbm>>
      tpu.wait_indirect_dma semaphore(%arg20 : memref<!tpu.dma_semaphore, #tpu.memory_space<semaphore_mem>>) src(%dma_wait3A_472 : memref<81920x16xf32, #tpu.memory_space<hbm>>) dst(%arg12 : memref<125x16xf32, #tpu.memory_space<vmem>>)
      %dma_start3A_473 = arith.constant 0 : i32
      %dma_start3A_474 = tpu.memref_slice %arg7[%add3A_450, %dma_start3A_473] : memref<80x125xi32, #tpu.memory_space<vmem>> -> memref<1x125xi32, #tpu.memory_space<vmem>>
      %dma_start3A_475 = tpu.memref_squeeze %dma_start3A_474 : memref<1x125xi32, #tpu.memory_space<vmem>> -> memref<125xi32, #tpu.memory_space<vmem>>
      %dma_start3A_476 = arith.constant 0 : i32
      %dma_start3A_477 = arith.constant 0 : i32
      %dma_start3A_478 = tpu.memref_slice %arg15[%dma_start3A_476, %dma_start3A_477] : memref<10240x16xf32, #tpu.memory_space<vmem_shared>> -> memref<10240x16xf32, #tpu.memory_space<vmem_shared>>
      tpu.enqueue_indirect_dma source(%arg12 : memref<125x16xf32, #tpu.memory_space<vmem>>) target(%dma_start3A_478 : memref<10240x16xf32, #tpu.memory_space<vmem_shared>>) offsets(%dma_start3A_475 : memref<125xi32, #tpu.memory_space<vmem>>) semaphore(%arg26 : memref<!tpu.dma_semaphore, #tpu.memory_space<semaphore_mem>>) {add = true}
      %mul3A_479 = arith.constant 6 : i32
      %mul3A_480 = arith.muli %mul3A_479, %scan3A_411 : i32
      %add3A_481 = arith.constant 3 : i32
      %add3A_482 = arith.addi %mul3A_480, %add3A_481 : i32
      %add3A_483 = arith.constant 2 : i32
      %add3A_484 = arith.addi %add3A_482, %add3A_483 : i32
      %sub3A_485 = arith.constant 3 : i32
      %sub3A_486 = arith.subi %add3A_484, %sub3A_485 : i32
      %dma_wait3A_487 = arith.constant 0 : i32
      %dma_wait3A_488 = tpu.memref_slice %arg7[%sub3A_486, %dma_wait3A_487] : memref<80x125xi32, #tpu.memory_space<vmem>> -> memref<1x125xi32, #tpu.memory_space<vmem>>
      %dma_wait3A_489 = tpu.memref_squeeze %dma_wait3A_488 : memref<1x125xi32, #tpu.memory_space<vmem>> -> memref<125xi32, #tpu.memory_space<vmem>>
      %dma_wait3A_490 = arith.constant 0 : i32
      %dma_wait3A_491 = arith.constant 0 : i32
      %dma_wait3A_492 = tpu.memref_slice %arg15[%dma_wait3A_490, %dma_wait3A_491] : memref<10240x16xf32, #tpu.memory_space<vmem_shared>> -> memref<10240x16xf32, #tpu.memory_space<vmem_shared>>
      tpu.wait_indirect_dma semaphore(%arg24 : memref<!tpu.dma_semaphore, #tpu.memory_space<semaphore_mem>>) src(%arg10 : memref<125x16xf32, #tpu.memory_space<vmem>>) dst(%dma_wait3A_492 : memref<10240x16xf32, #tpu.memory_space<vmem_shared>>)
      %add3A_493 = arith.constant 3 : i32
      %add3A_494 = arith.addi %add3A_484, %add3A_493 : i32
      %dma_start3A_495 = arith.constant 0 : i32
      %dma_start3A_496 = tpu.memref_slice %arg6[%add3A_494, %dma_start3A_495] : memref<80x125xi32, #tpu.memory_space<vmem>> -> memref<1x125xi32, #tpu.memory_space<vmem>>
      %dma_start3A_497 = tpu.memref_squeeze %dma_start3A_496 : memref<1x125xi32, #tpu.memory_space<vmem>> -> memref<125xi32, #tpu.memory_space<vmem>>
      %dma_start3A_498 = arith.constant 0 : i32
      %dma_start3A_499 = arith.constant 0 : i32
      %dma_start3A_500 = tpu.memref_slice %arg2[%dma_start3A_498, %dma_start3A_499] : memref<81920x16xf32, #tpu.memory_space<hbm>> -> memref<81920x16xf32, #tpu.memory_space<hbm>>
      tpu.enqueue_indirect_dma source(%dma_start3A_500 : memref<81920x16xf32, #tpu.memory_space<hbm>>) target(%arg10 : memref<125x16xf32, #tpu.memory_space<vmem>>) offsets(%dma_start3A_497 : memref<125xi32, #tpu.memory_space<vmem>>) semaphore(%arg18 : memref<!tpu.dma_semaphore, #tpu.memory_space<semaphore_mem>>)
      %dma_wait3A_501 = arith.constant 0 : i32
      %dma_wait3A_502 = tpu.memref_slice %arg6[%add3A_484, %dma_wait3A_501] : memref<80x125xi32, #tpu.memory_space<vmem>> -> memref<1x125xi32, #tpu.memory_space<vmem>>
      %dma_wait3A_503 = tpu.memref_squeeze %dma_wait3A_502 : memref<1x125xi32, #tpu.memory_space<vmem>> -> memref<125xi32, #tpu.memory_space<vmem>>
      %dma_wait3A_504 = arith.constant 0 : i32
      %dma_wait3A_505 = arith.constant 0 : i32
      %dma_wait3A_506 = tpu.memref_slice %arg2[%dma_wait3A_504, %dma_wait3A_505] : memref<81920x16xf32, #tpu.memory_space<hbm>> -> memref<81920x16xf32, #tpu.memory_space<hbm>>
      tpu.wait_indirect_dma semaphore(%arg21 : memref<!tpu.dma_semaphore, #tpu.memory_space<semaphore_mem>>) src(%dma_wait3A_506 : memref<81920x16xf32, #tpu.memory_space<hbm>>) dst(%arg13 : memref<125x16xf32, #tpu.memory_space<vmem>>)
      %dma_start3A_507 = arith.constant 0 : i32
      %dma_start3A_508 = tpu.memref_slice %arg7[%add3A_484, %dma_start3A_507] : memref<80x125xi32, #tpu.memory_space<vmem>> -> memref<1x125xi32, #tpu.memory_space<vmem>>
      %dma_start3A_509 = tpu.memref_squeeze %dma_start3A_508 : memref<1x125xi32, #tpu.memory_space<vmem>> -> memref<125xi32, #tpu.memory_space<vmem>>
      %dma_start3A_510 = arith.constant 0 : i32
      %dma_start3A_511 = arith.constant 0 : i32
      %dma_start3A_512 = tpu.memref_slice %arg15[%dma_start3A_510, %dma_start3A_511] : memref<10240x16xf32, #tpu.memory_space<vmem_shared>> -> memref<10240x16xf32, #tpu.memory_space<vmem_shared>>
      tpu.enqueue_indirect_dma source(%arg13 : memref<125x16xf32, #tpu.memory_space<vmem>>) target(%dma_start3A_512 : memref<10240x16xf32, #tpu.memory_space<vmem_shared>>) offsets(%dma_start3A_509 : memref<125xi32, #tpu.memory_space<vmem>>) semaphore(%arg27 : memref<!tpu.dma_semaphore, #tpu.memory_space<semaphore_mem>>) {add = true}
      %mul3A_513 = arith.constant 6 : i32
      %mul3A_514 = arith.muli %mul3A_513, %scan3A_411 : i32
      %add3A_515 = arith.constant 3 : i32
      %add3A_516 = arith.addi %mul3A_514, %add3A_515 : i32
      %add3A_517 = arith.constant 3 : i32
      %add3A_518 = arith.addi %add3A_516, %add3A_517 : i32
      %sub3A_519 = arith.constant 3 : i32
      %sub3A_520 = arith.subi %add3A_518, %sub3A_519 : i32
      %dma_wait3A_521 = arith.constant 0 : i32
      %dma_wait3A_522 = tpu.memref_slice %arg7[%sub3A_520, %dma_wait3A_521] : memref<80x125xi32, #tpu.memory_space<vmem>> -> memref<1x125xi32, #tpu.memory_space<vmem>>
      %dma_wait3A_523 = tpu.memref_squeeze %dma_wait3A_522 : memref<1x125xi32, #tpu.memory_space<vmem>> -> memref<125xi32, #tpu.memory_space<vmem>>
      %dma_wait3A_524 = arith.constant 0 : i32
      %dma_wait3A_525 = arith.constant 0 : i32
      %dma_wait3A_526 = tpu.memref_slice %arg15[%dma_wait3A_524, %dma_wait3A_525] : memref<10240x16xf32, #tpu.memory_space<vmem_shared>> -> memref<10240x16xf32, #tpu.memory_space<vmem_shared>>
      tpu.wait_indirect_dma semaphore(%arg25 : memref<!tpu.dma_semaphore, #tpu.memory_space<semaphore_mem>>) src(%arg11 : memref<125x16xf32, #tpu.memory_space<vmem>>) dst(%dma_wait3A_526 : memref<10240x16xf32, #tpu.memory_space<vmem_shared>>)
      %add3A_527 = arith.constant 3 : i32
      %add3A_528 = arith.addi %add3A_518, %add3A_527 : i32
      %dma_start3A_529 = arith.constant 0 : i32
      %dma_start3A_530 = tpu.memref_slice %arg6[%add3A_528, %dma_start3A_529] : memref<80x125xi32, #tpu.memory_space<vmem>> -> memref<1x125xi32, #tpu.memory_space<vmem>>
      %dma_start3A_531 = tpu.memref_squeeze %dma_start3A_530 : memref<1x125xi32, #tpu.memory_space<vmem>> -> memref<125xi32, #tpu.memory_space<vmem>>
      %dma_start3A_532 = arith.constant 0 : i32
      %dma_start3A_533 = arith.constant 0 : i32
      %dma_start3A_534 = tpu.memref_slice %arg2[%dma_start3A_532, %dma_start3A_533] : memref<81920x16xf32, #tpu.memory_space<hbm>> -> memref<81920x16xf32, #tpu.memory_space<hbm>>
      tpu.enqueue_indirect_dma source(%dma_start3A_534 : memref<81920x16xf32, #tpu.memory_space<hbm>>) target(%arg11 : memref<125x16xf32, #tpu.memory_space<vmem>>) offsets(%dma_start3A_531 : memref<125xi32, #tpu.memory_space<vmem>>) semaphore(%arg19 : memref<!tpu.dma_semaphore, #tpu.memory_space<semaphore_mem>>)
      %dma_wait3A_535 = arith.constant 0 : i32
      %dma_wait3A_536 = tpu.memref_slice %arg6[%add3A_518, %dma_wait3A_535] : memref<80x125xi32, #tpu.memory_space<vmem>> -> memref<1x125xi32, #tpu.memory_space<vmem>>
      %dma_wait3A_537 = tpu.memref_squeeze %dma_wait3A_536 : memref<1x125xi32, #tpu.memory_space<vmem>> -> memref<125xi32, #tpu.memory_space<vmem>>
      %dma_wait3A_538 = arith.constant 0 : i32
      %dma_wait3A_539 = arith.constant 0 : i32
      %dma_wait3A_540 = tpu.memref_slice %arg2[%dma_wait3A_538, %dma_wait3A_539] : memref<81920x16xf32, #tpu.memory_space<hbm>> -> memref<81920x16xf32, #tpu.memory_space<hbm>>
      tpu.wait_indirect_dma semaphore(%arg16 : memref<!tpu.dma_semaphore, #tpu.memory_space<semaphore_mem>>) src(%dma_wait3A_540 : memref<81920x16xf32, #tpu.memory_space<hbm>>) dst(%arg8 : memref<125x16xf32, #tpu.memory_space<vmem>>)
      %dma_start3A_541 = arith.constant 0 : i32
      %dma_start3A_542 = tpu.memref_slice %arg7[%add3A_518, %dma_start3A_541] : memref<80x125xi32, #tpu.memory_space<vmem>> -> memref<1x125xi32, #tpu.memory_space<vmem>>
      %dma_start3A_543 = tpu.memref_squeeze %dma_start3A_542 : memref<1x125xi32, #tpu.memory_space<vmem>> -> memref<125xi32, #tpu.memory_space<vmem>>
      %dma_start3A_544 = arith.constant 0 : i32
      %dma_start3A_545 = arith.constant 0 : i32
      %dma_start3A_546 = tpu.memref_slice %arg15[%dma_start3A_544, %dma_start3A_545] : memref<10240x16xf32, #tpu.memory_space<vmem_shared>> -> memref<10240x16xf32, #tpu.memory_space<vmem_shared>>
      tpu.enqueue_indirect_dma source(%arg8 : memref<125x16xf32, #tpu.memory_space<vmem>>) target(%dma_start3A_546 : memref<10240x16xf32, #tpu.memory_space<vmem_shared>>) offsets(%dma_start3A_543 : memref<125xi32, #tpu.memory_space<vmem>>) semaphore(%arg22 : memref<!tpu.dma_semaphore, #tpu.memory_space<semaphore_mem>>) {add = true}
      %mul3A_547 = arith.constant 6 : i32
      %mul3A_548 = arith.muli %mul3A_547, %scan3A_411 : i32
      %add3A_549 = arith.constant 3 : i32
      %add3A_550 = arith.addi %mul3A_548, %add3A_549 : i32
      %add3A_551 = arith.constant 4 : i32
      %add3A_552 = arith.addi %add3A_550, %add3A_551 : i32
      %sub3A_553 = arith.constant 3 : i32
      %sub3A_554 = arith.subi %add3A_552, %sub3A_553 : i32
      %dma_wait3A_555 = arith.constant 0 : i32
      %dma_wait3A_556 = tpu.memref_slice %arg7[%sub3A_554, %dma_wait3A_555] : memref<80x125xi32, #tpu.memory_space<vmem>> -> memref<1x125xi32, #tpu.memory_space<vmem>>
      %dma_wait3A_557 = tpu.memref_squeeze %dma_wait3A_556 : memref<1x125xi32, #tpu.memory_space<vmem>> -> memref<125xi32, #tpu.memory_space<vmem>>
      %dma_wait3A_558 = arith.constant 0 : i32
      %dma_wait3A_559 = arith.constant 0 : i32
      %dma_wait3A_560 = tpu.memref_slice %arg15[%dma_wait3A_558, %dma_wait3A_559] : memref<10240x16xf32, #tpu.memory_space<vmem_shared>> -> memref<10240x16xf32, #tpu.memory_space<vmem_shared>>
      tpu.wait_indirect_dma semaphore(%arg26 : memref<!tpu.dma_semaphore, #tpu.memory_space<semaphore_mem>>) src(%arg12 : memref<125x16xf32, #tpu.memory_space<vmem>>) dst(%dma_wait3A_560 : memref<10240x16xf32, #tpu.memory_space<vmem_shared>>)
      %add3A_561 = arith.constant 3 : i32
      %add3A_562 = arith.addi %add3A_552, %add3A_561 : i32
      %dma_start3A_563 = arith.constant 0 : i32
      %dma_start3A_564 = tpu.memref_slice %arg6[%add3A_562, %dma_start3A_563] : memref<80x125xi32, #tpu.memory_space<vmem>> -> memref<1x125xi32, #tpu.memory_space<vmem>>
      %dma_start3A_565 = tpu.memref_squeeze %dma_start3A_564 : memref<1x125xi32, #tpu.memory_space<vmem>> -> memref<125xi32, #tpu.memory_space<vmem>>
      %dma_start3A_566 = arith.constant 0 : i32
      %dma_start3A_567 = arith.constant 0 : i32
      %dma_start3A_568 = tpu.memref_slice %arg2[%dma_start3A_566, %dma_start3A_567] : memref<81920x16xf32, #tpu.memory_space<hbm>> -> memref<81920x16xf32, #tpu.memory_space<hbm>>
      tpu.enqueue_indirect_dma source(%dma_start3A_568 : memref<81920x16xf32, #tpu.memory_space<hbm>>) target(%arg12 : memref<125x16xf32, #tpu.memory_space<vmem>>) offsets(%dma_start3A_565 : memref<125xi32, #tpu.memory_space<vmem>>) semaphore(%arg20 : memref<!tpu.dma_semaphore, #tpu.memory_space<semaphore_mem>>)
      %dma_wait3A_569 = arith.constant 0 : i32
      %dma_wait3A_570 = tpu.memref_slice %arg6[%add3A_552, %dma_wait3A_569] : memref<80x125xi32, #tpu.memory_space<vmem>> -> memref<1x125xi32, #tpu.memory_space<vmem>>
      %dma_wait3A_571 = tpu.memref_squeeze %dma_wait3A_570 : memref<1x125xi32, #tpu.memory_space<vmem>> -> memref<125xi32, #tpu.memory_space<vmem>>
      %dma_wait3A_572 = arith.constant 0 : i32
      %dma_wait3A_573 = arith.constant 0 : i32
      %dma_wait3A_574 = tpu.memref_slice %arg2[%dma_wait3A_572, %dma_wait3A_573] : memref<81920x16xf32, #tpu.memory_space<hbm>> -> memref<81920x16xf32, #tpu.memory_space<hbm>>
      tpu.wait_indirect_dma semaphore(%arg17 : memref<!tpu.dma_semaphore, #tpu.memory_space<semaphore_mem>>) src(%dma_wait3A_574 : memref<81920x16xf32, #tpu.memory_space<hbm>>) dst(%arg9 : memref<125x16xf32, #tpu.memory_space<vmem>>)
      %dma_start3A_575 = arith.constant 0 : i32
      %dma_start3A_576 = tpu.memref_slice %arg7[%add3A_552, %dma_start3A_575] : memref<80x125xi32, #tpu.memory_space<vmem>> -> memref<1x125xi32, #tpu.memory_space<vmem>>
      %dma_start3A_577 = tpu.memref_squeeze %dma_start3A_576 : memref<1x125xi32, #tpu.memory_space<vmem>> -> memref<125xi32, #tpu.memory_space<vmem>>
      %dma_start3A_578 = arith.constant 0 : i32
      %dma_start3A_579 = arith.constant 0 : i32
      %dma_start3A_580 = tpu.memref_slice %arg15[%dma_start3A_578, %dma_start3A_579] : memref<10240x16xf32, #tpu.memory_space<vmem_shared>> -> memref<10240x16xf32, #tpu.memory_space<vmem_shared>>
      tpu.enqueue_indirect_dma source(%arg9 : memref<125x16xf32, #tpu.memory_space<vmem>>) target(%dma_start3A_580 : memref<10240x16xf32, #tpu.memory_space<vmem_shared>>) offsets(%dma_start3A_577 : memref<125xi32, #tpu.memory_space<vmem>>) semaphore(%arg23 : memref<!tpu.dma_semaphore, #tpu.memory_space<semaphore_mem>>) {add = true}
      %mul3A_581 = arith.constant 6 : i32
      %mul3A_582 = arith.muli %mul3A_581, %scan3A_411 : i32
      %add3A_583 = arith.constant 3 : i32
      %add3A_584 = arith.addi %mul3A_582, %add3A_583 : i32
      %add3A_585 = arith.constant 5 : i32
      %add3A_586 = arith.addi %add3A_584, %add3A_585 : i32
      %sub3A_587 = arith.constant 3 : i32
      %sub3A_588 = arith.subi %add3A_586, %sub3A_587 : i32
      %dma_wait3A_589 = arith.constant 0 : i32
      %dma_wait3A_590 = tpu.memref_slice %arg7[%sub3A_588, %dma_wait3A_589] : memref<80x125xi32, #tpu.memory_space<vmem>> -> memref<1x125xi32, #tpu.memory_space<vmem>>
      %dma_wait3A_591 = tpu.memref_squeeze %dma_wait3A_590 : memref<1x125xi32, #tpu.memory_space<vmem>> -> memref<125xi32, #tpu.memory_space<vmem>>
      %dma_wait3A_592 = arith.constant 0 : i32
      %dma_wait3A_593 = arith.constant 0 : i32
      %dma_wait3A_594 = tpu.memref_slice %arg15[%dma_wait3A_592, %dma_wait3A_593] : memref<10240x16xf32, #tpu.memory_space<vmem_shared>> -> memref<10240x16xf32, #tpu.memory_space<vmem_shared>>
      tpu.wait_indirect_dma semaphore(%arg27 : memref<!tpu.dma_semaphore, #tpu.memory_space<semaphore_mem>>) src(%arg13 : memref<125x16xf32, #tpu.memory_space<vmem>>) dst(%dma_wait3A_594 : memref<10240x16xf32, #tpu.memory_space<vmem_shared>>)
      %add3A_595 = arith.constant 3 : i32
      %add3A_596 = arith.addi %add3A_586, %add3A_595 : i32
      %dma_start3A_597 = arith.constant 0 : i32
      %dma_start3A_598 = tpu.memref_slice %arg6[%add3A_596, %dma_start3A_597] : memref<80x125xi32, #tpu.memory_space<vmem>> -> memref<1x125xi32, #tpu.memory_space<vmem>>
      %dma_start3A_599 = tpu.memref_squeeze %dma_start3A_598 : memref<1x125xi32, #tpu.memory_space<vmem>> -> memref<125xi32, #tpu.memory_space<vmem>>
      %dma_start3A_600 = arith.constant 0 : i32
      %dma_start3A_601 = arith.constant 0 : i32
      %dma_start3A_602 = tpu.memref_slice %arg2[%dma_start3A_600, %dma_start3A_601] : memref<81920x16xf32, #tpu.memory_space<hbm>> -> memref<81920x16xf32, #tpu.memory_space<hbm>>
      tpu.enqueue_indirect_dma source(%dma_start3A_602 : memref<81920x16xf32, #tpu.memory_space<hbm>>) target(%arg13 : memref<125x16xf32, #tpu.memory_space<vmem>>) offsets(%dma_start3A_599 : memref<125xi32, #tpu.memory_space<vmem>>) semaphore(%arg21 : memref<!tpu.dma_semaphore, #tpu.memory_space<semaphore_mem>>)
      %dma_wait3A_603 = arith.constant 0 : i32
      %dma_wait3A_604 = tpu.memref_slice %arg6[%add3A_586, %dma_wait3A_603] : memref<80x125xi32, #tpu.memory_space<vmem>> -> memref<1x125xi32, #tpu.memory_space<vmem>>
      %dma_wait3A_605 = tpu.memref_squeeze %dma_wait3A_604 : memref<1x125xi32, #tpu.memory_space<vmem>> -> memref<125xi32, #tpu.memory_space<vmem>>
      %dma_wait3A_606 = arith.constant 0 : i32
      %dma_wait3A_607 = arith.constant 0 : i32
      %dma_wait3A_608 = tpu.memref_slice %arg2[%dma_wait3A_606, %dma_wait3A_607] : memref<81920x16xf32, #tpu.memory_space<hbm>> -> memref<81920x16xf32, #tpu.memory_space<hbm>>
      tpu.wait_indirect_dma semaphore(%arg18 : memref<!tpu.dma_semaphore, #tpu.memory_space<semaphore_mem>>) src(%dma_wait3A_608 : memref<81920x16xf32, #tpu.memory_space<hbm>>) dst(%arg10 : memref<125x16xf32, #tpu.memory_space<vmem>>)
      %dma_start3A_609 = arith.constant 0 : i32
      %dma_start3A_610 = tpu.memref_slice %arg7[%add3A_586, %dma_start3A_609] : memref<80x125xi32, #tpu.memory_space<vmem>> -> memref<1x125xi32, #tpu.memory_space<vmem>>
      %dma_start3A_611 = tpu.memref_squeeze %dma_start3A_610 : memref<1x125xi32, #tpu.memory_space<vmem>> -> memref<125xi32, #tpu.memory_space<vmem>>
      %dma_start3A_612 = arith.constant 0 : i32
      %dma_start3A_613 = arith.constant 0 : i32
      %dma_start3A_614 = tpu.memref_slice %arg15[%dma_start3A_612, %dma_start3A_613] : memref<10240x16xf32, #tpu.memory_space<vmem_shared>> -> memref<10240x16xf32, #tpu.memory_space<vmem_shared>>
      tpu.enqueue_indirect_dma source(%arg10 : memref<125x16xf32, #tpu.memory_space<vmem>>) target(%dma_start3A_614 : memref<10240x16xf32, #tpu.memory_space<vmem_shared>>) offsets(%dma_start3A_611 : memref<125xi32, #tpu.memory_space<vmem>>) semaphore(%arg24 : memref<!tpu.dma_semaphore, #tpu.memory_space<semaphore_mem>>) {add = true}
    }
    %scan3A_99 = arith.constant 11 : i32
    %dma_wait3A_100 = arith.constant 66 : i32
    %dma_wait3A_101 = arith.constant 0 : i32
    %dma_wait3A_102 = tpu.memref_slice %arg7[%dma_wait3A_100, %dma_wait3A_101] : memref<80x125xi32, #tpu.memory_space<vmem>> -> memref<1x125xi32, #tpu.memory_space<vmem>>
    %dma_wait3A_103 = tpu.memref_squeeze %dma_wait3A_102 : memref<1x125xi32, #tpu.memory_space<vmem>> -> memref<125xi32, #tpu.memory_space<vmem>>
    %dma_wait3A_104 = arith.constant 0 : i32
    %dma_wait3A_105 = arith.constant 0 : i32
    %dma_wait3A_106 = tpu.memref_slice %arg15[%dma_wait3A_104, %dma_wait3A_105] : memref<10240x16xf32, #tpu.memory_space<vmem_shared>> -> memref<10240x16xf32, #tpu.memory_space<vmem_shared>>
    tpu.wait_indirect_dma semaphore(%arg22 : memref<!tpu.dma_semaphore, #tpu.memory_space<semaphore_mem>>) src(%arg8 : memref<125x16xf32, #tpu.memory_space<vmem>>) dst(%dma_wait3A_106 : memref<10240x16xf32, #tpu.memory_space<vmem_shared>>)
    %dma_start3A_107 = arith.constant 72 : i32
    %dma_start3A_108 = arith.constant 0 : i32
    %dma_start3A_109 = tpu.memref_slice %arg6[%dma_start3A_107, %dma_start3A_108] : memref<80x125xi32, #tpu.memory_space<vmem>> -> memref<1x125xi32, #tpu.memory_space<vmem>>
    %dma_start3A_110 = tpu.memref_squeeze %dma_start3A_109 : memref<1x125xi32, #tpu.memory_space<vmem>> -> memref<125xi32, #tpu.memory_space<vmem>>
    %dma_start3A_111 = arith.constant 0 : i32
    %dma_start3A_112 = arith.constant 0 : i32
    %dma_start3A_113 = tpu.memref_slice %arg2[%dma_start3A_111, %dma_start3A_112] : memref<81920x16xf32, #tpu.memory_space<hbm>> -> memref<81920x16xf32, #tpu.memory_space<hbm>>
    tpu.enqueue_indirect_dma source(%dma_start3A_113 : memref<81920x16xf32, #tpu.memory_space<hbm>>) target(%arg8 : memref<125x16xf32, #tpu.memory_space<vmem>>) offsets(%dma_start3A_110 : memref<125xi32, #tpu.memory_space<vmem>>) semaphore(%arg16 : memref<!tpu.dma_semaphore, #tpu.memory_space<semaphore_mem>>)
    %dma_wait3A_114 = arith.constant 69 : i32
    %dma_wait3A_115 = arith.constant 0 : i32
    %dma_wait3A_116 = tpu.memref_slice %arg6[%dma_wait3A_114, %dma_wait3A_115] : memref<80x125xi32, #tpu.memory_space<vmem>> -> memref<1x125xi32, #tpu.memory_space<vmem>>
    %dma_wait3A_117 = tpu.memref_squeeze %dma_wait3A_116 : memref<1x125xi32, #tpu.memory_space<vmem>> -> memref<125xi32, #tpu.memory_space<vmem>>
    %dma_wait3A_118 = arith.constant 0 : i32
    %dma_wait3A_119 = arith.constant 0 : i32
    %dma_wait3A_120 = tpu.memref_slice %arg2[%dma_wait3A_118, %dma_wait3A_119] : memref<81920x16xf32, #tpu.memory_space<hbm>> -> memref<81920x16xf32, #tpu.memory_space<hbm>>
    tpu.wait_indirect_dma semaphore(%arg19 : memref<!tpu.dma_semaphore, #tpu.memory_space<semaphore_mem>>) src(%dma_wait3A_120 : memref<81920x16xf32, #tpu.memory_space<hbm>>) dst(%arg11 : memref<125x16xf32, #tpu.memory_space<vmem>>)
    %dma_start3A_121 = arith.constant 69 : i32
    %dma_start3A_122 = arith.constant 0 : i32
    %dma_start3A_123 = tpu.memref_slice %arg7[%dma_start3A_121, %dma_start3A_122] : memref<80x125xi32, #tpu.memory_space<vmem>> -> memref<1x125xi32, #tpu.memory_space<vmem>>
    %dma_start3A_124 = tpu.memref_squeeze %dma_start3A_123 : memref<1x125xi32, #tpu.memory_space<vmem>> -> memref<125xi32, #tpu.memory_space<vmem>>
    %dma_start3A_125 = arith.constant 0 : i32
    %dma_start3A_126 = arith.constant 0 : i32
    %dma_start3A_127 = tpu.memref_slice %arg15[%dma_start3A_125, %dma_start3A_126] : memref<10240x16xf32, #tpu.memory_space<vmem_shared>> -> memref<10240x16xf32, #tpu.memory_space<vmem_shared>>
    tpu.enqueue_indirect_dma source(%arg11 : memref<125x16xf32, #tpu.memory_space<vmem>>) target(%dma_start3A_127 : memref<10240x16xf32, #tpu.memory_space<vmem_shared>>) offsets(%dma_start3A_124 : memref<125xi32, #tpu.memory_space<vmem>>) semaphore(%arg25 : memref<!tpu.dma_semaphore, #tpu.memory_space<semaphore_mem>>) {add = true}
    %dma_wait3A_128 = arith.constant 67 : i32
    %dma_wait3A_129 = arith.constant 0 : i32
    %dma_wait3A_130 = tpu.memref_slice %arg7[%dma_wait3A_128, %dma_wait3A_129] : memref<80x125xi32, #tpu.memory_space<vmem>> -> memref<1x125xi32, #tpu.memory_space<vmem>>
    %dma_wait3A_131 = tpu.memref_squeeze %dma_wait3A_130 : memref<1x125xi32, #tpu.memory_space<vmem>> -> memref<125xi32, #tpu.memory_space<vmem>>
    %dma_wait3A_132 = arith.constant 0 : i32
    %dma_wait3A_133 = arith.constant 0 : i32
    %dma_wait3A_134 = tpu.memref_slice %arg15[%dma_wait3A_132, %dma_wait3A_133] : memref<10240x16xf32, #tpu.memory_space<vmem_shared>> -> memref<10240x16xf32, #tpu.memory_space<vmem_shared>>
    tpu.wait_indirect_dma semaphore(%arg23 : memref<!tpu.dma_semaphore, #tpu.memory_space<semaphore_mem>>) src(%arg9 : memref<125x16xf32, #tpu.memory_space<vmem>>) dst(%dma_wait3A_134 : memref<10240x16xf32, #tpu.memory_space<vmem_shared>>)
    %dma_start3A_135 = arith.constant 73 : i32
    %dma_start3A_136 = arith.constant 0 : i32
    %dma_start3A_137 = tpu.memref_slice %arg6[%dma_start3A_135, %dma_start3A_136] : memref<80x125xi32, #tpu.memory_space<vmem>> -> memref<1x125xi32, #tpu.memory_space<vmem>>
    %dma_start3A_138 = tpu.memref_squeeze %dma_start3A_137 : memref<1x125xi32, #tpu.memory_space<vmem>> -> memref<125xi32, #tpu.memory_space<vmem>>
    %dma_start3A_139 = arith.constant 0 : i32
    %dma_start3A_140 = arith.constant 0 : i32
    %dma_start3A_141 = tpu.memref_slice %arg2[%dma_start3A_139, %dma_start3A_140] : memref<81920x16xf32, #tpu.memory_space<hbm>> -> memref<81920x16xf32, #tpu.memory_space<hbm>>
    tpu.enqueue_indirect_dma source(%dma_start3A_141 : memref<81920x16xf32, #tpu.memory_space<hbm>>) target(%arg9 : memref<125x16xf32, #tpu.memory_space<vmem>>) offsets(%dma_start3A_138 : memref<125xi32, #tpu.memory_space<vmem>>) semaphore(%arg17 : memref<!tpu.dma_semaphore, #tpu.memory_space<semaphore_mem>>)
    %dma_wait3A_142 = arith.constant 70 : i32
    %dma_wait3A_143 = arith.constant 0 : i32
    %dma_wait3A_144 = tpu.memref_slice %arg6[%dma_wait3A_142, %dma_wait3A_143] : memref<80x125xi32, #tpu.memory_space<vmem>> -> memref<1x125xi32, #tpu.memory_space<vmem>>
    %dma_wait3A_145 = tpu.memref_squeeze %dma_wait3A_144 : memref<1x125xi32, #tpu.memory_space<vmem>> -> memref<125xi32, #tpu.memory_space<vmem>>
    %dma_wait3A_146 = arith.constant 0 : i32
    %dma_wait3A_147 = arith.constant 0 : i32
    %dma_wait3A_148 = tpu.memref_slice %arg2[%dma_wait3A_146, %dma_wait3A_147] : memref<81920x16xf32, #tpu.memory_space<hbm>> -> memref<81920x16xf32, #tpu.memory_space<hbm>>
    tpu.wait_indirect_dma semaphore(%arg20 : memref<!tpu.dma_semaphore, #tpu.memory_space<semaphore_mem>>) src(%dma_wait3A_148 : memref<81920x16xf32, #tpu.memory_space<hbm>>) dst(%arg12 : memref<125x16xf32, #tpu.memory_space<vmem>>)
    %dma_start3A_149 = arith.constant 70 : i32
    %dma_start3A_150 = arith.constant 0 : i32
    %dma_start3A_151 = tpu.memref_slice %arg7[%dma_start3A_149, %dma_start3A_150] : memref<80x125xi32, #tpu.memory_space<vmem>> -> memref<1x125xi32, #tpu.memory_space<vmem>>
    %dma_start3A_152 = tpu.memref_squeeze %dma_start3A_151 : memref<1x125xi32, #tpu.memory_space<vmem>> -> memref<125xi32, #tpu.memory_space<vmem>>
    %dma_start3A_153 = arith.constant 0 : i32
    %dma_start3A_154 = arith.constant 0 : i32
    %dma_start3A_155 = tpu.memref_slice %arg15[%dma_start3A_153, %dma_start3A_154] : memref<10240x16xf32, #tpu.memory_space<vmem_shared>> -> memref<10240x16xf32, #tpu.memory_space<vmem_shared>>
    tpu.enqueue_indirect_dma source(%arg12 : memref<125x16xf32, #tpu.memory_space<vmem>>) target(%dma_start3A_155 : memref<10240x16xf32, #tpu.memory_space<vmem_shared>>) offsets(%dma_start3A_152 : memref<125xi32, #tpu.memory_space<vmem>>) semaphore(%arg26 : memref<!tpu.dma_semaphore, #tpu.memory_space<semaphore_mem>>) {add = true}
    %dma_wait3A_156 = arith.constant 68 : i32
    %dma_wait3A_157 = arith.constant 0 : i32
    %dma_wait3A_158 = tpu.memref_slice %arg7[%dma_wait3A_156, %dma_wait3A_157] : memref<80x125xi32, #tpu.memory_space<vmem>> -> memref<1x125xi32, #tpu.memory_space<vmem>>
    %dma_wait3A_159 = tpu.memref_squeeze %dma_wait3A_158 : memref<1x125xi32, #tpu.memory_space<vmem>> -> memref<125xi32, #tpu.memory_space<vmem>>
    %dma_wait3A_160 = arith.constant 0 : i32
    %dma_wait3A_161 = arith.constant 0 : i32
    %dma_wait3A_162 = tpu.memref_slice %arg15[%dma_wait3A_160, %dma_wait3A_161] : memref<10240x16xf32, #tpu.memory_space<vmem_shared>> -> memref<10240x16xf32, #tpu.memory_space<vmem_shared>>
    tpu.wait_indirect_dma semaphore(%arg24 : memref<!tpu.dma_semaphore, #tpu.memory_space<semaphore_mem>>) src(%arg10 : memref<125x16xf32, #tpu.memory_space<vmem>>) dst(%dma_wait3A_162 : memref<10240x16xf32, #tpu.memory_space<vmem_shared>>)
    %dma_start3A_163 = arith.constant 74 : i32
    %dma_start3A_164 = arith.constant 0 : i32
    %dma_start3A_165 = tpu.memref_slice %arg6[%dma_start3A_163, %dma_start3A_164] : memref<80x125xi32, #tpu.memory_space<vmem>> -> memref<1x125xi32, #tpu.memory_space<vmem>>
    %dma_start3A_166 = tpu.memref_squeeze %dma_start3A_165 : memref<1x125xi32, #tpu.memory_space<vmem>> -> memref<125xi32, #tpu.memory_space<vmem>>
    %dma_start3A_167 = arith.constant 0 : i32
    %dma_start3A_168 = arith.constant 0 : i32
    %dma_start3A_169 = tpu.memref_slice %arg2[%dma_start3A_167, %dma_start3A_168] : memref<81920x16xf32, #tpu.memory_space<hbm>> -> memref<81920x16xf32, #tpu.memory_space<hbm>>
    tpu.enqueue_indirect_dma source(%dma_start3A_169 : memref<81920x16xf32, #tpu.memory_space<hbm>>) target(%arg10 : memref<125x16xf32, #tpu.memory_space<vmem>>) offsets(%dma_start3A_166 : memref<125xi32, #tpu.memory_space<vmem>>) semaphore(%arg18 : memref<!tpu.dma_semaphore, #tpu.memory_space<semaphore_mem>>)
    %dma_wait3A_170 = arith.constant 71 : i32
    %dma_wait3A_171 = arith.constant 0 : i32
    %dma_wait3A_172 = tpu.memref_slice %arg6[%dma_wait3A_170, %dma_wait3A_171] : memref<80x125xi32, #tpu.memory_space<vmem>> -> memref<1x125xi32, #tpu.memory_space<vmem>>
    %dma_wait3A_173 = tpu.memref_squeeze %dma_wait3A_172 : memref<1x125xi32, #tpu.memory_space<vmem>> -> memref<125xi32, #tpu.memory_space<vmem>>
    %dma_wait3A_174 = arith.constant 0 : i32
    %dma_wait3A_175 = arith.constant 0 : i32
    %dma_wait3A_176 = tpu.memref_slice %arg2[%dma_wait3A_174, %dma_wait3A_175] : memref<81920x16xf32, #tpu.memory_space<hbm>> -> memref<81920x16xf32, #tpu.memory_space<hbm>>
    tpu.wait_indirect_dma semaphore(%arg21 : memref<!tpu.dma_semaphore, #tpu.memory_space<semaphore_mem>>) src(%dma_wait3A_176 : memref<81920x16xf32, #tpu.memory_space<hbm>>) dst(%arg13 : memref<125x16xf32, #tpu.memory_space<vmem>>)
    %dma_start3A_177 = arith.constant 71 : i32
    %dma_start3A_178 = arith.constant 0 : i32
    %dma_start3A_179 = tpu.memref_slice %arg7[%dma_start3A_177, %dma_start3A_178] : memref<80x125xi32, #tpu.memory_space<vmem>> -> memref<1x125xi32, #tpu.memory_space<vmem>>
    %dma_start3A_180 = tpu.memref_squeeze %dma_start3A_179 : memref<1x125xi32, #tpu.memory_space<vmem>> -> memref<125xi32, #tpu.memory_space<vmem>>
    %dma_start3A_181 = arith.constant 0 : i32
    %dma_start3A_182 = arith.constant 0 : i32
    %dma_start3A_183 = tpu.memref_slice %arg15[%dma_start3A_181, %dma_start3A_182] : memref<10240x16xf32, #tpu.memory_space<vmem_shared>> -> memref<10240x16xf32, #tpu.memory_space<vmem_shared>>
    tpu.enqueue_indirect_dma source(%arg13 : memref<125x16xf32, #tpu.memory_space<vmem>>) target(%dma_start3A_183 : memref<10240x16xf32, #tpu.memory_space<vmem_shared>>) offsets(%dma_start3A_180 : memref<125xi32, #tpu.memory_space<vmem>>) semaphore(%arg27 : memref<!tpu.dma_semaphore, #tpu.memory_space<semaphore_mem>>) {add = true}
    %dma_wait3A_184 = arith.constant 69 : i32
    %dma_wait3A_185 = arith.constant 0 : i32
    %dma_wait3A_186 = tpu.memref_slice %arg7[%dma_wait3A_184, %dma_wait3A_185] : memref<80x125xi32, #tpu.memory_space<vmem>> -> memref<1x125xi32, #tpu.memory_space<vmem>>
    %dma_wait3A_187 = tpu.memref_squeeze %dma_wait3A_186 : memref<1x125xi32, #tpu.memory_space<vmem>> -> memref<125xi32, #tpu.memory_space<vmem>>
    %dma_wait3A_188 = arith.constant 0 : i32
    %dma_wait3A_189 = arith.constant 0 : i32
    %dma_wait3A_190 = tpu.memref_slice %arg15[%dma_wait3A_188, %dma_wait3A_189] : memref<10240x16xf32, #tpu.memory_space<vmem_shared>> -> memref<10240x16xf32, #tpu.memory_space<vmem_shared>>
    tpu.wait_indirect_dma semaphore(%arg25 : memref<!tpu.dma_semaphore, #tpu.memory_space<semaphore_mem>>) src(%arg11 : memref<125x16xf32, #tpu.memory_space<vmem>>) dst(%dma_wait3A_190 : memref<10240x16xf32, #tpu.memory_space<vmem_shared>>)
    %dma_start3A_191 = arith.constant 75 : i32
    %dma_start3A_192 = arith.constant 0 : i32
    %dma_start3A_193 = tpu.memref_slice %arg6[%dma_start3A_191, %dma_start3A_192] : memref<80x125xi32, #tpu.memory_space<vmem>> -> memref<1x125xi32, #tpu.memory_space<vmem>>
    %dma_start3A_194 = tpu.memref_squeeze %dma_start3A_193 : memref<1x125xi32, #tpu.memory_space<vmem>> -> memref<125xi32, #tpu.memory_space<vmem>>
    %dma_start3A_195 = arith.constant 0 : i32
    %dma_start3A_196 = arith.constant 0 : i32
    %dma_start3A_197 = tpu.memref_slice %arg2[%dma_start3A_195, %dma_start3A_196] : memref<81920x16xf32, #tpu.memory_space<hbm>> -> memref<81920x16xf32, #tpu.memory_space<hbm>>
    tpu.enqueue_indirect_dma source(%dma_start3A_197 : memref<81920x16xf32, #tpu.memory_space<hbm>>) target(%arg11 : memref<125x16xf32, #tpu.memory_space<vmem>>) offsets(%dma_start3A_194 : memref<125xi32, #tpu.memory_space<vmem>>) semaphore(%arg19 : memref<!tpu.dma_semaphore, #tpu.memory_space<semaphore_mem>>)
    %dma_wait3A_198 = arith.constant 72 : i32
    %dma_wait3A_199 = arith.constant 0 : i32
    %dma_wait3A_200 = tpu.memref_slice %arg6[%dma_wait3A_198, %dma_wait3A_199] : memref<80x125xi32, #tpu.memory_space<vmem>> -> memref<1x125xi32, #tpu.memory_space<vmem>>
    %dma_wait3A_201 = tpu.memref_squeeze %dma_wait3A_200 : memref<1x125xi32, #tpu.memory_space<vmem>> -> memref<125xi32, #tpu.memory_space<vmem>>
    %dma_wait3A_202 = arith.constant 0 : i32
    %dma_wait3A_203 = arith.constant 0 : i32
    %dma_wait3A_204 = tpu.memref_slice %arg2[%dma_wait3A_202, %dma_wait3A_203] : memref<81920x16xf32, #tpu.memory_space<hbm>> -> memref<81920x16xf32, #tpu.memory_space<hbm>>
    tpu.wait_indirect_dma semaphore(%arg16 : memref<!tpu.dma_semaphore, #tpu.memory_space<semaphore_mem>>) src(%dma_wait3A_204 : memref<81920x16xf32, #tpu.memory_space<hbm>>) dst(%arg8 : memref<125x16xf32, #tpu.memory_space<vmem>>)
    %dma_start3A_205 = arith.constant 72 : i32
    %dma_start3A_206 = arith.constant 0 : i32
    %dma_start3A_207 = tpu.memref_slice %arg7[%dma_start3A_205, %dma_start3A_206] : memref<80x125xi32, #tpu.memory_space<vmem>> -> memref<1x125xi32, #tpu.memory_space<vmem>>
    %dma_start3A_208 = tpu.memref_squeeze %dma_start3A_207 : memref<1x125xi32, #tpu.memory_space<vmem>> -> memref<125xi32, #tpu.memory_space<vmem>>
    %dma_start3A_209 = arith.constant 0 : i32
    %dma_start3A_210 = arith.constant 0 : i32
    %dma_start3A_211 = tpu.memref_slice %arg15[%dma_start3A_209, %dma_start3A_210] : memref<10240x16xf32, #tpu.memory_space<vmem_shared>> -> memref<10240x16xf32, #tpu.memory_space<vmem_shared>>
    tpu.enqueue_indirect_dma source(%arg8 : memref<125x16xf32, #tpu.memory_space<vmem>>) target(%dma_start3A_211 : memref<10240x16xf32, #tpu.memory_space<vmem_shared>>) offsets(%dma_start3A_208 : memref<125xi32, #tpu.memory_space<vmem>>) semaphore(%arg22 : memref<!tpu.dma_semaphore, #tpu.memory_space<semaphore_mem>>) {add = true}
    %dma_wait3A_212 = arith.constant 70 : i32
    %dma_wait3A_213 = arith.constant 0 : i32
    %dma_wait3A_214 = tpu.memref_slice %arg7[%dma_wait3A_212, %dma_wait3A_213] : memref<80x125xi32, #tpu.memory_space<vmem>> -> memref<1x125xi32, #tpu.memory_space<vmem>>
    %dma_wait3A_215 = tpu.memref_squeeze %dma_wait3A_214 : memref<1x125xi32, #tpu.memory_space<vmem>> -> memref<125xi32, #tpu.memory_space<vmem>>
    %dma_wait3A_216 = arith.constant 0 : i32
    %dma_wait3A_217 = arith.constant 0 : i32
    %dma_wait3A_218 = tpu.memref_slice %arg15[%dma_wait3A_216, %dma_wait3A_217] : memref<10240x16xf32, #tpu.memory_space<vmem_shared>> -> memref<10240x16xf32, #tpu.memory_space<vmem_shared>>
    tpu.wait_indirect_dma semaphore(%arg26 : memref<!tpu.dma_semaphore, #tpu.memory_space<semaphore_mem>>) src(%arg12 : memref<125x16xf32, #tpu.memory_space<vmem>>) dst(%dma_wait3A_218 : memref<10240x16xf32, #tpu.memory_space<vmem_shared>>)
    %dma_start3A_219 = arith.constant 76 : i32
    %dma_start3A_220 = arith.constant 0 : i32
    %dma_start3A_221 = tpu.memref_slice %arg6[%dma_start3A_219, %dma_start3A_220] : memref<80x125xi32, #tpu.memory_space<vmem>> -> memref<1x125xi32, #tpu.memory_space<vmem>>
    %dma_start3A_222 = tpu.memref_squeeze %dma_start3A_221 : memref<1x125xi32, #tpu.memory_space<vmem>> -> memref<125xi32, #tpu.memory_space<vmem>>
    %dma_start3A_223 = arith.constant 0 : i32
    %dma_start3A_224 = arith.constant 0 : i32
    %dma_start3A_225 = tpu.memref_slice %arg2[%dma_start3A_223, %dma_start3A_224] : memref<81920x16xf32, #tpu.memory_space<hbm>> -> memref<81920x16xf32, #tpu.memory_space<hbm>>
    tpu.enqueue_indirect_dma source(%dma_start3A_225 : memref<81920x16xf32, #tpu.memory_space<hbm>>) target(%arg12 : memref<125x16xf32, #tpu.memory_space<vmem>>) offsets(%dma_start3A_222 : memref<125xi32, #tpu.memory_space<vmem>>) semaphore(%arg20 : memref<!tpu.dma_semaphore, #tpu.memory_space<semaphore_mem>>)
    %dma_wait3A_226 = arith.constant 73 : i32
    %dma_wait3A_227 = arith.constant 0 : i32
    %dma_wait3A_228 = tpu.memref_slice %arg6[%dma_wait3A_226, %dma_wait3A_227] : memref<80x125xi32, #tpu.memory_space<vmem>> -> memref<1x125xi32, #tpu.memory_space<vmem>>
    %dma_wait3A_229 = tpu.memref_squeeze %dma_wait3A_228 : memref<1x125xi32, #tpu.memory_space<vmem>> -> memref<125xi32, #tpu.memory_space<vmem>>
    %dma_wait3A_230 = arith.constant 0 : i32
    %dma_wait3A_231 = arith.constant 0 : i32
    %dma_wait3A_232 = tpu.memref_slice %arg2[%dma_wait3A_230, %dma_wait3A_231] : memref<81920x16xf32, #tpu.memory_space<hbm>> -> memref<81920x16xf32, #tpu.memory_space<hbm>>
    tpu.wait_indirect_dma semaphore(%arg17 : memref<!tpu.dma_semaphore, #tpu.memory_space<semaphore_mem>>) src(%dma_wait3A_232 : memref<81920x16xf32, #tpu.memory_space<hbm>>) dst(%arg9 : memref<125x16xf32, #tpu.memory_space<vmem>>)
    %dma_start3A_233 = arith.constant 73 : i32
    %dma_start3A_234 = arith.constant 0 : i32
    %dma_start3A_235 = tpu.memref_slice %arg7[%dma_start3A_233, %dma_start3A_234] : memref<80x125xi32, #tpu.memory_space<vmem>> -> memref<1x125xi32, #tpu.memory_space<vmem>>
    %dma_start3A_236 = tpu.memref_squeeze %dma_start3A_235 : memref<1x125xi32, #tpu.memory_space<vmem>> -> memref<125xi32, #tpu.memory_space<vmem>>
    %dma_start3A_237 = arith.constant 0 : i32
    %dma_start3A_238 = arith.constant 0 : i32
    %dma_start3A_239 = tpu.memref_slice %arg15[%dma_start3A_237, %dma_start3A_238] : memref<10240x16xf32, #tpu.memory_space<vmem_shared>> -> memref<10240x16xf32, #tpu.memory_space<vmem_shared>>
    tpu.enqueue_indirect_dma source(%arg9 : memref<125x16xf32, #tpu.memory_space<vmem>>) target(%dma_start3A_239 : memref<10240x16xf32, #tpu.memory_space<vmem_shared>>) offsets(%dma_start3A_236 : memref<125xi32, #tpu.memory_space<vmem>>) semaphore(%arg23 : memref<!tpu.dma_semaphore, #tpu.memory_space<semaphore_mem>>) {add = true}
    %dma_wait3A_240 = arith.constant 71 : i32
    %dma_wait3A_241 = arith.constant 0 : i32
    %dma_wait3A_242 = tpu.memref_slice %arg7[%dma_wait3A_240, %dma_wait3A_241] : memref<80x125xi32, #tpu.memory_space<vmem>> -> memref<1x125xi32, #tpu.memory_space<vmem>>
    %dma_wait3A_243 = tpu.memref_squeeze %dma_wait3A_242 : memref<1x125xi32, #tpu.memory_space<vmem>> -> memref<125xi32, #tpu.memory_space<vmem>>
    %dma_wait3A_244 = arith.constant 0 : i32
    %dma_wait3A_245 = arith.constant 0 : i32
    %dma_wait3A_246 = tpu.memref_slice %arg15[%dma_wait3A_244, %dma_wait3A_245] : memref<10240x16xf32, #tpu.memory_space<vmem_shared>> -> memref<10240x16xf32, #tpu.memory_space<vmem_shared>>
    tpu.wait_indirect_dma semaphore(%arg27 : memref<!tpu.dma_semaphore, #tpu.memory_space<semaphore_mem>>) src(%arg13 : memref<125x16xf32, #tpu.memory_space<vmem>>) dst(%dma_wait3A_246 : memref<10240x16xf32, #tpu.memory_space<vmem_shared>>)
    %dma_start3A_247 = arith.constant 77 : i32
    %dma_start3A_248 = arith.constant 0 : i32
    %dma_start3A_249 = tpu.memref_slice %arg6[%dma_start3A_247, %dma_start3A_248] : memref<80x125xi32, #tpu.memory_space<vmem>> -> memref<1x125xi32, #tpu.memory_space<vmem>>
    %dma_start3A_250 = tpu.memref_squeeze %dma_start3A_249 : memref<1x125xi32, #tpu.memory_space<vmem>> -> memref<125xi32, #tpu.memory_space<vmem>>
    %dma_start3A_251 = arith.constant 0 : i32
    %dma_start3A_252 = arith.constant 0 : i32
    %dma_start3A_253 = tpu.memref_slice %arg2[%dma_start3A_251, %dma_start3A_252] : memref<81920x16xf32, #tpu.memory_space<hbm>> -> memref<81920x16xf32, #tpu.memory_space<hbm>>
    tpu.enqueue_indirect_dma source(%dma_start3A_253 : memref<81920x16xf32, #tpu.memory_space<hbm>>) target(%arg13 : memref<125x16xf32, #tpu.memory_space<vmem>>) offsets(%dma_start3A_250 : memref<125xi32, #tpu.memory_space<vmem>>) semaphore(%arg21 : memref<!tpu.dma_semaphore, #tpu.memory_space<semaphore_mem>>)
    %dma_wait3A_254 = arith.constant 74 : i32
    %dma_wait3A_255 = arith.constant 0 : i32
    %dma_wait3A_256 = tpu.memref_slice %arg6[%dma_wait3A_254, %dma_wait3A_255] : memref<80x125xi32, #tpu.memory_space<vmem>> -> memref<1x125xi32, #tpu.memory_space<vmem>>
    %dma_wait3A_257 = tpu.memref_squeeze %dma_wait3A_256 : memref<1x125xi32, #tpu.memory_space<vmem>> -> memref<125xi32, #tpu.memory_space<vmem>>
    %dma_wait3A_258 = arith.constant 0 : i32
    %dma_wait3A_259 = arith.constant 0 : i32
    %dma_wait3A_260 = tpu.memref_slice %arg2[%dma_wait3A_258, %dma_wait3A_259] : memref<81920x16xf32, #tpu.memory_space<hbm>> -> memref<81920x16xf32, #tpu.memory_space<hbm>>
    tpu.wait_indirect_dma semaphore(%arg18 : memref<!tpu.dma_semaphore, #tpu.memory_space<semaphore_mem>>) src(%dma_wait3A_260 : memref<81920x16xf32, #tpu.memory_space<hbm>>) dst(%arg10 : memref<125x16xf32, #tpu.memory_space<vmem>>)
    %dma_start3A_261 = arith.constant 74 : i32
    %dma_start3A_262 = arith.constant 0 : i32
    %dma_start3A_263 = tpu.memref_slice %arg7[%dma_start3A_261, %dma_start3A_262] : memref<80x125xi32, #tpu.memory_space<vmem>> -> memref<1x125xi32, #tpu.memory_space<vmem>>
    %dma_start3A_264 = tpu.memref_squeeze %dma_start3A_263 : memref<1x125xi32, #tpu.memory_space<vmem>> -> memref<125xi32, #tpu.memory_space<vmem>>
    %dma_start3A_265 = arith.constant 0 : i32
    %dma_start3A_266 = arith.constant 0 : i32
    %dma_start3A_267 = tpu.memref_slice %arg15[%dma_start3A_265, %dma_start3A_266] : memref<10240x16xf32, #tpu.memory_space<vmem_shared>> -> memref<10240x16xf32, #tpu.memory_space<vmem_shared>>
    tpu.enqueue_indirect_dma source(%arg10 : memref<125x16xf32, #tpu.memory_space<vmem>>) target(%dma_start3A_267 : memref<10240x16xf32, #tpu.memory_space<vmem_shared>>) offsets(%dma_start3A_264 : memref<125xi32, #tpu.memory_space<vmem>>) semaphore(%arg24 : memref<!tpu.dma_semaphore, #tpu.memory_space<semaphore_mem>>) {add = true}
    %dma_wait3A_268 = arith.constant 72 : i32
    %dma_wait3A_269 = arith.constant 0 : i32
    %dma_wait3A_270 = tpu.memref_slice %arg7[%dma_wait3A_268, %dma_wait3A_269] : memref<80x125xi32, #tpu.memory_space<vmem>> -> memref<1x125xi32, #tpu.memory_space<vmem>>
    %dma_wait3A_271 = tpu.memref_squeeze %dma_wait3A_270 : memref<1x125xi32, #tpu.memory_space<vmem>> -> memref<125xi32, #tpu.memory_space<vmem>>
    %dma_wait3A_272 = arith.constant 0 : i32
    %dma_wait3A_273 = arith.constant 0 : i32
    %dma_wait3A_274 = tpu.memref_slice %arg15[%dma_wait3A_272, %dma_wait3A_273] : memref<10240x16xf32, #tpu.memory_space<vmem_shared>> -> memref<10240x16xf32, #tpu.memory_space<vmem_shared>>
    tpu.wait_indirect_dma semaphore(%arg22 : memref<!tpu.dma_semaphore, #tpu.memory_space<semaphore_mem>>) src(%arg8 : memref<125x16xf32, #tpu.memory_space<vmem>>) dst(%dma_wait3A_274 : memref<10240x16xf32, #tpu.memory_space<vmem_shared>>)
    %dma_start3A_275 = arith.constant 78 : i32
    %dma_start3A_276 = arith.constant 0 : i32
    %dma_start3A_277 = tpu.memref_slice %arg6[%dma_start3A_275, %dma_start3A_276] : memref<80x125xi32, #tpu.memory_space<vmem>> -> memref<1x125xi32, #tpu.memory_space<vmem>>
    %dma_start3A_278 = tpu.memref_squeeze %dma_start3A_277 : memref<1x125xi32, #tpu.memory_space<vmem>> -> memref<125xi32, #tpu.memory_space<vmem>>
    %dma_start3A_279 = arith.constant 0 : i32
    %dma_start3A_280 = arith.constant 0 : i32
    %dma_start3A_281 = tpu.memref_slice %arg2[%dma_start3A_279, %dma_start3A_280] : memref<81920x16xf32, #tpu.memory_space<hbm>> -> memref<81920x16xf32, #tpu.memory_space<hbm>>
    tpu.enqueue_indirect_dma source(%dma_start3A_281 : memref<81920x16xf32, #tpu.memory_space<hbm>>) target(%arg8 : memref<125x16xf32, #tpu.memory_space<vmem>>) offsets(%dma_start3A_278 : memref<125xi32, #tpu.memory_space<vmem>>) semaphore(%arg16 : memref<!tpu.dma_semaphore, #tpu.memory_space<semaphore_mem>>)
    %dma_wait3A_282 = arith.constant 75 : i32
    %dma_wait3A_283 = arith.constant 0 : i32
    %dma_wait3A_284 = tpu.memref_slice %arg6[%dma_wait3A_282, %dma_wait3A_283] : memref<80x125xi32, #tpu.memory_space<vmem>> -> memref<1x125xi32, #tpu.memory_space<vmem>>
    %dma_wait3A_285 = tpu.memref_squeeze %dma_wait3A_284 : memref<1x125xi32, #tpu.memory_space<vmem>> -> memref<125xi32, #tpu.memory_space<vmem>>
    %dma_wait3A_286 = arith.constant 0 : i32
    %dma_wait3A_287 = arith.constant 0 : i32
    %dma_wait3A_288 = tpu.memref_slice %arg2[%dma_wait3A_286, %dma_wait3A_287] : memref<81920x16xf32, #tpu.memory_space<hbm>> -> memref<81920x16xf32, #tpu.memory_space<hbm>>
    tpu.wait_indirect_dma semaphore(%arg19 : memref<!tpu.dma_semaphore, #tpu.memory_space<semaphore_mem>>) src(%dma_wait3A_288 : memref<81920x16xf32, #tpu.memory_space<hbm>>) dst(%arg11 : memref<125x16xf32, #tpu.memory_space<vmem>>)
    %dma_start3A_289 = arith.constant 75 : i32
    %dma_start3A_290 = arith.constant 0 : i32
    %dma_start3A_291 = tpu.memref_slice %arg7[%dma_start3A_289, %dma_start3A_290] : memref<80x125xi32, #tpu.memory_space<vmem>> -> memref<1x125xi32, #tpu.memory_space<vmem>>
    %dma_start3A_292 = tpu.memref_squeeze %dma_start3A_291 : memref<1x125xi32, #tpu.memory_space<vmem>> -> memref<125xi32, #tpu.memory_space<vmem>>
    %dma_start3A_293 = arith.constant 0 : i32
    %dma_start3A_294 = arith.constant 0 : i32
    %dma_start3A_295 = tpu.memref_slice %arg15[%dma_start3A_293, %dma_start3A_294] : memref<10240x16xf32, #tpu.memory_space<vmem_shared>> -> memref<10240x16xf32, #tpu.memory_space<vmem_shared>>
    tpu.enqueue_indirect_dma source(%arg11 : memref<125x16xf32, #tpu.memory_space<vmem>>) target(%dma_start3A_295 : memref<10240x16xf32, #tpu.memory_space<vmem_shared>>) offsets(%dma_start3A_292 : memref<125xi32, #tpu.memory_space<vmem>>) semaphore(%arg25 : memref<!tpu.dma_semaphore, #tpu.memory_space<semaphore_mem>>) {add = true}
    %dma_wait3A_296 = arith.constant 73 : i32
    %dma_wait3A_297 = arith.constant 0 : i32
    %dma_wait3A_298 = tpu.memref_slice %arg7[%dma_wait3A_296, %dma_wait3A_297] : memref<80x125xi32, #tpu.memory_space<vmem>> -> memref<1x125xi32, #tpu.memory_space<vmem>>
    %dma_wait3A_299 = tpu.memref_squeeze %dma_wait3A_298 : memref<1x125xi32, #tpu.memory_space<vmem>> -> memref<125xi32, #tpu.memory_space<vmem>>
    %dma_wait3A_300 = arith.constant 0 : i32
    %dma_wait3A_301 = arith.constant 0 : i32
    %dma_wait3A_302 = tpu.memref_slice %arg15[%dma_wait3A_300, %dma_wait3A_301] : memref<10240x16xf32, #tpu.memory_space<vmem_shared>> -> memref<10240x16xf32, #tpu.memory_space<vmem_shared>>
    tpu.wait_indirect_dma semaphore(%arg23 : memref<!tpu.dma_semaphore, #tpu.memory_space<semaphore_mem>>) src(%arg9 : memref<125x16xf32, #tpu.memory_space<vmem>>) dst(%dma_wait3A_302 : memref<10240x16xf32, #tpu.memory_space<vmem_shared>>)
    %dma_start3A_303 = arith.constant 79 : i32
    %dma_start3A_304 = arith.constant 0 : i32
    %dma_start3A_305 = tpu.memref_slice %arg6[%dma_start3A_303, %dma_start3A_304] : memref<80x125xi32, #tpu.memory_space<vmem>> -> memref<1x125xi32, #tpu.memory_space<vmem>>
    %dma_start3A_306 = tpu.memref_squeeze %dma_start3A_305 : memref<1x125xi32, #tpu.memory_space<vmem>> -> memref<125xi32, #tpu.memory_space<vmem>>
    %dma_start3A_307 = arith.constant 0 : i32
    %dma_start3A_308 = arith.constant 0 : i32
    %dma_start3A_309 = tpu.memref_slice %arg2[%dma_start3A_307, %dma_start3A_308] : memref<81920x16xf32, #tpu.memory_space<hbm>> -> memref<81920x16xf32, #tpu.memory_space<hbm>>
    tpu.enqueue_indirect_dma source(%dma_start3A_309 : memref<81920x16xf32, #tpu.memory_space<hbm>>) target(%arg9 : memref<125x16xf32, #tpu.memory_space<vmem>>) offsets(%dma_start3A_306 : memref<125xi32, #tpu.memory_space<vmem>>) semaphore(%arg17 : memref<!tpu.dma_semaphore, #tpu.memory_space<semaphore_mem>>)
    %dma_wait3A_310 = arith.constant 76 : i32
    %dma_wait3A_311 = arith.constant 0 : i32
    %dma_wait3A_312 = tpu.memref_slice %arg6[%dma_wait3A_310, %dma_wait3A_311] : memref<80x125xi32, #tpu.memory_space<vmem>> -> memref<1x125xi32, #tpu.memory_space<vmem>>
    %dma_wait3A_313 = tpu.memref_squeeze %dma_wait3A_312 : memref<1x125xi32, #tpu.memory_space<vmem>> -> memref<125xi32, #tpu.memory_space<vmem>>
    %dma_wait3A_314 = arith.constant 0 : i32
    %dma_wait3A_315 = arith.constant 0 : i32
    %dma_wait3A_316 = tpu.memref_slice %arg2[%dma_wait3A_314, %dma_wait3A_315] : memref<81920x16xf32, #tpu.memory_space<hbm>> -> memref<81920x16xf32, #tpu.memory_space<hbm>>
    tpu.wait_indirect_dma semaphore(%arg20 : memref<!tpu.dma_semaphore, #tpu.memory_space<semaphore_mem>>) src(%dma_wait3A_316 : memref<81920x16xf32, #tpu.memory_space<hbm>>) dst(%arg12 : memref<125x16xf32, #tpu.memory_space<vmem>>)
    %dma_start3A_317 = arith.constant 76 : i32
    %dma_start3A_318 = arith.constant 0 : i32
    %dma_start3A_319 = tpu.memref_slice %arg7[%dma_start3A_317, %dma_start3A_318] : memref<80x125xi32, #tpu.memory_space<vmem>> -> memref<1x125xi32, #tpu.memory_space<vmem>>
    %dma_start3A_320 = tpu.memref_squeeze %dma_start3A_319 : memref<1x125xi32, #tpu.memory_space<vmem>> -> memref<125xi32, #tpu.memory_space<vmem>>
    %dma_start3A_321 = arith.constant 0 : i32
    %dma_start3A_322 = arith.constant 0 : i32
    %dma_start3A_323 = tpu.memref_slice %arg15[%dma_start3A_321, %dma_start3A_322] : memref<10240x16xf32, #tpu.memory_space<vmem_shared>> -> memref<10240x16xf32, #tpu.memory_space<vmem_shared>>
    tpu.enqueue_indirect_dma source(%arg12 : memref<125x16xf32, #tpu.memory_space<vmem>>) target(%dma_start3A_323 : memref<10240x16xf32, #tpu.memory_space<vmem_shared>>) offsets(%dma_start3A_320 : memref<125xi32, #tpu.memory_space<vmem>>) semaphore(%arg26 : memref<!tpu.dma_semaphore, #tpu.memory_space<semaphore_mem>>) {add = true}
    %dma_wait3A_324 = arith.constant 74 : i32
    %dma_wait3A_325 = arith.constant 0 : i32
    %dma_wait3A_326 = tpu.memref_slice %arg7[%dma_wait3A_324, %dma_wait3A_325] : memref<80x125xi32, #tpu.memory_space<vmem>> -> memref<1x125xi32, #tpu.memory_space<vmem>>
    %dma_wait3A_327 = tpu.memref_squeeze %dma_wait3A_326 : memref<1x125xi32, #tpu.memory_space<vmem>> -> memref<125xi32, #tpu.memory_space<vmem>>
    %dma_wait3A_328 = arith.constant 0 : i32
    %dma_wait3A_329 = arith.constant 0 : i32
    %dma_wait3A_330 = tpu.memref_slice %arg15[%dma_wait3A_328, %dma_wait3A_329] : memref<10240x16xf32, #tpu.memory_space<vmem_shared>> -> memref<10240x16xf32, #tpu.memory_space<vmem_shared>>
    tpu.wait_indirect_dma semaphore(%arg24 : memref<!tpu.dma_semaphore, #tpu.memory_space<semaphore_mem>>) src(%arg10 : memref<125x16xf32, #tpu.memory_space<vmem>>) dst(%dma_wait3A_330 : memref<10240x16xf32, #tpu.memory_space<vmem_shared>>)
    %dma_wait3A_331 = arith.constant 77 : i32
    %dma_wait3A_332 = arith.constant 0 : i32
    %dma_wait3A_333 = tpu.memref_slice %arg6[%dma_wait3A_331, %dma_wait3A_332] : memref<80x125xi32, #tpu.memory_space<vmem>> -> memref<1x125xi32, #tpu.memory_space<vmem>>
    %dma_wait3A_334 = tpu.memref_squeeze %dma_wait3A_333 : memref<1x125xi32, #tpu.memory_space<vmem>> -> memref<125xi32, #tpu.memory_space<vmem>>
    %dma_wait3A_335 = arith.constant 0 : i32
    %dma_wait3A_336 = arith.constant 0 : i32
    %dma_wait3A_337 = tpu.memref_slice %arg2[%dma_wait3A_335, %dma_wait3A_336] : memref<81920x16xf32, #tpu.memory_space<hbm>> -> memref<81920x16xf32, #tpu.memory_space<hbm>>
    tpu.wait_indirect_dma semaphore(%arg21 : memref<!tpu.dma_semaphore, #tpu.memory_space<semaphore_mem>>) src(%dma_wait3A_337 : memref<81920x16xf32, #tpu.memory_space<hbm>>) dst(%arg13 : memref<125x16xf32, #tpu.memory_space<vmem>>)
    %dma_start3A_338 = arith.constant 77 : i32
    %dma_start3A_339 = arith.constant 0 : i32
    %dma_start3A_340 = tpu.memref_slice %arg7[%dma_start3A_338, %dma_start3A_339] : memref<80x125xi32, #tpu.memory_space<vmem>> -> memref<1x125xi32, #tpu.memory_space<vmem>>
    %dma_start3A_341 = tpu.memref_squeeze %dma_start3A_340 : memref<1x125xi32, #tpu.memory_space<vmem>> -> memref<125xi32, #tpu.memory_space<vmem>>
    %dma_start3A_342 = arith.constant 0 : i32
    %dma_start3A_343 = arith.constant 0 : i32
    %dma_start3A_344 = tpu.memref_slice %arg15[%dma_start3A_342, %dma_start3A_343] : memref<10240x16xf32, #tpu.memory_space<vmem_shared>> -> memref<10240x16xf32, #tpu.memory_space<vmem_shared>>
    tpu.enqueue_indirect_dma source(%arg13 : memref<125x16xf32, #tpu.memory_space<vmem>>) target(%dma_start3A_344 : memref<10240x16xf32, #tpu.memory_space<vmem_shared>>) offsets(%dma_start3A_341 : memref<125xi32, #tpu.memory_space<vmem>>) semaphore(%arg27 : memref<!tpu.dma_semaphore, #tpu.memory_space<semaphore_mem>>) {add = true}
    %dma_wait3A_345 = arith.constant 75 : i32
    %dma_wait3A_346 = arith.constant 0 : i32
    %dma_wait3A_347 = tpu.memref_slice %arg7[%dma_wait3A_345, %dma_wait3A_346] : memref<80x125xi32, #tpu.memory_space<vmem>> -> memref<1x125xi32, #tpu.memory_space<vmem>>
    %dma_wait3A_348 = tpu.memref_squeeze %dma_wait3A_347 : memref<1x125xi32, #tpu.memory_space<vmem>> -> memref<125xi32, #tpu.memory_space<vmem>>
    %dma_wait3A_349 = arith.constant 0 : i32
    %dma_wait3A_350 = arith.constant 0 : i32
    %dma_wait3A_351 = tpu.memref_slice %arg15[%dma_wait3A_349, %dma_wait3A_350] : memref<10240x16xf32, #tpu.memory_space<vmem_shared>> -> memref<10240x16xf32, #tpu.memory_space<vmem_shared>>
    tpu.wait_indirect_dma semaphore(%arg25 : memref<!tpu.dma_semaphore, #tpu.memory_space<semaphore_mem>>) src(%arg11 : memref<125x16xf32, #tpu.memory_space<vmem>>) dst(%dma_wait3A_351 : memref<10240x16xf32, #tpu.memory_space<vmem_shared>>)
    %dma_wait3A_352 = arith.constant 78 : i32
    %dma_wait3A_353 = arith.constant 0 : i32
    %dma_wait3A_354 = tpu.memref_slice %arg6[%dma_wait3A_352, %dma_wait3A_353] : memref<80x125xi32, #tpu.memory_space<vmem>> -> memref<1x125xi32, #tpu.memory_space<vmem>>
    %dma_wait3A_355 = tpu.memref_squeeze %dma_wait3A_354 : memref<1x125xi32, #tpu.memory_space<vmem>> -> memref<125xi32, #tpu.memory_space<vmem>>
    %dma_wait3A_356 = arith.constant 0 : i32
    %dma_wait3A_357 = arith.constant 0 : i32
    %dma_wait3A_358 = tpu.memref_slice %arg2[%dma_wait3A_356, %dma_wait3A_357] : memref<81920x16xf32, #tpu.memory_space<hbm>> -> memref<81920x16xf32, #tpu.memory_space<hbm>>
    tpu.wait_indirect_dma semaphore(%arg16 : memref<!tpu.dma_semaphore, #tpu.memory_space<semaphore_mem>>) src(%dma_wait3A_358 : memref<81920x16xf32, #tpu.memory_space<hbm>>) dst(%arg8 : memref<125x16xf32, #tpu.memory_space<vmem>>)
    %dma_start3A_359 = arith.constant 78 : i32
    %dma_start3A_360 = arith.constant 0 : i32
    %dma_start3A_361 = tpu.memref_slice %arg7[%dma_start3A_359, %dma_start3A_360] : memref<80x125xi32, #tpu.memory_space<vmem>> -> memref<1x125xi32, #tpu.memory_space<vmem>>
    %dma_start3A_362 = tpu.memref_squeeze %dma_start3A_361 : memref<1x125xi32, #tpu.memory_space<vmem>> -> memref<125xi32, #tpu.memory_space<vmem>>
    %dma_start3A_363 = arith.constant 0 : i32
    %dma_start3A_364 = arith.constant 0 : i32
    %dma_start3A_365 = tpu.memref_slice %arg15[%dma_start3A_363, %dma_start3A_364] : memref<10240x16xf32, #tpu.memory_space<vmem_shared>> -> memref<10240x16xf32, #tpu.memory_space<vmem_shared>>
    tpu.enqueue_indirect_dma source(%arg8 : memref<125x16xf32, #tpu.memory_space<vmem>>) target(%dma_start3A_365 : memref<10240x16xf32, #tpu.memory_space<vmem_shared>>) offsets(%dma_start3A_362 : memref<125xi32, #tpu.memory_space<vmem>>) semaphore(%arg22 : memref<!tpu.dma_semaphore, #tpu.memory_space<semaphore_mem>>) {add = true}
    %dma_wait3A_366 = arith.constant 76 : i32
    %dma_wait3A_367 = arith.constant 0 : i32
    %dma_wait3A_368 = tpu.memref_slice %arg7[%dma_wait3A_366, %dma_wait3A_367] : memref<80x125xi32, #tpu.memory_space<vmem>> -> memref<1x125xi32, #tpu.memory_space<vmem>>
    %dma_wait3A_369 = tpu.memref_squeeze %dma_wait3A_368 : memref<1x125xi32, #tpu.memory_space<vmem>> -> memref<125xi32, #tpu.memory_space<vmem>>
    %dma_wait3A_370 = arith.constant 0 : i32
    %dma_wait3A_371 = arith.constant 0 : i32
    %dma_wait3A_372 = tpu.memref_slice %arg15[%dma_wait3A_370, %dma_wait3A_371] : memref<10240x16xf32, #tpu.memory_space<vmem_shared>> -> memref<10240x16xf32, #tpu.memory_space<vmem_shared>>
    tpu.wait_indirect_dma semaphore(%arg26 : memref<!tpu.dma_semaphore, #tpu.memory_space<semaphore_mem>>) src(%arg12 : memref<125x16xf32, #tpu.memory_space<vmem>>) dst(%dma_wait3A_372 : memref<10240x16xf32, #tpu.memory_space<vmem_shared>>)
    %dma_wait3A_373 = arith.constant 79 : i32
    %dma_wait3A_374 = arith.constant 0 : i32
    %dma_wait3A_375 = tpu.memref_slice %arg6[%dma_wait3A_373, %dma_wait3A_374] : memref<80x125xi32, #tpu.memory_space<vmem>> -> memref<1x125xi32, #tpu.memory_space<vmem>>
    %dma_wait3A_376 = tpu.memref_squeeze %dma_wait3A_375 : memref<1x125xi32, #tpu.memory_space<vmem>> -> memref<125xi32, #tpu.memory_space<vmem>>
    %dma_wait3A_377 = arith.constant 0 : i32
    %dma_wait3A_378 = arith.constant 0 : i32
    %dma_wait3A_379 = tpu.memref_slice %arg2[%dma_wait3A_377, %dma_wait3A_378] : memref<81920x16xf32, #tpu.memory_space<hbm>> -> memref<81920x16xf32, #tpu.memory_space<hbm>>
    tpu.wait_indirect_dma semaphore(%arg17 : memref<!tpu.dma_semaphore, #tpu.memory_space<semaphore_mem>>) src(%dma_wait3A_379 : memref<81920x16xf32, #tpu.memory_space<hbm>>) dst(%arg9 : memref<125x16xf32, #tpu.memory_space<vmem>>)
    %dma_start3A_380 = arith.constant 79 : i32
    %dma_start3A_381 = arith.constant 0 : i32
    %dma_start3A_382 = tpu.memref_slice %arg7[%dma_start3A_380, %dma_start3A_381] : memref<80x125xi32, #tpu.memory_space<vmem>> -> memref<1x125xi32, #tpu.memory_space<vmem>>
    %dma_start3A_383 = tpu.memref_squeeze %dma_start3A_382 : memref<1x125xi32, #tpu.memory_space<vmem>> -> memref<125xi32, #tpu.memory_space<vmem>>
    %dma_start3A_384 = arith.constant 0 : i32
    %dma_start3A_385 = arith.constant 0 : i32
    %dma_start3A_386 = tpu.memref_slice %arg15[%dma_start3A_384, %dma_start3A_385] : memref<10240x16xf32, #tpu.memory_space<vmem_shared>> -> memref<10240x16xf32, #tpu.memory_space<vmem_shared>>
    tpu.enqueue_indirect_dma source(%arg9 : memref<125x16xf32, #tpu.memory_space<vmem>>) target(%dma_start3A_386 : memref<10240x16xf32, #tpu.memory_space<vmem_shared>>) offsets(%dma_start3A_383 : memref<125xi32, #tpu.memory_space<vmem>>) semaphore(%arg23 : memref<!tpu.dma_semaphore, #tpu.memory_space<semaphore_mem>>) {add = true}
    %dma_wait3A_387 = arith.constant 77 : i32
    %dma_wait3A_388 = arith.constant 0 : i32
    %dma_wait3A_389 = tpu.memref_slice %arg7[%dma_wait3A_387, %dma_wait3A_388] : memref<80x125xi32, #tpu.memory_space<vmem>> -> memref<1x125xi32, #tpu.memory_space<vmem>>
    %dma_wait3A_390 = tpu.memref_squeeze %dma_wait3A_389 : memref<1x125xi32, #tpu.memory_space<vmem>> -> memref<125xi32, #tpu.memory_space<vmem>>
    %dma_wait3A_391 = arith.constant 0 : i32
    %dma_wait3A_392 = arith.constant 0 : i32
    %dma_wait3A_393 = tpu.memref_slice %arg15[%dma_wait3A_391, %dma_wait3A_392] : memref<10240x16xf32, #tpu.memory_space<vmem_shared>> -> memref<10240x16xf32, #tpu.memory_space<vmem_shared>>
    tpu.wait_indirect_dma semaphore(%arg27 : memref<!tpu.dma_semaphore, #tpu.memory_space<semaphore_mem>>) src(%arg13 : memref<125x16xf32, #tpu.memory_space<vmem>>) dst(%dma_wait3A_393 : memref<10240x16xf32, #tpu.memory_space<vmem_shared>>)
    %dma_wait3A_394 = arith.constant 78 : i32
    %dma_wait3A_395 = arith.constant 0 : i32
    %dma_wait3A_396 = tpu.memref_slice %arg7[%dma_wait3A_394, %dma_wait3A_395] : memref<80x125xi32, #tpu.memory_space<vmem>> -> memref<1x125xi32, #tpu.memory_space<vmem>>
    %dma_wait3A_397 = tpu.memref_squeeze %dma_wait3A_396 : memref<1x125xi32, #tpu.memory_space<vmem>> -> memref<125xi32, #tpu.memory_space<vmem>>
    %dma_wait3A_398 = arith.constant 0 : i32
    %dma_wait3A_399 = arith.constant 0 : i32
    %dma_wait3A_400 = tpu.memref_slice %arg15[%dma_wait3A_398, %dma_wait3A_399] : memref<10240x16xf32, #tpu.memory_space<vmem_shared>> -> memref<10240x16xf32, #tpu.memory_space<vmem_shared>>
    tpu.wait_indirect_dma semaphore(%arg22 : memref<!tpu.dma_semaphore, #tpu.memory_space<semaphore_mem>>) src(%arg8 : memref<125x16xf32, #tpu.memory_space<vmem>>) dst(%dma_wait3A_400 : memref<10240x16xf32, #tpu.memory_space<vmem_shared>>)
    %dma_wait3A_401 = arith.constant 79 : i32
    %dma_wait3A_402 = arith.constant 0 : i32
    %dma_wait3A_403 = tpu.memref_slice %arg7[%dma_wait3A_401, %dma_wait3A_402] : memref<80x125xi32, #tpu.memory_space<vmem>> -> memref<1x125xi32, #tpu.memory_space<vmem>>
    %dma_wait3A_404 = tpu.memref_squeeze %dma_wait3A_403 : memref<1x125xi32, #tpu.memory_space<vmem>> -> memref<125xi32, #tpu.memory_space<vmem>>
    %dma_wait3A_405 = arith.constant 0 : i32
    %dma_wait3A_406 = arith.constant 0 : i32
    %dma_wait3A_407 = tpu.memref_slice %arg15[%dma_wait3A_405, %dma_wait3A_406] : memref<10240x16xf32, #tpu.memory_space<vmem_shared>> -> memref<10240x16xf32, #tpu.memory_space<vmem_shared>>
    tpu.wait_indirect_dma semaphore(%arg23 : memref<!tpu.dma_semaphore, #tpu.memory_space<semaphore_mem>>) src(%arg9 : memref<125x16xf32, #tpu.memory_space<vmem>>) dst(%dma_wait3A_407 : memref<10240x16xf32, #tpu.memory_space<vmem_shared>>)
    %barrier3A_408 = arith.constant 0 : index
    tpu.barrier barrier_id(%barrier3A_408)
    %mul3A_409 = arith.constant 640 : i32
    %mul3A_410 = arith.muli %arg1, %mul3A_409 : i32
    "tpu.region"() ({
      %run_scoped3A = tpu.sem_alloc : memref<!tpu.dma_semaphore, #tpu.memory_space<semaphore_mem>>
      %dma_start3A_411 = arith.constant 0 : i32
      %dma_start3A_412 = tpu.memref_slice %arg5[%arg0, %mul3A_410, %dma_start3A_411] : memref<2x10240x16xf32, #tpu.memory_space<hbm>> -> memref<1x640x16xf32, #tpu.memory_space<hbm>>
      %dma_start3A_413 = tpu.memref_squeeze %dma_start3A_412 : memref<1x640x16xf32, #tpu.memory_space<hbm>> -> memref<640x16xf32, #tpu.memory_space<hbm>>
      %dma_start3A_414 = arith.constant 0 : i32
      %dma_start3A_415 = tpu.memref_slice %arg15[%mul3A_410, %dma_start3A_414] : memref<10240x16xf32, #tpu.memory_space<vmem_shared>> -> memref<640x16xf32, #tpu.memory_space<vmem_shared>>
      tpu.enqueue_dma source(%dma_start3A_415 : memref<640x16xf32, #tpu.memory_space<vmem_shared>>) target(%dma_start3A_413 : memref<640x16xf32, #tpu.memory_space<hbm>>) target_semaphore(%run_scoped3A : memref<!tpu.dma_semaphore, #tpu.memory_space<semaphore_mem>>)
      %dma_wait3A_416 = arith.constant 0 : i32
      %dma_wait3A_417 = tpu.memref_slice %arg5[%arg0, %mul3A_410, %dma_wait3A_416] : memref<2x10240x16xf32, #tpu.memory_space<hbm>> -> memref<1x640x16xf32, #tpu.memory_space<hbm>>
      %dma_wait3A_418 = tpu.memref_squeeze %dma_wait3A_417 : memref<1x640x16xf32, #tpu.memory_space<hbm>> -> memref<640x16xf32, #tpu.memory_space<hbm>>
      %dma_wait3A_419 = arith.constant 0 : i32
      %dma_wait3A_420 = tpu.memref_slice %arg15[%mul3A_410, %dma_wait3A_419] : memref<10240x16xf32, #tpu.memory_space<vmem_shared>> -> memref<640x16xf32, #tpu.memory_space<vmem_shared>>
      tpu.wait_dma2 semaphore(%run_scoped3A : memref<!tpu.dma_semaphore, #tpu.memory_space<semaphore_mem>>) src(%dma_wait3A_420 : memref<640x16xf32, #tpu.memory_space<vmem_shared>>) dst(%dma_wait3A_418 : memref<640x16xf32, #tpu.memory_space<hbm>>)
      tpu.yield
    }) : () -> ()
    return
  }
}

#map = affine_map<(d0, d1) -> (0, 0)>
#map1 = affine_map<(d0, d1) -> (0, 0, 0)>
module attributes {stable_mosaic.version = 14 : i64} {
  func.func @k(%arg0: i32, %arg1: i32, %arg2: memref<20480x64xf32, #tpu.memory_space<hbm>>, %arg3: memref<2x2560x125xi32, #tpu.memory_space<hbm>>, %arg4: memref<2560x125xi32, #tpu.memory_space<hbm>>, %arg5: memref<2x10240x64xf32, #tpu.memory_space<hbm>>, %arg6: memref<160x125xi32, #tpu.memory_space<vmem>>, %arg7: memref<160x125xi32, #tpu.memory_space<vmem>>, %arg8: memref<125x64xf32, #tpu.memory_space<vmem>>, %arg9: memref<125x64xf32, #tpu.memory_space<vmem>>, %arg10: memref<125x64xf32, #tpu.memory_space<vmem>>, %arg11: memref<125x64xf32, #tpu.memory_space<vmem>>, %arg12: memref<125x64xf32, #tpu.memory_space<vmem>>, %arg13: memref<125x64xf32, #tpu.memory_space<vmem>>, %arg14: memref<10240x64xf32, #tpu.memory_space<vmem_shared>>, %arg15: memref<!tpu.dma_semaphore, #tpu.memory_space<semaphore_mem>>, %arg16: memref<!tpu.dma_semaphore, #tpu.memory_space<semaphore_mem>>, %arg17: memref<!tpu.dma_semaphore, #tpu.memory_space<semaphore_mem>>, %arg18: memref<!tpu.dma_semaphore, #tpu.memory_space<semaphore_mem>>, %arg19: memref<!tpu.dma_semaphore, #tpu.memory_space<semaphore_mem>>, %arg20: memref<!tpu.dma_semaphore, #tpu.memory_space<semaphore_mem>>, %arg21: memref<!tpu.dma_semaphore, #tpu.memory_space<semaphore_mem>>, %arg22: memref<!tpu.dma_semaphore, #tpu.memory_space<semaphore_mem>>, %arg23: memref<!tpu.dma_semaphore, #tpu.memory_space<semaphore_mem>>, %arg24: memref<!tpu.dma_semaphore, #tpu.memory_space<semaphore_mem>>, %arg25: memref<!tpu.dma_semaphore, #tpu.memory_space<semaphore_mem>>, %arg26: memref<!tpu.dma_semaphore, #tpu.memory_space<semaphore_mem>>) attributes {dimension_semantics = [#tpu.dimension_semantics<core_parallel>, #tpu.dimension_semantics<subcore_parallel>], iteration_bounds = array<i64: 2, 16>, scalar_prefetch = 0 : i64, scratch_operands = 21 : i64, tpu.core_type = #tpu.core_type<sc_vector_subcore>, window_params = [{transform_indices = #map}, {transform_indices = #map1}, {transform_indices = #map}, {transform_indices = #map1}]} {
    %broadcast_in_dim3A = arith.constant 0.000000e+00 : f32
    %broadcast_in_dim3A_0 = vector.broadcast %broadcast_in_dim3A : f32 to vector<16xf32>
    %scan3A = arith.constant 0 : i32
    %scan3A_1 = arith.constant 125 : i32
    %scan3A_2 = arith.addi %scan3A, %scan3A_1 : i32
    %scan3A_3 = arith.constant 1 : i32
    scf.for %scan3A_297 = %scan3A to %scan3A_2 step %scan3A_3  : i32 {
      %scan3A_298 = arith.constant 0 : i32
      %scan3A_299 = arith.constant 4 : i32
      %scan3A_300 = arith.addi %scan3A_298, %scan3A_299 : i32
      %scan3A_301 = arith.constant 1 : i32
      scf.for %scan3A_303 = %scan3A_298 to %scan3A_300 step %scan3A_301  : i32 {
        %mul3A_304 = arith.constant 16 : i32
        %mul3A_305 = arith.muli %scan3A_303, %mul3A_304 : i32
        %swap3A = arith.index_cast %scan3A_297 : i32 to index
        %swap3A_306 = arith.index_cast %mul3A_305 : i32 to index
        %swap3A_307 = tpu.vector_load %arg8[%swap3A, %swap3A_306] {strides = array<i32>} : memref<125x64xf32, #tpu.memory_space<vmem>>, vector<1x16xf32>,
        %swap3A_308 = vector.shape_cast %swap3A_307 : vector<1x16xf32> to vector<16xf32>
        %swap3A_309 = vector.shape_cast %broadcast_in_dim3A_0 : vector<16xf32> to vector<1x16xf32>
        tpu.vector_store %arg8[%swap3A, %swap3A_306], %swap3A_309 {strides = array<i32>} : memref<125x64xf32, #tpu.memory_space<vmem>>, vector<1x16xf32>,
      }
      %scan3A_302 = arith.constant 4 : i32
    }
    %scan3A_4 = arith.constant 125 : i32
    %scan3A_5 = arith.constant 0 : i32
    %scan3A_6 = arith.constant 8 : i32
    %scan3A_7 = arith.addi %scan3A_5, %scan3A_6 : i32
    %scan3A_8 = arith.constant 1 : i32
    scf.for %scan3A_297 = %scan3A_5 to %scan3A_7 step %scan3A_8  : i32 {
      %mul3A_298 = arith.constant 640 : i32
      %mul3A_299 = arith.muli %arg1, %mul3A_298 : i32
      %mul3A_300 = arith.constant 80 : i32
      %mul3A_301 = arith.muli %scan3A_297, %mul3A_300 : i32
      %add3A = arith.addi %mul3A_299, %mul3A_301 : i32
      "tpu.region"() ({
        %run_scoped3A = tpu.sem_alloc : memref<!tpu.dma_semaphore, #tpu.memory_space<semaphore_mem>>
        %dma_start3A_302 = arith.constant 0 : i32
        %dma_start3A_303 = arith.constant 0 : i32
        %dma_start3A_304 = tpu.memref_slice %arg8[%dma_start3A_302, %dma_start3A_303] : memref<125x64xf32, #tpu.memory_space<vmem>> -> memref<80x64xf32, #tpu.memory_space<vmem>>
        %dma_start3A_305 = arith.constant 0 : i32
        %dma_start3A_306 = tpu.memref_slice %arg14[%add3A, %dma_start3A_305] : memref<10240x64xf32, #tpu.memory_space<vmem_shared>> -> memref<80x64xf32, #tpu.memory_space<vmem_shared>>
        %dma_start3A_307 = arith.constant 0 : i32
        %dma_start3A_308 = tpu.memref_slice %arg14[%add3A, %dma_start3A_307] : memref<10240x64xf32, #tpu.memory_space<vmem_shared>> -> memref<80x64xf32, #tpu.memory_space<vmem_shared>>
        %dma_start3A_309 = arith.constant 0 : i32
        %dma_start3A_310 = arith.constant 0 : i32
        %dma_start3A_311 = tpu.memref_slice %arg8[%dma_start3A_309, %dma_start3A_310] : memref<125x64xf32, #tpu.memory_space<vmem>> -> memref<80x64xf32, #tpu.memory_space<vmem>>
        tpu.enqueue_dma source(%dma_start3A_311 : memref<80x64xf32, #tpu.memory_space<vmem>>) target(%dma_start3A_308 : memref<80x64xf32, #tpu.memory_space<vmem_shared>>) target_semaphore(%run_scoped3A : memref<!tpu.dma_semaphore, #tpu.memory_space<semaphore_mem>>)
        %dma_wait3A_312 = arith.constant 0 : i32
        %dma_wait3A_313 = arith.constant 0 : i32
        %dma_wait3A_314 = tpu.memref_slice %arg8[%dma_wait3A_312, %dma_wait3A_313] : memref<125x64xf32, #tpu.memory_space<vmem>> -> memref<80x64xf32, #tpu.memory_space<vmem>>
        %dma_wait3A_315 = arith.constant 0 : i32
        %dma_wait3A_316 = tpu.memref_slice %arg14[%add3A, %dma_wait3A_315] : memref<10240x64xf32, #tpu.memory_space<vmem_shared>> -> memref<80x64xf32, #tpu.memory_space<vmem_shared>>
        %dma_wait3A_317 = arith.constant 0 : i32
        %dma_wait3A_318 = tpu.memref_slice %arg14[%add3A, %dma_wait3A_317] : memref<10240x64xf32, #tpu.memory_space<vmem_shared>> -> memref<80x64xf32, #tpu.memory_space<vmem_shared>>
        %dma_wait3A_319 = arith.constant 0 : i32
        %dma_wait3A_320 = arith.constant 0 : i32
        %dma_wait3A_321 = tpu.memref_slice %arg8[%dma_wait3A_319, %dma_wait3A_320] : memref<125x64xf32, #tpu.memory_space<vmem>> -> memref<80x64xf32, #tpu.memory_space<vmem>>
        tpu.wait_dma2 semaphore(%run_scoped3A : memref<!tpu.dma_semaphore, #tpu.memory_space<semaphore_mem>>) src(%dma_wait3A_321 : memref<80x64xf32, #tpu.memory_space<vmem>>) dst(%dma_wait3A_318 : memref<80x64xf32, #tpu.memory_space<vmem_shared>>)
        tpu.yield
      }) : () -> ()
    }
    %scan3A_9 = arith.constant 8 : i32
    %barrier3A = arith.constant 0 : index
    tpu.barrier barrier_id(%barrier3A)
    %mul3A = arith.constant 160 : i32
    %mul3A_10 = arith.muli %arg1, %mul3A : i32
    "tpu.region"() ({
      %run_scoped3A = tpu.sem_alloc : memref<!tpu.dma_semaphore, #tpu.memory_space<semaphore_mem>>
      %dma_start3A_297 = arith.constant 0 : i32
      %dma_start3A_298 = tpu.memref_slice %arg3[%arg0, %mul3A_10, %dma_start3A_297] : memref<2x2560x125xi32, #tpu.memory_space<hbm>> -> memref<1x160x125xi32, #tpu.memory_space<hbm>>
      %dma_start3A_299 = tpu.memref_squeeze %dma_start3A_298 : memref<1x160x125xi32, #tpu.memory_space<hbm>> -> memref<160x125xi32, #tpu.memory_space<hbm>>
      %dma_start3A_300 = arith.constant 0 : i32
      %dma_start3A_301 = tpu.memref_slice %arg3[%arg0, %mul3A_10, %dma_start3A_300] : memref<2x2560x125xi32, #tpu.memory_space<hbm>> -> memref<1x160x125xi32, #tpu.memory_space<hbm>>
      %dma_start3A_302 = tpu.memref_squeeze %dma_start3A_301 : memref<1x160x125xi32, #tpu.memory_space<hbm>> -> memref<160x125xi32, #tpu.memory_space<hbm>>
      tpu.enqueue_dma source(%dma_start3A_302 : memref<160x125xi32, #tpu.memory_space<hbm>>) target(%arg6 : memref<160x125xi32, #tpu.memory_space<vmem>>) target_semaphore(%run_scoped3A : memref<!tpu.dma_semaphore, #tpu.memory_space<semaphore_mem>>)
      %dma_wait3A_303 = arith.constant 0 : i32
      %dma_wait3A_304 = tpu.memref_slice %arg3[%arg0, %mul3A_10, %dma_wait3A_303] : memref<2x2560x125xi32, #tpu.memory_space<hbm>> -> memref<1x160x125xi32, #tpu.memory_space<hbm>>
      %dma_wait3A_305 = tpu.memref_squeeze %dma_wait3A_304 : memref<1x160x125xi32, #tpu.memory_space<hbm>> -> memref<160x125xi32, #tpu.memory_space<hbm>>
      %dma_wait3A_306 = arith.constant 0 : i32
      %dma_wait3A_307 = tpu.memref_slice %arg3[%arg0, %mul3A_10, %dma_wait3A_306] : memref<2x2560x125xi32, #tpu.memory_space<hbm>> -> memref<1x160x125xi32, #tpu.memory_space<hbm>>
      %dma_wait3A_308 = tpu.memref_squeeze %dma_wait3A_307 : memref<1x160x125xi32, #tpu.memory_space<hbm>> -> memref<160x125xi32, #tpu.memory_space<hbm>>
      tpu.wait_dma2 semaphore(%run_scoped3A : memref<!tpu.dma_semaphore, #tpu.memory_space<semaphore_mem>>) src(%dma_wait3A_308 : memref<160x125xi32, #tpu.memory_space<hbm>>) dst(%arg6 : memref<160x125xi32, #tpu.memory_space<vmem>>)
      tpu.yield
    }) : () -> ()
    "tpu.region"() ({
      %run_scoped3A = tpu.sem_alloc : memref<!tpu.dma_semaphore, #tpu.memory_space<semaphore_mem>>
      %dma_start3A_297 = arith.constant 0 : i32
      %dma_start3A_298 = tpu.memref_slice %arg4[%mul3A_10, %dma_start3A_297] : memref<2560x125xi32, #tpu.memory_space<hbm>> -> memref<160x125xi32, #tpu.memory_space<hbm>>
      %dma_start3A_299 = arith.constant 0 : i32
      %dma_start3A_300 = tpu.memref_slice %arg4[%mul3A_10, %dma_start3A_299] : memref<2560x125xi32, #tpu.memory_space<hbm>> -> memref<160x125xi32, #tpu.memory_space<hbm>>
      tpu.enqueue_dma source(%dma_start3A_300 : memref<160x125xi32, #tpu.memory_space<hbm>>) target(%arg7 : memref<160x125xi32, #tpu.memory_space<vmem>>) target_semaphore(%run_scoped3A : memref<!tpu.dma_semaphore, #tpu.memory_space<semaphore_mem>>)
      %dma_wait3A_301 = arith.constant 0 : i32
      %dma_wait3A_302 = tpu.memref_slice %arg4[%mul3A_10, %dma_wait3A_301] : memref<2560x125xi32, #tpu.memory_space<hbm>> -> memref<160x125xi32, #tpu.memory_space<hbm>>
      %dma_wait3A_303 = arith.constant 0 : i32
      %dma_wait3A_304 = tpu.memref_slice %arg4[%mul3A_10, %dma_wait3A_303] : memref<2560x125xi32, #tpu.memory_space<hbm>> -> memref<160x125xi32, #tpu.memory_space<hbm>>
      tpu.wait_dma2 semaphore(%run_scoped3A : memref<!tpu.dma_semaphore, #tpu.memory_space<semaphore_mem>>) src(%dma_wait3A_304 : memref<160x125xi32, #tpu.memory_space<hbm>>) dst(%arg7 : memref<160x125xi32, #tpu.memory_space<vmem>>)
      tpu.yield
    }) : () -> ()
    %dma_start3A = arith.constant 0 : i32
    %dma_start3A_11 = arith.constant 0 : i32
    %dma_start3A_12 = tpu.memref_slice %arg6[%dma_start3A, %dma_start3A_11] : memref<160x125xi32, #tpu.memory_space<vmem>> -> memref<1x125xi32, #tpu.memory_space<vmem>>
    %dma_start3A_13 = tpu.memref_squeeze %dma_start3A_12 : memref<1x125xi32, #tpu.memory_space<vmem>> -> memref<125xi32, #tpu.memory_space<vmem>>
    %dma_start3A_14 = arith.constant 0 : i32
    %dma_start3A_15 = arith.constant 0 : i32
    %dma_start3A_16 = tpu.memref_slice %arg2[%dma_start3A_14, %dma_start3A_15] : memref<20480x64xf32, #tpu.memory_space<hbm>> -> memref<20480x64xf32, #tpu.memory_space<hbm>>
    tpu.enqueue_indirect_dma source(%dma_start3A_16 : memref<20480x64xf32, #tpu.memory_space<hbm>>) target(%arg8 : memref<125x64xf32, #tpu.memory_space<vmem>>) offsets(%dma_start3A_13 : memref<125xi32, #tpu.memory_space<vmem>>) semaphore(%arg15 : memref<!tpu.dma_semaphore, #tpu.memory_space<semaphore_mem>>)
    %dma_start3A_17 = arith.constant 1 : i32
    %dma_start3A_18 = arith.constant 0 : i32
    %dma_start3A_19 = tpu.memref_slice %arg6[%dma_start3A_17, %dma_start3A_18] : memref<160x125xi32, #tpu.memory_space<vmem>> -> memref<1x125xi32, #tpu.memory_space<vmem>>
    %dma_start3A_20 = tpu.memref_squeeze %dma_start3A_19 : memref<1x125xi32, #tpu.memory_space<vmem>> -> memref<125xi32, #tpu.memory_space<vmem>>
    %dma_start3A_21 = arith.constant 0 : i32
    %dma_start3A_22 = arith.constant 0 : i32
    %dma_start3A_23 = tpu.memref_slice %arg2[%dma_start3A_21, %dma_start3A_22] : memref<20480x64xf32, #tpu.memory_space<hbm>> -> memref<20480x64xf32, #tpu.memory_space<hbm>>
    tpu.enqueue_indirect_dma source(%dma_start3A_23 : memref<20480x64xf32, #tpu.memory_space<hbm>>) target(%arg9 : memref<125x64xf32, #tpu.memory_space<vmem>>) offsets(%dma_start3A_20 : memref<125xi32, #tpu.memory_space<vmem>>) semaphore(%arg16 : memref<!tpu.dma_semaphore, #tpu.memory_space<semaphore_mem>>)
    %dma_start3A_24 = arith.constant 2 : i32
    %dma_start3A_25 = arith.constant 0 : i32
    %dma_start3A_26 = tpu.memref_slice %arg6[%dma_start3A_24, %dma_start3A_25] : memref<160x125xi32, #tpu.memory_space<vmem>> -> memref<1x125xi32, #tpu.memory_space<vmem>>
    %dma_start3A_27 = tpu.memref_squeeze %dma_start3A_26 : memref<1x125xi32, #tpu.memory_space<vmem>> -> memref<125xi32, #tpu.memory_space<vmem>>
    %dma_start3A_28 = arith.constant 0 : i32
    %dma_start3A_29 = arith.constant 0 : i32
    %dma_start3A_30 = tpu.memref_slice %arg2[%dma_start3A_28, %dma_start3A_29] : memref<20480x64xf32, #tpu.memory_space<hbm>> -> memref<20480x64xf32, #tpu.memory_space<hbm>>
    tpu.enqueue_indirect_dma source(%dma_start3A_30 : memref<20480x64xf32, #tpu.memory_space<hbm>>) target(%arg10 : memref<125x64xf32, #tpu.memory_space<vmem>>) offsets(%dma_start3A_27 : memref<125xi32, #tpu.memory_space<vmem>>) semaphore(%arg17 : memref<!tpu.dma_semaphore, #tpu.memory_space<semaphore_mem>>)
    %dma_start3A_31 = arith.constant 3 : i32
    %dma_start3A_32 = arith.constant 0 : i32
    %dma_start3A_33 = tpu.memref_slice %arg6[%dma_start3A_31, %dma_start3A_32] : memref<160x125xi32, #tpu.memory_space<vmem>> -> memref<1x125xi32, #tpu.memory_space<vmem>>
    %dma_start3A_34 = tpu.memref_squeeze %dma_start3A_33 : memref<1x125xi32, #tpu.memory_space<vmem>> -> memref<125xi32, #tpu.memory_space<vmem>>
    %dma_start3A_35 = arith.constant 0 : i32
    %dma_start3A_36 = arith.constant 0 : i32
    %dma_start3A_37 = tpu.memref_slice %arg2[%dma_start3A_35, %dma_start3A_36] : memref<20480x64xf32, #tpu.memory_space<hbm>> -> memref<20480x64xf32, #tpu.memory_space<hbm>>
    tpu.enqueue_indirect_dma source(%dma_start3A_37 : memref<20480x64xf32, #tpu.memory_space<hbm>>) target(%arg11 : memref<125x64xf32, #tpu.memory_space<vmem>>) offsets(%dma_start3A_34 : memref<125xi32, #tpu.memory_space<vmem>>) semaphore(%arg18 : memref<!tpu.dma_semaphore, #tpu.memory_space<semaphore_mem>>)
    %dma_wait3A = arith.constant 0 : i32
    %dma_wait3A_38 = arith.constant 0 : i32
    %dma_wait3A_39 = tpu.memref_slice %arg6[%dma_wait3A, %dma_wait3A_38] : memref<160x125xi32, #tpu.memory_space<vmem>> -> memref<1x125xi32, #tpu.memory_space<vmem>>
    %dma_wait3A_40 = tpu.memref_squeeze %dma_wait3A_39 : memref<1x125xi32, #tpu.memory_space<vmem>> -> memref<125xi32, #tpu.memory_space<vmem>>
    %dma_wait3A_41 = arith.constant 0 : i32
    %dma_wait3A_42 = arith.constant 0 : i32
    %dma_wait3A_43 = tpu.memref_slice %arg2[%dma_wait3A_41, %dma_wait3A_42] : memref<20480x64xf32, #tpu.memory_space<hbm>> -> memref<20480x64xf32, #tpu.memory_space<hbm>>
    tpu.wait_indirect_dma semaphore(%arg15 : memref<!tpu.dma_semaphore, #tpu.memory_space<semaphore_mem>>) src(%dma_wait3A_43 : memref<20480x64xf32, #tpu.memory_space<hbm>>) dst(%arg8 : memref<125x64xf32, #tpu.memory_space<vmem>>)
    %dma_start3A_44 = arith.constant 0 : i32
    %dma_start3A_45 = arith.constant 0 : i32
    %dma_start3A_46 = tpu.memref_slice %arg7[%dma_start3A_44, %dma_start3A_45] : memref<160x125xi32, #tpu.memory_space<vmem>> -> memref<1x125xi32, #tpu.memory_space<vmem>>
    %dma_start3A_47 = tpu.memref_squeeze %dma_start3A_46 : memref<1x125xi32, #tpu.memory_space<vmem>> -> memref<125xi32, #tpu.memory_space<vmem>>
    %dma_start3A_48 = arith.constant 0 : i32
    %dma_start3A_49 = arith.constant 0 : i32
    %dma_start3A_50 = tpu.memref_slice %arg14[%dma_start3A_48, %dma_start3A_49] : memref<10240x64xf32, #tpu.memory_space<vmem_shared>> -> memref<10240x64xf32, #tpu.memory_space<vmem_shared>>
    tpu.enqueue_indirect_dma source(%arg8 : memref<125x64xf32, #tpu.memory_space<vmem>>) target(%dma_start3A_50 : memref<10240x64xf32, #tpu.memory_space<vmem_shared>>) offsets(%dma_start3A_47 : memref<125xi32, #tpu.memory_space<vmem>>) semaphore(%arg21 : memref<!tpu.dma_semaphore, #tpu.memory_space<semaphore_mem>>) {add = true}
    %dma_start3A_51 = arith.constant 4 : i32
    %dma_start3A_52 = arith.constant 0 : i32
    %dma_start3A_53 = tpu.memref_slice %arg6[%dma_start3A_51, %dma_start3A_52] : memref<160x125xi32, #tpu.memory_space<vmem>> -> memref<1x125xi32, #tpu.memory_space<vmem>>
    %dma_start3A_54 = tpu.memref_squeeze %dma_start3A_53 : memref<1x125xi32, #tpu.memory_space<vmem>> -> memref<125xi32, #tpu.memory_space<vmem>>
    %dma_start3A_55 = arith.constant 0 : i32
    %dma_start3A_56 = arith.constant 0 : i32
    %dma_start3A_57 = tpu.memref_slice %arg2[%dma_start3A_55, %dma_start3A_56] : memref<20480x64xf32, #tpu.memory_space<hbm>> -> memref<20480x64xf32, #tpu.memory_space<hbm>>
    tpu.enqueue_indirect_dma source(%dma_start3A_57 : memref<20480x64xf32, #tpu.memory_space<hbm>>) target(%arg12 : memref<125x64xf32, #tpu.memory_space<vmem>>) offsets(%dma_start3A_54 : memref<125xi32, #tpu.memory_space<vmem>>) semaphore(%arg19 : memref<!tpu.dma_semaphore, #tpu.memory_space<semaphore_mem>>)
    %dma_wait3A_58 = arith.constant 1 : i32
    %dma_wait3A_59 = arith.constant 0 : i32
    %dma_wait3A_60 = tpu.memref_slice %arg6[%dma_wait3A_58, %dma_wait3A_59] : memref<160x125xi32, #tpu.memory_space<vmem>> -> memref<1x125xi32, #tpu.memory_space<vmem>>
    %dma_wait3A_61 = tpu.memref_squeeze %dma_wait3A_60 : memref<1x125xi32, #tpu.memory_space<vmem>> -> memref<125xi32, #tpu.memory_space<vmem>>
    %dma_wait3A_62 = arith.constant 0 : i32
    %dma_wait3A_63 = arith.constant 0 : i32
    %dma_wait3A_64 = tpu.memref_slice %arg2[%dma_wait3A_62, %dma_wait3A_63] : memref<20480x64xf32, #tpu.memory_space<hbm>> -> memref<20480x64xf32, #tpu.memory_space<hbm>>
    tpu.wait_indirect_dma semaphore(%arg16 : memref<!tpu.dma_semaphore, #tpu.memory_space<semaphore_mem>>) src(%dma_wait3A_64 : memref<20480x64xf32, #tpu.memory_space<hbm>>) dst(%arg9 : memref<125x64xf32, #tpu.memory_space<vmem>>)
    %dma_start3A_65 = arith.constant 1 : i32
    %dma_start3A_66 = arith.constant 0 : i32
    %dma_start3A_67 = tpu.memref_slice %arg7[%dma_start3A_65, %dma_start3A_66] : memref<160x125xi32, #tpu.memory_space<vmem>> -> memref<1x125xi32, #tpu.memory_space<vmem>>
    %dma_start3A_68 = tpu.memref_squeeze %dma_start3A_67 : memref<1x125xi32, #tpu.memory_space<vmem>> -> memref<125xi32, #tpu.memory_space<vmem>>
    %dma_start3A_69 = arith.constant 0 : i32
    %dma_start3A_70 = arith.constant 0 : i32
    %dma_start3A_71 = tpu.memref_slice %arg14[%dma_start3A_69, %dma_start3A_70] : memref<10240x64xf32, #tpu.memory_space<vmem_shared>> -> memref<10240x64xf32, #tpu.memory_space<vmem_shared>>
    tpu.enqueue_indirect_dma source(%arg9 : memref<125x64xf32, #tpu.memory_space<vmem>>) target(%dma_start3A_71 : memref<10240x64xf32, #tpu.memory_space<vmem_shared>>) offsets(%dma_start3A_68 : memref<125xi32, #tpu.memory_space<vmem>>) semaphore(%arg22 : memref<!tpu.dma_semaphore, #tpu.memory_space<semaphore_mem>>) {add = true}
    %dma_start3A_72 = arith.constant 5 : i32
    %dma_start3A_73 = arith.constant 0 : i32
    %dma_start3A_74 = tpu.memref_slice %arg6[%dma_start3A_72, %dma_start3A_73] : memref<160x125xi32, #tpu.memory_space<vmem>> -> memref<1x125xi32, #tpu.memory_space<vmem>>
    %dma_start3A_75 = tpu.memref_squeeze %dma_start3A_74 : memref<1x125xi32, #tpu.memory_space<vmem>> -> memref<125xi32, #tpu.memory_space<vmem>>
    %dma_start3A_76 = arith.constant 0 : i32
    %dma_start3A_77 = arith.constant 0 : i32
    %dma_start3A_78 = tpu.memref_slice %arg2[%dma_start3A_76, %dma_start3A_77] : memref<20480x64xf32, #tpu.memory_space<hbm>> -> memref<20480x64xf32, #tpu.memory_space<hbm>>
    tpu.enqueue_indirect_dma source(%dma_start3A_78 : memref<20480x64xf32, #tpu.memory_space<hbm>>) target(%arg13 : memref<125x64xf32, #tpu.memory_space<vmem>>) offsets(%dma_start3A_75 : memref<125xi32, #tpu.memory_space<vmem>>) semaphore(%arg20 : memref<!tpu.dma_semaphore, #tpu.memory_space<semaphore_mem>>)
    %dma_wait3A_79 = arith.constant 2 : i32
    %dma_wait3A_80 = arith.constant 0 : i32
    %dma_wait3A_81 = tpu.memref_slice %arg6[%dma_wait3A_79, %dma_wait3A_80] : memref<160x125xi32, #tpu.memory_space<vmem>> -> memref<1x125xi32, #tpu.memory_space<vmem>>
    %dma_wait3A_82 = tpu.memref_squeeze %dma_wait3A_81 : memref<1x125xi32, #tpu.memory_space<vmem>> -> memref<125xi32, #tpu.memory_space<vmem>>
    %dma_wait3A_83 = arith.constant 0 : i32
    %dma_wait3A_84 = arith.constant 0 : i32
    %dma_wait3A_85 = tpu.memref_slice %arg2[%dma_wait3A_83, %dma_wait3A_84] : memref<20480x64xf32, #tpu.memory_space<hbm>> -> memref<20480x64xf32, #tpu.memory_space<hbm>>
    tpu.wait_indirect_dma semaphore(%arg17 : memref<!tpu.dma_semaphore, #tpu.memory_space<semaphore_mem>>) src(%dma_wait3A_85 : memref<20480x64xf32, #tpu.memory_space<hbm>>) dst(%arg10 : memref<125x64xf32, #tpu.memory_space<vmem>>)
    %dma_start3A_86 = arith.constant 2 : i32
    %dma_start3A_87 = arith.constant 0 : i32
    %dma_start3A_88 = tpu.memref_slice %arg7[%dma_start3A_86, %dma_start3A_87] : memref<160x125xi32, #tpu.memory_space<vmem>> -> memref<1x125xi32, #tpu.memory_space<vmem>>
    %dma_start3A_89 = tpu.memref_squeeze %dma_start3A_88 : memref<1x125xi32, #tpu.memory_space<vmem>> -> memref<125xi32, #tpu.memory_space<vmem>>
    %dma_start3A_90 = arith.constant 0 : i32
    %dma_start3A_91 = arith.constant 0 : i32
    %dma_start3A_92 = tpu.memref_slice %arg14[%dma_start3A_90, %dma_start3A_91] : memref<10240x64xf32, #tpu.memory_space<vmem_shared>> -> memref<10240x64xf32, #tpu.memory_space<vmem_shared>>
    tpu.enqueue_indirect_dma source(%arg10 : memref<125x64xf32, #tpu.memory_space<vmem>>) target(%dma_start3A_92 : memref<10240x64xf32, #tpu.memory_space<vmem_shared>>) offsets(%dma_start3A_89 : memref<125xi32, #tpu.memory_space<vmem>>) semaphore(%arg23 : memref<!tpu.dma_semaphore, #tpu.memory_space<semaphore_mem>>) {add = true}
    %scan3A_93 = arith.constant 0 : i32
    %scan3A_94 = arith.constant 25 : i32
    %scan3A_95 = arith.addi %scan3A_93, %scan3A_94 : i32
    %scan3A_96 = arith.constant 1 : i32
    scf.for %scan3A_297 = %scan3A_93 to %scan3A_95 step %scan3A_96  : i32 {
      %mul3A_298 = arith.constant 6 : i32
      %mul3A_299 = arith.muli %mul3A_298, %scan3A_297 : i32
      %add3A = arith.constant 3 : i32
      %add3A_300 = arith.addi %mul3A_299, %add3A : i32
      %add3A_301 = arith.constant 0 : i32
      %add3A_302 = arith.addi %add3A_300, %add3A_301 : i32
      %sub3A = arith.constant 3 : i32
      %sub3A_303 = arith.subi %add3A_302, %sub3A : i32
      %dma_wait3A_304 = arith.constant 0 : i32
      %dma_wait3A_305 = tpu.memref_slice %arg7[%sub3A_303, %dma_wait3A_304] : memref<160x125xi32, #tpu.memory_space<vmem>> -> memref<1x125xi32, #tpu.memory_space<vmem>>
      %dma_wait3A_306 = tpu.memref_squeeze %dma_wait3A_305 : memref<1x125xi32, #tpu.memory_space<vmem>> -> memref<125xi32, #tpu.memory_space<vmem>>
      %dma_wait3A_307 = arith.constant 0 : i32
      %dma_wait3A_308 = arith.constant 0 : i32
      %dma_wait3A_309 = tpu.memref_slice %arg14[%dma_wait3A_307, %dma_wait3A_308] : memref<10240x64xf32, #tpu.memory_space<vmem_shared>> -> memref<10240x64xf32, #tpu.memory_space<vmem_shared>>
      tpu.wait_indirect_dma semaphore(%arg21 : memref<!tpu.dma_semaphore, #tpu.memory_space<semaphore_mem>>) src(%arg8 : memref<125x64xf32, #tpu.memory_space<vmem>>) dst(%dma_wait3A_309 : memref<10240x64xf32, #tpu.memory_space<vmem_shared>>)
      %add3A_310 = arith.constant 3 : i32
      %add3A_311 = arith.addi %add3A_302, %add3A_310 : i32
      %dma_start3A_312 = arith.constant 0 : i32
      %dma_start3A_313 = tpu.memref_slice %arg6[%add3A_311, %dma_start3A_312] : memref<160x125xi32, #tpu.memory_space<vmem>> -> memref<1x125xi32, #tpu.memory_space<vmem>>
      %dma_start3A_314 = tpu.memref_squeeze %dma_start3A_313 : memref<1x125xi32, #tpu.memory_space<vmem>> -> memref<125xi32, #tpu.memory_space<vmem>>
      %dma_start3A_315 = arith.constant 0 : i32
      %dma_start3A_316 = arith.constant 0 : i32
      %dma_start3A_317 = tpu.memref_slice %arg2[%dma_start3A_315, %dma_start3A_316] : memref<20480x64xf32, #tpu.memory_space<hbm>> -> memref<20480x64xf32, #tpu.memory_space<hbm>>
      tpu.enqueue_indirect_dma source(%dma_start3A_317 : memref<20480x64xf32, #tpu.memory_space<hbm>>) target(%arg8 : memref<125x64xf32, #tpu.memory_space<vmem>>) offsets(%dma_start3A_314 : memref<125xi32, #tpu.memory_space<vmem>>) semaphore(%arg15 : memref<!tpu.dma_semaphore, #tpu.memory_space<semaphore_mem>>)
      %dma_wait3A_318 = arith.constant 0 : i32
      %dma_wait3A_319 = tpu.memref_slice %arg6[%add3A_302, %dma_wait3A_318] : memref<160x125xi32, #tpu.memory_space<vmem>> -> memref<1x125xi32, #tpu.memory_space<vmem>>
      %dma_wait3A_320 = tpu.memref_squeeze %dma_wait3A_319 : memref<1x125xi32, #tpu.memory_space<vmem>> -> memref<125xi32, #tpu.memory_space<vmem>>
      %dma_wait3A_321 = arith.constant 0 : i32
      %dma_wait3A_322 = arith.constant 0 : i32
      %dma_wait3A_323 = tpu.memref_slice %arg2[%dma_wait3A_321, %dma_wait3A_322] : memref<20480x64xf32, #tpu.memory_space<hbm>> -> memref<20480x64xf32, #tpu.memory_space<hbm>>
      tpu.wait_indirect_dma semaphore(%arg18 : memref<!tpu.dma_semaphore, #tpu.memory_space<semaphore_mem>>) src(%dma_wait3A_323 : memref<20480x64xf32, #tpu.memory_space<hbm>>) dst(%arg11 : memref<125x64xf32, #tpu.memory_space<vmem>>)
      %dma_start3A_324 = arith.constant 0 : i32
      %dma_start3A_325 = tpu.memref_slice %arg7[%add3A_302, %dma_start3A_324] : memref<160x125xi32, #tpu.memory_space<vmem>> -> memref<1x125xi32, #tpu.memory_space<vmem>>
      %dma_start3A_326 = tpu.memref_squeeze %dma_start3A_325 : memref<1x125xi32, #tpu.memory_space<vmem>> -> memref<125xi32, #tpu.memory_space<vmem>>
      %dma_start3A_327 = arith.constant 0 : i32
      %dma_start3A_328 = arith.constant 0 : i32
      %dma_start3A_329 = tpu.memref_slice %arg14[%dma_start3A_327, %dma_start3A_328] : memref<10240x64xf32, #tpu.memory_space<vmem_shared>> -> memref<10240x64xf32, #tpu.memory_space<vmem_shared>>
      tpu.enqueue_indirect_dma source(%arg11 : memref<125x64xf32, #tpu.memory_space<vmem>>) target(%dma_start3A_329 : memref<10240x64xf32, #tpu.memory_space<vmem_shared>>) offsets(%dma_start3A_326 : memref<125xi32, #tpu.memory_space<vmem>>) semaphore(%arg24 : memref<!tpu.dma_semaphore, #tpu.memory_space<semaphore_mem>>) {add = true}
      %mul3A_330 = arith.constant 6 : i32
      %mul3A_331 = arith.muli %mul3A_330, %scan3A_297 : i32
      %add3A_332 = arith.constant 3 : i32
      %add3A_333 = arith.addi %mul3A_331, %add3A_332 : i32
      %add3A_334 = arith.constant 1 : i32
      %add3A_335 = arith.addi %add3A_333, %add3A_334 : i32
      %sub3A_336 = arith.constant 3 : i32
      %sub3A_337 = arith.subi %add3A_335, %sub3A_336 : i32
      %dma_wait3A_338 = arith.constant 0 : i32
      %dma_wait3A_339 = tpu.memref_slice %arg7[%sub3A_337, %dma_wait3A_338] : memref<160x125xi32, #tpu.memory_space<vmem>> -> memref<1x125xi32, #tpu.memory_space<vmem>>
      %dma_wait3A_340 = tpu.memref_squeeze %dma_wait3A_339 : memref<1x125xi32, #tpu.memory_space<vmem>> -> memref<125xi32, #tpu.memory_space<vmem>>
      %dma_wait3A_341 = arith.constant 0 : i32
      %dma_wait3A_342 = arith.constant 0 : i32
      %dma_wait3A_343 = tpu.memref_slice %arg14[%dma_wait3A_341, %dma_wait3A_342] : memref<10240x64xf32, #tpu.memory_space<vmem_shared>> -> memref<10240x64xf32, #tpu.memory_space<vmem_shared>>
      tpu.wait_indirect_dma semaphore(%arg22 : memref<!tpu.dma_semaphore, #tpu.memory_space<semaphore_mem>>) src(%arg9 : memref<125x64xf32, #tpu.memory_space<vmem>>) dst(%dma_wait3A_343 : memref<10240x64xf32, #tpu.memory_space<vmem_shared>>)
      %add3A_344 = arith.constant 3 : i32
      %add3A_345 = arith.addi %add3A_335, %add3A_344 : i32
      %dma_start3A_346 = arith.constant 0 : i32
      %dma_start3A_347 = tpu.memref_slice %arg6[%add3A_345, %dma_start3A_346] : memref<160x125xi32, #tpu.memory_space<vmem>> -> memref<1x125xi32, #tpu.memory_space<vmem>>
      %dma_start3A_348 = tpu.memref_squeeze %dma_start3A_347 : memref<1x125xi32, #tpu.memory_space<vmem>> -> memref<125xi32, #tpu.memory_space<vmem>>
      %dma_start3A_349 = arith.constant 0 : i32
      %dma_start3A_350 = arith.constant 0 : i32
      %dma_start3A_351 = tpu.memref_slice %arg2[%dma_start3A_349, %dma_start3A_350] : memref<20480x64xf32, #tpu.memory_space<hbm>> -> memref<20480x64xf32, #tpu.memory_space<hbm>>
      tpu.enqueue_indirect_dma source(%dma_start3A_351 : memref<20480x64xf32, #tpu.memory_space<hbm>>) target(%arg9 : memref<125x64xf32, #tpu.memory_space<vmem>>) offsets(%dma_start3A_348 : memref<125xi32, #tpu.memory_space<vmem>>) semaphore(%arg16 : memref<!tpu.dma_semaphore, #tpu.memory_space<semaphore_mem>>)
      %dma_wait3A_352 = arith.constant 0 : i32
      %dma_wait3A_353 = tpu.memref_slice %arg6[%add3A_335, %dma_wait3A_352] : memref<160x125xi32, #tpu.memory_space<vmem>> -> memref<1x125xi32, #tpu.memory_space<vmem>>
      %dma_wait3A_354 = tpu.memref_squeeze %dma_wait3A_353 : memref<1x125xi32, #tpu.memory_space<vmem>> -> memref<125xi32, #tpu.memory_space<vmem>>
      %dma_wait3A_355 = arith.constant 0 : i32
      %dma_wait3A_356 = arith.constant 0 : i32
      %dma_wait3A_357 = tpu.memref_slice %arg2[%dma_wait3A_355, %dma_wait3A_356] : memref<20480x64xf32, #tpu.memory_space<hbm>> -> memref<20480x64xf32, #tpu.memory_space<hbm>>
      tpu.wait_indirect_dma semaphore(%arg19 : memref<!tpu.dma_semaphore, #tpu.memory_space<semaphore_mem>>) src(%dma_wait3A_357 : memref<20480x64xf32, #tpu.memory_space<hbm>>) dst(%arg12 : memref<125x64xf32, #tpu.memory_space<vmem>>)
      %dma_start3A_358 = arith.constant 0 : i32
      %dma_start3A_359 = tpu.memref_slice %arg7[%add3A_335, %dma_start3A_358] : memref<160x125xi32, #tpu.memory_space<vmem>> -> memref<1x125xi32, #tpu.memory_space<vmem>>
      %dma_start3A_360 = tpu.memref_squeeze %dma_start3A_359 : memref<1x125xi32, #tpu.memory_space<vmem>> -> memref<125xi32, #tpu.memory_space<vmem>>
      %dma_start3A_361 = arith.constant 0 : i32
      %dma_start3A_362 = arith.constant 0 : i32
      %dma_start3A_363 = tpu.memref_slice %arg14[%dma_start3A_361, %dma_start3A_362] : memref<10240x64xf32, #tpu.memory_space<vmem_shared>> -> memref<10240x64xf32, #tpu.memory_space<vmem_shared>>
      tpu.enqueue_indirect_dma source(%arg12 : memref<125x64xf32, #tpu.memory_space<vmem>>) target(%dma_start3A_363 : memref<10240x64xf32, #tpu.memory_space<vmem_shared>>) offsets(%dma_start3A_360 : memref<125xi32, #tpu.memory_space<vmem>>) semaphore(%arg25 : memref<!tpu.dma_semaphore, #tpu.memory_space<semaphore_mem>>) {add = true}
      %mul3A_364 = arith.constant 6 : i32
      %mul3A_365 = arith.muli %mul3A_364, %scan3A_297 : i32
      %add3A_366 = arith.constant 3 : i32
      %add3A_367 = arith.addi %mul3A_365, %add3A_366 : i32
      %add3A_368 = arith.constant 2 : i32
      %add3A_369 = arith.addi %add3A_367, %add3A_368 : i32
      %sub3A_370 = arith.constant 3 : i32
      %sub3A_371 = arith.subi %add3A_369, %sub3A_370 : i32
      %dma_wait3A_372 = arith.constant 0 : i32
      %dma_wait3A_373 = tpu.memref_slice %arg7[%sub3A_371, %dma_wait3A_372] : memref<160x125xi32, #tpu.memory_space<vmem>> -> memref<1x125xi32, #tpu.memory_space<vmem>>
      %dma_wait3A_374 = tpu.memref_squeeze %dma_wait3A_373 : memref<1x125xi32, #tpu.memory_space<vmem>> -> memref<125xi32, #tpu.memory_space<vmem>>
      %dma_wait3A_375 = arith.constant 0 : i32
      %dma_wait3A_376 = arith.constant 0 : i32
      %dma_wait3A_377 = tpu.memref_slice %arg14[%dma_wait3A_375, %dma_wait3A_376] : memref<10240x64xf32, #tpu.memory_space<vmem_shared>> -> memref<10240x64xf32, #tpu.memory_space<vmem_shared>>
      tpu.wait_indirect_dma semaphore(%arg23 : memref<!tpu.dma_semaphore, #tpu.memory_space<semaphore_mem>>) src(%arg10 : memref<125x64xf32, #tpu.memory_space<vmem>>) dst(%dma_wait3A_377 : memref<10240x64xf32, #tpu.memory_space<vmem_shared>>)
      %add3A_378 = arith.constant 3 : i32
      %add3A_379 = arith.addi %add3A_369, %add3A_378 : i32
      %dma_start3A_380 = arith.constant 0 : i32
      %dma_start3A_381 = tpu.memref_slice %arg6[%add3A_379, %dma_start3A_380] : memref<160x125xi32, #tpu.memory_space<vmem>> -> memref<1x125xi32, #tpu.memory_space<vmem>>
      %dma_start3A_382 = tpu.memref_squeeze %dma_start3A_381 : memref<1x125xi32, #tpu.memory_space<vmem>> -> memref<125xi32, #tpu.memory_space<vmem>>
      %dma_start3A_383 = arith.constant 0 : i32
      %dma_start3A_384 = arith.constant 0 : i32
      %dma_start3A_385 = tpu.memref_slice %arg2[%dma_start3A_383, %dma_start3A_384] : memref<20480x64xf32, #tpu.memory_space<hbm>> -> memref<20480x64xf32, #tpu.memory_space<hbm>>
      tpu.enqueue_indirect_dma source(%dma_start3A_385 : memref<20480x64xf32, #tpu.memory_space<hbm>>) target(%arg10 : memref<125x64xf32, #tpu.memory_space<vmem>>) offsets(%dma_start3A_382 : memref<125xi32, #tpu.memory_space<vmem>>) semaphore(%arg17 : memref<!tpu.dma_semaphore, #tpu.memory_space<semaphore_mem>>)
      %dma_wait3A_386 = arith.constant 0 : i32
      %dma_wait3A_387 = tpu.memref_slice %arg6[%add3A_369, %dma_wait3A_386] : memref<160x125xi32, #tpu.memory_space<vmem>> -> memref<1x125xi32, #tpu.memory_space<vmem>>
      %dma_wait3A_388 = tpu.memref_squeeze %dma_wait3A_387 : memref<1x125xi32, #tpu.memory_space<vmem>> -> memref<125xi32, #tpu.memory_space<vmem>>
      %dma_wait3A_389 = arith.constant 0 : i32
      %dma_wait3A_390 = arith.constant 0 : i32
      %dma_wait3A_391 = tpu.memref_slice %arg2[%dma_wait3A_389, %dma_wait3A_390] : memref<20480x64xf32, #tpu.memory_space<hbm>> -> memref<20480x64xf32, #tpu.memory_space<hbm>>
      tpu.wait_indirect_dma semaphore(%arg20 : memref<!tpu.dma_semaphore, #tpu.memory_space<semaphore_mem>>) src(%dma_wait3A_391 : memref<20480x64xf32, #tpu.memory_space<hbm>>) dst(%arg13 : memref<125x64xf32, #tpu.memory_space<vmem>>)
      %dma_start3A_392 = arith.constant 0 : i32
      %dma_start3A_393 = tpu.memref_slice %arg7[%add3A_369, %dma_start3A_392] : memref<160x125xi32, #tpu.memory_space<vmem>> -> memref<1x125xi32, #tpu.memory_space<vmem>>
      %dma_start3A_394 = tpu.memref_squeeze %dma_start3A_393 : memref<1x125xi32, #tpu.memory_space<vmem>> -> memref<125xi32, #tpu.memory_space<vmem>>
      %dma_start3A_395 = arith.constant 0 : i32
      %dma_start3A_396 = arith.constant 0 : i32
      %dma_start3A_397 = tpu.memref_slice %arg14[%dma_start3A_395, %dma_start3A_396] : memref<10240x64xf32, #tpu.memory_space<vmem_shared>> -> memref<10240x64xf32, #tpu.memory_space<vmem_shared>>
      tpu.enqueue_indirect_dma source(%arg13 : memref<125x64xf32, #tpu.memory_space<vmem>>) target(%dma_start3A_397 : memref<10240x64xf32, #tpu.memory_space<vmem_shared>>) offsets(%dma_start3A_394 : memref<125xi32, #tpu.memory_space<vmem>>) semaphore(%arg26 : memref<!tpu.dma_semaphore, #tpu.memory_space<semaphore_mem>>) {add = true}
      %mul3A_398 = arith.constant 6 : i32
      %mul3A_399 = arith.muli %mul3A_398, %scan3A_297 : i32
      %add3A_400 = arith.constant 3 : i32
      %add3A_401 = arith.addi %mul3A_399, %add3A_400 : i32
      %add3A_402 = arith.constant 3 : i32
      %add3A_403 = arith.addi %add3A_401, %add3A_402 : i32
      %sub3A_404 = arith.constant 3 : i32
      %sub3A_405 = arith.subi %add3A_403, %sub3A_404 : i32
      %dma_wait3A_406 = arith.constant 0 : i32
      %dma_wait3A_407 = tpu.memref_slice %arg7[%sub3A_405, %dma_wait3A_406] : memref<160x125xi32, #tpu.memory_space<vmem>> -> memref<1x125xi32, #tpu.memory_space<vmem>>
      %dma_wait3A_408 = tpu.memref_squeeze %dma_wait3A_407 : memref<1x125xi32, #tpu.memory_space<vmem>> -> memref<125xi32, #tpu.memory_space<vmem>>
      %dma_wait3A_409 = arith.constant 0 : i32
      %dma_wait3A_410 = arith.constant 0 : i32
      %dma_wait3A_411 = tpu.memref_slice %arg14[%dma_wait3A_409, %dma_wait3A_410] : memref<10240x64xf32, #tpu.memory_space<vmem_shared>> -> memref<10240x64xf32, #tpu.memory_space<vmem_shared>>
      tpu.wait_indirect_dma semaphore(%arg24 : memref<!tpu.dma_semaphore, #tpu.memory_space<semaphore_mem>>) src(%arg11 : memref<125x64xf32, #tpu.memory_space<vmem>>) dst(%dma_wait3A_411 : memref<10240x64xf32, #tpu.memory_space<vmem_shared>>)
      %add3A_412 = arith.constant 3 : i32
      %add3A_413 = arith.addi %add3A_403, %add3A_412 : i32
      %dma_start3A_414 = arith.constant 0 : i32
      %dma_start3A_415 = tpu.memref_slice %arg6[%add3A_413, %dma_start3A_414] : memref<160x125xi32, #tpu.memory_space<vmem>> -> memref<1x125xi32, #tpu.memory_space<vmem>>
      %dma_start3A_416 = tpu.memref_squeeze %dma_start3A_415 : memref<1x125xi32, #tpu.memory_space<vmem>> -> memref<125xi32, #tpu.memory_space<vmem>>
      %dma_start3A_417 = arith.constant 0 : i32
      %dma_start3A_418 = arith.constant 0 : i32
      %dma_start3A_419 = tpu.memref_slice %arg2[%dma_start3A_417, %dma_start3A_418] : memref<20480x64xf32, #tpu.memory_space<hbm>> -> memref<20480x64xf32, #tpu.memory_space<hbm>>
      tpu.enqueue_indirect_dma source(%dma_start3A_419 : memref<20480x64xf32, #tpu.memory_space<hbm>>) target(%arg11 : memref<125x64xf32, #tpu.memory_space<vmem>>) offsets(%dma_start3A_416 : memref<125xi32, #tpu.memory_space<vmem>>) semaphore(%arg18 : memref<!tpu.dma_semaphore, #tpu.memory_space<semaphore_mem>>)
      %dma_wait3A_420 = arith.constant 0 : i32
      %dma_wait3A_421 = tpu.memref_slice %arg6[%add3A_403, %dma_wait3A_420] : memref<160x125xi32, #tpu.memory_space<vmem>> -> memref<1x125xi32, #tpu.memory_space<vmem>>
      %dma_wait3A_422 = tpu.memref_squeeze %dma_wait3A_421 : memref<1x125xi32, #tpu.memory_space<vmem>> -> memref<125xi32, #tpu.memory_space<vmem>>
      %dma_wait3A_423 = arith.constant 0 : i32
      %dma_wait3A_424 = arith.constant 0 : i32
      %dma_wait3A_425 = tpu.memref_slice %arg2[%dma_wait3A_423, %dma_wait3A_424] : memref<20480x64xf32, #tpu.memory_space<hbm>> -> memref<20480x64xf32, #tpu.memory_space<hbm>>
      tpu.wait_indirect_dma semaphore(%arg15 : memref<!tpu.dma_semaphore, #tpu.memory_space<semaphore_mem>>) src(%dma_wait3A_425 : memref<20480x64xf32, #tpu.memory_space<hbm>>) dst(%arg8 : memref<125x64xf32, #tpu.memory_space<vmem>>)
      %dma_start3A_426 = arith.constant 0 : i32
      %dma_start3A_427 = tpu.memref_slice %arg7[%add3A_403, %dma_start3A_426] : memref<160x125xi32, #tpu.memory_space<vmem>> -> memref<1x125xi32, #tpu.memory_space<vmem>>
      %dma_start3A_428 = tpu.memref_squeeze %dma_start3A_427 : memref<1x125xi32, #tpu.memory_space<vmem>> -> memref<125xi32, #tpu.memory_space<vmem>>
      %dma_start3A_429 = arith.constant 0 : i32
      %dma_start3A_430 = arith.constant 0 : i32
      %dma_start3A_431 = tpu.memref_slice %arg14[%dma_start3A_429, %dma_start3A_430] : memref<10240x64xf32, #tpu.memory_space<vmem_shared>> -> memref<10240x64xf32, #tpu.memory_space<vmem_shared>>
      tpu.enqueue_indirect_dma source(%arg8 : memref<125x64xf32, #tpu.memory_space<vmem>>) target(%dma_start3A_431 : memref<10240x64xf32, #tpu.memory_space<vmem_shared>>) offsets(%dma_start3A_428 : memref<125xi32, #tpu.memory_space<vmem>>) semaphore(%arg21 : memref<!tpu.dma_semaphore, #tpu.memory_space<semaphore_mem>>) {add = true}
      %mul3A_432 = arith.constant 6 : i32
      %mul3A_433 = arith.muli %mul3A_432, %scan3A_297 : i32
      %add3A_434 = arith.constant 3 : i32
      %add3A_435 = arith.addi %mul3A_433, %add3A_434 : i32
      %add3A_436 = arith.constant 4 : i32
      %add3A_437 = arith.addi %add3A_435, %add3A_436 : i32
      %sub3A_438 = arith.constant 3 : i32
      %sub3A_439 = arith.subi %add3A_437, %sub3A_438 : i32
      %dma_wait3A_440 = arith.constant 0 : i32
      %dma_wait3A_441 = tpu.memref_slice %arg7[%sub3A_439, %dma_wait3A_440] : memref<160x125xi32, #tpu.memory_space<vmem>> -> memref<1x125xi32, #tpu.memory_space<vmem>>
      %dma_wait3A_442 = tpu.memref_squeeze %dma_wait3A_441 : memref<1x125xi32, #tpu.memory_space<vmem>> -> memref<125xi32, #tpu.memory_space<vmem>>
      %dma_wait3A_443 = arith.constant 0 : i32
      %dma_wait3A_444 = arith.constant 0 : i32
      %dma_wait3A_445 = tpu.memref_slice %arg14[%dma_wait3A_443, %dma_wait3A_444] : memref<10240x64xf32, #tpu.memory_space<vmem_shared>> -> memref<10240x64xf32, #tpu.memory_space<vmem_shared>>
      tpu.wait_indirect_dma semaphore(%arg25 : memref<!tpu.dma_semaphore, #tpu.memory_space<semaphore_mem>>) src(%arg12 : memref<125x64xf32, #tpu.memory_space<vmem>>) dst(%dma_wait3A_445 : memref<10240x64xf32, #tpu.memory_space<vmem_shared>>)
      %add3A_446 = arith.constant 3 : i32
      %add3A_447 = arith.addi %add3A_437, %add3A_446 : i32
      %dma_start3A_448 = arith.constant 0 : i32
      %dma_start3A_449 = tpu.memref_slice %arg6[%add3A_447, %dma_start3A_448] : memref<160x125xi32, #tpu.memory_space<vmem>> -> memref<1x125xi32, #tpu.memory_space<vmem>>
      %dma_start3A_450 = tpu.memref_squeeze %dma_start3A_449 : memref<1x125xi32, #tpu.memory_space<vmem>> -> memref<125xi32, #tpu.memory_space<vmem>>
      %dma_start3A_451 = arith.constant 0 : i32
      %dma_start3A_452 = arith.constant 0 : i32
      %dma_start3A_453 = tpu.memref_slice %arg2[%dma_start3A_451, %dma_start3A_452] : memref<20480x64xf32, #tpu.memory_space<hbm>> -> memref<20480x64xf32, #tpu.memory_space<hbm>>
      tpu.enqueue_indirect_dma source(%dma_start3A_453 : memref<20480x64xf32, #tpu.memory_space<hbm>>) target(%arg12 : memref<125x64xf32, #tpu.memory_space<vmem>>) offsets(%dma_start3A_450 : memref<125xi32, #tpu.memory_space<vmem>>) semaphore(%arg19 : memref<!tpu.dma_semaphore, #tpu.memory_space<semaphore_mem>>)
      %dma_wait3A_454 = arith.constant 0 : i32
      %dma_wait3A_455 = tpu.memref_slice %arg6[%add3A_437, %dma_wait3A_454] : memref<160x125xi32, #tpu.memory_space<vmem>> -> memref<1x125xi32, #tpu.memory_space<vmem>>
      %dma_wait3A_456 = tpu.memref_squeeze %dma_wait3A_455 : memref<1x125xi32, #tpu.memory_space<vmem>> -> memref<125xi32, #tpu.memory_space<vmem>>
      %dma_wait3A_457 = arith.constant 0 : i32
      %dma_wait3A_458 = arith.constant 0 : i32
      %dma_wait3A_459 = tpu.memref_slice %arg2[%dma_wait3A_457, %dma_wait3A_458] : memref<20480x64xf32, #tpu.memory_space<hbm>> -> memref<20480x64xf32, #tpu.memory_space<hbm>>
      tpu.wait_indirect_dma semaphore(%arg16 : memref<!tpu.dma_semaphore, #tpu.memory_space<semaphore_mem>>) src(%dma_wait3A_459 : memref<20480x64xf32, #tpu.memory_space<hbm>>) dst(%arg9 : memref<125x64xf32, #tpu.memory_space<vmem>>)
      %dma_start3A_460 = arith.constant 0 : i32
      %dma_start3A_461 = tpu.memref_slice %arg7[%add3A_437, %dma_start3A_460] : memref<160x125xi32, #tpu.memory_space<vmem>> -> memref<1x125xi32, #tpu.memory_space<vmem>>
      %dma_start3A_462 = tpu.memref_squeeze %dma_start3A_461 : memref<1x125xi32, #tpu.memory_space<vmem>> -> memref<125xi32, #tpu.memory_space<vmem>>
      %dma_start3A_463 = arith.constant 0 : i32
      %dma_start3A_464 = arith.constant 0 : i32
      %dma_start3A_465 = tpu.memref_slice %arg14[%dma_start3A_463, %dma_start3A_464] : memref<10240x64xf32, #tpu.memory_space<vmem_shared>> -> memref<10240x64xf32, #tpu.memory_space<vmem_shared>>
      tpu.enqueue_indirect_dma source(%arg9 : memref<125x64xf32, #tpu.memory_space<vmem>>) target(%dma_start3A_465 : memref<10240x64xf32, #tpu.memory_space<vmem_shared>>) offsets(%dma_start3A_462 : memref<125xi32, #tpu.memory_space<vmem>>) semaphore(%arg22 : memref<!tpu.dma_semaphore, #tpu.memory_space<semaphore_mem>>) {add = true}
      %mul3A_466 = arith.constant 6 : i32
      %mul3A_467 = arith.muli %mul3A_466, %scan3A_297 : i32
      %add3A_468 = arith.constant 3 : i32
      %add3A_469 = arith.addi %mul3A_467, %add3A_468 : i32
      %add3A_470 = arith.constant 5 : i32
      %add3A_471 = arith.addi %add3A_469, %add3A_470 : i32
      %sub3A_472 = arith.constant 3 : i32
      %sub3A_473 = arith.subi %add3A_471, %sub3A_472 : i32
      %dma_wait3A_474 = arith.constant 0 : i32
      %dma_wait3A_475 = tpu.memref_slice %arg7[%sub3A_473, %dma_wait3A_474] : memref<160x125xi32, #tpu.memory_space<vmem>> -> memref<1x125xi32, #tpu.memory_space<vmem>>
      %dma_wait3A_476 = tpu.memref_squeeze %dma_wait3A_475 : memref<1x125xi32, #tpu.memory_space<vmem>> -> memref<125xi32, #tpu.memory_space<vmem>>
      %dma_wait3A_477 = arith.constant 0 : i32
      %dma_wait3A_478 = arith.constant 0 : i32
      %dma_wait3A_479 = tpu.memref_slice %arg14[%dma_wait3A_477, %dma_wait3A_478] : memref<10240x64xf32, #tpu.memory_space<vmem_shared>> -> memref<10240x64xf32, #tpu.memory_space<vmem_shared>>
      tpu.wait_indirect_dma semaphore(%arg26 : memref<!tpu.dma_semaphore, #tpu.memory_space<semaphore_mem>>) src(%arg13 : memref<125x64xf32, #tpu.memory_space<vmem>>) dst(%dma_wait3A_479 : memref<10240x64xf32, #tpu.memory_space<vmem_shared>>)
      %add3A_480 = arith.constant 3 : i32
      %add3A_481 = arith.addi %add3A_471, %add3A_480 : i32
      %dma_start3A_482 = arith.constant 0 : i32
      %dma_start3A_483 = tpu.memref_slice %arg6[%add3A_481, %dma_start3A_482] : memref<160x125xi32, #tpu.memory_space<vmem>> -> memref<1x125xi32, #tpu.memory_space<vmem>>
      %dma_start3A_484 = tpu.memref_squeeze %dma_start3A_483 : memref<1x125xi32, #tpu.memory_space<vmem>> -> memref<125xi32, #tpu.memory_space<vmem>>
      %dma_start3A_485 = arith.constant 0 : i32
      %dma_start3A_486 = arith.constant 0 : i32
      %dma_start3A_487 = tpu.memref_slice %arg2[%dma_start3A_485, %dma_start3A_486] : memref<20480x64xf32, #tpu.memory_space<hbm>> -> memref<20480x64xf32, #tpu.memory_space<hbm>>
      tpu.enqueue_indirect_dma source(%dma_start3A_487 : memref<20480x64xf32, #tpu.memory_space<hbm>>) target(%arg13 : memref<125x64xf32, #tpu.memory_space<vmem>>) offsets(%dma_start3A_484 : memref<125xi32, #tpu.memory_space<vmem>>) semaphore(%arg20 : memref<!tpu.dma_semaphore, #tpu.memory_space<semaphore_mem>>)
      %dma_wait3A_488 = arith.constant 0 : i32
      %dma_wait3A_489 = tpu.memref_slice %arg6[%add3A_471, %dma_wait3A_488] : memref<160x125xi32, #tpu.memory_space<vmem>> -> memref<1x125xi32, #tpu.memory_space<vmem>>
      %dma_wait3A_490 = tpu.memref_squeeze %dma_wait3A_489 : memref<1x125xi32, #tpu.memory_space<vmem>> -> memref<125xi32, #tpu.memory_space<vmem>>
      %dma_wait3A_491 = arith.constant 0 : i32
      %dma_wait3A_492 = arith.constant 0 : i32
      %dma_wait3A_493 = tpu.memref_slice %arg2[%dma_wait3A_491, %dma_wait3A_492] : memref<20480x64xf32, #tpu.memory_space<hbm>> -> memref<20480x64xf32, #tpu.memory_space<hbm>>
      tpu.wait_indirect_dma semaphore(%arg17 : memref<!tpu.dma_semaphore, #tpu.memory_space<semaphore_mem>>) src(%dma_wait3A_493 : memref<20480x64xf32, #tpu.memory_space<hbm>>) dst(%arg10 : memref<125x64xf32, #tpu.memory_space<vmem>>)
      %dma_start3A_494 = arith.constant 0 : i32
      %dma_start3A_495 = tpu.memref_slice %arg7[%add3A_471, %dma_start3A_494] : memref<160x125xi32, #tpu.memory_space<vmem>> -> memref<1x125xi32, #tpu.memory_space<vmem>>
      %dma_start3A_496 = tpu.memref_squeeze %dma_start3A_495 : memref<1x125xi32, #tpu.memory_space<vmem>> -> memref<125xi32, #tpu.memory_space<vmem>>
      %dma_start3A_497 = arith.constant 0 : i32
      %dma_start3A_498 = arith.constant 0 : i32
      %dma_start3A_499 = tpu.memref_slice %arg14[%dma_start3A_497, %dma_start3A_498] : memref<10240x64xf32, #tpu.memory_space<vmem_shared>> -> memref<10240x64xf32, #tpu.memory_space<vmem_shared>>
      tpu.enqueue_indirect_dma source(%arg10 : memref<125x64xf32, #tpu.memory_space<vmem>>) target(%dma_start3A_499 : memref<10240x64xf32, #tpu.memory_space<vmem_shared>>) offsets(%dma_start3A_496 : memref<125xi32, #tpu.memory_space<vmem>>) semaphore(%arg23 : memref<!tpu.dma_semaphore, #tpu.memory_space<semaphore_mem>>) {add = true}
    }
    %scan3A_97 = arith.constant 25 : i32
    %dma_wait3A_98 = arith.constant 150 : i32
    %dma_wait3A_99 = arith.constant 0 : i32
    %dma_wait3A_100 = tpu.memref_slice %arg7[%dma_wait3A_98, %dma_wait3A_99] : memref<160x125xi32, #tpu.memory_space<vmem>> -> memref<1x125xi32, #tpu.memory_space<vmem>>
    %dma_wait3A_101 = tpu.memref_squeeze %dma_wait3A_100 : memref<1x125xi32, #tpu.memory_space<vmem>> -> memref<125xi32, #tpu.memory_space<vmem>>
    %dma_wait3A_102 = arith.constant 0 : i32
    %dma_wait3A_103 = arith.constant 0 : i32
    %dma_wait3A_104 = tpu.memref_slice %arg14[%dma_wait3A_102, %dma_wait3A_103] : memref<10240x64xf32, #tpu.memory_space<vmem_shared>> -> memref<10240x64xf32, #tpu.memory_space<vmem_shared>>
    tpu.wait_indirect_dma semaphore(%arg21 : memref<!tpu.dma_semaphore, #tpu.memory_space<semaphore_mem>>) src(%arg8 : memref<125x64xf32, #tpu.memory_space<vmem>>) dst(%dma_wait3A_104 : memref<10240x64xf32, #tpu.memory_space<vmem_shared>>)
    %dma_start3A_105 = arith.constant 156 : i32
    %dma_start3A_106 = arith.constant 0 : i32
    %dma_start3A_107 = tpu.memref_slice %arg6[%dma_start3A_105, %dma_start3A_106] : memref<160x125xi32, #tpu.memory_space<vmem>> -> memref<1x125xi32, #tpu.memory_space<vmem>>
    %dma_start3A_108 = tpu.memref_squeeze %dma_start3A_107 : memref<1x125xi32, #tpu.memory_space<vmem>> -> memref<125xi32, #tpu.memory_space<vmem>>
    %dma_start3A_109 = arith.constant 0 : i32
    %dma_start3A_110 = arith.constant 0 : i32
    %dma_start3A_111 = tpu.memref_slice %arg2[%dma_start3A_109, %dma_start3A_110] : memref<20480x64xf32, #tpu.memory_space<hbm>> -> memref<20480x64xf32, #tpu.memory_space<hbm>>
    tpu.enqueue_indirect_dma source(%dma_start3A_111 : memref<20480x64xf32, #tpu.memory_space<hbm>>) target(%arg8 : memref<125x64xf32, #tpu.memory_space<vmem>>) offsets(%dma_start3A_108 : memref<125xi32, #tpu.memory_space<vmem>>) semaphore(%arg15 : memref<!tpu.dma_semaphore, #tpu.memory_space<semaphore_mem>>)
    %dma_wait3A_112 = arith.constant 153 : i32
    %dma_wait3A_113 = arith.constant 0 : i32
    %dma_wait3A_114 = tpu.memref_slice %arg6[%dma_wait3A_112, %dma_wait3A_113] : memref<160x125xi32, #tpu.memory_space<vmem>> -> memref<1x125xi32, #tpu.memory_space<vmem>>
    %dma_wait3A_115 = tpu.memref_squeeze %dma_wait3A_114 : memref<1x125xi32, #tpu.memory_space<vmem>> -> memref<125xi32, #tpu.memory_space<vmem>>
    %dma_wait3A_116 = arith.constant 0 : i32
    %dma_wait3A_117 = arith.constant 0 : i32
    %dma_wait3A_118 = tpu.memref_slice %arg2[%dma_wait3A_116, %dma_wait3A_117] : memref<20480x64xf32, #tpu.memory_space<hbm>> -> memref<20480x64xf32, #tpu.memory_space<hbm>>
    tpu.wait_indirect_dma semaphore(%arg18 : memref<!tpu.dma_semaphore, #tpu.memory_space<semaphore_mem>>) src(%dma_wait3A_118 : memref<20480x64xf32, #tpu.memory_space<hbm>>) dst(%arg11 : memref<125x64xf32, #tpu.memory_space<vmem>>)
    %dma_start3A_119 = arith.constant 153 : i32
    %dma_start3A_120 = arith.constant 0 : i32
    %dma_start3A_121 = tpu.memref_slice %arg7[%dma_start3A_119, %dma_start3A_120] : memref<160x125xi32, #tpu.memory_space<vmem>> -> memref<1x125xi32, #tpu.memory_space<vmem>>
    %dma_start3A_122 = tpu.memref_squeeze %dma_start3A_121 : memref<1x125xi32, #tpu.memory_space<vmem>> -> memref<125xi32, #tpu.memory_space<vmem>>
    %dma_start3A_123 = arith.constant 0 : i32
    %dma_start3A_124 = arith.constant 0 : i32
    %dma_start3A_125 = tpu.memref_slice %arg14[%dma_start3A_123, %dma_start3A_124] : memref<10240x64xf32, #tpu.memory_space<vmem_shared>> -> memref<10240x64xf32, #tpu.memory_space<vmem_shared>>
    tpu.enqueue_indirect_dma source(%arg11 : memref<125x64xf32, #tpu.memory_space<vmem>>) target(%dma_start3A_125 : memref<10240x64xf32, #tpu.memory_space<vmem_shared>>) offsets(%dma_start3A_122 : memref<125xi32, #tpu.memory_space<vmem>>) semaphore(%arg24 : memref<!tpu.dma_semaphore, #tpu.memory_space<semaphore_mem>>) {add = true}
    %dma_wait3A_126 = arith.constant 151 : i32
    %dma_wait3A_127 = arith.constant 0 : i32
    %dma_wait3A_128 = tpu.memref_slice %arg7[%dma_wait3A_126, %dma_wait3A_127] : memref<160x125xi32, #tpu.memory_space<vmem>> -> memref<1x125xi32, #tpu.memory_space<vmem>>
    %dma_wait3A_129 = tpu.memref_squeeze %dma_wait3A_128 : memref<1x125xi32, #tpu.memory_space<vmem>> -> memref<125xi32, #tpu.memory_space<vmem>>
    %dma_wait3A_130 = arith.constant 0 : i32
    %dma_wait3A_131 = arith.constant 0 : i32
    %dma_wait3A_132 = tpu.memref_slice %arg14[%dma_wait3A_130, %dma_wait3A_131] : memref<10240x64xf32, #tpu.memory_space<vmem_shared>> -> memref<10240x64xf32, #tpu.memory_space<vmem_shared>>
    tpu.wait_indirect_dma semaphore(%arg22 : memref<!tpu.dma_semaphore, #tpu.memory_space<semaphore_mem>>) src(%arg9 : memref<125x64xf32, #tpu.memory_space<vmem>>) dst(%dma_wait3A_132 : memref<10240x64xf32, #tpu.memory_space<vmem_shared>>)
    %dma_start3A_133 = arith.constant 157 : i32
    %dma_start3A_134 = arith.constant 0 : i32
    %dma_start3A_135 = tpu.memref_slice %arg6[%dma_start3A_133, %dma_start3A_134] : memref<160x125xi32, #tpu.memory_space<vmem>> -> memref<1x125xi32, #tpu.memory_space<vmem>>
    %dma_start3A_136 = tpu.memref_squeeze %dma_start3A_135 : memref<1x125xi32, #tpu.memory_space<vmem>> -> memref<125xi32, #tpu.memory_space<vmem>>
    %dma_start3A_137 = arith.constant 0 : i32
    %dma_start3A_138 = arith.constant 0 : i32
    %dma_start3A_139 = tpu.memref_slice %arg2[%dma_start3A_137, %dma_start3A_138] : memref<20480x64xf32, #tpu.memory_space<hbm>> -> memref<20480x64xf32, #tpu.memory_space<hbm>>
    tpu.enqueue_indirect_dma source(%dma_start3A_139 : memref<20480x64xf32, #tpu.memory_space<hbm>>) target(%arg9 : memref<125x64xf32, #tpu.memory_space<vmem>>) offsets(%dma_start3A_136 : memref<125xi32, #tpu.memory_space<vmem>>) semaphore(%arg16 : memref<!tpu.dma_semaphore, #tpu.memory_space<semaphore_mem>>)
    %dma_wait3A_140 = arith.constant 154 : i32
    %dma_wait3A_141 = arith.constant 0 : i32
    %dma_wait3A_142 = tpu.memref_slice %arg6[%dma_wait3A_140, %dma_wait3A_141] : memref<160x125xi32, #tpu.memory_space<vmem>> -> memref<1x125xi32, #tpu.memory_space<vmem>>
    %dma_wait3A_143 = tpu.memref_squeeze %dma_wait3A_142 : memref<1x125xi32, #tpu.memory_space<vmem>> -> memref<125xi32, #tpu.memory_space<vmem>>
    %dma_wait3A_144 = arith.constant 0 : i32
    %dma_wait3A_145 = arith.constant 0 : i32
    %dma_wait3A_146 = tpu.memref_slice %arg2[%dma_wait3A_144, %dma_wait3A_145] : memref<20480x64xf32, #tpu.memory_space<hbm>> -> memref<20480x64xf32, #tpu.memory_space<hbm>>
    tpu.wait_indirect_dma semaphore(%arg19 : memref<!tpu.dma_semaphore, #tpu.memory_space<semaphore_mem>>) src(%dma_wait3A_146 : memref<20480x64xf32, #tpu.memory_space<hbm>>) dst(%arg12 : memref<125x64xf32, #tpu.memory_space<vmem>>)
    %dma_start3A_147 = arith.constant 154 : i32
    %dma_start3A_148 = arith.constant 0 : i32
    %dma_start3A_149 = tpu.memref_slice %arg7[%dma_start3A_147, %dma_start3A_148] : memref<160x125xi32, #tpu.memory_space<vmem>> -> memref<1x125xi32, #tpu.memory_space<vmem>>
    %dma_start3A_150 = tpu.memref_squeeze %dma_start3A_149 : memref<1x125xi32, #tpu.memory_space<vmem>> -> memref<125xi32, #tpu.memory_space<vmem>>
    %dma_start3A_151 = arith.constant 0 : i32
    %dma_start3A_152 = arith.constant 0 : i32
    %dma_start3A_153 = tpu.memref_slice %arg14[%dma_start3A_151, %dma_start3A_152] : memref<10240x64xf32, #tpu.memory_space<vmem_shared>> -> memref<10240x64xf32, #tpu.memory_space<vmem_shared>>
    tpu.enqueue_indirect_dma source(%arg12 : memref<125x64xf32, #tpu.memory_space<vmem>>) target(%dma_start3A_153 : memref<10240x64xf32, #tpu.memory_space<vmem_shared>>) offsets(%dma_start3A_150 : memref<125xi32, #tpu.memory_space<vmem>>) semaphore(%arg25 : memref<!tpu.dma_semaphore, #tpu.memory_space<semaphore_mem>>) {add = true}
    %dma_wait3A_154 = arith.constant 152 : i32
    %dma_wait3A_155 = arith.constant 0 : i32
    %dma_wait3A_156 = tpu.memref_slice %arg7[%dma_wait3A_154, %dma_wait3A_155] : memref<160x125xi32, #tpu.memory_space<vmem>> -> memref<1x125xi32, #tpu.memory_space<vmem>>
    %dma_wait3A_157 = tpu.memref_squeeze %dma_wait3A_156 : memref<1x125xi32, #tpu.memory_space<vmem>> -> memref<125xi32, #tpu.memory_space<vmem>>
    %dma_wait3A_158 = arith.constant 0 : i32
    %dma_wait3A_159 = arith.constant 0 : i32
    %dma_wait3A_160 = tpu.memref_slice %arg14[%dma_wait3A_158, %dma_wait3A_159] : memref<10240x64xf32, #tpu.memory_space<vmem_shared>> -> memref<10240x64xf32, #tpu.memory_space<vmem_shared>>
    tpu.wait_indirect_dma semaphore(%arg23 : memref<!tpu.dma_semaphore, #tpu.memory_space<semaphore_mem>>) src(%arg10 : memref<125x64xf32, #tpu.memory_space<vmem>>) dst(%dma_wait3A_160 : memref<10240x64xf32, #tpu.memory_space<vmem_shared>>)
    %dma_start3A_161 = arith.constant 158 : i32
    %dma_start3A_162 = arith.constant 0 : i32
    %dma_start3A_163 = tpu.memref_slice %arg6[%dma_start3A_161, %dma_start3A_162] : memref<160x125xi32, #tpu.memory_space<vmem>> -> memref<1x125xi32, #tpu.memory_space<vmem>>
    %dma_start3A_164 = tpu.memref_squeeze %dma_start3A_163 : memref<1x125xi32, #tpu.memory_space<vmem>> -> memref<125xi32, #tpu.memory_space<vmem>>
    %dma_start3A_165 = arith.constant 0 : i32
    %dma_start3A_166 = arith.constant 0 : i32
    %dma_start3A_167 = tpu.memref_slice %arg2[%dma_start3A_165, %dma_start3A_166] : memref<20480x64xf32, #tpu.memory_space<hbm>> -> memref<20480x64xf32, #tpu.memory_space<hbm>>
    tpu.enqueue_indirect_dma source(%dma_start3A_167 : memref<20480x64xf32, #tpu.memory_space<hbm>>) target(%arg10 : memref<125x64xf32, #tpu.memory_space<vmem>>) offsets(%dma_start3A_164 : memref<125xi32, #tpu.memory_space<vmem>>) semaphore(%arg17 : memref<!tpu.dma_semaphore, #tpu.memory_space<semaphore_mem>>)
    %dma_wait3A_168 = arith.constant 155 : i32
    %dma_wait3A_169 = arith.constant 0 : i32
    %dma_wait3A_170 = tpu.memref_slice %arg6[%dma_wait3A_168, %dma_wait3A_169] : memref<160x125xi32, #tpu.memory_space<vmem>> -> memref<1x125xi32, #tpu.memory_space<vmem>>
    %dma_wait3A_171 = tpu.memref_squeeze %dma_wait3A_170 : memref<1x125xi32, #tpu.memory_space<vmem>> -> memref<125xi32, #tpu.memory_space<vmem>>
    %dma_wait3A_172 = arith.constant 0 : i32
    %dma_wait3A_173 = arith.constant 0 : i32
    %dma_wait3A_174 = tpu.memref_slice %arg2[%dma_wait3A_172, %dma_wait3A_173] : memref<20480x64xf32, #tpu.memory_space<hbm>> -> memref<20480x64xf32, #tpu.memory_space<hbm>>
    tpu.wait_indirect_dma semaphore(%arg20 : memref<!tpu.dma_semaphore, #tpu.memory_space<semaphore_mem>>) src(%dma_wait3A_174 : memref<20480x64xf32, #tpu.memory_space<hbm>>) dst(%arg13 : memref<125x64xf32, #tpu.memory_space<vmem>>)
    %dma_start3A_175 = arith.constant 155 : i32
    %dma_start3A_176 = arith.constant 0 : i32
    %dma_start3A_177 = tpu.memref_slice %arg7[%dma_start3A_175, %dma_start3A_176] : memref<160x125xi32, #tpu.memory_space<vmem>> -> memref<1x125xi32, #tpu.memory_space<vmem>>
    %dma_start3A_178 = tpu.memref_squeeze %dma_start3A_177 : memref<1x125xi32, #tpu.memory_space<vmem>> -> memref<125xi32, #tpu.memory_space<vmem>>
    %dma_start3A_179 = arith.constant 0 : i32
    %dma_start3A_180 = arith.constant 0 : i32
    %dma_start3A_181 = tpu.memref_slice %arg14[%dma_start3A_179, %dma_start3A_180] : memref<10240x64xf32, #tpu.memory_space<vmem_shared>> -> memref<10240x64xf32, #tpu.memory_space<vmem_shared>>
    tpu.enqueue_indirect_dma source(%arg13 : memref<125x64xf32, #tpu.memory_space<vmem>>) target(%dma_start3A_181 : memref<10240x64xf32, #tpu.memory_space<vmem_shared>>) offsets(%dma_start3A_178 : memref<125xi32, #tpu.memory_space<vmem>>) semaphore(%arg26 : memref<!tpu.dma_semaphore, #tpu.memory_space<semaphore_mem>>) {add = true}
    %dma_wait3A_182 = arith.constant 153 : i32
    %dma_wait3A_183 = arith.constant 0 : i32
    %dma_wait3A_184 = tpu.memref_slice %arg7[%dma_wait3A_182, %dma_wait3A_183] : memref<160x125xi32, #tpu.memory_space<vmem>> -> memref<1x125xi32, #tpu.memory_space<vmem>>
    %dma_wait3A_185 = tpu.memref_squeeze %dma_wait3A_184 : memref<1x125xi32, #tpu.memory_space<vmem>> -> memref<125xi32, #tpu.memory_space<vmem>>
    %dma_wait3A_186 = arith.constant 0 : i32
    %dma_wait3A_187 = arith.constant 0 : i32
    %dma_wait3A_188 = tpu.memref_slice %arg14[%dma_wait3A_186, %dma_wait3A_187] : memref<10240x64xf32, #tpu.memory_space<vmem_shared>> -> memref<10240x64xf32, #tpu.memory_space<vmem_shared>>
    tpu.wait_indirect_dma semaphore(%arg24 : memref<!tpu.dma_semaphore, #tpu.memory_space<semaphore_mem>>) src(%arg11 : memref<125x64xf32, #tpu.memory_space<vmem>>) dst(%dma_wait3A_188 : memref<10240x64xf32, #tpu.memory_space<vmem_shared>>)
    %dma_start3A_189 = arith.constant 159 : i32
    %dma_start3A_190 = arith.constant 0 : i32
    %dma_start3A_191 = tpu.memref_slice %arg6[%dma_start3A_189, %dma_start3A_190] : memref<160x125xi32, #tpu.memory_space<vmem>> -> memref<1x125xi32, #tpu.memory_space<vmem>>
    %dma_start3A_192 = tpu.memref_squeeze %dma_start3A_191 : memref<1x125xi32, #tpu.memory_space<vmem>> -> memref<125xi32, #tpu.memory_space<vmem>>
    %dma_start3A_193 = arith.constant 0 : i32
    %dma_start3A_194 = arith.constant 0 : i32
    %dma_start3A_195 = tpu.memref_slice %arg2[%dma_start3A_193, %dma_start3A_194] : memref<20480x64xf32, #tpu.memory_space<hbm>> -> memref<20480x64xf32, #tpu.memory_space<hbm>>
    tpu.enqueue_indirect_dma source(%dma_start3A_195 : memref<20480x64xf32, #tpu.memory_space<hbm>>) target(%arg11 : memref<125x64xf32, #tpu.memory_space<vmem>>) offsets(%dma_start3A_192 : memref<125xi32, #tpu.memory_space<vmem>>) semaphore(%arg18 : memref<!tpu.dma_semaphore, #tpu.memory_space<semaphore_mem>>)
    %dma_wait3A_196 = arith.constant 156 : i32
    %dma_wait3A_197 = arith.constant 0 : i32
    %dma_wait3A_198 = tpu.memref_slice %arg6[%dma_wait3A_196, %dma_wait3A_197] : memref<160x125xi32, #tpu.memory_space<vmem>> -> memref<1x125xi32, #tpu.memory_space<vmem>>
    %dma_wait3A_199 = tpu.memref_squeeze %dma_wait3A_198 : memref<1x125xi32, #tpu.memory_space<vmem>> -> memref<125xi32, #tpu.memory_space<vmem>>
    %dma_wait3A_200 = arith.constant 0 : i32
    %dma_wait3A_201 = arith.constant 0 : i32
    %dma_wait3A_202 = tpu.memref_slice %arg2[%dma_wait3A_200, %dma_wait3A_201] : memref<20480x64xf32, #tpu.memory_space<hbm>> -> memref<20480x64xf32, #tpu.memory_space<hbm>>
    tpu.wait_indirect_dma semaphore(%arg15 : memref<!tpu.dma_semaphore, #tpu.memory_space<semaphore_mem>>) src(%dma_wait3A_202 : memref<20480x64xf32, #tpu.memory_space<hbm>>) dst(%arg8 : memref<125x64xf32, #tpu.memory_space<vmem>>)
    %dma_start3A_203 = arith.constant 156 : i32
    %dma_start3A_204 = arith.constant 0 : i32
    %dma_start3A_205 = tpu.memref_slice %arg7[%dma_start3A_203, %dma_start3A_204] : memref<160x125xi32, #tpu.memory_space<vmem>> -> memref<1x125xi32, #tpu.memory_space<vmem>>
    %dma_start3A_206 = tpu.memref_squeeze %dma_start3A_205 : memref<1x125xi32, #tpu.memory_space<vmem>> -> memref<125xi32, #tpu.memory_space<vmem>>
    %dma_start3A_207 = arith.constant 0 : i32
    %dma_start3A_208 = arith.constant 0 : i32
    %dma_start3A_209 = tpu.memref_slice %arg14[%dma_start3A_207, %dma_start3A_208] : memref<10240x64xf32, #tpu.memory_space<vmem_shared>> -> memref<10240x64xf32, #tpu.memory_space<vmem_shared>>
    tpu.enqueue_indirect_dma source(%arg8 : memref<125x64xf32, #tpu.memory_space<vmem>>) target(%dma_start3A_209 : memref<10240x64xf32, #tpu.memory_space<vmem_shared>>) offsets(%dma_start3A_206 : memref<125xi32, #tpu.memory_space<vmem>>) semaphore(%arg21 : memref<!tpu.dma_semaphore, #tpu.memory_space<semaphore_mem>>) {add = true}
    %dma_wait3A_210 = arith.constant 154 : i32
    %dma_wait3A_211 = arith.constant 0 : i32
    %dma_wait3A_212 = tpu.memref_slice %arg7[%dma_wait3A_210, %dma_wait3A_211] : memref<160x125xi32, #tpu.memory_space<vmem>> -> memref<1x125xi32, #tpu.memory_space<vmem>>
    %dma_wait3A_213 = tpu.memref_squeeze %dma_wait3A_212 : memref<1x125xi32, #tpu.memory_space<vmem>> -> memref<125xi32, #tpu.memory_space<vmem>>
    %dma_wait3A_214 = arith.constant 0 : i32
    %dma_wait3A_215 = arith.constant 0 : i32
    %dma_wait3A_216 = tpu.memref_slice %arg14[%dma_wait3A_214, %dma_wait3A_215] : memref<10240x64xf32, #tpu.memory_space<vmem_shared>> -> memref<10240x64xf32, #tpu.memory_space<vmem_shared>>
    tpu.wait_indirect_dma semaphore(%arg25 : memref<!tpu.dma_semaphore, #tpu.memory_space<semaphore_mem>>) src(%arg12 : memref<125x64xf32, #tpu.memory_space<vmem>>) dst(%dma_wait3A_216 : memref<10240x64xf32, #tpu.memory_space<vmem_shared>>)
    %dma_wait3A_217 = arith.constant 157 : i32
    %dma_wait3A_218 = arith.constant 0 : i32
    %dma_wait3A_219 = tpu.memref_slice %arg6[%dma_wait3A_217, %dma_wait3A_218] : memref<160x125xi32, #tpu.memory_space<vmem>> -> memref<1x125xi32, #tpu.memory_space<vmem>>
    %dma_wait3A_220 = tpu.memref_squeeze %dma_wait3A_219 : memref<1x125xi32, #tpu.memory_space<vmem>> -> memref<125xi32, #tpu.memory_space<vmem>>
    %dma_wait3A_221 = arith.constant 0 : i32
    %dma_wait3A_222 = arith.constant 0 : i32
    %dma_wait3A_223 = tpu.memref_slice %arg2[%dma_wait3A_221, %dma_wait3A_222] : memref<20480x64xf32, #tpu.memory_space<hbm>> -> memref<20480x64xf32, #tpu.memory_space<hbm>>
    tpu.wait_indirect_dma semaphore(%arg16 : memref<!tpu.dma_semaphore, #tpu.memory_space<semaphore_mem>>) src(%dma_wait3A_223 : memref<20480x64xf32, #tpu.memory_space<hbm>>) dst(%arg9 : memref<125x64xf32, #tpu.memory_space<vmem>>)
    %dma_start3A_224 = arith.constant 157 : i32
    %dma_start3A_225 = arith.constant 0 : i32
    %dma_start3A_226 = tpu.memref_slice %arg7[%dma_start3A_224, %dma_start3A_225] : memref<160x125xi32, #tpu.memory_space<vmem>> -> memref<1x125xi32, #tpu.memory_space<vmem>>
    %dma_start3A_227 = tpu.memref_squeeze %dma_start3A_226 : memref<1x125xi32, #tpu.memory_space<vmem>> -> memref<125xi32, #tpu.memory_space<vmem>>
    %dma_start3A_228 = arith.constant 0 : i32
    %dma_start3A_229 = arith.constant 0 : i32
    %dma_start3A_230 = tpu.memref_slice %arg14[%dma_start3A_228, %dma_start3A_229] : memref<10240x64xf32, #tpu.memory_space<vmem_shared>> -> memref<10240x64xf32, #tpu.memory_space<vmem_shared>>
    tpu.enqueue_indirect_dma source(%arg9 : memref<125x64xf32, #tpu.memory_space<vmem>>) target(%dma_start3A_230 : memref<10240x64xf32, #tpu.memory_space<vmem_shared>>) offsets(%dma_start3A_227 : memref<125xi32, #tpu.memory_space<vmem>>) semaphore(%arg22 : memref<!tpu.dma_semaphore, #tpu.memory_space<semaphore_mem>>) {add = true}
    %dma_wait3A_231 = arith.constant 155 : i32
    %dma_wait3A_232 = arith.constant 0 : i32
    %dma_wait3A_233 = tpu.memref_slice %arg7[%dma_wait3A_231, %dma_wait3A_232] : memref<160x125xi32, #tpu.memory_space<vmem>> -> memref<1x125xi32, #tpu.memory_space<vmem>>
    %dma_wait3A_234 = tpu.memref_squeeze %dma_wait3A_233 : memref<1x125xi32, #tpu.memory_space<vmem>> -> memref<125xi32, #tpu.memory_space<vmem>>
    %dma_wait3A_235 = arith.constant 0 : i32
    %dma_wait3A_236 = arith.constant 0 : i32
    %dma_wait3A_237 = tpu.memref_slice %arg14[%dma_wait3A_235, %dma_wait3A_236] : memref<10240x64xf32, #tpu.memory_space<vmem_shared>> -> memref<10240x64xf32, #tpu.memory_space<vmem_shared>>
    tpu.wait_indirect_dma semaphore(%arg26 : memref<!tpu.dma_semaphore, #tpu.memory_space<semaphore_mem>>) src(%arg13 : memref<125x64xf32, #tpu.memory_space<vmem>>) dst(%dma_wait3A_237 : memref<10240x64xf32, #tpu.memory_space<vmem_shared>>)
    %dma_wait3A_238 = arith.constant 158 : i32
    %dma_wait3A_239 = arith.constant 0 : i32
    %dma_wait3A_240 = tpu.memref_slice %arg6[%dma_wait3A_238, %dma_wait3A_239] : memref<160x125xi32, #tpu.memory_space<vmem>> -> memref<1x125xi32, #tpu.memory_space<vmem>>
    %dma_wait3A_241 = tpu.memref_squeeze %dma_wait3A_240 : memref<1x125xi32, #tpu.memory_space<vmem>> -> memref<125xi32, #tpu.memory_space<vmem>>
    %dma_wait3A_242 = arith.constant 0 : i32
    %dma_wait3A_243 = arith.constant 0 : i32
    %dma_wait3A_244 = tpu.memref_slice %arg2[%dma_wait3A_242, %dma_wait3A_243] : memref<20480x64xf32, #tpu.memory_space<hbm>> -> memref<20480x64xf32, #tpu.memory_space<hbm>>
    tpu.wait_indirect_dma semaphore(%arg17 : memref<!tpu.dma_semaphore, #tpu.memory_space<semaphore_mem>>) src(%dma_wait3A_244 : memref<20480x64xf32, #tpu.memory_space<hbm>>) dst(%arg10 : memref<125x64xf32, #tpu.memory_space<vmem>>)
    %dma_start3A_245 = arith.constant 158 : i32
    %dma_start3A_246 = arith.constant 0 : i32
    %dma_start3A_247 = tpu.memref_slice %arg7[%dma_start3A_245, %dma_start3A_246] : memref<160x125xi32, #tpu.memory_space<vmem>> -> memref<1x125xi32, #tpu.memory_space<vmem>>
    %dma_start3A_248 = tpu.memref_squeeze %dma_start3A_247 : memref<1x125xi32, #tpu.memory_space<vmem>> -> memref<125xi32, #tpu.memory_space<vmem>>
    %dma_start3A_249 = arith.constant 0 : i32
    %dma_start3A_250 = arith.constant 0 : i32
    %dma_start3A_251 = tpu.memref_slice %arg14[%dma_start3A_249, %dma_start3A_250] : memref<10240x64xf32, #tpu.memory_space<vmem_shared>> -> memref<10240x64xf32, #tpu.memory_space<vmem_shared>>
    tpu.enqueue_indirect_dma source(%arg10 : memref<125x64xf32, #tpu.memory_space<vmem>>) target(%dma_start3A_251 : memref<10240x64xf32, #tpu.memory_space<vmem_shared>>) offsets(%dma_start3A_248 : memref<125xi32, #tpu.memory_space<vmem>>) semaphore(%arg23 : memref<!tpu.dma_semaphore, #tpu.memory_space<semaphore_mem>>) {add = true}
    %dma_wait3A_252 = arith.constant 156 : i32
    %dma_wait3A_253 = arith.constant 0 : i32
    %dma_wait3A_254 = tpu.memref_slice %arg7[%dma_wait3A_252, %dma_wait3A_253] : memref<160x125xi32, #tpu.memory_space<vmem>> -> memref<1x125xi32, #tpu.memory_space<vmem>>
    %dma_wait3A_255 = tpu.memref_squeeze %dma_wait3A_254 : memref<1x125xi32, #tpu.memory_space<vmem>> -> memref<125xi32, #tpu.memory_space<vmem>>
    %dma_wait3A_256 = arith.constant 0 : i32
    %dma_wait3A_257 = arith.constant 0 : i32
    %dma_wait3A_258 = tpu.memref_slice %arg14[%dma_wait3A_256, %dma_wait3A_257] : memref<10240x64xf32, #tpu.memory_space<vmem_shared>> -> memref<10240x64xf32, #tpu.memory_space<vmem_shared>>
    tpu.wait_indirect_dma semaphore(%arg21 : memref<!tpu.dma_semaphore, #tpu.memory_space<semaphore_mem>>) src(%arg8 : memref<125x64xf32, #tpu.memory_space<vmem>>) dst(%dma_wait3A_258 : memref<10240x64xf32, #tpu.memory_space<vmem_shared>>)
    %dma_wait3A_259 = arith.constant 159 : i32
    %dma_wait3A_260 = arith.constant 0 : i32
    %dma_wait3A_261 = tpu.memref_slice %arg6[%dma_wait3A_259, %dma_wait3A_260] : memref<160x125xi32, #tpu.memory_space<vmem>> -> memref<1x125xi32, #tpu.memory_space<vmem>>
    %dma_wait3A_262 = tpu.memref_squeeze %dma_wait3A_261 : memref<1x125xi32, #tpu.memory_space<vmem>> -> memref<125xi32, #tpu.memory_space<vmem>>
    %dma_wait3A_263 = arith.constant 0 : i32
    %dma_wait3A_264 = arith.constant 0 : i32
    %dma_wait3A_265 = tpu.memref_slice %arg2[%dma_wait3A_263, %dma_wait3A_264] : memref<20480x64xf32, #tpu.memory_space<hbm>> -> memref<20480x64xf32, #tpu.memory_space<hbm>>
    tpu.wait_indirect_dma semaphore(%arg18 : memref<!tpu.dma_semaphore, #tpu.memory_space<semaphore_mem>>) src(%dma_wait3A_265 : memref<20480x64xf32, #tpu.memory_space<hbm>>) dst(%arg11 : memref<125x64xf32, #tpu.memory_space<vmem>>)
    %dma_start3A_266 = arith.constant 159 : i32
    %dma_start3A_267 = arith.constant 0 : i32
    %dma_start3A_268 = tpu.memref_slice %arg7[%dma_start3A_266, %dma_start3A_267] : memref<160x125xi32, #tpu.memory_space<vmem>> -> memref<1x125xi32, #tpu.memory_space<vmem>>
    %dma_start3A_269 = tpu.memref_squeeze %dma_start3A_268 : memref<1x125xi32, #tpu.memory_space<vmem>> -> memref<125xi32, #tpu.memory_space<vmem>>
    %dma_start3A_270 = arith.constant 0 : i32
    %dma_start3A_271 = arith.constant 0 : i32
    %dma_start3A_272 = tpu.memref_slice %arg14[%dma_start3A_270, %dma_start3A_271] : memref<10240x64xf32, #tpu.memory_space<vmem_shared>> -> memref<10240x64xf32, #tpu.memory_space<vmem_shared>>
    tpu.enqueue_indirect_dma source(%arg11 : memref<125x64xf32, #tpu.memory_space<vmem>>) target(%dma_start3A_272 : memref<10240x64xf32, #tpu.memory_space<vmem_shared>>) offsets(%dma_start3A_269 : memref<125xi32, #tpu.memory_space<vmem>>) semaphore(%arg24 : memref<!tpu.dma_semaphore, #tpu.memory_space<semaphore_mem>>) {add = true}
    %dma_wait3A_273 = arith.constant 157 : i32
    %dma_wait3A_274 = arith.constant 0 : i32
    %dma_wait3A_275 = tpu.memref_slice %arg7[%dma_wait3A_273, %dma_wait3A_274] : memref<160x125xi32, #tpu.memory_space<vmem>> -> memref<1x125xi32, #tpu.memory_space<vmem>>
    %dma_wait3A_276 = tpu.memref_squeeze %dma_wait3A_275 : memref<1x125xi32, #tpu.memory_space<vmem>> -> memref<125xi32, #tpu.memory_space<vmem>>
    %dma_wait3A_277 = arith.constant 0 : i32
    %dma_wait3A_278 = arith.constant 0 : i32
    %dma_wait3A_279 = tpu.memref_slice %arg14[%dma_wait3A_277, %dma_wait3A_278] : memref<10240x64xf32, #tpu.memory_space<vmem_shared>> -> memref<10240x64xf32, #tpu.memory_space<vmem_shared>>
    tpu.wait_indirect_dma semaphore(%arg22 : memref<!tpu.dma_semaphore, #tpu.memory_space<semaphore_mem>>) src(%arg9 : memref<125x64xf32, #tpu.memory_space<vmem>>) dst(%dma_wait3A_279 : memref<10240x64xf32, #tpu.memory_space<vmem_shared>>)
    %dma_wait3A_280 = arith.constant 158 : i32
    %dma_wait3A_281 = arith.constant 0 : i32
    %dma_wait3A_282 = tpu.memref_slice %arg7[%dma_wait3A_280, %dma_wait3A_281] : memref<160x125xi32, #tpu.memory_space<vmem>> -> memref<1x125xi32, #tpu.memory_space<vmem>>
    %dma_wait3A_283 = tpu.memref_squeeze %dma_wait3A_282 : memref<1x125xi32, #tpu.memory_space<vmem>> -> memref<125xi32, #tpu.memory_space<vmem>>
    %dma_wait3A_284 = arith.constant 0 : i32
    %dma_wait3A_285 = arith.constant 0 : i32
    %dma_wait3A_286 = tpu.memref_slice %arg14[%dma_wait3A_284, %dma_wait3A_285] : memref<10240x64xf32, #tpu.memory_space<vmem_shared>> -> memref<10240x64xf32, #tpu.memory_space<vmem_shared>>
    tpu.wait_indirect_dma semaphore(%arg23 : memref<!tpu.dma_semaphore, #tpu.memory_space<semaphore_mem>>) src(%arg10 : memref<125x64xf32, #tpu.memory_space<vmem>>) dst(%dma_wait3A_286 : memref<10240x64xf32, #tpu.memory_space<vmem_shared>>)
    %dma_wait3A_287 = arith.constant 159 : i32
    %dma_wait3A_288 = arith.constant 0 : i32
    %dma_wait3A_289 = tpu.memref_slice %arg7[%dma_wait3A_287, %dma_wait3A_288] : memref<160x125xi32, #tpu.memory_space<vmem>> -> memref<1x125xi32, #tpu.memory_space<vmem>>
    %dma_wait3A_290 = tpu.memref_squeeze %dma_wait3A_289 : memref<1x125xi32, #tpu.memory_space<vmem>> -> memref<125xi32, #tpu.memory_space<vmem>>
    %dma_wait3A_291 = arith.constant 0 : i32
    %dma_wait3A_292 = arith.constant 0 : i32
    %dma_wait3A_293 = tpu.memref_slice %arg14[%dma_wait3A_291, %dma_wait3A_292] : memref<10240x64xf32, #tpu.memory_space<vmem_shared>> -> memref<10240x64xf32, #tpu.memory_space<vmem_shared>>
    tpu.wait_indirect_dma semaphore(%arg24 : memref<!tpu.dma_semaphore, #tpu.memory_space<semaphore_mem>>) src(%arg11 : memref<125x64xf32, #tpu.memory_space<vmem>>) dst(%dma_wait3A_293 : memref<10240x64xf32, #tpu.memory_space<vmem_shared>>)
    %barrier3A_294 = arith.constant 0 : index
    tpu.barrier barrier_id(%barrier3A_294)
    %mul3A_295 = arith.constant 640 : i32
    %mul3A_296 = arith.muli %arg1, %mul3A_295 : i32
    "tpu.region"() ({
      %run_scoped3A = tpu.sem_alloc : memref<!tpu.dma_semaphore, #tpu.memory_space<semaphore_mem>>
      %dma_start3A_297 = arith.constant 0 : i32
      %dma_start3A_298 = tpu.memref_slice %arg5[%arg0, %mul3A_296, %dma_start3A_297] : memref<2x10240x64xf32, #tpu.memory_space<hbm>> -> memref<1x640x64xf32, #tpu.memory_space<hbm>>
      %dma_start3A_299 = tpu.memref_squeeze %dma_start3A_298 : memref<1x640x64xf32, #tpu.memory_space<hbm>> -> memref<640x64xf32, #tpu.memory_space<hbm>>
      %dma_start3A_300 = arith.constant 0 : i32
      %dma_start3A_301 = tpu.memref_slice %arg14[%mul3A_296, %dma_start3A_300] : memref<10240x64xf32, #tpu.memory_space<vmem_shared>> -> memref<640x64xf32, #tpu.memory_space<vmem_shared>>
      tpu.enqueue_dma source(%dma_start3A_301 : memref<640x64xf32, #tpu.memory_space<vmem_shared>>) target(%dma_start3A_299 : memref<640x64xf32, #tpu.memory_space<hbm>>) target_semaphore(%run_scoped3A : memref<!tpu.dma_semaphore, #tpu.memory_space<semaphore_mem>>)
      %dma_wait3A_302 = arith.constant 0 : i32
      %dma_wait3A_303 = tpu.memref_slice %arg5[%arg0, %mul3A_296, %dma_wait3A_302] : memref<2x10240x64xf32, #tpu.memory_space<hbm>> -> memref<1x640x64xf32, #tpu.memory_space<hbm>>
      %dma_wait3A_304 = tpu.memref_squeeze %dma_wait3A_303 : memref<1x640x64xf32, #tpu.memory_space<hbm>> -> memref<640x64xf32, #tpu.memory_space<hbm>>
      %dma_wait3A_305 = arith.constant 0 : i32
      %dma_wait3A_306 = tpu.memref_slice %arg14[%mul3A_296, %dma_wait3A_305] : memref<10240x64xf32, #tpu.memory_space<vmem_shared>> -> memref<640x64xf32, #tpu.memory_space<vmem_shared>>
      tpu.wait_dma2 semaphore(%run_scoped3A : memref<!tpu.dma_semaphore, #tpu.memory_space<semaphore_mem>>) src(%dma_wait3A_306 : memref<640x64xf32, #tpu.memory_space<vmem_shared>>) dst(%dma_wait3A_304 : memref<640x64xf32, #tpu.memory_space<hbm>>)
      tpu.yield
    }) : () -> ()
    return
  }
}

#map = affine_map<(d0, d1) -> (0, 0)>
module attributes {stable_mosaic.version = 14 : i64} {
  func.func @k(%arg0: i32, %arg1: i32, %arg2: memref<10240x128xf32, #tpu.memory_space<hbm>>, %arg3: memref<128x80xi32, #tpu.memory_space<hbm>>, %arg4: memref<1984x128xf32, #tpu.memory_space<hbm>>, %arg5: memref<8x80xi32, #tpu.memory_space<vmem>>, %arg6: memref<124x128xf32, #tpu.memory_space<vmem>>, %arg7: memref<80x128xf32, #tpu.memory_space<vmem>>, %arg8: memref<80x128xf32, #tpu.memory_space<vmem>>, %arg9: memref<!tpu.dma_semaphore, #tpu.memory_space<semaphore_mem>>, %arg10: memref<!tpu.dma_semaphore, #tpu.memory_space<semaphore_mem>>) attributes {dimension_semantics = [#tpu.dimension_semantics<core_parallel>, #tpu.dimension_semantics<subcore_parallel>], iteration_bounds = array<i64: 2, 16>, scalar_prefetch = 0 : i64, scratch_operands = 6 : i64, tpu.core_type = #tpu.core_type<sc_vector_subcore>, window_params = [{transform_indices = #map}, {transform_indices = #map}, {transform_indices = #map}]} {
    %broadcast_in_dim3A = arith.constant 0.000000e+00 : f32
    %broadcast_in_dim3A_0 = vector.broadcast %broadcast_in_dim3A : f32 to vector<16xf32>
    %eq3A = arith.constant 0 : i32
    %eq3A_1 = arith.cmpi eq, %arg0, %eq3A : i32
    %convert_element_type3A = arith.extui %eq3A_1 : i1 to i32
    %cond3A = arith.constant 0 : i32
    %cond3A_2 = arith.cmpi ne, %convert_element_type3A, %cond3A : i32
    scf.if %cond3A_2 {
      %scan3A = arith.constant 0 : i32
      %scan3A_3 = arith.constant 124 : i32
      %scan3A_4 = arith.addi %scan3A, %scan3A_3 : i32
      %scan3A_5 = arith.constant 1 : i32
      scf.for %scan3A_28 = %scan3A to %scan3A_4 step %scan3A_5  : i32 {
        %scan3A_29 = arith.constant 0 : i32
        %scan3A_30 = arith.constant 8 : i32
        %scan3A_31 = arith.addi %scan3A_29, %scan3A_30 : i32
        %scan3A_32 = arith.constant 1 : i32
        scf.for %scan3A_34 = %scan3A_29 to %scan3A_31 step %scan3A_32  : i32 {
          %mul3A_35 = arith.constant 16 : i32
          %mul3A_36 = arith.muli %scan3A_34, %mul3A_35 : i32
          %swap3A = arith.index_cast %scan3A_28 : i32 to index
          %swap3A_37 = arith.index_cast %mul3A_36 : i32 to index
          %swap3A_38 = tpu.vector_load %arg6[%swap3A, %swap3A_37] {strides = array<i32>} : memref<124x128xf32, #tpu.memory_space<vmem>>, vector<1x16xf32>,
          %swap3A_39 = vector.shape_cast %swap3A_38 : vector<1x16xf32> to vector<16xf32>
          %swap3A_40 = vector.shape_cast %broadcast_in_dim3A_0 : vector<16xf32> to vector<1x16xf32>
          tpu.vector_store %arg6[%swap3A, %swap3A_37], %swap3A_40 {strides = array<i32>} : memref<124x128xf32, #tpu.memory_space<vmem>>, vector<1x16xf32>,
        }
        %scan3A_33 = arith.constant 8 : i32
      }
      %scan3A_6 = arith.constant 124 : i32
      %mul3A = arith.constant 8 : i32
      %mul3A_7 = arith.muli %arg1, %mul3A : i32
      "tpu.region"() ({
        %run_scoped3A = tpu.sem_alloc : memref<!tpu.dma_semaphore, #tpu.memory_space<semaphore_mem>>
        %dma_start3A_28 = arith.constant 0 : i32
        %dma_start3A_29 = tpu.memref_slice %arg3[%mul3A_7, %dma_start3A_28] : memref<128x80xi32, #tpu.memory_space<hbm>> -> memref<8x80xi32, #tpu.memory_space<hbm>>
        %dma_start3A_30 = arith.constant 0 : i32
        %dma_start3A_31 = tpu.memref_slice %arg3[%mul3A_7, %dma_start3A_30] : memref<128x80xi32, #tpu.memory_space<hbm>> -> memref<8x80xi32, #tpu.memory_space<hbm>>
        tpu.enqueue_dma source(%dma_start3A_31 : memref<8x80xi32, #tpu.memory_space<hbm>>) target(%arg5 : memref<8x80xi32, #tpu.memory_space<vmem>>) target_semaphore(%run_scoped3A : memref<!tpu.dma_semaphore, #tpu.memory_space<semaphore_mem>>)
        %dma_wait3A_32 = arith.constant 0 : i32
        %dma_wait3A_33 = tpu.memref_slice %arg3[%mul3A_7, %dma_wait3A_32] : memref<128x80xi32, #tpu.memory_space<hbm>> -> memref<8x80xi32, #tpu.memory_space<hbm>>
        %dma_wait3A_34 = arith.constant 0 : i32
        %dma_wait3A_35 = tpu.memref_slice %arg3[%mul3A_7, %dma_wait3A_34] : memref<128x80xi32, #tpu.memory_space<hbm>> -> memref<8x80xi32, #tpu.memory_space<hbm>>
        tpu.wait_dma2 semaphore(%run_scoped3A : memref<!tpu.dma_semaphore, #tpu.memory_space<semaphore_mem>>) src(%dma_wait3A_35 : memref<8x80xi32, #tpu.memory_space<hbm>>) dst(%arg5 : memref<8x80xi32, #tpu.memory_space<vmem>>)
        tpu.yield
      }) : () -> ()
      %mul3A_8 = arith.constant 124 : i32
      %mul3A_9 = arith.muli %arg1, %mul3A_8 : i32
      "tpu.region"() ({
        %run_scoped3A = tpu.sem_alloc : memref<!tpu.dma_semaphore, #tpu.memory_space<semaphore_mem>>
        %dma_start3A_28 = arith.constant 0 : i32
        %dma_start3A_29 = tpu.memref_slice %arg4[%mul3A_9, %dma_start3A_28] : memref<1984x128xf32, #tpu.memory_space<hbm>> -> memref<124x128xf32, #tpu.memory_space<hbm>>
        %dma_start3A_30 = arith.constant 0 : i32
        %dma_start3A_31 = tpu.memref_slice %arg4[%mul3A_9, %dma_start3A_30] : memref<1984x128xf32, #tpu.memory_space<hbm>> -> memref<124x128xf32, #tpu.memory_space<hbm>>
        tpu.enqueue_dma source(%arg6 : memref<124x128xf32, #tpu.memory_space<vmem>>) target(%dma_start3A_31 : memref<124x128xf32, #tpu.memory_space<hbm>>) target_semaphore(%run_scoped3A : memref<!tpu.dma_semaphore, #tpu.memory_space<semaphore_mem>>)
        %dma_wait3A_32 = arith.constant 0 : i32
        %dma_wait3A_33 = tpu.memref_slice %arg4[%mul3A_9, %dma_wait3A_32] : memref<1984x128xf32, #tpu.memory_space<hbm>> -> memref<124x128xf32, #tpu.memory_space<hbm>>
        %dma_wait3A_34 = arith.constant 0 : i32
        %dma_wait3A_35 = tpu.memref_slice %arg4[%mul3A_9, %dma_wait3A_34] : memref<1984x128xf32, #tpu.memory_space<hbm>> -> memref<124x128xf32, #tpu.memory_space<hbm>>
        tpu.wait_dma2 semaphore(%run_scoped3A : memref<!tpu.dma_semaphore, #tpu.memory_space<semaphore_mem>>) src(%arg6 : memref<124x128xf32, #tpu.memory_space<vmem>>) dst(%dma_wait3A_35 : memref<124x128xf32, #tpu.memory_space<hbm>>)
        tpu.yield
      }) : () -> ()
      %barrier3A = arith.constant 0 : index
      tpu.barrier barrier_id(%barrier3A)
      %mul3A_10 = arith.constant 640 : i32
      %mul3A_11 = arith.muli %arg1, %mul3A_10 : i32
      %add3A = arith.constant 0 : i32
      %add3A_12 = arith.addi %mul3A_11, %add3A : i32
      %dma_start3A = arith.constant 0 : i32
      %dma_start3A_13 = tpu.memref_slice %arg2[%add3A_12, %dma_start3A] : memref<10240x128xf32, #tpu.memory_space<hbm>> -> memref<80x128xf32, #tpu.memory_space<hbm>>
      %dma_start3A_14 = arith.constant 0 : i32
      %dma_start3A_15 = tpu.memref_slice %arg2[%add3A_12, %dma_start3A_14] : memref<10240x128xf32, #tpu.memory_space<hbm>> -> memref<80x128xf32, #tpu.memory_space<hbm>>
      tpu.enqueue_dma source(%dma_start3A_15 : memref<80x128xf32, #tpu.memory_space<hbm>>) target(%arg7 : memref<80x128xf32, #tpu.memory_space<vmem>>) target_semaphore(%arg9 : memref<!tpu.dma_semaphore, #tpu.memory_space<semaphore_mem>>)
      %scan3A_16 = arith.constant 0 : i32
      %scan3A_17 = arith.constant 4 : i32
      %scan3A_18 = arith.addi %scan3A_16, %scan3A_17 : i32
      %scan3A_19 = arith.constant 1 : i32
      scf.for %scan3A_28 = %scan3A_16 to %scan3A_18 step %scan3A_19  : i32 {
        %mul3A_29 = arith.constant 2 : i32
        %mul3A_30 = arith.muli %mul3A_29, %scan3A_28 : i32
        %mul3A_31 = arith.constant 2 : i32
        %mul3A_32 = arith.muli %mul3A_31, %scan3A_28 : i32
        %add3A_33 = arith.constant 1 : i32
        %add3A_34 = arith.addi %mul3A_32, %add3A_33 : i32
        %mul3A_35 = arith.constant 640 : i32
        %mul3A_36 = arith.muli %arg1, %mul3A_35 : i32
        %mul3A_37 = arith.constant 80 : i32
        %mul3A_38 = arith.muli %add3A_34, %mul3A_37 : i32
        %add3A_39 = arith.addi %mul3A_36, %mul3A_38 : i32
        %dma_start3A_40 = arith.constant 0 : i32
        %dma_start3A_41 = tpu.memref_slice %arg2[%add3A_39, %dma_start3A_40] : memref<10240x128xf32, #tpu.memory_space<hbm>> -> memref<80x128xf32, #tpu.memory_space<hbm>>
        %dma_start3A_42 = arith.constant 0 : i32
        %dma_start3A_43 = tpu.memref_slice %arg2[%add3A_39, %dma_start3A_42] : memref<10240x128xf32, #tpu.memory_space<hbm>> -> memref<80x128xf32, #tpu.memory_space<hbm>>
        tpu.enqueue_dma source(%dma_start3A_43 : memref<80x128xf32, #tpu.memory_space<hbm>>) target(%arg8 : memref<80x128xf32, #tpu.memory_space<vmem>>) target_semaphore(%arg10 : memref<!tpu.dma_semaphore, #tpu.memory_space<semaphore_mem>>)
        %mul3A_44 = arith.constant 640 : i32
        %mul3A_45 = arith.muli %arg1, %mul3A_44 : i32
        %mul3A_46 = arith.constant 80 : i32
        %mul3A_47 = arith.muli %mul3A_30, %mul3A_46 : i32
        %add3A_48 = arith.addi %mul3A_45, %mul3A_47 : i32
        %dma_wait3A_49 = arith.constant 0 : i32
        %dma_wait3A_50 = tpu.memref_slice %arg2[%add3A_48, %dma_wait3A_49] : memref<10240x128xf32, #tpu.memory_space<hbm>> -> memref<80x128xf32, #tpu.memory_space<hbm>>
        %dma_wait3A_51 = arith.constant 0 : i32
        %dma_wait3A_52 = tpu.memref_slice %arg2[%add3A_48, %dma_wait3A_51] : memref<10240x128xf32, #tpu.memory_space<hbm>> -> memref<80x128xf32, #tpu.memory_space<hbm>>
        tpu.wait_dma2 semaphore(%arg9 : memref<!tpu.dma_semaphore, #tpu.memory_space<semaphore_mem>>) src(%dma_wait3A_52 : memref<80x128xf32, #tpu.memory_space<hbm>>) dst(%arg7 : memref<80x128xf32, #tpu.memory_space<vmem>>)
        "tpu.region"() ({
          %run_scoped3A = tpu.sem_alloc : memref<!tpu.dma_semaphore, #tpu.memory_space<semaphore_mem>>
          %dma_start3A_74 = arith.constant 0 : i32
          %dma_start3A_75 = tpu.memref_slice %arg5[%mul3A_30, %dma_start3A_74] : memref<8x80xi32, #tpu.memory_space<vmem>> -> memref<1x80xi32, #tpu.memory_space<vmem>>
          %dma_start3A_76 = tpu.memref_squeeze %dma_start3A_75 : memref<1x80xi32, #tpu.memory_space<vmem>> -> memref<80xi32, #tpu.memory_space<vmem>>
          %dma_start3A_77 = arith.constant 0 : i32
          %dma_start3A_78 = arith.constant 0 : i32
          %dma_start3A_79 = tpu.memref_slice %arg4[%dma_start3A_77, %dma_start3A_78] : memref<1984x128xf32, #tpu.memory_space<hbm>> -> memref<1984x128xf32, #tpu.memory_space<hbm>>
          tpu.enqueue_indirect_dma source(%arg7 : memref<80x128xf32, #tpu.memory_space<vmem>>) target(%dma_start3A_79 : memref<1984x128xf32, #tpu.memory_space<hbm>>) offsets(%dma_start3A_76 : memref<80xi32, #tpu.memory_space<vmem>>) semaphore(%run_scoped3A : memref<!tpu.dma_semaphore, #tpu.memory_space<semaphore_mem>>)
          %dma_wait3A_80 = arith.constant 0 : i32
          %dma_wait3A_81 = tpu.memref_slice %arg5[%mul3A_30, %dma_wait3A_80] : memref<8x80xi32, #tpu.memory_space<vmem>> -> memref<1x80xi32, #tpu.memory_space<vmem>>
          %dma_wait3A_82 = tpu.memref_squeeze %dma_wait3A_81 : memref<1x80xi32, #tpu.memory_space<vmem>> -> memref<80xi32, #tpu.memory_space<vmem>>
          %dma_wait3A_83 = arith.constant 0 : i32
          %dma_wait3A_84 = arith.constant 0 : i32
          %dma_wait3A_85 = tpu.memref_slice %arg4[%dma_wait3A_83, %dma_wait3A_84] : memref<1984x128xf32, #tpu.memory_space<hbm>> -> memref<1984x128xf32, #tpu.memory_space<hbm>>
          tpu.wait_indirect_dma semaphore(%run_scoped3A : memref<!tpu.dma_semaphore, #tpu.memory_space<semaphore_mem>>) src(%arg7 : memref<80x128xf32, #tpu.memory_space<vmem>>) dst(%dma_wait3A_85 : memref<1984x128xf32, #tpu.memory_space<hbm>>)
          tpu.yield
        }) : () -> ()
        %add3A_53 = arith.constant 2 : i32
        %add3A_54 = arith.addi %mul3A_30, %add3A_53 : i32
        %min3A = arith.constant 7 : i32
        %min3A_55 = arith.minsi %add3A_54, %min3A : i32
        %mul3A_56 = arith.constant 640 : i32
        %mul3A_57 = arith.muli %arg1, %mul3A_56 : i32
        %mul3A_58 = arith.constant 80 : i32
        %mul3A_59 = arith.muli %min3A_55, %mul3A_58 : i32
        %add3A_60 = arith.addi %mul3A_57, %mul3A_59 : i32
        %dma_start3A_61 = arith.constant 0 : i32
        %dma_start3A_62 = tpu.memref_slice %arg2[%add3A_60, %dma_start3A_61] : memref<10240x128xf32, #tpu.memory_space<hbm>> -> memref<80x128xf32, #tpu.memory_space<hbm>>
        %dma_start3A_63 = arith.constant 0 : i32
        %dma_start3A_64 = tpu.memref_slice %arg2[%add3A_60, %dma_start3A_63] : memref<10240x128xf32, #tpu.memory_space<hbm>> -> memref<80x128xf32, #tpu.memory_space<hbm>>
        tpu.enqueue_dma source(%dma_start3A_64 : memref<80x128xf32, #tpu.memory_space<hbm>>) target(%arg7 : memref<80x128xf32, #tpu.memory_space<vmem>>) target_semaphore(%arg9 : memref<!tpu.dma_semaphore, #tpu.memory_space<semaphore_mem>>)
        %mul3A_65 = arith.constant 640 : i32
        %mul3A_66 = arith.muli %arg1, %mul3A_65 : i32
        %mul3A_67 = arith.constant 80 : i32
        %mul3A_68 = arith.muli %add3A_34, %mul3A_67 : i32
        %add3A_69 = arith.addi %mul3A_66, %mul3A_68 : i32
        %dma_wait3A_70 = arith.constant 0 : i32
        %dma_wait3A_71 = tpu.memref_slice %arg2[%add3A_69, %dma_wait3A_70] : memref<10240x128xf32, #tpu.memory_space<hbm>> -> memref<80x128xf32, #tpu.memory_space<hbm>>
        %dma_wait3A_72 = arith.constant 0 : i32
        %dma_wait3A_73 = tpu.memref_slice %arg2[%add3A_69, %dma_wait3A_72] : memref<10240x128xf32, #tpu.memory_space<hbm>> -> memref<80x128xf32, #tpu.memory_space<hbm>>
        tpu.wait_dma2 semaphore(%arg10 : memref<!tpu.dma_semaphore, #tpu.memory_space<semaphore_mem>>) src(%dma_wait3A_73 : memref<80x128xf32, #tpu.memory_space<hbm>>) dst(%arg8 : memref<80x128xf32, #tpu.memory_space<vmem>>)
        "tpu.region"() ({
          %run_scoped3A = tpu.sem_alloc : memref<!tpu.dma_semaphore, #tpu.memory_space<semaphore_mem>>
          %dma_start3A_74 = arith.constant 0 : i32
          %dma_start3A_75 = tpu.memref_slice %arg5[%add3A_34, %dma_start3A_74] : memref<8x80xi32, #tpu.memory_space<vmem>> -> memref<1x80xi32, #tpu.memory_space<vmem>>
          %dma_start3A_76 = tpu.memref_squeeze %dma_start3A_75 : memref<1x80xi32, #tpu.memory_space<vmem>> -> memref<80xi32, #tpu.memory_space<vmem>>
          %dma_start3A_77 = arith.constant 0 : i32
          %dma_start3A_78 = arith.constant 0 : i32
          %dma_start3A_79 = tpu.memref_slice %arg4[%dma_start3A_77, %dma_start3A_78] : memref<1984x128xf32, #tpu.memory_space<hbm>> -> memref<1984x128xf32, #tpu.memory_space<hbm>>
          tpu.enqueue_indirect_dma source(%arg8 : memref<80x128xf32, #tpu.memory_space<vmem>>) target(%dma_start3A_79 : memref<1984x128xf32, #tpu.memory_space<hbm>>) offsets(%dma_start3A_76 : memref<80xi32, #tpu.memory_space<vmem>>) semaphore(%run_scoped3A : memref<!tpu.dma_semaphore, #tpu.memory_space<semaphore_mem>>)
          %dma_wait3A_80 = arith.constant 0 : i32
          %dma_wait3A_81 = tpu.memref_slice %arg5[%add3A_34, %dma_wait3A_80] : memref<8x80xi32, #tpu.memory_space<vmem>> -> memref<1x80xi32, #tpu.memory_space<vmem>>
          %dma_wait3A_82 = tpu.memref_squeeze %dma_wait3A_81 : memref<1x80xi32, #tpu.memory_space<vmem>> -> memref<80xi32, #tpu.memory_space<vmem>>
          %dma_wait3A_83 = arith.constant 0 : i32
          %dma_wait3A_84 = arith.constant 0 : i32
          %dma_wait3A_85 = tpu.memref_slice %arg4[%dma_wait3A_83, %dma_wait3A_84] : memref<1984x128xf32, #tpu.memory_space<hbm>> -> memref<1984x128xf32, #tpu.memory_space<hbm>>
          tpu.wait_indirect_dma semaphore(%run_scoped3A : memref<!tpu.dma_semaphore, #tpu.memory_space<semaphore_mem>>) src(%arg8 : memref<80x128xf32, #tpu.memory_space<vmem>>) dst(%dma_wait3A_85 : memref<1984x128xf32, #tpu.memory_space<hbm>>)
          tpu.yield
        }) : () -> ()
      }
      %scan3A_20 = arith.constant 4 : i32
      %mul3A_21 = arith.constant 640 : i32
      %mul3A_22 = arith.muli %arg1, %mul3A_21 : i32
      %add3A_23 = arith.constant 560 : i32
      %add3A_24 = arith.addi %mul3A_22, %add3A_23 : i32
      %dma_wait3A = arith.constant 0 : i32
      %dma_wait3A_25 = tpu.memref_slice %arg2[%add3A_24, %dma_wait3A] : memref<10240x128xf32, #tpu.memory_space<hbm>> -> memref<80x128xf32, #tpu.memory_space<hbm>>
      %dma_wait3A_26 = arith.constant 0 : i32
      %dma_wait3A_27 = tpu.memref_slice %arg2[%add3A_24, %dma_wait3A_26] : memref<10240x128xf32, #tpu.memory_space<hbm>> -> memref<80x128xf32, #tpu.memory_space<hbm>>
      tpu.wait_dma2 semaphore(%arg9 : memref<!tpu.dma_semaphore, #tpu.memory_space<semaphore_mem>>) src(%dma_wait3A_27 : memref<80x128xf32, #tpu.memory_space<hbm>>) dst(%arg7 : memref<80x128xf32, #tpu.memory_space<vmem>>)
    } else {
    }
    return
  }
}

module attributes {stable_mosaic.version = 14 : i64} {
  func.func @body(%arg0: i32, %arg1: memref<2x1024x16xf32, #tpu.memory_space<vmem>>, %arg2: memref<1024x128xf32, #tpu.memory_space<vmem>>, %arg3: memref<128x128xf32, #tpu.memory_space<vmem>>, %arg4: memref<1024x128xf32, #tpu.memory_space<vmem>>, %arg5: memref<1024x1xf32, #tpu.memory_space<vmem>>) attributes {dimension_semantics = [#tpu.dimension_semantics<arbitrary>], iteration_bounds = array<i64: 10>, scalar_prefetch = 0 : i64, scratch_operands = 0 : i64, tpu.core_type = #tpu.core_type<tc>, window_params = [{transform_indices = @transform_0, window_bounds = array<i64: 2, 1024, 16>}, {transform_indices = @transform_1, window_bounds = array<i64: 1024, 128>}, {pipeline_mode = #tpu.pipeline_mode<synchronous>, transform_indices = @transform_2, window_bounds = array<i64: 128, 128>}, {transform_indices = @transform_3, window_bounds = array<i64: 1024, 128>}, {transform_indices = @transform_4, window_bounds = array<i64: 1024, 1>}]} {
    %get3A = arith.constant 0 : index
    %get3A_0 = arith.constant 0 : index
    %get3A_1 = arith.constant 0 : index
    %get3A_2 = vector.load %arg1[%get3A, %get3A_0, %get3A_1] : memref<2x1024x16xf32, #tpu.memory_space<vmem>>, vector<2x1024x16xf32>
    %slice3A = vector.extract_strided_slice %get3A_2 {offsets = [0, 0, 0], sizes = [1, 1024, 1], strides = [1, 1, 1]} : vector<2x1024x16xf32> to vector<1x1024x1xf32>
    %squeeze3A = vector.shape_cast %slice3A : vector<1x1024x1xf32> to vector<1024xf32>
    %slice3A_3 = vector.extract_strided_slice %get3A_2 {offsets = [1, 0, 0], sizes = [1, 1024, 1], strides = [1, 1, 1]} : vector<2x1024x16xf32> to vector<1x1024x1xf32>
    %squeeze3A_4 = vector.shape_cast %slice3A_3 : vector<1x1024x1xf32> to vector<1024xf32>
    %add3A = arith.addf %squeeze3A, %squeeze3A_4 : vector<1024xf32>
    %add3A_5 = arith.constant 1.000000e+00 : f32
    %add3A_6 = vector.broadcast %add3A_5 : f32 to vector<1024xf32>
    %add3A_7 = arith.addf %add3A, %add3A_6 : vector<1024xf32>
    %rsqrt3A = math.rsqrt %add3A_7 : vector<1024xf32>
    %get3A_8 = arith.constant 0 : index
    %get3A_9 = arith.constant 0 : index
    %get3A_10 = vector.load %arg2[%get3A_8, %get3A_9] : memref<1024x128xf32, #tpu.memory_space<vmem>>, vector<1024x128xf32>
    %get3A_11 = arith.constant 0 : index
    %get3A_12 = arith.constant 0 : index
    %get3A_13 = vector.load %arg3[%get3A_11, %get3A_12] : memref<128x128xf32, #tpu.memory_space<vmem>>, vector<128x128xf32>
    %dot_general3A = arith.constant dense<0.000000e+00> : vector<1024x128xf32>
    %dot_general3A_14 = tpu.matmul %get3A_10, %get3A_13, %dot_general3A {dimension_numbers = #tpu.dot_dimension_numbers<[1], [0], [0], [1], [0, 0, 1, 1], [], []>, transpose_lhs_hint = false} : vector<1024x128xf32>, vector<128x128xf32>, vector<1024x128xf32> -> vector<1024x128xf32>
    %broadcast_in_dim3A = vector.shape_cast %rsqrt3A : vector<1024xf32> to vector<1024x1xf32>
    %mul3A = vector.broadcast %broadcast_in_dim3A : vector<1024x1xf32> to vector<1024x128xf32>
    %mul3A_15 = arith.mulf %dot_general3A_14, %mul3A : vector<1024x128xf32>
    %swap3A = arith.constant 0 : index
    %swap3A_16 = arith.constant 0 : index
    %swap3A_17 = vector.load %arg4[%swap3A, %swap3A_16] : memref<1024x128xf32, #tpu.memory_space<vmem>>, vector<1024x128xf32>
    tpu.vector_store %arg4[%swap3A, %swap3A_16], %mul3A_15 {strides = array<i32>} : memref<1024x128xf32, #tpu.memory_space<vmem>>, vector<1024x128xf32>,
    %broadcast_in_dim3A_18 = vector.shape_cast %rsqrt3A : vector<1024xf32> to vector<1024x1xf32>
    %swap3A_19 = arith.constant 0 : index
    %swap3A_20 = arith.constant 0 : index
    %swap3A_21 = vector.load %arg5[%swap3A_19, %swap3A_20] : memref<1024x1xf32, #tpu.memory_space<vmem>>, vector<1024x1xf32>
    tpu.vector_store %arg5[%swap3A_19, %swap3A_20], %broadcast_in_dim3A_18 {strides = array<i32>} : memref<1024x1xf32, #tpu.memory_space<vmem>>, vector<1024x1xf32>,
    return
  }
  func.func @transform_0(%arg0: i32) -> (i32, i32, i32) {
    %c0_i32 = arith.constant 0 : i32
    %c0_i32_0 = arith.constant 0 : i32
    %c0_i32_1 = arith.constant 0 : i32
    return %c0_i32, %arg0, %c0_i32_0 : i32, i32, i32
  }
  func.func @transform_1(%arg0: i32) -> (i32, i32) {
    %c0_i32 = arith.constant 0 : i32
    %c0_i32_0 = arith.constant 0 : i32
    return %arg0, %c0_i32 : i32, i32
  }
  func.func @transform_2(%arg0: i32) -> (i32, i32) {
    %c0_i32 = arith.constant 0 : i32
    %c0_i32_0 = arith.constant 0 : i32
    %c0_i32_1 = arith.constant 0 : i32
    return %c0_i32, %c0_i32_0 : i32, i32
  }
  func.func @transform_3(%arg0: i32) -> (i32, i32) {
    %c0_i32 = arith.constant 0 : i32
    %c0_i32_0 = arith.constant 0 : i32
    return %arg0, %c0_i32 : i32, i32
  }
  func.func @transform_4(%arg0: i32) -> (i32, i32) {
    %c0_i32 = arith.constant 0 : i32
    %c0_i32_0 = arith.constant 0 : i32
    return %arg0, %c0_i32 : i32, i32
  }
}

module attributes {stable_mosaic.version = 14 : i64} {
  func.func @body(%arg0: i32, %arg1: memref<2x1024x64xf32, #tpu.memory_space<vmem>>, %arg2: memref<1024x128xf32, #tpu.memory_space<vmem>>, %arg3: memref<1024x1xf32, #tpu.memory_space<vmem>>, %arg4: memref<1x128xf32, #tpu.memory_space<vmem>>, %arg5: memref<128x128xf32, #tpu.memory_space<vmem>>, %arg6: memref<1024x128xf32, #tpu.memory_space<vmem>>, %arg7: memref<1024x1xf32, #tpu.memory_space<vmem>>) attributes {dimension_semantics = [#tpu.dimension_semantics<arbitrary>], iteration_bounds = array<i64: 10>, scalar_prefetch = 0 : i64, scratch_operands = 0 : i64, tpu.core_type = #tpu.core_type<tc>, window_params = [{transform_indices = @transform_0, window_bounds = array<i64: 2, 1024, 64>}, {transform_indices = @transform_1, window_bounds = array<i64: 1024, 128>}, {transform_indices = @transform_2, window_bounds = array<i64: 1024, 1>}, {pipeline_mode = #tpu.pipeline_mode<synchronous>, transform_indices = @transform_3, window_bounds = array<i64: 1, 128>}, {pipeline_mode = #tpu.pipeline_mode<synchronous>, transform_indices = @transform_4, window_bounds = array<i64: 128, 128>}, {transform_indices = @transform_5, window_bounds = array<i64: 1024, 128>}, {transform_indices = @transform_6, window_bounds = array<i64: 1024, 1>}]} {
    %get3A = arith.constant 0 : index
    %get3A_0 = arith.constant 0 : index
    %get3A_1 = arith.constant 0 : index
    %get3A_2 = vector.load %arg1[%get3A, %get3A_0, %get3A_1] : memref<2x1024x64xf32, #tpu.memory_space<vmem>>, vector<2x1024x64xf32>
    %slice3A = vector.extract_strided_slice %get3A_2 {offsets = [0, 0, 0], sizes = [1, 1024, 64], strides = [1, 1, 1]} : vector<2x1024x64xf32> to vector<1x1024x64xf32>
    %squeeze3A = vector.shape_cast %slice3A : vector<1x1024x64xf32> to vector<1024x64xf32>
    %slice3A_3 = vector.extract_strided_slice %get3A_2 {offsets = [1, 0, 0], sizes = [1, 1024, 64], strides = [1, 1, 1]} : vector<2x1024x64xf32> to vector<1x1024x64xf32>
    %squeeze3A_4 = vector.shape_cast %slice3A_3 : vector<1x1024x64xf32> to vector<1024x64xf32>
    %concatenate3A = tpu.concatenate %squeeze3A, %squeeze3A_4 in 1 : vector<1024x64xf32>, vector<1024x64xf32> -> vector<1024x128xf32>
    %get3A_5 = arith.constant 0 : index
    %get3A_6 = arith.constant 0 : index
    %get3A_7 = vector.load %arg3[%get3A_5, %get3A_6] : memref<1024x1xf32, #tpu.memory_space<vmem>>, vector<1024x1xf32>
    %get3A_8 = arith.constant 0 : index
    %get3A_9 = arith.constant 0 : index
    %get3A_10 = vector.load %arg2[%get3A_8, %get3A_9] : memref<1024x128xf32, #tpu.memory_space<vmem>>, vector<1024x128xf32>
    %add3A = arith.addf %concatenate3A, %get3A_10 : vector<1024x128xf32>
    %mul3A = vector.broadcast %get3A_7 : vector<1024x1xf32> to vector<1024x128xf32>
    %mul3A_11 = arith.mulf %mul3A, %add3A : vector<1024x128xf32>
    %get3A_12 = arith.constant 0 : index
    %get3A_13 = arith.constant 0 : index
    %get3A_14 = vector.load %arg4[%get3A_12, %get3A_13] : memref<1x128xf32, #tpu.memory_space<vmem>>, vector<1x128xf32>
    %add3A_15 = vector.broadcast %get3A_14 : vector<1x128xf32> to vector<1024x128xf32>
    %add3A_16 = arith.addf %mul3A_11, %add3A_15 : vector<1024x128xf32>
    %max3A = arith.constant 0.000000e+00 : f32
    %max3A_17 = vector.broadcast %max3A : f32 to vector<1024x128xf32>
    %max3A_18 = arith.maximumf %add3A_16, %max3A_17 : vector<1024x128xf32>
    %get3A_19 = arith.constant 0 : index
    %get3A_20 = arith.constant 0 : index
    %get3A_21 = vector.load %arg5[%get3A_19, %get3A_20] : memref<128x128xf32, #tpu.memory_space<vmem>>, vector<128x128xf32>
    %dot_general3A = arith.constant dense<0.000000e+00> : vector<1024x128xf32>
    %dot_general3A_22 = tpu.matmul %max3A_18, %get3A_21, %dot_general3A {dimension_numbers = #tpu.dot_dimension_numbers<[1], [0], [0], [1], [0, 0, 1, 1], [], []>, transpose_lhs_hint = false} : vector<1024x128xf32>, vector<128x128xf32>, vector<1024x128xf32> -> vector<1024x128xf32>
    %mul3A_23 = vector.broadcast %get3A_7 : vector<1024x1xf32> to vector<1024x128xf32>
    %mul3A_24 = arith.mulf %dot_general3A_22, %mul3A_23 : vector<1024x128xf32>
    %swap3A = arith.constant 0 : index
    %swap3A_25 = arith.constant 0 : index
    %swap3A_26 = vector.load %arg6[%swap3A, %swap3A_25] : memref<1024x128xf32, #tpu.memory_space<vmem>>, vector<1024x128xf32>
    tpu.vector_store %arg6[%swap3A, %swap3A_25], %mul3A_24 {strides = array<i32>} : memref<1024x128xf32, #tpu.memory_space<vmem>>, vector<1024x128xf32>,
    %slice3A_27 = vector.extract_strided_slice %mul3A_24 {offsets = [0, 127], sizes = [1024, 1], strides = [1, 1]} : vector<1024x128xf32> to vector<1024x1xf32>
    %swap3A_28 = arith.constant 0 : index
    %swap3A_29 = arith.constant 0 : index
    %swap3A_30 = vector.load %arg7[%swap3A_28, %swap3A_29] : memref<1024x1xf32, #tpu.memory_space<vmem>>, vector<1024x1xf32>
    tpu.vector_store %arg7[%swap3A_28, %swap3A_29], %slice3A_27 {strides = array<i32>} : memref<1024x1xf32, #tpu.memory_space<vmem>>, vector<1024x1xf32>,
    return
  }
  func.func @transform_0(%arg0: i32) -> (i32, i32, i32) {
    %c0_i32 = arith.constant 0 : i32
    %c0_i32_0 = arith.constant 0 : i32
    %c0_i32_1 = arith.constant 0 : i32
    return %c0_i32, %arg0, %c0_i32_0 : i32, i32, i32
  }
  func.func @transform_1(%arg0: i32) -> (i32, i32) {
    %c0_i32 = arith.constant 0 : i32
    %c0_i32_0 = arith.constant 0 : i32
    return %arg0, %c0_i32 : i32, i32
  }
  func.func @transform_2(%arg0: i32) -> (i32, i32) {
    %c0_i32 = arith.constant 0 : i32
    %c0_i32_0 = arith.constant 0 : i32
    return %arg0, %c0_i32 : i32, i32
  }
  func.func @transform_3(%arg0: i32) -> (i32, i32) {
    %c0_i32 = arith.constant 0 : i32
    %c0_i32_0 = arith.constant 0 : i32
    %c0_i32_1 = arith.constant 0 : i32
    return %c0_i32, %c0_i32_0 : i32, i32
  }
  func.func @transform_4(%arg0: i32) -> (i32, i32) {
    %c0_i32 = arith.constant 0 : i32
    %c0_i32_0 = arith.constant 0 : i32
    %c0_i32_1 = arith.constant 0 : i32
    return %c0_i32, %c0_i32_0 : i32, i32
  }
  func.func @transform_5(%arg0: i32) -> (i32, i32) {
    %c0_i32 = arith.constant 0 : i32
    %c0_i32_0 = arith.constant 0 : i32
    return %arg0, %c0_i32 : i32, i32
  }
  func.func @transform_6(%arg0: i32) -> (i32, i32) {
    %c0_i32 = arith.constant 0 : i32
    %c0_i32_0 = arith.constant 0 : i32
    return %arg0, %c0_i32 : i32, i32
  }
}

module attributes {stable_mosaic.version = 14 : i64} {
  func.func @body(%arg0: i32, %arg1: memref<2x1024x16xf32, #tpu.memory_space<vmem>>, %arg2: memref<1024x1xf32, #tpu.memory_space<vmem>>, %arg3: memref<1024x1xf32, #tpu.memory_space<vmem>>, %arg4: memref<1x128xf32, #tpu.memory_space<vmem>>, %arg5: memref<1024x1xf32, #tpu.memory_space<vmem>>) attributes {dimension_semantics = [#tpu.dimension_semantics<arbitrary>], iteration_bounds = array<i64: 10>, scalar_prefetch = 0 : i64, scratch_operands = 0 : i64, tpu.core_type = #tpu.core_type<tc>, window_params = [{transform_indices = @transform_0, window_bounds = array<i64: 2, 1024, 16>}, {transform_indices = @transform_1, window_bounds = array<i64: 1024, 1>}, {transform_indices = @transform_2, window_bounds = array<i64: 1024, 1>}, {pipeline_mode = #tpu.pipeline_mode<synchronous>, transform_indices = @transform_3, window_bounds = array<i64: 1, 128>}, {transform_indices = @transform_4, window_bounds = array<i64: 1024, 1>}]} {
    %get3A = arith.constant 0 : index
    %get3A_0 = arith.constant 0 : index
    %get3A_1 = arith.constant 0 : index
    %get3A_2 = vector.load %arg1[%get3A, %get3A_0, %get3A_1] : memref<2x1024x16xf32, #tpu.memory_space<vmem>>, vector<2x1024x16xf32>
    %slice3A = vector.extract_strided_slice %get3A_2 {offsets = [0, 0, 15], sizes = [1, 1024, 1], strides = [1, 1, 1]} : vector<2x1024x16xf32> to vector<1x1024x1xf32>
    %squeeze3A = vector.shape_cast %slice3A : vector<1x1024x1xf32> to vector<1024x1xf32>
    %slice3A_3 = vector.extract_strided_slice %get3A_2 {offsets = [1, 0, 15], sizes = [1, 1024, 1], strides = [1, 1, 1]} : vector<2x1024x16xf32> to vector<1x1024x1xf32>
    %squeeze3A_4 = vector.shape_cast %slice3A_3 : vector<1x1024x1xf32> to vector<1024x1xf32>
    %add3A = arith.addf %squeeze3A, %squeeze3A_4 : vector<1024x1xf32>
    %get3A_5 = arith.constant 0 : index
    %get3A_6 = arith.constant 0 : index
    %get3A_7 = vector.load %arg3[%get3A_5, %get3A_6] : memref<1024x1xf32, #tpu.memory_space<vmem>>, vector<1024x1xf32>
    %get3A_8 = arith.constant 0 : index
    %get3A_9 = arith.constant 0 : index
    %get3A_10 = vector.load %arg2[%get3A_8, %get3A_9] : memref<1024x1xf32, #tpu.memory_space<vmem>>, vector<1024x1xf32>
    %add3A_11 = arith.addf %add3A, %get3A_10 : vector<1024x1xf32>
    %mul3A = arith.mulf %get3A_7, %add3A_11 : vector<1024x1xf32>
    %get3A_12 = arith.constant 0 : index
    %get3A_13 = arith.constant 0 : index
    %get3A_14 = vector.load %arg4[%get3A_12, %get3A_13] : memref<1x128xf32, #tpu.memory_space<vmem>>, vector<1x128xf32>
    %slice3A_15 = vector.extract_strided_slice %get3A_14 {offsets = [0, 127], sizes = [1, 1], strides = [1, 1]} : vector<1x128xf32> to vector<1x1xf32>
    %add3A_16 = vector.broadcast %slice3A_15 : vector<1x1xf32> to vector<1024x1xf32>
    %add3A_17 = arith.addf %mul3A, %add3A_16 : vector<1024x1xf32>
    %swap3A = arith.constant 0 : index
    %swap3A_18 = arith.constant 0 : index
    %swap3A_19 = vector.load %arg5[%swap3A, %swap3A_18] : memref<1024x1xf32, #tpu.memory_space<vmem>>, vector<1024x1xf32>
    tpu.vector_store %arg5[%swap3A, %swap3A_18], %add3A_17 {strides = array<i32>} : memref<1024x1xf32, #tpu.memory_space<vmem>>, vector<1024x1xf32>,
    return
  }
  func.func @transform_0(%arg0: i32) -> (i32, i32, i32) {
    %c0_i32 = arith.constant 0 : i32
    %c0_i32_0 = arith.constant 0 : i32
    %c0_i32_1 = arith.constant 0 : i32
    return %c0_i32, %arg0, %c0_i32_0 : i32, i32, i32
  }
  func.func @transform_1(%arg0: i32) -> (i32, i32) {
    %c0_i32 = arith.constant 0 : i32
    %c0_i32_0 = arith.constant 0 : i32
    return %arg0, %c0_i32 : i32, i32
  }
  func.func @transform_2(%arg0: i32) -> (i32, i32) {
    %c0_i32 = arith.constant 0 : i32
    %c0_i32_0 = arith.constant 0 : i32
    return %arg0, %c0_i32 : i32, i32
  }
  func.func @transform_3(%arg0: i32) -> (i32, i32) {
    %c0_i32 = arith.constant 0 : i32
    %c0_i32_0 = arith.constant 0 : i32
    %c0_i32_1 = arith.constant 0 : i32
    return %c0_i32, %c0_i32_0 : i32, i32
  }
  func.func @transform_4(%arg0: i32) -> (i32, i32) {
    %c0_i32 = arith.constant 0 : i32
    %c0_i32_0 = arith.constant 0 : i32
    return %arg0, %c0_i32 : i32, i32
  }
}

module attributes {stable_mosaic.version = 14 : i64} {
  func.func @body(%arg0: i32, %arg1: memref<20x512xf32, #tpu.memory_space<vmem>>, %arg2: memref<20x512xi32, #tpu.memory_space<vmem>>, %arg3: memref<256x1xf32, #tpu.memory_space<vmem>>, %arg4: memref<256x1xi32, #tpu.memory_space<vmem>>, %arg5: memref<256x1xi32, #tpu.memory_space<vmem>>) attributes {dimension_semantics = [#tpu.dimension_semantics<arbitrary>], iteration_bounds = array<i64: 40>, scalar_prefetch = 0 : i64, scratch_operands = 0 : i64, tpu.core_type = #tpu.core_type<tc>, window_params = [{pipeline_mode = #tpu.pipeline_mode<synchronous>, transform_indices = @transform_0, window_bounds = array<i64: 20, 512>}, {pipeline_mode = #tpu.pipeline_mode<synchronous>, transform_indices = @transform_1, window_bounds = array<i64: 20, 512>}, {transform_indices = @transform_2, window_bounds = array<i64: 256, 1>}, {transform_indices = @transform_3, window_bounds = array<i64: 256, 1>}, {transform_indices = @transform_4, window_bounds = array<i64: 256, 1>}]} {
    %get3A = arith.constant 0 : index
    %get3A_0 = arith.constant 0 : index
    %get3A_1 = vector.load %arg3[%get3A, %get3A_0] : memref<256x1xf32, #tpu.memory_space<vmem>>, vector<256x1xf32>
    %get3A_2 = arith.constant 0 : index
    %get3A_3 = arith.constant 0 : index
    %get3A_4 = vector.load %arg4[%get3A_2, %get3A_3] : memref<256x1xi32, #tpu.memory_space<vmem>>, vector<256x1xi32>
    %mul3A = arith.constant 256 : i32
    %mul3A_5 = arith.muli %arg0, %mul3A : i32
    %iota3A = tpu.iota {dimensions = array<i32: 0>} : vector<256x1xi32>
    %add3A = vector.broadcast %mul3A_5 : i32 to vector<256x1xi32>
    %add3A_6 = arith.addi %add3A, %iota3A : vector<256x1xi32>
    %broadcast_in_dim3A = arith.constant 0 : i32
    %broadcast_in_dim3A_7 = vector.broadcast %broadcast_in_dim3A : i32 to vector<256x1xi32>
    %scan3A = arith.constant 0 : i32
    %scan3A_8 = arith.constant 20 : i32
    %scan3A_9 = arith.addi %scan3A, %scan3A_8 : i32
    %scan3A_10 = arith.constant 1 : i32
    %scan3A_11 = scf.for %scan3A_52 = %scan3A to %scan3A_9 step %scan3A_10 iter_args(%scan3A_53 = %broadcast_in_dim3A_7) -> (vector<256x1xi32>)  : i32 {
      %get3A_54 = arith.index_cast %scan3A_52 : i32 to index
      %get3A_55 = arith.constant 0 : index
      %get3A_56 = vector.load %arg1[%get3A_54, %get3A_55] : memref<20x512xf32, #tpu.memory_space<vmem>>, vector<1x512xf32>
      %get3A_57 = arith.index_cast %scan3A_52 : i32 to index
      %get3A_58 = arith.constant 0 : index
      %get3A_59 = vector.load %arg2[%get3A_57, %get3A_58] : memref<20x512xi32, #tpu.memory_space<vmem>>, vector<1x512xi32>
      %slice3A = vector.extract_strided_slice %get3A_59 {offsets = [0, 511], sizes = [1, 1], strides = [1, 1]} : vector<1x512xi32> to vector<1x1xi32>
      %squeeze3A = vector.extract %slice3A[0, 0] : i32 from vector<1x1xi32>
      %slice3A_60 = vector.extract_strided_slice %get3A_4 {offsets = [0, 0], sizes = [1, 1], strides = [1, 1]} : vector<256x1xi32> to vector<1x1xi32>
      %squeeze3A_61 = vector.extract %slice3A_60[0, 0] : i32 from vector<1x1xi32>
      %ge3A = arith.cmpi sge, %squeeze3A, %squeeze3A_61 : i32
      %slice3A_62 = vector.extract_strided_slice %get3A_59 {offsets = [0, 0], sizes = [1, 1], strides = [1, 1]} : vector<1x512xi32> to vector<1x1xi32>
      %squeeze3A_63 = vector.extract %slice3A_62[0, 0] : i32 from vector<1x1xi32>
      %slice3A_64 = vector.extract_strided_slice %get3A_4 {offsets = [255, 0], sizes = [1, 1], strides = [1, 1]} : vector<256x1xi32> to vector<1x1xi32>
      %squeeze3A_65 = vector.extract %slice3A_64[0, 0] : i32 from vector<1x1xi32>
      %le3A = arith.cmpi sle, %squeeze3A_63, %squeeze3A_65 : i32
      %and3A_66 = arith.andi %ge3A, %le3A : i1
      %convert_element_type3A = arith.extui %and3A_66 : i1 to i32
      %cond3A = arith.constant 0 : i32
      %cond3A_67 = arith.cmpi ne, %convert_element_type3A, %cond3A : i32
      %cond3A_68 = scf.if %cond3A_67 -> (vector<256x1xi32>) {
        %mul3A_69 = arith.constant 512 : i32
        %mul3A_70 = arith.muli %scan3A_52, %mul3A_69 : i32
        %iota3A_71 = tpu.iota {dimensions = array<i32: 1>} : vector<1x512xi32>
        %add3A_72 = vector.broadcast %mul3A_70 : i32 to vector<1x512xi32>
        %add3A_73 = arith.addi %add3A_72, %iota3A_71 : vector<1x512xi32>
        %eq3A = vector.broadcast %get3A_59 : vector<1x512xi32> to vector<256x512xi32>
        %eq3A_74 = vector.broadcast %get3A_4 : vector<256x1xi32> to vector<256x512xi32>
        %eq3A_75 = arith.cmpi eq, %eq3A, %eq3A_74 : vector<256x512xi32>
        %gt3A = vector.broadcast %get3A_56 : vector<1x512xf32> to vector<256x512xf32>
        %gt3A_76 = vector.broadcast %get3A_1 : vector<256x1xf32> to vector<256x512xf32>
        %gt3A_77 = arith.cmpf ogt, %gt3A, %gt3A_76 : vector<256x512xf32>
        %eq3A_78 = vector.broadcast %get3A_56 : vector<1x512xf32> to vector<256x512xf32>
        %eq3A_79 = vector.broadcast %get3A_1 : vector<256x1xf32> to vector<256x512xf32>
        %eq3A_80 = arith.cmpf oeq, %eq3A_78, %eq3A_79 : vector<256x512xf32>
        %lt3A_81 = vector.broadcast %add3A_73 : vector<1x512xi32> to vector<256x512xi32>
        %lt3A_82 = vector.broadcast %add3A_6 : vector<256x1xi32> to vector<256x512xi32>
        %lt3A_83 = arith.cmpi slt, %lt3A_81, %lt3A_82 : vector<256x512xi32>
        %and3A_84 = arith.andi %eq3A_80, %lt3A_83 : vector<256x512xi1>
        %or3A = arith.ori %gt3A_77, %and3A_84 : vector<256x512xi1>
        %and3A_85 = arith.andi %eq3A_75, %or3A : vector<256x512xi1>
        %convert_element_type3A_86 = arith.extui %and3A_85 : vector<256x512xi1> to vector<256x512xi32>
        %reduce_sum3A = arith.constant dense<0> : vector<256xi32>
        %reduce_sum3A_87 = vector.multi_reduction <add>, %convert_element_type3A_86, %reduce_sum3A [1] : vector<256x512xi32> to vector<256xi32>
        %broadcast_in_dim3A_88 = vector.shape_cast %reduce_sum3A_87 : vector<256xi32> to vector<256x1xi32>
        %add3A_89 = arith.addi %scan3A_53, %broadcast_in_dim3A_88 : vector<256x1xi32>
        scf.yield %add3A_89 : vector<256x1xi32>
      } else {
        scf.yield %scan3A_53 : vector<256x1xi32>
      }
      scf.yield %cond3A_68 : vector<256x1xi32>
    }
    %scan3A_12 = arith.constant 20 : i32
    %lt3A = arith.constant 30 : i32
    %lt3A_13 = vector.broadcast %lt3A : i32 to vector<256x1xi32>
    %lt3A_14 = arith.cmpi slt, %scan3A_11, %lt3A_13 : vector<256x1xi32>
    %lt3A_15 = arith.constant 64 : i32
    %lt3A_16 = vector.broadcast %lt3A_15 : i32 to vector<256x1xi32>
    %lt3A_17 = arith.cmpi slt, %get3A_4, %lt3A_16 : vector<256x1xi32>
    %and3A = arith.andi %lt3A_14, %lt3A_17 : vector<256x1xi1>
    %jit3A = arith.constant 640 : i32
    %div3A = vector.broadcast %jit3A : i32 to vector<256x1xi32>
    %div3A_18 = arith.divsi %add3A_6, %div3A : vector<256x1xi32>
    %sign3A = arith.constant 0 : i32
    %sign3A_19 = vector.broadcast %sign3A : i32 to vector<256x1xi32>
    %sign3A_20 = arith.cmpi sgt, %add3A_6, %sign3A_19 : vector<256x1xi32>
    %sign3A_21 = arith.extui %sign3A_20 : vector<256x1xi1> to vector<256x1xi32>
    %sign3A_22 = arith.constant 0 : i32
    %sign3A_23 = vector.broadcast %sign3A_22 : i32 to vector<256x1xi32>
    %sign3A_24 = arith.cmpi slt, %add3A_6, %sign3A_23 : vector<256x1xi32>
    %sign3A_25 = arith.extui %sign3A_24 : vector<256x1xi1> to vector<256x1xi32>
    %sign3A_26 = arith.subi %sign3A_21, %sign3A_25 : vector<256x1xi32>
    %sign3A_27 = arith.constant 0 : i32
    %sign3A_28 = arith.cmpi sgt, %jit3A, %sign3A_27 : i32
    %sign3A_29 = arith.extui %sign3A_28 : i1 to i32
    %sign3A_30 = arith.constant 0 : i32
    %sign3A_31 = arith.cmpi slt, %jit3A, %sign3A_30 : i32
    %sign3A_32 = arith.extui %sign3A_31 : i1 to i32
    %sign3A_33 = arith.subi %sign3A_29, %sign3A_32 : i32
    %ne3A = vector.broadcast %sign3A_33 : i32 to vector<256x1xi32>
    %ne3A_34 = arith.cmpi ne, %sign3A_26, %ne3A : vector<256x1xi32>
    %rem3A = vector.broadcast %jit3A : i32 to vector<256x1xi32>
    %rem3A_35 = arith.remsi %add3A_6, %rem3A : vector<256x1xi32>
    %ne3A_36 = arith.constant 0 : i32
    %ne3A_37 = vector.broadcast %ne3A_36 : i32 to vector<256x1xi32>
    %ne3A_38 = arith.cmpi ne, %rem3A_35, %ne3A_37 : vector<256x1xi32>
    %and3A_39 = arith.andi %ne3A_34, %ne3A_38 : vector<256x1xi1>
    %sub3A = arith.constant 1 : i32
    %sub3A_40 = vector.broadcast %sub3A : i32 to vector<256x1xi32>
    %sub3A_41 = arith.subi %div3A_18, %sub3A_40 : vector<256x1xi32>
    %select_n3A = arith.select %and3A_39, %sub3A_41, %div3A_18 : vector<256x1xi1>, vector<256x1xi32>
    %add3A_42 = arith.constant 1920 : i32
    %add3A_43 = vector.broadcast %add3A_42 : i32 to vector<256x1xi32>
    %add3A_44 = arith.addi %add3A_43, %select_n3A : vector<256x1xi32>
    %mul3A_45 = arith.constant 30 : i32
    %mul3A_46 = vector.broadcast %mul3A_45 : i32 to vector<256x1xi32>
    %mul3A_47 = arith.muli %get3A_4, %mul3A_46 : vector<256x1xi32>
    %add3A_48 = arith.addi %mul3A_47, %scan3A_11 : vector<256x1xi32>
    %select_n3A_49 = arith.select %and3A, %add3A_48, %add3A_44 : vector<256x1xi1>, vector<256x1xi32>
    %swap3A = arith.constant 0 : index
    %swap3A_50 = arith.constant 0 : index
    %swap3A_51 = vector.load %arg5[%swap3A, %swap3A_50] : memref<256x1xi32, #tpu.memory_space<vmem>>, vector<256x1xi32>
    tpu.vector_store %arg5[%swap3A, %swap3A_50], %select_n3A_49 {strides = array<i32>} : memref<256x1xi32, #tpu.memory_space<vmem>>, vector<256x1xi32>,
    return
  }
  func.func @transform_0(%arg0: i32) -> (i32, i32) {
    %c0_i32 = arith.constant 0 : i32
    %c0_i32_0 = arith.constant 0 : i32
    %c0_i32_1 = arith.constant 0 : i32
    return %c0_i32, %c0_i32_0 : i32, i32
  }
  func.func @transform_1(%arg0: i32) -> (i32, i32) {
    %c0_i32 = arith.constant 0 : i32
    %c0_i32_0 = arith.constant 0 : i32
    %c0_i32_1 = arith.constant 0 : i32
    return %c0_i32, %c0_i32_0 : i32, i32
  }
  func.func @transform_2(%arg0: i32) -> (i32, i32) {
    %c0_i32 = arith.constant 0 : i32
    %c0_i32_0 = arith.constant 0 : i32
    return %arg0, %c0_i32 : i32, i32
  }
  func.func @transform_3(%arg0: i32) -> (i32, i32) {
    %c0_i32 = arith.constant 0 : i32
    %c0_i32_0 = arith.constant 0 : i32
    return %arg0, %c0_i32 : i32, i32
  }
  func.func @transform_4(%arg0: i32) -> (i32, i32) {
    %c0_i32 = arith.constant 0 : i32
    %c0_i32_0 = arith.constant 0 : i32
    return %arg0, %c0_i32 : i32, i32
  }
}

module attributes {stable_mosaic.version = 14 : i64} {
  func.func @body(%arg0: i32, %arg1: memref<2x1024x64xf32, #tpu.memory_space<vmem>>, %arg2: memref<1024x128xf32, #tpu.memory_space<vmem>>, %arg3: memref<1024x1xf32, #tpu.memory_space<vmem>>, %arg4: memref<1x128xf32, #tpu.memory_space<vmem>>, %arg5: memref<1024x128xf32, #tpu.memory_space<vmem>>) attributes {dimension_semantics = [#tpu.dimension_semantics<arbitrary>], iteration_bounds = array<i64: 10>, scalar_prefetch = 0 : i64, scratch_operands = 0 : i64, tpu.core_type = #tpu.core_type<tc>, window_params = [{transform_indices = @transform_0, window_bounds = array<i64: 2, 1024, 64>}, {transform_indices = @transform_1, window_bounds = array<i64: 1024, 128>}, {transform_indices = @transform_2, window_bounds = array<i64: 1024, 1>}, {pipeline_mode = #tpu.pipeline_mode<synchronous>, transform_indices = @transform_3, window_bounds = array<i64: 1, 128>}, {transform_indices = @transform_4, window_bounds = array<i64: 1024, 128>}]} {
    %get3A = arith.constant 0 : index
    %get3A_0 = arith.constant 0 : index
    %get3A_1 = arith.constant 0 : index
    %get3A_2 = vector.load %arg1[%get3A, %get3A_0, %get3A_1] : memref<2x1024x64xf32, #tpu.memory_space<vmem>>, vector<2x1024x64xf32>
    %slice3A = vector.extract_strided_slice %get3A_2 {offsets = [0, 0, 0], sizes = [1, 1024, 64], strides = [1, 1, 1]} : vector<2x1024x64xf32> to vector<1x1024x64xf32>
    %squeeze3A = vector.shape_cast %slice3A : vector<1x1024x64xf32> to vector<1024x64xf32>
    %slice3A_3 = vector.extract_strided_slice %get3A_2 {offsets = [1, 0, 0], sizes = [1, 1024, 64], strides = [1, 1, 1]} : vector<2x1024x64xf32> to vector<1x1024x64xf32>
    %squeeze3A_4 = vector.shape_cast %slice3A_3 : vector<1x1024x64xf32> to vector<1024x64xf32>
    %concatenate3A = tpu.concatenate %squeeze3A, %squeeze3A_4 in 1 : vector<1024x64xf32>, vector<1024x64xf32> -> vector<1024x128xf32>
    %get3A_5 = arith.constant 0 : index
    %get3A_6 = arith.constant 0 : index
    %get3A_7 = vector.load %arg3[%get3A_5, %get3A_6] : memref<1024x1xf32, #tpu.memory_space<vmem>>, vector<1024x1xf32>
    %get3A_8 = arith.constant 0 : index
    %get3A_9 = arith.constant 0 : index
    %get3A_10 = vector.load %arg2[%get3A_8, %get3A_9] : memref<1024x128xf32, #tpu.memory_space<vmem>>, vector<1024x128xf32>
    %add3A = arith.addf %concatenate3A, %get3A_10 : vector<1024x128xf32>
    %mul3A = vector.broadcast %get3A_7 : vector<1024x1xf32> to vector<1024x128xf32>
    %mul3A_11 = arith.mulf %mul3A, %add3A : vector<1024x128xf32>
    %get3A_12 = arith.constant 0 : index
    %get3A_13 = arith.constant 0 : index
    %get3A_14 = vector.load %arg4[%get3A_12, %get3A_13] : memref<1x128xf32, #tpu.memory_space<vmem>>, vector<1x128xf32>
    %add3A_15 = vector.broadcast %get3A_14 : vector<1x128xf32> to vector<1024x128xf32>
    %add3A_16 = arith.addf %mul3A_11, %add3A_15 : vector<1024x128xf32>
    %swap3A = arith.constant 0 : index
    %swap3A_17 = arith.constant 0 : index
    %swap3A_18 = vector.load %arg5[%swap3A, %swap3A_17] : memref<1024x128xf32, #tpu.memory_space<vmem>>, vector<1024x128xf32>
    tpu.vector_store %arg5[%swap3A, %swap3A_17], %add3A_16 {strides = array<i32>} : memref<1024x128xf32, #tpu.memory_space<vmem>>, vector<1024x128xf32>,
    return
  }
  func.func @transform_0(%arg0: i32) -> (i32, i32, i32) {
    %c0_i32 = arith.constant 0 : i32
    %c0_i32_0 = arith.constant 0 : i32
    %c0_i32_1 = arith.constant 0 : i32
    return %c0_i32, %arg0, %c0_i32_0 : i32, i32, i32
  }
  func.func @transform_1(%arg0: i32) -> (i32, i32) {
    %c0_i32 = arith.constant 0 : i32
    %c0_i32_0 = arith.constant 0 : i32
    return %arg0, %c0_i32 : i32, i32
  }
  func.func @transform_2(%arg0: i32) -> (i32, i32) {
    %c0_i32 = arith.constant 0 : i32
    %c0_i32_0 = arith.constant 0 : i32
    return %arg0, %c0_i32 : i32, i32
  }
  func.func @transform_3(%arg0: i32) -> (i32, i32) {
    %c0_i32 = arith.constant 0 : i32
    %c0_i32_0 = arith.constant 0 : i32
    %c0_i32_1 = arith.constant 0 : i32
    return %c0_i32, %c0_i32_0 : i32, i32
  }
  func.func @transform_4(%arg0: i32) -> (i32, i32) {
    %c0_i32 = arith.constant 0 : i32
    %c0_i32_0 = arith.constant 0 : i32
    return %arg0, %c0_i32 : i32, i32
  }
}

</mosaic_0001>

<sc_bundles>
// kernel: kernel.12.cloned.1.call-start
scs
__scs_entry_jumppad:
0x0: {  	(pc) =	sbr.rel $0x88, $3  }
0x1: {  	(tag) =	ssettag $0x0;
	lr =	simm.s32 $0x1  }
0x2: {  	[smem:$0x3F9A] =	sst lr;
	_ =	strace $0xD0000000  }
0x3: {  	_ = 	snop  }
0x4: {  	_ = 	snop  }
0x5: {  	_ = 	snop  }
0x6: {  	_ = 	snop  }
0x7: {  	_ = 	snop  }
__scs_overlays_trampoline_lowered:
0x8: {  	[smem:$0x3FA9] =	sst s0  }
0x9: {  	[smem:$0x3FAA] =	sst s1  }
0xa: {  	[smem:$0x3FAB] =	sst s2  }
0xb: {  	[smem:$0x3FAC] =	sst s3  }
0xc: {  	[smem:$0x3FAD] =	sst s4  }
0xd: {  	[smem:$0x3FAE] =	sst s5  }
0xe: {  	[smem:$0x3FAF] =	sst s6  }
0xf: {  	[smem:$0x3FB0] =	sst s7  }
0x10: {  	[smem:$0x3FB1] =	sst s8  }
0x11: {  	[smem:$0x3FB2] =	sst s9;
	s0 =	simm.s32 @!p0 $0x0  }
0x12: {  	s1 =	sld [smem:$0x3F98];
	s0 =	simm.s32 @p0 $0x1  }
0x13: {  	[smem:$0x3FB3] =	sst s0;
	s0 =	simm.s32 @!p1 $0x0  }
0x14: {  	s2 =	sld [smem:$0x3F97];
	s0 =	simm.s32 @p1 $0x1  }
0x15: {  	[smem:$0x3FB4] =	sst s0;
	s0 =	simm.s32 @!p2 $0x0  }
0x16: {  	s3 =	sld [smem:$0x3FDB];
	s0 =	simm.s32 @p2 $0x1  }
0x17: {  	s4 =	simm.s32 $0x1BF5;
	[smem:$0x3FB6] =	sst s0  }
0x18: {  	s0 =	sld [smem:$0x3F99];
	_ =	swait.ge [sflag:s4], $0x0  }
0x19: {  	s7 =	sld [smem:$0x3F9A]  }
0x1a: {  	s8 =	sadd.s32 $0xFFFFE003, lr  }
0x1b: {  	s9 =	sadd.s32 $0xFFFFFEF7, lr;
	s5 =	simm.s32 $0xFFFFFFFF;
	p2 =	slt.u32 s8, $0xFFFFF086  }
0x1c: {  	p1 =	slt.u32 s9, $0xF7A;
	s5 =	simm.s32 @!p2 $0x0  }
0x1d: {  	s5 =	simm.s32 @p1 $0x1;
	p0 =	seq.s32 s7, s2  }
0x1e: {  	s7 =	smul.u32 @!p0 $0xF7A, s2;
	p2 =	seq.s32 @!p0 s5, $0x0  }
0x1f: {  	s9 =	smul.u32 $0xF7A, s1;
	s8 =	simm.s32 @!p0 $0x1BF5;
	p2 =	por !p2, p0  }
0x20: {  	[sflag:s8] =	ssyncset.s32 @!p0 $0xFFFFF086;
	s6 =	sadd.s32 @!p0 s3, s7;
	s7 =	simm.s32 @!p0 $0x108  }
0x21: {  	s3 =	sadd.s32 s3, s9;
	s6 =	sadd.s32 @!p0 $0x88, s6;
	s7 =	simm.s32 @p2 $0x1082  }
0x22: {  	[simem:s7], [sflag:s8] =	dma.local @!p0 [hbm:s6], $0xF7A  }
0x23: {  	s9 =	sor.u32 $0xD0000000, s2;
	s6 =	simm.s32 $0x108;
	_ =	swait.ge @!p0 [sflag:s8], $0x0  }
0x24: {  	s3 =	sadd.s32 $0x88, s3;
	s6 =	simm.s32 @!p1 $0x1082;
	[sflag:s4] =	ssyncset.s32 $0xFFFFF086  }
0x25: {  	[simem:s6], [sflag:s4] =	dma.local [hbm:s3], $0xF7A  }
0x26: {  	[smem:$0x3F9A] =	sst s1;
	(tag) =	ssettag s2;
	_ =	strace s9  }
0x27: {  	s1 =	sld [smem:$0x3FAA]  }
0x28: {  	s2 =	sld [smem:$0x3FAB]  }
0x29: {  	s4 =	sld [smem:$0x3FAD]  }
0x2a: {  	p0 =	seq.s32 s5, $0x0;
	s5 =	sld [smem:$0x3FAE]  }
0x2b: {  	s6 =	sld [smem:$0x3FAF]  }
0x2c: {  	s7 =	sld [smem:$0x3FB0]  }
0x2d: {  	s3 =	simm.s32 $0x108;
	s8 =	sld [smem:$0x3FB1]  }
0x2e: {  	s3 =	simm.s32 @!p0 $0x1082;
	s9 =	sld [smem:$0x3FB2]  }
0x2f: {  	lr =	sadd.s32 s0, s3;
	s0 =	sld [smem:$0x3FA9]  }
0x30: {  	s3 =	sld [smem:$0x3FAC]  }
0x31: {  	[smem:$0x3FB5] =	sst s10  }
0x32: {  	s10 =	sld [smem:$0x3FB3];
	_ =	sdelay $0x3  }
0x33: {  	p0 =	seq.s32 s10, $0x1;
	s10 =	sld [smem:$0x3FB5];
	_ =	sdelay $0x3  }
0x34: {  	[smem:$0x3FB5] =	sst s10  }
0x35: {  	s10 =	sld [smem:$0x3FB4];
	_ =	sdelay $0x3  }
0x36: {  	p1 =	seq.s32 s10, $0x1;
	s10 =	sld [smem:$0x3FB5];
	_ =	sdelay $0x3  }
0x37: {  	[smem:$0x3FB5] =	sst s10  }
0x38: {  	s10 =	sld [smem:$0x3FB6]  }
0x39: {  	_ = 	snop;
	(pc) =	sbr.ind lr, $3  }
0x3a: {  	_ = 	snop  }
0x3b: {  	_ = 	snop  }
0x3c: {  	p2 =	seq.s32 s10, $0x1;
	s10 =	sld [smem:$0x3FB5]  }
0x3d: {  	_ =	shalt  }
0x3e: {  	_ =	shalt  }
0x3f: {  	_ =	shalt  }
0x40: {  	_ =	shalt  }
0x41: {  	_ =	shalt  }
0x42: {  	_ =	shalt  }
0x43: {  	_ =	shalt  }
0x44: {  	_ =	shalt  }
0x45: {  	_ =	shalt  }
0x46: {  	_ =	shalt  }
0x47: {  	_ =	shalt  }
0x48: {  	_ =	shalt  }
0x49: {  	_ =	shalt  }
0x4a: {  	_ =	shalt  }
0x4b: {  	_ =	shalt  }
0x4c: {  	_ =	shalt  }
0x4d: {  	_ =	shalt  }
0x4e: {  	_ =	shalt  }
0x4f: {  	_ =	shalt  }
0x50: {  	_ =	shalt  }
0x51: {  	_ =	shalt  }
0x52: {  	_ =	shalt  }
0x53: {  	_ =	shalt  }
0x54: {  	_ =	shalt  }
0x55: {  	_ =	shalt  }
0x56: {  	_ =	shalt  }
0x57: {  	_ =	shalt  }
0x58: {  	_ =	shalt  }
0x59: {  	_ =	shalt  }
0x5a: {  	_ =	shalt  }
0x5b: {  	_ =	shalt  }
0x5c: {  	_ =	shalt  }
0x5d: {  	_ =	shalt  }
0x5e: {  	_ =	shalt  }
0x5f: {  	_ =	shalt  }
0x60: {  	_ =	shalt  }
0x61: {  	_ =	shalt  }
0x62: {  	_ =	shalt  }
0x63: {  	_ =	shalt  }
0x64: {  	_ =	shalt  }
0x65: {  	_ =	shalt  }
0x66: {  	_ =	shalt  }
0x67: {  	_ =	shalt  }
0x68: {  	_ =	shalt  }
0x69: {  	_ =	shalt  }
0x6a: {  	_ =	shalt  }
0x6b: {  	_ =	shalt  }
0x6c: {  	_ =	shalt  }
0x6d: {  	_ =	shalt  }
0x6e: {  	_ =	shalt  }
0x6f: {  	_ =	shalt  }
0x70: {  	_ =	shalt  }
0x71: {  	_ =	shalt  }
0x72: {  	_ =	shalt  }
0x73: {  	_ =	shalt  }
0x74: {  	_ =	shalt  }
0x75: {  	_ =	shalt  }
0x76: {  	_ =	shalt  }
0x77: {  	_ =	shalt  }
0x78: {  	_ =	shalt  }
0x79: {  	_ =	shalt  }
0x7a: {  	_ =	shalt  }
0x7b: {  	_ =	shalt  }
0x7c: {  	_ =	shalt  }
0x7d: {  	_ =	shalt  }
0x7e: {  	_ =	shalt  }
0x7f: {  	_ =	shalt  }
0x80: {  	_ =	shalt  }
0x81: {  	_ =	shalt  }
0x82: {  	_ =	shalt  }
0x83: {  	_ =	shalt  }
0x84: {  	_ =	shalt  }
0x85: {  	_ =	shalt  }
0x86: {  	_ =	shalt  }
0x87: {  	_ =	shalt  }
.Lfunc_end0:
.L_simem_size_0:
called_computation_lowered:
.L_overlay_start_0:
0x88: {  	s2 =	sld [smem:$0x3FD9]  }
0x89: {  	s3 =	sld [smem:$0x3FFE];
	_ =	sdelay $0x1  }
0x8a: {  	s1 =	srdreg.scid  }
0x8b: {  	s0 =	sand.u32 $0x1, s1  }
0x8c: {  	s16 =	sshll.u32 s0, $0xA;
	s2 =	sadd.s32 s3, s2  }
0x8d: {  	s2 =	sadd.s32 s2, s16  }
0x8e: {  	[smem:$0x3FC1] =	sst s2  }
0x8f: {  	_ = 	snop  }
0x90: {  	(tm) =	ssettm $0x1  }
0x91: {  	s17 =	sld [smem:$0x3FFB];
	_ =	sdelay $0x3  }
0x92: {  	_ =	strace s17  }
0x93: {  	s2 =	sld [smem:$0x3FFC];
	_ =	sdelay $0x3  }
0x94: {  	_ =	strace s2  }
0x95: {  	s2 =	sld [smem:$0x3FFD];
	_ =	sdelay $0x3  }
0x96: {  	_ =	strace s2  }
0x97: {  	_ =	strace $0x8FFFFFFF  }
0x98: {  	s18 =	sld [smem:$0x3FDB];
	_ =	sdelay $0x1  }
0x99: {  	s19 =	simm.s32 $_scs_section_size  }
0x9a: {  	s4 =	simm.s32 $_size__tile_overlayer_lowered;
	s5 =	simm.s32 $_tile_overlayer_lowered  }
0x9b: {  	s22 =	simm.s32 $0x1BFF;
	s21 =	sshll.u32 s5, $0x1;
	s2 =	sadd.s32 s19, s18  }
0x9c: {  	s6 =	simm.s32 $0x0;
	s20 =	sshll.u32 s4, $0x1;
	s4 =	sadd.s32 s21, s2  }
0x9d: {  	[timem:s6], [sflag:s22] =	dma.local [hbm:s4], s20  }
0x9e: {  	_ =	swait.ge [sflag:s22], s20  }
0x9f: {  	s3 =	ssub.s32 $0x0, s20;
	[sflag:s22] =	ssyncset.done $0x0  }
0xa0: {  	[sflag:s22] =	ssyncadd.s32 s3;
	_ =	sdelay $0x1  }
0xa1: {  	s23 =	simm.s32 $0x1B8B  }
0xa2: {  	_ =	swait.ge [sflag:s23], $0x1  }
0xa3: {  	[sflag:s23] =	ssyncset.done $0x0  }
0xa4: {  	s25 =	simm.s32 $0x1B8E;
	s24 =	sld [smem:$0x3FFE];
	[sflag:s23] =	ssyncadd.s32 $0xFFFFFFFF  }
0xa5: {  	s26 =	simm.s32 $execute0_lowered;
	[smem:$0x3FD2] =	sst s25  }
0xa6: {  	s4 =	sshll.u32 s26, $0x1;
	_ =	strace $0x80000046;
	[dreg:$0x1] =	wrdreg $0xFFFFFFFF  }
0xa7: {  	s28 =	simm.s32 $_size_execute0_lowered;
	s2 =	sadd.s32 s2, s4;
	[dreg:$0x0] =	wrdreg $0x0  }
0xa8: {  	s4 =	sshll.u32 s28, $0x1;
	[dreg:$0x2] =	wrdreg s2  }
0xa9: {  	[dreg:$0x3] =	wrdreg s4  }
0xaa: {  	[dreg:$0x4] =	wrdreg $0xC0  }
0xab: {  	_ =	task [dreg:s6], $0x5FFFF  }
0xac: {  	[dreg:$0x1] =	wrdreg $0xFFFFFFFF  }
0xad: {  	[dreg:$0x0] =	wrdreg $0x60  }
0xae: {  	[dreg:$0x2] =	wrdreg s24  }
0xaf: {  	[dreg:$0x3] =	wrdreg $0x37D00  }
0xb0: {  	[dreg:$0x4] =	wrdreg $0x9  }
0xb1: {  	_ =	task.clear_ibuf [dreg:s6], $0x5FFFF;
	_ =	strace $0x90000046  }
0xb2: {  	s29 =	simm.s32 $0x9;
	_ =	strace $0x80000048  }
0xb3: {  	_ =	swait.ge [sflag:s29], $0x1  }
0xb4: {  	[sflag:s29] =	ssyncadd.s32 $0xFFFFFFFF  }
0xb5: {  	_ =	strace $0x90000048  }
0xb6: {  	_ =	sfence  }
0xb7: {  	s30 =	sld [smem:$0x0];
	_ =	sdelay $0x2  }
0xb8: {  	s31 =	sshll.u32 s1, $0xD;
	s1 =	sshrl.u32 s1, $0x2  }
0xb9: {  	s3 =	sand.u32 $0x4000, s31;
	s1 =	sadd.s32 s1, s30  }
0xba: {  	s0 =	sor.u32 s3, s0;
	s1 =	sshll.u32 s1, $0x11  }
0xbb: {  	s0 =	sor.u32 s1, s0  }
0xbc: {  	s0 =	sadd.s32 $0x8F2B, s0  }
0xbd: {  	[sflag:s0] =	ssyncadd.remote.s32 $0x1  }
0xbe: {  	_ =	sfence.sel $0xFFFF  }
0xbf: {  	[dreg:$0x0] =	wrdreg $0xFFFFFFFF;
	(pc) =	sbr.abs _section_cstart, $3  }
0xc0: {  	[dreg:$0x1] =	wrdreg $0xFFFFFFFF  }
0xc1: {  	_ =	task.clear_ibuf [dreg:s6], $0x2FFFF;
	_ =	strace $0x9FFFFFFF  }
0xc2: {  	(tm) =	ssettm $0x7FFFFFFF  }
0xc3: {  	_ =	shalt  }
tec
execute0_lowered:
.L_overlay_start_1:
0x0: {  	(tag) =	ssettag $0x1  }
0x1: {  	s4 =	rddreg [dreg:$0x0]  }
0x2: {  	s2 =	rddreg [dreg:$0x1]  }
0x3: {  	s1 =	srdreg.scid;
	s0 =	rddreg [dreg:$0x2]  }
0x4: {  	s3 =	simm.s32 $0x0;
	s12 =	simm.s32 $0x2FD0;
	s13 =	simm.s32 $0x2  }
0x5: {  	s14 =	simm.s32 $0x7D;
	s15 =	simm.s32 $0x2800;
	s5 =	sand.u32 $0x1, s1  }
0x6: {  	s16 =	simm.s32 $0x1;
	s1 =	stileid.u32;
	s7 =	smul.u32 $0x28000, s5  }
0x7: {  	[smem:$0x7FF] =	sst s3;
	s6 =	sshll.u32 s5, $0x4;
	s8 =	smul.u32 $0x2800, s1  }
0x8: {  	_ =	strace $0x80000047;
	s9 =	smul.u32 $0xA000, s1;
	s5 =	ssub.s32 $0x2, s5  }
0x9: {  	s17 =	sshll.u32 s1, $0x6;
	s6 =	sor.u32 s1, s6;
	s31 =	sshrl.u32 s5, $0x1  }
0xa: {  	s17 =	sor.u32 $0x1C02, s17;
	s6 =	smul.u32 $0x500, s6;
	s7 =	sadd.s32 s8, s7  }
0xb: {  	s9 =	sshrl.u32 s9, $0x2;
	s10 =	ssub.s32 s5, s31;
	s18 =	sadd.s32 s8, s2  }
0xc: {  	s7 =	sshrl.u32 s7, $0x3;
	s18 =	sshrl.u32 s18, $0x3;
	s6 =	sadd.s32 s6, s4  }
0xd: {  	s7 =	sadd.s32 s7, s4;
	s4 =	sadd.s32 s9, s2;
	s5 =	sadd.s32 $0x2000, s6  }
0xe: {  	s6 =	sadd.s32 $0xC000, s7;
	s7 =	smax.u32 s10, $0x1;
	s8 =	sadd.s32 $0x800, s4  }
0xf: {  	v0 =	vimm.f32 $1.000000000e+00;
	v1 =	vimm.f32 $0.0e+00;
	s9 =	sadd.s32 $0x1000, s4;
	s10 =	sadd.s32 $0x1800, s4;
	s11 =	sadd.s32 $0x2000, s4  }
.LBB2_1:
0x10: {  	s19 =	simm.s32 $0x0  }
.LBB2_2:
0x11: {  	p0 =	sne.s32 s19, $0x1F00  }
.Ltmp0:
0x12: {  	_ = 	snop;
	(pc) =	sbr.rel @p0 .LBB2_2-.Ltmp0, $3  }
0x13: {  	_ =	sdelay $0x1  }
0x14: {  	s20 =	sshra.s32 s19, $0x2  }
0x15: {  	s19 =	sadd.s32 $0x40, s19;
	[tilespmem:s20+$0x2800] =	vst v0  }
0x16: {  	s19 =	simm.s32 $0x40;
	s20 =	simm.s32 $0x0  }
.LBB2_4:
0x17: {  	p0 =	sne.s32 s19, $0x1FC0;
	[tilespmem:s20+$0x2FD0] =	vst v1;
	s20 =	smov.u32 s19;
	s19 =	sadd.s32 $0x40, s19  }
.Ltmp1:
0x18: {  	(pc) =	sbr.rel @p0 .LBB2_4-.Ltmp1, $2  }
0x19: {  	_ =	sdelay $0x2  }
0x1a: {  	s20 =	sshra.s32 s20, $0x2  }
0x1b: {  	[tilespmem:s20+$0x2FD0] =	vst v1  }
0x1c: {  	[spmem:s4] =	stream.linear.scatter [tilespmem:s12], [sflag:$0x2], $0x800, $0x38;
	[tilespmem:$0x5FD0] =	vst v63  }
0x1d: {  	_ =	swait.ge [sflag:s13], $0x800  }
0x1e: {  	[sflag:s13] =	ssyncset.done $0x0  }
0x1f: {  	[sflag:s13] =	ssyncadd.s32 $0xFFFFF800  }
0x20: {  	[spmem:s8] =	stream.linear.scatter [tilespmem:s12], [sflag:$0x2], $0x800, $0x38;
	[tilespmem:$0x5FD0] =	vst v63  }
0x21: {  	_ =	swait.ge [sflag:s13], $0x800  }
0x22: {  	[sflag:s13] =	ssyncset.done $0x0  }
0x23: {  	[sflag:s13] =	ssyncadd.s32 $0xFFFFF800  }
0x24: {  	[spmem:s9] =	stream.linear.scatter [tilespmem:s12], [sflag:$0x2], $0x800, $0x38;
	[tilespmem:$0x5FD0] =	vst v63  }
0x25: {  	_ =	swait.ge [sflag:s13], $0x800  }
0x26: {  	[sflag:s13] =	ssyncset.done $0x0  }
0x27: {  	[sflag:s13] =	ssyncadd.s32 $0xFFFFF800  }
0x28: {  	[spmem:s10] =	stream.linear.scatter [tilespmem:s12], [sflag:$0x2], $0x800, $0x38;
	[tilespmem:$0x5FD0] =	vst v63  }
0x29: {  	_ =	swait.ge [sflag:s13], $0x800  }
0x2a: {  	[sflag:s13] =	ssyncset.done $0x0  }
0x2b: {  	[sflag:s13] =	ssyncadd.s32 $0xFFFFF800  }
0x2c: {  	[spmem:s11] =	stream.linear.scatter [tilespmem:s12], [sflag:$0x2], $0x800, $0x38;
	[tilespmem:$0x5FD0] =	vst v63  }
0x2d: {  	_ =	swait.ge [sflag:s13], $0x800  }
0x2e: {  	[sflag:s13] =	ssyncset.done $0x0  }
0x2f: {  	[sflag:s13] =	ssyncadd.s32 $0xFFFFF800  }
0x30: {  	s19 =	simm.s32 $0x0;
	[bflag:$0x0] =	sbarrier.arrive $0xFFFF  }
0x31: {  	[tilespmem:s19], [sflag:$0x2] =	stream.linear.gather [hbm4b:s5+s19], $0x2800, $0x38;
	[tilespmem:$0x5FD0] =	vst v63  }
0x32: {  	_ =	swait.ge [sflag:s13], $0x2800  }
0x33: {  	[sflag:s13] =	ssyncset.done $0x0  }
0x34: {  	[sflag:s13] =	ssyncadd.s32 $0xFFFFD800  }
.LBB2_6:
0x35: {  	p0 =	sne.s32 s19, $0x9E00  }
.Ltmp2:
0x36: {  	_ = 	snop;
	(pc) =	sbr.rel @p0 .LBB2_6-.Ltmp2, $3  }
0x37: {  	_ =	sdelay $0x1  }
0x38: {  	s20 =	sshra.s32 s19, $0x2;
	s19 =	sadd.s32 $0x200, s19  }
0x39: {  	[spmem:s2] =	stream.indirect.scatter.add.f32 [tilespmem:s15], [sflag:$0x1], $0x10, s20, s14, $0xb8;
	[tilespmem:$0x5FD0] =	vst v63  }
0x3a: {  	_ =	swait.ge [sflag:s16], $0x7D0  }
0x3b: {  	s19 =	simm.s32 $0x4F;
	[sflag:s16] =	ssyncset.done $0x0  }
.LBB2_8:
0x3c: {  	p0 =	sne.s32 s19, $0x1;
	s19 =	sadd.s32 $0xFFFFFFFF, s19;
	[sflag:s16] =	ssyncadd.s32 $0xFFFFF830  }
.Ltmp3:
0x3d: {  	(pc) =	sbr.rel @p0 .LBB2_8-.Ltmp3, $3  }
0x3e: {  	_ =	sdelay $0x1  }
0x3f: {  	_ =	swait.ge [sflag:s16], $0x7D0  }
0x40: {  	[sflag:s16] =	ssyncset.done $0x0  }
0x41: {  	s3 =	sadd.s32 $0x1, s3  }
0x42: {  	[sflag:s16] =	ssyncadd.s32 $0xFFFFF830;
	p0 =	sne.s32 s3, s7  }
.Ltmp4:
0x43: {  	[bflag:$0x0] =	sbarrier.arrive $0xFFFF;
	(pc) =	sbr.rel @p0 .LBB2_1-.Ltmp4, $4  }
0x44: {  	[hbm:s6], [sflag:s17] =	dma.local [spmem:s18], $0x500  }
0x45: {  	_ =	swait.ge [sflag:s13], $0x500  }
0x46: {  	[sflag:s13] =	ssyncset.done $0x0  }
0x47: {  	[sflag:s13] =	ssyncadd.s32 $0xFFFFFB00  }
0x48: {  	_ =	sfence.sel $0x180000  }
0x49: {  	[bflag:$0x0] =	sbarrier.arrive $0xFFFF  }
0x4a: {  	p0 =	sne.s32 s1, $0x0;
	_ =	strace $0x90000047  }
0x4b: {  	s0 =	sadd.s32 @!p0 $0x100000, s0;
	[bflag:$0x2] =	sbarrier.arrive $0xFFFF  }
0x4c: {  	[sflag:s0] =	ssyncadd.tile.s32 @!p0 $0x1;
	_ =	shalt  }
.Lfunc_end2:
_tile_overlayer_lowered:
.L_overlay_start_2:
0x4d: {  	(tag) =	ssettag $0x2  }
0x4e: {  	s0 =	rddreg [dreg:$0x0];
	s2 =	stileid.u32  }
0x4f: {  	s1 =	rddreg [dreg:$0x1];
	p0 =	sne.s32 s2, $0x0  }
0x50: {  	s3 =	rddreg [dreg:$0x2];
	[bflag:$0x3] =	sbarrier.arrive $0xFFFF;
	s2 =	simm.s32 @!p0 $0x1C02  }
0x51: {  	[timem:s3], [sflag:s2] =	dma.local @!p0 [hbm:s0], s1  }
0x52: {  	s0 =	simm.s32 @!p0 $0x2  }
0x53: {  	_ =	swait.ge @!p0 [sflag:s0], s1  }
0x54: {  	s1 =	ssub.s32 @!p0 $0x0, s1;
	[sflag:s0] =	ssyncset.done @!p0 $0x0  }
0x55: {  	[sflag:s0] =	ssyncadd.s32 @!p0 s1  }
0x56: {  	[bflag:$0x3] =	sbarrier.arrive $0xFFFF  }
0x57: {  	_ =	shalt  }

// kernel: kernel.15.cloned.1.call-start
scs
__scs_entry_jumppad:
0x0: {  	(pc) =	sbr.rel $0x88, $3  }
0x1: {  	(tag) =	ssettag $0x0;
	lr =	simm.s32 $0x1  }
0x2: {  	[smem:$0x3F9A] =	sst lr;
	_ =	strace $0xD0000000  }
0x3: {  	_ = 	snop  }
0x4: {  	_ = 	snop  }
0x5: {  	_ = 	snop  }
0x6: {  	_ = 	snop  }
0x7: {  	_ = 	snop  }
__scs_overlays_trampoline_lowered:
0x8: {  	[smem:$0x3FA9] =	sst s0  }
0x9: {  	[smem:$0x3FAA] =	sst s1  }
0xa: {  	[smem:$0x3FAB] =	sst s2  }
0xb: {  	[smem:$0x3FAC] =	sst s3  }
0xc: {  	[smem:$0x3FAD] =	sst s4  }
0xd: {  	[smem:$0x3FAE] =	sst s5  }
0xe: {  	[smem:$0x3FAF] =	sst s6  }
0xf: {  	[smem:$0x3FB0] =	sst s7  }
0x10: {  	[smem:$0x3FB1] =	sst s8  }
0x11: {  	[smem:$0x3FB2] =	sst s9;
	s0 =	simm.s32 @!p0 $0x0  }
0x12: {  	s1 =	sld [smem:$0x3F98];
	s0 =	simm.s32 @p0 $0x1  }
0x13: {  	[smem:$0x3FB3] =	sst s0;
	s0 =	simm.s32 @!p1 $0x0  }
0x14: {  	s2 =	sld [smem:$0x3F97];
	s0 =	simm.s32 @p1 $0x1  }
0x15: {  	[smem:$0x3FB4] =	sst s0;
	s0 =	simm.s32 @!p2 $0x0  }
0x16: {  	s3 =	sld [smem:$0x3FDB];
	s0 =	simm.s32 @p2 $0x1  }
0x17: {  	s4 =	simm.s32 $0x1BF5;
	[smem:$0x3FB6] =	sst s0  }
0x18: {  	s0 =	sld [smem:$0x3F99];
	_ =	swait.ge [sflag:s4], $0x0  }
0x19: {  	s7 =	sld [smem:$0x3F9A]  }
0x1a: {  	s8 =	sadd.s32 $0xFFFFE003, lr  }
0x1b: {  	s9 =	sadd.s32 $0xFFFFFEF7, lr;
	s5 =	simm.s32 $0xFFFFFFFF;
	p2 =	slt.u32 s8, $0xFFFFF086  }
0x1c: {  	p1 =	slt.u32 s9, $0xF7A;
	s5 =	simm.s32 @!p2 $0x0  }
0x1d: {  	s5 =	simm.s32 @p1 $0x1;
	p0 =	seq.s32 s7, s2  }
0x1e: {  	s7 =	smul.u32 @!p0 $0xF7A, s2;
	p2 =	seq.s32 @!p0 s5, $0x0  }
0x1f: {  	s9 =	smul.u32 $0xF7A, s1;
	s8 =	simm.s32 @!p0 $0x1BF5;
	p2 =	por !p2, p0  }
0x20: {  	[sflag:s8] =	ssyncset.s32 @!p0 $0xFFFFF086;
	s6 =	sadd.s32 @!p0 s3, s7;
	s7 =	simm.s32 @!p0 $0x108  }
0x21: {  	s3 =	sadd.s32 s3, s9;
	s6 =	sadd.s32 @!p0 $0x88, s6;
	s7 =	simm.s32 @p2 $0x1082  }
0x22: {  	[simem:s7], [sflag:s8] =	dma.local @!p0 [hbm:s6], $0xF7A  }
0x23: {  	s9 =	sor.u32 $0xD0000000, s2;
	s6 =	simm.s32 $0x108;
	_ =	swait.ge @!p0 [sflag:s8], $0x0  }
0x24: {  	s3 =	sadd.s32 $0x88, s3;
	s6 =	simm.s32 @!p1 $0x1082;
	[sflag:s4] =	ssyncset.s32 $0xFFFFF086  }
0x25: {  	[simem:s6], [sflag:s4] =	dma.local [hbm:s3], $0xF7A  }
0x26: {  	[smem:$0x3F9A] =	sst s1;
	(tag) =	ssettag s2;
	_ =	strace s9  }
0x27: {  	s1 =	sld [smem:$0x3FAA]  }
0x28: {  	s2 =	sld [smem:$0x3FAB]  }
0x29: {  	s4 =	sld [smem:$0x3FAD]  }
0x2a: {  	p0 =	seq.s32 s5, $0x0;
	s5 =	sld [smem:$0x3FAE]  }
0x2b: {  	s6 =	sld [smem:$0x3FAF]  }
0x2c: {  	s7 =	sld [smem:$0x3FB0]  }
0x2d: {  	s3 =	simm.s32 $0x108;
	s8 =	sld [smem:$0x3FB1]  }
0x2e: {  	s3 =	simm.s32 @!p0 $0x1082;
	s9 =	sld [smem:$0x3FB2]  }
0x2f: {  	lr =	sadd.s32 s0, s3;
	s0 =	sld [smem:$0x3FA9]  }
0x30: {  	s3 =	sld [smem:$0x3FAC]  }
0x31: {  	[smem:$0x3FB5] =	sst s10  }
0x32: {  	s10 =	sld [smem:$0x3FB3];
	_ =	sdelay $0x3  }
0x33: {  	p0 =	seq.s32 s10, $0x1;
	s10 =	sld [smem:$0x3FB5];
	_ =	sdelay $0x3  }
0x34: {  	[smem:$0x3FB5] =	sst s10  }
0x35: {  	s10 =	sld [smem:$0x3FB4];
	_ =	sdelay $0x3  }
0x36: {  	p1 =	seq.s32 s10, $0x1;
	s10 =	sld [smem:$0x3FB5];
	_ =	sdelay $0x3  }
0x37: {  	[smem:$0x3FB5] =	sst s10  }
0x38: {  	s10 =	sld [smem:$0x3FB6]  }
0x39: {  	_ = 	snop;
	(pc) =	sbr.ind lr, $3  }
0x3a: {  	_ = 	snop  }
0x3b: {  	_ = 	snop  }
0x3c: {  	p2 =	seq.s32 s10, $0x1;
	s10 =	sld [smem:$0x3FB5]  }
0x3d: {  	_ =	shalt  }
0x3e: {  	_ =	shalt  }
0x3f: {  	_ =	shalt  }
0x40: {  	_ =	shalt  }
0x41: {  	_ =	shalt  }
0x42: {  	_ =	shalt  }
0x43: {  	_ =	shalt  }
0x44: {  	_ =	shalt  }
0x45: {  	_ =	shalt  }
0x46: {  	_ =	shalt  }
0x47: {  	_ =	shalt  }
0x48: {  	_ =	shalt  }
0x49: {  	_ =	shalt  }
0x4a: {  	_ =	shalt  }
0x4b: {  	_ =	shalt  }
0x4c: {  	_ =	shalt  }
0x4d: {  	_ =	shalt  }
0x4e: {  	_ =	shalt  }
0x4f: {  	_ =	shalt  }
0x50: {  	_ =	shalt  }
0x51: {  	_ =	shalt  }
0x52: {  	_ =	shalt  }
0x53: {  	_ =	shalt  }
0x54: {  	_ =	shalt  }
0x55: {  	_ =	shalt  }
0x56: {  	_ =	shalt  }
0x57: {  	_ =	shalt  }
0x58: {  	_ =	shalt  }
0x59: {  	_ =	shalt  }
0x5a: {  	_ =	shalt  }
0x5b: {  	_ =	shalt  }
0x5c: {  	_ =	shalt  }
0x5d: {  	_ =	shalt  }
0x5e: {  	_ =	shalt  }
0x5f: {  	_ =	shalt  }
0x60: {  	_ =	shalt  }
0x61: {  	_ =	shalt  }
0x62: {  	_ =	shalt  }
0x63: {  	_ =	shalt  }
0x64: {  	_ =	shalt  }
0x65: {  	_ =	shalt  }
0x66: {  	_ =	shalt  }
0x67: {  	_ =	shalt  }
0x68: {  	_ =	shalt  }
0x69: {  	_ =	shalt  }
0x6a: {  	_ =	shalt  }
0x6b: {  	_ =	shalt  }
0x6c: {  	_ =	shalt  }
0x6d: {  	_ =	shalt  }
0x6e: {  	_ =	shalt  }
0x6f: {  	_ =	shalt  }
0x70: {  	_ =	shalt  }
0x71: {  	_ =	shalt  }
0x72: {  	_ =	shalt  }
0x73: {  	_ =	shalt  }
0x74: {  	_ =	shalt  }
0x75: {  	_ =	shalt  }
0x76: {  	_ =	shalt  }
0x77: {  	_ =	shalt  }
0x78: {  	_ =	shalt  }
0x79: {  	_ =	shalt  }
0x7a: {  	_ =	shalt  }
0x7b: {  	_ =	shalt  }
0x7c: {  	_ =	shalt  }
0x7d: {  	_ =	shalt  }
0x7e: {  	_ =	shalt  }
0x7f: {  	_ =	shalt  }
0x80: {  	_ =	shalt  }
0x81: {  	_ =	shalt  }
0x82: {  	_ =	shalt  }
0x83: {  	_ =	shalt  }
0x84: {  	_ =	shalt  }
0x85: {  	_ =	shalt  }
0x86: {  	_ =	shalt  }
0x87: {  	_ =	shalt  }
.Lfunc_end0:
.L_simem_size_0:
called_computation.1_lowered:
.L_overlay_start_0:
0x88: {  	s2 =	sld [smem:$0x3FD9]  }
0x89: {  	s3 =	sld [smem:$0x3FFE];
	_ =	sdelay $0x1  }
0x8a: {  	s1 =	srdreg.scid  }
0x8b: {  	s0 =	sand.u32 $0x1, s1  }
0x8c: {  	s16 =	sshll.u32 s0, $0xA;
	s2 =	sadd.s32 s3, s2  }
0x8d: {  	s2 =	sadd.s32 s2, s16  }
0x8e: {  	[smem:$0x3FC1] =	sst s2  }
0x8f: {  	_ = 	snop  }
0x90: {  	(tm) =	ssettm $0x1  }
0x91: {  	s17 =	sld [smem:$0x3FFB];
	_ =	sdelay $0x3  }
0x92: {  	_ =	strace s17  }
0x93: {  	s2 =	sld [smem:$0x3FFC];
	_ =	sdelay $0x3  }
0x94: {  	_ =	strace s2  }
0x95: {  	s2 =	sld [smem:$0x3FFD];
	_ =	sdelay $0x3  }
0x96: {  	_ =	strace s2  }
0x97: {  	_ =	strace $0x8FFFFFFF  }
0x98: {  	s18 =	sld [smem:$0x3FDB];
	_ =	sdelay $0x1  }
0x99: {  	s19 =	simm.s32 $_scs_section_size  }
0x9a: {  	s4 =	simm.s32 $_size__tile_overlayer_lowered;
	s5 =	simm.s32 $_tile_overlayer_lowered  }
0x9b: {  	s22 =	simm.s32 $0x1BFF;
	s21 =	sshll.u32 s5, $0x1;
	s2 =	sadd.s32 s19, s18  }
0x9c: {  	s6 =	simm.s32 $0x0;
	s20 =	sshll.u32 s4, $0x1;
	s4 =	sadd.s32 s21, s2  }
0x9d: {  	[timem:s6], [sflag:s22] =	dma.local [hbm:s4], s20  }
0x9e: {  	_ =	swait.ge [sflag:s22], s20  }
0x9f: {  	s3 =	ssub.s32 $0x0, s20;
	[sflag:s22] =	ssyncset.done $0x0  }
0xa0: {  	[sflag:s22] =	ssyncadd.s32 s3;
	_ =	sdelay $0x1  }
0xa1: {  	s23 =	simm.s32 $0x1B8B  }
0xa2: {  	_ =	swait.ge [sflag:s23], $0x1  }
0xa3: {  	[sflag:s23] =	ssyncset.done $0x0  }
0xa4: {  	s25 =	simm.s32 $0x1B8E;
	s24 =	sld [smem:$0x3FFE];
	[sflag:s23] =	ssyncadd.s32 $0xFFFFFFFF  }
0xa5: {  	s26 =	simm.s32 $execute0_lowered;
	[smem:$0x3FD2] =	sst s25  }
0xa6: {  	s4 =	sshll.u32 s26, $0x1;
	_ =	strace $0x80000049;
	[dreg:$0x1] =	wrdreg $0xFFFFFFFF  }
0xa7: {  	s28 =	simm.s32 $_size_execute0_lowered;
	s2 =	sadd.s32 s2, s4;
	[dreg:$0x0] =	wrdreg $0x0  }
0xa8: {  	s4 =	sshll.u32 s28, $0x1;
	[dreg:$0x2] =	wrdreg s2  }
0xa9: {  	[dreg:$0x3] =	wrdreg s4  }
0xaa: {  	[dreg:$0x4] =	wrdreg $0xC0  }
0xab: {  	_ =	task [dreg:s6], $0x5FFFF  }
0xac: {  	[dreg:$0x1] =	wrdreg $0xFFFFFFFF  }
0xad: {  	[dreg:$0x0] =	wrdreg $0x60  }
0xae: {  	[dreg:$0x2] =	wrdreg s24  }
0xaf: {  	[dreg:$0x3] =	wrdreg $0x15B800  }
0xb0: {  	[dreg:$0x4] =	wrdreg $0x9  }
0xb1: {  	_ =	task.clear_ibuf [dreg:s6], $0x5FFFF;
	_ =	strace $0x90000049  }
0xb2: {  	s29 =	simm.s32 $0x9;
	_ =	strace $0x8000004B  }
0xb3: {  	_ =	swait.ge [sflag:s29], $0x1  }
0xb4: {  	[sflag:s29] =	ssyncadd.s32 $0xFFFFFFFF  }
0xb5: {  	_ =	strace $0x9000004B  }
0xb6: {  	_ =	sfence  }
0xb7: {  	s30 =	sld [smem:$0x0];
	_ =	sdelay $0x2  }
0xb8: {  	s31 =	sshll.u32 s1, $0xD;
	s1 =	sshrl.u32 s1, $0x2  }
0xb9: {  	s3 =	sand.u32 $0x4000, s31;
	s1 =	sadd.s32 s1, s30  }
0xba: {  	s0 =	sor.u32 s3, s0;
	s1 =	sshll.u32 s1, $0x11  }
0xbb: {  	s0 =	sor.u32 s1, s0  }
0xbc: {  	s0 =	sadd.s32 $0x8F2B, s0  }
0xbd: {  	[sflag:s0] =	ssyncadd.remote.s32 $0x1  }
0xbe: {  	_ =	sfence.sel $0xFFFF  }
0xbf: {  	[dreg:$0x0] =	wrdreg $0xFFFFFFFF;
	(pc) =	sbr.abs _section_cstart, $3  }
0xc0: {  	[dreg:$0x1] =	wrdreg $0xFFFFFFFF  }
0xc1: {  	_ =	task.clear_ibuf [dreg:s6], $0x2FFFF;
	_ =	strace $0x9FFFFFFF  }
0xc2: {  	(tm) =	ssettm $0x7FFFFFFF  }
0xc3: {  	_ =	shalt  }
tec
execute0_lowered:
.L_overlay_start_1:
0x0: {  	(tag) =	ssettag $0x1  }
0x1: {  	s0 =	srdreg.scid;
	s1 =	rddreg [dreg:$0x0]  }
0x2: {  	s10 =	stileid.u32;
	s2 =	rddreg [dreg:$0x1];
	s3 =	simm.s32 $0x0  }
0x3: {  	s17 =	simm.s32 $0xA000;
	s18 =	simm.s32 $0xD;
	s5 =	smul.u32 $0x5000, s10  }
0x4: {  	s22 =	simm.s32 $0xBF40;
	s28 =	simm.s32 $0xFDC0;
	s8 =	smul.u32 $0xA000, s10  }
0x5: {  	s29 =	simm.s32 $0x1;
	s0 =	sand.u32 $0x1, s0;
	s10 =	smul.u32 $0x28000, s10  }
0x6: {  	s31 =	simm.s32 $0x11D00;
	s30 =	simm.s32 $0x8;
	s4 =	smul.u32 $0x50000, s0  }
0x7: {  	[smem:$0x7FF] =	sst s3;
	s6 =	smul.u32 $0xA0000, s0;
	s0 =	ssub.s32 $0x2, s0  }
0x8: {  	s11 =	simm.s32 $0xC;
	_ =	strace $0x8000004A;
	s9 =	sshrl.u32 s0, $0x1  }
0x9: {  	s20 =	sshrl.u32 s10, $0x2;
	s21 =	sadd.s32 s8, s2;
	s10 =	simm.s32 $0xB  }
0xa: {  	s4 =	sadd.s32 s5, s4;
	s5 =	sshrl.u32 s5, $0x3;
	s6 =	sadd.s32 s8, s6  }
0xb: {  	s0 =	ssub.s32 s0, s9;
	s8 =	sadd.s32 s20, s2;
	s20 =	simm.s32 $0x7D  }
0xc: {  	s9 =	simm.s32 $0xA;
	s7 =	sshrl.u32 s4, $0x3;
	s4 =	sadd.s32 $0x2A000, s1  }
0xd: {  	s6 =	sshrl.u32 s6, $0x3;
	s5 =	sadd.s32 s5, s1;
	s0 =	smax.u32 s0, $0x1  }
0xe: {  	s23 =	sadd.s32 $0x1400, s8;
	s24 =	sadd.s32 $0x2800, s8;
	[dreg:$0x6] =	wrdreg s0  }
0xf: {  	s25 =	sadd.s32 $0x3C00, s8;
	s26 =	sadd.s32 $0x5000, s8;
	[dreg:$0x7] =	wrdreg s23  }
0x10: {  	s14 =	sadd.s32 $0x6400, s8;
	s15 =	sadd.s32 $0x7800, s8;
	[dreg:$0x8] =	wrdreg s24  }
0x11: {  	s16 =	sadd.s32 $0x8C00, s8;
	s7 =	sadd.s32 s7, s1;
	[dreg:$0x9] =	wrdreg s25  }
0x12: {  	s1 =	sadd.s32 s6, s1;
	s5 =	sadd.s32 $0x2000, s5;
	[dreg:$0xa] =	wrdreg s26  }
0x13: {  	s24 =	simm.s32 $0xDE80;
	s25 =	sshrl.u32 s21, $0x3;
	s23 =	simm.s32 $0x13C40  }
0x14: {  	s26 =	simm.s32 $0x3;
	s21 =	simm.s32 $0x7;
	s0 =	simm.s32 $0x4  }
0x15: {  	s6 =	simm.s32 $0x9;
	s19 =	sadd.s32 $0x16000, s7;
	[dreg:$0x4] =	wrdreg s5  }
0x16: {  	s1 =	sadd.s32 $0x52000, s1;
	s5 =	simm.s32 $0x5;
	[dreg:$0x3] =	wrdreg s19  }
0x17: {  	v0 =	vimm.f32 $0.0e+00;
	s7 =	simm.s32 $0x6;
	[dreg:$0x5] =	wrdreg s1;
	s1 =	simm.s32 $0x2  }
.LBB2_1:
0x18: {  	s19 =	simm.s32 $0x100;
	s12 =	simm.s32 $0x0  }
.LBB2_2:
0x19: {  	p0 =	sne.s32 s19, $0x7C00;
	[tilespmem:s12+$0xA030] =	vst v0;
	s13 =	smov.u32 s19;
	s19 =	sadd.s32 $0x100, s19  }
.Ltmp0:
0x1a: {  	[tilespmem:s12+$0xA020] =	vst v0;
	(pc) =	sbr.rel @p0 .LBB2_2-.Ltmp0, $3  }
0x1b: {  	[tilespmem:s12+$0xA000] =	vst v0  }
0x1c: {  	[tilespmem:s12+$0xA010] =	vst v0;
	_ =	sdelay $0x1  }
0x1d: {  	s12 =	sshra.s32 s13, $0x2  }
0x1e: {  	[tilespmem:s12+$0xA030] =	vst v0  }
0x1f: {  	[tilespmem:s12+$0xA020] =	vst v0  }
0x20: {  	[tilespmem:s12+$0xA000] =	vst v0  }
0x21: {  	[tilespmem:s12+$0xA010] =	vst v0  }
0x22: {  	[spmem:s8] =	stream.linear.scatter [tilespmem:s17], [sflag:$0xD], $0x1400, $0x38;
	[tilespmem:$0x1FB80] =	vst v63  }
0x23: {  	_ =	swait.ge [sflag:s18], $0x1400  }
0x24: {  	[sflag:s18] =	ssyncset.done $0x0  }
0x25: {  	s13 =	rddreg [dreg:$0x7];
	[sflag:s18] =	ssyncadd.s32 $0xFFFFEC00  }
0x26: {  	[spmem:s13] =	stream.linear.scatter [tilespmem:s17], [sflag:$0xD], $0x1400, $0x38;
	[tilespmem:$0x1FB80] =	vst v63  }
0x27: {  	_ =	swait.ge [sflag:s18], $0x1400  }
0x28: {  	[sflag:s18] =	ssyncset.done $0x0  }
0x29: {  	s19 =	rddreg [dreg:$0x8];
	[sflag:s18] =	ssyncadd.s32 $0xFFFFEC00  }
0x2a: {  	[spmem:s19] =	stream.linear.scatter [tilespmem:s17], [sflag:$0xD], $0x1400, $0x38;
	[tilespmem:$0x1FB80] =	vst v63  }
0x2b: {  	_ =	swait.ge [sflag:s18], $0x1400  }
0x2c: {  	[sflag:s18] =	ssyncset.done $0x0  }
0x2d: {  	s13 =	rddreg [dreg:$0x9];
	[sflag:s18] =	ssyncadd.s32 $0xFFFFEC00  }
0x2e: {  	[spmem:s13] =	stream.linear.scatter [tilespmem:s17], [sflag:$0xD], $0x1400, $0x38;
	[tilespmem:$0x1FB80] =	vst v63  }
0x2f: {  	_ =	swait.ge [sflag:s18], $0x1400  }
0x30: {  	[sflag:s18] =	ssyncset.done $0x0  }
0x31: {  	s19 =	rddreg [dreg:$0xa];
	[sflag:s18] =	ssyncadd.s32 $0xFFFFEC00  }
0x32: {  	[spmem:s19] =	stream.linear.scatter [tilespmem:s17], [sflag:$0xD], $0x1400, $0x38;
	[tilespmem:$0x1FB80] =	vst v63  }
0x33: {  	_ =	swait.ge [sflag:s18], $0x1400  }
0x34: {  	[sflag:s18] =	ssyncset.done $0x0  }
0x35: {  	[sflag:s18] =	ssyncadd.s32 $0xFFFFEC00  }
0x36: {  	[spmem:s14] =	stream.linear.scatter [tilespmem:s17], [sflag:$0xD], $0x1400, $0x38;
	[tilespmem:$0x1FB80] =	vst v63  }
0x37: {  	_ =	swait.ge [sflag:s18], $0x1400  }
0x38: {  	[sflag:s18] =	ssyncset.done $0x0  }
0x39: {  	[sflag:s18] =	ssyncadd.s32 $0xFFFFEC00  }
0x3a: {  	[spmem:s15] =	stream.linear.scatter [tilespmem:s17], [sflag:$0xD], $0x1400, $0x38;
	[tilespmem:$0x1FB80] =	vst v63  }
0x3b: {  	_ =	swait.ge [sflag:s18], $0x1400  }
0x3c: {  	[sflag:s18] =	ssyncset.done $0x0  }
0x3d: {  	[sflag:s18] =	ssyncadd.s32 $0xFFFFEC00  }
0x3e: {  	[spmem:s16] =	stream.linear.scatter [tilespmem:s17], [sflag:$0xD], $0x1400, $0x38;
	[tilespmem:$0x1FB80] =	vst v63  }
0x3f: {  	_ =	swait.ge [sflag:s18], $0x1400  }
0x40: {  	[sflag:s18] =	ssyncset.done $0x0  }
0x41: {  	[sflag:s18] =	ssyncadd.s32 $0xFFFFEC00  }
0x42: {  	[bflag:$0x0] =	sbarrier.arrive $0xFFFF  }
0x43: {  	s12 =	simm.s32 $0x0;
	s13 =	rddreg [dreg:$0x3]  }
0x44: {  	[tilespmem:s12], [sflag:$0xD] =	stream.linear.gather [hbm4b:s13+s12], $0x5000, $0x38;
	[tilespmem:$0x1FB80] =	vst v63  }
0x45: {  	_ =	swait.ge [sflag:s18], $0x5000  }
0x46: {  	[sflag:s18] =	ssyncset.done $0x0  }
0x47: {  	s19 =	simm.s32 $0x5000;
	s13 =	rddreg [dreg:$0x4];
	[sflag:s18] =	ssyncadd.s32 $0xFFFFB000  }
0x48: {  	[tilespmem:s19], [sflag:$0xD] =	stream.linear.gather [hbm4b:s13+s12], $0x5000, $0x38;
	[tilespmem:$0x1FB80] =	vst v63  }
0x49: {  	_ =	swait.ge [sflag:s18], $0x5000  }
0x4a: {  	[sflag:s18] =	ssyncset.done $0x0  }
0x4b: {  	[sflag:s18] =	ssyncadd.s32 $0xFFFFB000  }
0x4c: {  	[tilespmem:s17], [sflag:$0x1] =	stream.indirect.gather [hbm4b:s4+s20], $0x40, s12, s20, $0xb8;
	[tilespmem:$0x1FB80] =	vst v63  }
0x4d: {  	s13 =	simm.s32 $0x80  }
0x4e: {  	[tilespmem:s22], [sflag:$0x2] =	stream.indirect.gather [hbm4b:s4+s20], $0x40, s13, s20, $0xb8;
	[tilespmem:$0x1FB80] =	vst v63  }
0x4f: {  	s13 =	simm.s32 $0x100  }
0x50: {  	[tilespmem:s24], [sflag:$0x3] =	stream.indirect.gather [hbm4b:s4+s20], $0x40, s13, s20, $0xb8;
	[tilespmem:$0x1FB80] =	vst v63  }
0x51: {  	s13 =	simm.s32 $0x180  }
0x52: {  	[tilespmem:s28], [sflag:$0x4] =	stream.indirect.gather [hbm4b:s4+s20], $0x40, s13, s20, $0xb8;
	[tilespmem:$0x1FB80] =	vst v63  }
0x53: {  	_ =	swait.ge [sflag:s29], $0x1F40  }
0x54: {  	[sflag:s29] =	ssyncset.done $0x0  }
0x55: {  	[sflag:s29] =	ssyncadd.s32 $0xFFFFE0C0  }
0x56: {  	[spmem:s2] =	stream.indirect.scatter.add.f32 [tilespmem:s17], [sflag:$0x7], $0x40, s19, s20, $0xb8;
	[tilespmem:$0x1FB80] =	vst v63  }
0x57: {  	s19 =	simm.s32 $0x200  }
0x58: {  	[tilespmem:s31], [sflag:$0x5] =	stream.indirect.gather [hbm4b:s4+s20], $0x40, s19, s20, $0xb8;
	[tilespmem:$0x1FB80] =	vst v63  }
0x59: {  	_ =	swait.ge [sflag:s1], $0x1F40  }
0x5a: {  	[sflag:s1] =	ssyncset.done $0x0  }
0x5b: {  	s13 =	simm.s32 $0x5080;
	[sflag:s1] =	ssyncadd.s32 $0xFFFFE0C0  }
0x5c: {  	[spmem:s2] =	stream.indirect.scatter.add.f32 [tilespmem:s22], [sflag:$0x8], $0x40, s13, s20, $0xb8;
	[tilespmem:$0x1FB80] =	vst v63  }
0x5d: {  	s19 =	simm.s32 $0x280  }
0x5e: {  	[tilespmem:s23], [sflag:$0x6] =	stream.indirect.gather [hbm4b:s4+s20], $0x40, s19, s20, $0xb8;
	[tilespmem:$0x1FB80] =	vst v63  }
0x5f: {  	_ =	swait.ge [sflag:s26], $0x1F40  }
0x60: {  	[sflag:s26] =	ssyncset.done $0x0  }
0x61: {  	s13 =	simm.s32 $0x5100;
	[sflag:s26] =	ssyncadd.s32 $0xFFFFE0C0  }
0x62: {  	[spmem:s2] =	stream.indirect.scatter.add.f32 [tilespmem:s24], [sflag:$0x9], $0x40, s13, s20, $0xb8;
	[tilespmem:$0x1FB80] =	vst v63  }
0x63: {  	_ =	swait.ge [sflag:s21], $0x1F40  }
0x64: {  	[sflag:s21] =	ssyncset.done $0x0  }
0x65: {  	s19 =	simm.s32 $0x300;
	[sflag:s21] =	ssyncadd.s32 $0xFFFFE0C0  }
0x66: {  	[tilespmem:s17], [sflag:$0x1] =	stream.indirect.gather [hbm4b:s4+s20], $0x40, s19, s20, $0xb8;
	[tilespmem:$0x1FB80] =	vst v63  }
0x67: {  	_ =	swait.ge [sflag:s0], $0x1F40  }
0x68: {  	[sflag:s0] =	ssyncset.done $0x0  }
0x69: {  	s13 =	simm.s32 $0x5180;
	[sflag:s0] =	ssyncadd.s32 $0xFFFFE0C0  }
0x6a: {  	[spmem:s2] =	stream.indirect.scatter.add.f32 [tilespmem:s28], [sflag:$0xA], $0x40, s13, s20, $0xb8;
	[tilespmem:$0x1FB80] =	vst v63  }
0x6b: {  	_ =	swait.ge [sflag:s30], $0x1F40  }
0x6c: {  	[sflag:s30] =	ssyncset.done $0x0  }
0x6d: {  	s19 =	simm.s32 $0x380;
	[sflag:s30] =	ssyncadd.s32 $0xFFFFE0C0  }
0x6e: {  	[tilespmem:s22], [sflag:$0x2] =	stream.indirect.gather [hbm4b:s4+s20], $0x40, s19, s20, $0xb8;
	[tilespmem:$0x1FB80] =	vst v63  }
0x6f: {  	_ =	swait.ge [sflag:s5], $0x1F40  }
0x70: {  	[sflag:s5] =	ssyncset.done $0x0  }
0x71: {  	s13 =	simm.s32 $0x5200;
	[sflag:s5] =	ssyncadd.s32 $0xFFFFE0C0  }
0x72: {  	[spmem:s2] =	stream.indirect.scatter.add.f32 [tilespmem:s31], [sflag:$0xB], $0x40, s13, s20, $0xb8;
	[tilespmem:$0x1FB80] =	vst v63  }
0x73: {  	_ =	swait.ge [sflag:s6], $0x1F40  }
0x74: {  	[sflag:s6] =	ssyncset.done $0x0  }
0x75: {  	s19 =	simm.s32 $0x400;
	[sflag:s6] =	ssyncadd.s32 $0xFFFFE0C0  }
0x76: {  	[tilespmem:s24], [sflag:$0x3] =	stream.indirect.gather [hbm4b:s4+s20], $0x40, s19, s20, $0xb8;
	[tilespmem:$0x1FB80] =	vst v63  }
0x77: {  	_ =	swait.ge [sflag:s7], $0x1F40  }
0x78: {  	[sflag:s7] =	ssyncset.done $0x0  }
0x79: {  	s13 =	simm.s32 $0x5280;
	[sflag:s7] =	ssyncadd.s32 $0xFFFFE0C0  }
0x7a: {  	[spmem:s2] =	stream.indirect.scatter.add.f32 [tilespmem:s23], [sflag:$0xC], $0x40, s13, s20, $0xb8;
	[tilespmem:$0x1FB80] =	vst v63  }
0x7b: {  	_ =	swait.ge [sflag:s9], $0x1F40  }
0x7c: {  	[sflag:s9] =	ssyncset.done $0x0  }
0x7d: {  	s19 =	simm.s32 $0x480;
	[sflag:s9] =	ssyncadd.s32 $0xFFFFE0C0  }
0x7e: {  	[tilespmem:s28], [sflag:$0x4] =	stream.indirect.gather [hbm4b:s4+s20], $0x40, s19, s20, $0xb8;
	[tilespmem:$0x1FB80] =	vst v63  }
0x7f: {  	_ =	swait.ge [sflag:s29], $0x1F40  }
0x80: {  	[sflag:s29] =	ssyncset.done $0x0  }
0x81: {  	s13 =	simm.s32 $0x5300;
	[sflag:s29] =	ssyncadd.s32 $0xFFFFE0C0  }
0x82: {  	[spmem:s2] =	stream.indirect.scatter.add.f32 [tilespmem:s17], [sflag:$0x7], $0x40, s13, s20, $0xb8;
	[tilespmem:$0x1FB80] =	vst v63  }
0x83: {  	_ =	swait.ge [sflag:s10], $0x1F40  }
0x84: {  	[sflag:s10] =	ssyncset.done $0x0  }
0x85: {  	s19 =	simm.s32 $0x500;
	[sflag:s10] =	ssyncadd.s32 $0xFFFFE0C0  }
0x86: {  	[tilespmem:s31], [sflag:$0x5] =	stream.indirect.gather [hbm4b:s4+s20], $0x40, s19, s20, $0xb8;
	[tilespmem:$0x1FB80] =	vst v63  }
0x87: {  	_ =	swait.ge [sflag:s1], $0x1F40  }
0x88: {  	[sflag:s1] =	ssyncset.done $0x0  }
0x89: {  	s13 =	simm.s32 $0x5380;
	[sflag:s1] =	ssyncadd.s32 $0xFFFFE0C0  }
0x8a: {  	[spmem:s2] =	stream.indirect.scatter.add.f32 [tilespmem:s22], [sflag:$0x8], $0x40, s13, s20, $0xb8;
	[tilespmem:$0x1FB80] =	vst v63  }
0x8b: {  	_ =	swait.ge [sflag:s11], $0x1F40  }
0x8c: {  	[sflag:s11] =	ssyncset.done $0x0  }
0x8d: {  	s19 =	simm.s32 $0x580;
	[sflag:s11] =	ssyncadd.s32 $0xFFFFE0C0  }
0x8e: {  	[tilespmem:s23], [sflag:$0x6] =	stream.indirect.gather [hbm4b:s4+s20], $0x40, s19, s20, $0xb8;
	[tilespmem:$0x1FB80] =	vst v63  }
0x8f: {  	_ =	swait.ge [sflag:s26], $0x1F40  }
0x90: {  	[sflag:s26] =	ssyncset.done $0x0  }
0x91: {  	s12 =	simm.s32 $0xC00;
	s19 =	simm.s32 $0x5400;
	[sflag:s26] =	ssyncadd.s32 $0xFFFFE0C0  }
.LBB2_4:
0x92: {  	[spmem:s2] =	stream.indirect.scatter.add.f32 [tilespmem:s24], [sflag:$0x9], $0x40, s19, s20, $0xb8;
	[tilespmem:$0x1FB80] =	vst v63  }
0x93: {  	s13 =	smov.u32 s12  }
0x94: {  	p0 =	sne.s32 s12, $0x12000;
	s12 =	sadd.s32 $0xC00, s12;
	_ =	swait.ge [sflag:s21], $0x1F40  }
0x95: {  	s19 =	sshra.s32 s13, $0x2;
	[sflag:s21] =	ssyncset.done $0x0  }
0x96: {  	s13 =	sadd.s32 $0x300, s19;
	[sflag:s21] =	ssyncadd.s32 $0xFFFFE0C0  }
0x97: {  	[tilespmem:s17], [sflag:$0x1] =	stream.indirect.gather [hbm4b:s4+s20], $0x40, s13, s20, $0xb8;
	[tilespmem:$0x1FB80] =	vst v63  }
0x98: {  	_ =	swait.ge [sflag:s0], $0x1F40  }
0x99: {  	[sflag:s0] =	ssyncset.done $0x0  }
0x9a: {  	s13 =	sadd.s32 $0x5180, s19;
	[sflag:s0] =	ssyncadd.s32 $0xFFFFE0C0  }
0x9b: {  	[spmem:s2] =	stream.indirect.scatter.add.f32 [tilespmem:s28], [sflag:$0xA], $0x40, s13, s20, $0xb8;
	[tilespmem:$0x1FB80] =	vst v63  }
0x9c: {  	_ =	swait.ge [sflag:s30], $0x1F40  }
0x9d: {  	[sflag:s30] =	ssyncset.done $0x0  }
0x9e: {  	s13 =	sadd.s32 $0x380, s19;
	[sflag:s30] =	ssyncadd.s32 $0xFFFFE0C0  }
0x9f: {  	[tilespmem:s22], [sflag:$0x2] =	stream.indirect.gather [hbm4b:s4+s20], $0x40, s13, s20, $0xb8;
	[tilespmem:$0x1FB80] =	vst v63  }
0xa0: {  	_ =	swait.ge [sflag:s5], $0x1F40  }
0xa1: {  	[sflag:s5] =	ssyncset.done $0x0  }
0xa2: {  	s13 =	sadd.s32 $0x5200, s19;
	[sflag:s5] =	ssyncadd.s32 $0xFFFFE0C0  }
0xa3: {  	[spmem:s2] =	stream.indirect.scatter.add.f32 [tilespmem:s31], [sflag:$0xB], $0x40, s13, s20, $0xb8;
	[tilespmem:$0x1FB80] =	vst v63  }
0xa4: {  	_ =	swait.ge [sflag:s6], $0x1F40  }
0xa5: {  	[sflag:s6] =	ssyncset.done $0x0  }
0xa6: {  	s13 =	sadd.s32 $0x400, s19;
	[sflag:s6] =	ssyncadd.s32 $0xFFFFE0C0  }
0xa7: {  	[tilespmem:s24], [sflag:$0x3] =	stream.indirect.gather [hbm4b:s4+s20], $0x40, s13, s20, $0xb8;
	[tilespmem:$0x1FB80] =	vst v63  }
0xa8: {  	_ =	swait.ge [sflag:s7], $0x1F40  }
0xa9: {  	[sflag:s7] =	ssyncset.done $0x0  }
0xaa: {  	s13 =	sadd.s32 $0x5280, s19;
	[sflag:s7] =	ssyncadd.s32 $0xFFFFE0C0  }
0xab: {  	[spmem:s2] =	stream.indirect.scatter.add.f32 [tilespmem:s23], [sflag:$0xC], $0x40, s13, s20, $0xb8;
	[tilespmem:$0x1FB80] =	vst v63  }
0xac: {  	_ =	swait.ge [sflag:s9], $0x1F40  }
0xad: {  	[sflag:s9] =	ssyncset.done $0x0  }
0xae: {  	s13 =	sadd.s32 $0x480, s19;
	[sflag:s9] =	ssyncadd.s32 $0xFFFFE0C0  }
0xaf: {  	[tilespmem:s28], [sflag:$0x4] =	stream.indirect.gather [hbm4b:s4+s20], $0x40, s13, s20, $0xb8;
	[tilespmem:$0x1FB80] =	vst v63  }
0xb0: {  	_ =	swait.ge [sflag:s29], $0x1F40  }
0xb1: {  	[sflag:s29] =	ssyncset.done $0x0  }
0xb2: {  	s13 =	sadd.s32 $0x5300, s19;
	[sflag:s29] =	ssyncadd.s32 $0xFFFFE0C0  }
0xb3: {  	[spmem:s2] =	stream.indirect.scatter.add.f32 [tilespmem:s17], [sflag:$0x7], $0x40, s13, s20, $0xb8;
	[tilespmem:$0x1FB80] =	vst v63  }
0xb4: {  	_ =	swait.ge [sflag:s10], $0x1F40  }
0xb5: {  	[sflag:s10] =	ssyncset.done $0x0  }
0xb6: {  	s13 =	sadd.s32 $0x500, s19;
	[sflag:s10] =	ssyncadd.s32 $0xFFFFE0C0  }
0xb7: {  	[tilespmem:s31], [sflag:$0x5] =	stream.indirect.gather [hbm4b:s4+s20], $0x40, s13, s20, $0xb8;
	[tilespmem:$0x1FB80] =	vst v63  }
0xb8: {  	_ =	swait.ge [sflag:s1], $0x1F40  }
0xb9: {  	[sflag:s1] =	ssyncset.done $0x0  }
0xba: {  	s13 =	sadd.s32 $0x5380, s19;
	[sflag:s1] =	ssyncadd.s32 $0xFFFFE0C0  }
0xbb: {  	[spmem:s2] =	stream.indirect.scatter.add.f32 [tilespmem:s22], [sflag:$0x8], $0x40, s13, s20, $0xb8;
	[tilespmem:$0x1FB80] =	vst v63  }
0xbc: {  	_ =	swait.ge [sflag:s11], $0x1F40  }
0xbd: {  	[sflag:s11] =	ssyncset.done $0x0  }
.Ltmp1:
0xbe: {  	s13 =	sadd.s32 $0x580, s19;
	[sflag:s11] =	ssyncadd.s32 $0xFFFFE0C0;
	(pc) =	sbr.rel @p0 .LBB2_4-.Ltmp1, $4  }
0xbf: {  	[tilespmem:s23], [sflag:$0x6] =	stream.indirect.gather [hbm4b:s4+s20], $0x40, s13, s20, $0xb8;
	[tilespmem:$0x1FB80] =	vst v63  }
0xc0: {  	_ =	swait.ge [sflag:s26], $0x1F40  }
0xc1: {  	[sflag:s26] =	ssyncset.done $0x0  }
0xc2: {  	s19 =	sadd.s32 $0x5400, s19;
	[sflag:s26] =	ssyncadd.s32 $0xFFFFE0C0  }
0xc3: {  	[spmem:s2] =	stream.indirect.scatter.add.f32 [tilespmem:s24], [sflag:$0x9], $0x40, s19, s20, $0xb8;
	[tilespmem:$0x1FB80] =	vst v63  }
0xc4: {  	_ =	swait.ge [sflag:s21], $0x1F40  }
0xc5: {  	[sflag:s21] =	ssyncset.done $0x0  }
0xc6: {  	s12 =	simm.s32 $0x4E00;
	[sflag:s21] =	ssyncadd.s32 $0xFFFFE0C0  }
0xc7: {  	[tilespmem:s17], [sflag:$0x1] =	stream.indirect.gather [hbm4b:s4+s20], $0x40, s12, s20, $0xb8;
	[tilespmem:$0x1FB80] =	vst v63  }
0xc8: {  	_ =	swait.ge [sflag:s0], $0x1F40  }
0xc9: {  	[sflag:s0] =	ssyncset.done $0x0  }
0xca: {  	s13 =	simm.s32 $0x9C80;
	[sflag:s0] =	ssyncadd.s32 $0xFFFFE0C0  }
0xcb: {  	[spmem:s2] =	stream.indirect.scatter.add.f32 [tilespmem:s28], [sflag:$0xA], $0x40, s13, s20, $0xb8;
	[tilespmem:$0x1FB80] =	vst v63  }
0xcc: {  	_ =	swait.ge [sflag:s30], $0x1F40  }
0xcd: {  	[sflag:s30] =	ssyncset.done $0x0  }
0xce: {  	s19 =	simm.s32 $0x4E80;
	[sflag:s30] =	ssyncadd.s32 $0xFFFFE0C0  }
0xcf: {  	[tilespmem:s22], [sflag:$0x2] =	stream.indirect.gather [hbm4b:s4+s20], $0x40, s19, s20, $0xb8;
	[tilespmem:$0x1FB80] =	vst v63  }
0xd0: {  	_ =	swait.ge [sflag:s5], $0x1F40  }
0xd1: {  	[sflag:s5] =	ssyncset.done $0x0  }
0xd2: {  	s13 =	simm.s32 $0x9D00;
	[sflag:s5] =	ssyncadd.s32 $0xFFFFE0C0  }
0xd3: {  	[spmem:s2] =	stream.indirect.scatter.add.f32 [tilespmem:s31], [sflag:$0xB], $0x40, s13, s20, $0xb8;
	[tilespmem:$0x1FB80] =	vst v63  }
0xd4: {  	_ =	swait.ge [sflag:s6], $0x1F40  }
0xd5: {  	[sflag:s6] =	ssyncset.done $0x0  }
0xd6: {  	s19 =	simm.s32 $0x4F00;
	[sflag:s6] =	ssyncadd.s32 $0xFFFFE0C0  }
0xd7: {  	[tilespmem:s24], [sflag:$0x3] =	stream.indirect.gather [hbm4b:s4+s20], $0x40, s19, s20, $0xb8;
	[tilespmem:$0x1FB80] =	vst v63  }
0xd8: {  	_ =	swait.ge [sflag:s7], $0x1F40  }
0xd9: {  	[sflag:s7] =	ssyncset.done $0x0  }
0xda: {  	s13 =	simm.s32 $0x9D80;
	[sflag:s7] =	ssyncadd.s32 $0xFFFFE0C0  }
0xdb: {  	[spmem:s2] =	stream.indirect.scatter.add.f32 [tilespmem:s23], [sflag:$0xC], $0x40, s13, s20, $0xb8;
	[tilespmem:$0x1FB80] =	vst v63  }
0xdc: {  	_ =	swait.ge [sflag:s9], $0x1F40  }
0xdd: {  	[sflag:s9] =	ssyncset.done $0x0  }
0xde: {  	s19 =	simm.s32 $0x4F80;
	[sflag:s9] =	ssyncadd.s32 $0xFFFFE0C0  }
0xdf: {  	[tilespmem:s28], [sflag:$0x4] =	stream.indirect.gather [hbm4b:s4+s20], $0x40, s19, s20, $0xb8;
	[tilespmem:$0x1FB80] =	vst v63  }
0xe0: {  	_ =	swait.ge [sflag:s29], $0x1F40  }
0xe1: {  	[sflag:s29] =	ssyncset.done $0x0  }
0xe2: {  	s13 =	simm.s32 $0x9E00;
	[sflag:s29] =	ssyncadd.s32 $0xFFFFE0C0  }
0xe3: {  	[spmem:s2] =	stream.indirect.scatter.add.f32 [tilespmem:s17], [sflag:$0x7], $0x40, s13, s20, $0xb8;
	[tilespmem:$0x1FB80] =	vst v63  }
0xe4: {  	_ =	swait.ge [sflag:s10], $0x1F40  }
0xe5: {  	[sflag:s10] =	ssyncset.done $0x0  }
0xe6: {  	[sflag:s10] =	ssyncadd.s32 $0xFFFFE0C0  }
0xe7: {  	_ =	swait.ge [sflag:s1], $0x1F40  }
0xe8: {  	[sflag:s1] =	ssyncset.done $0x0  }
0xe9: {  	s19 =	simm.s32 $0x9E80;
	[sflag:s1] =	ssyncadd.s32 $0xFFFFE0C0  }
0xea: {  	[spmem:s2] =	stream.indirect.scatter.add.f32 [tilespmem:s22], [sflag:$0x8], $0x40, s19, s20, $0xb8;
	[tilespmem:$0x1FB80] =	vst v63  }
0xeb: {  	_ =	swait.ge [sflag:s11], $0x1F40  }
0xec: {  	[sflag:s11] =	ssyncset.done $0x0  }
0xed: {  	[sflag:s11] =	ssyncadd.s32 $0xFFFFE0C0  }
0xee: {  	_ =	swait.ge [sflag:s26], $0x1F40  }
0xef: {  	[sflag:s26] =	ssyncset.done $0x0  }
0xf0: {  	s13 =	simm.s32 $0x9F00;
	[sflag:s26] =	ssyncadd.s32 $0xFFFFE0C0  }
0xf1: {  	[spmem:s2] =	stream.indirect.scatter.add.f32 [tilespmem:s24], [sflag:$0x9], $0x40, s13, s20, $0xb8;
	[tilespmem:$0x1FB80] =	vst v63  }
0xf2: {  	_ =	swait.ge [sflag:s21], $0x1F40  }
0xf3: {  	[sflag:s21] =	ssyncset.done $0x0  }
0xf4: {  	[sflag:s21] =	ssyncadd.s32 $0xFFFFE0C0  }
0xf5: {  	_ =	swait.ge [sflag:s0], $0x1F40  }
0xf6: {  	[sflag:s0] =	ssyncset.done $0x0  }
0xf7: {  	s19 =	simm.s32 $0x9F80;
	[sflag:s0] =	ssyncadd.s32 $0xFFFFE0C0  }
0xf8: {  	[spmem:s2] =	stream.indirect.scatter.add.f32 [tilespmem:s28], [sflag:$0xA], $0x40, s19, s20, $0xb8;
	[tilespmem:$0x1FB80] =	vst v63  }
0xf9: {  	_ =	swait.ge [sflag:s30], $0x1F40  }
0xfa: {  	[sflag:s30] =	ssyncset.done $0x0  }
0xfb: {  	[sflag:s30] =	ssyncadd.s32 $0xFFFFE0C0  }
0xfc: {  	_ =	swait.ge [sflag:s6], $0x1F40  }
0xfd: {  	[sflag:s6] =	ssyncset.done $0x0  }
0xfe: {  	[sflag:s6] =	ssyncadd.s32 $0xFFFFE0C0  }
0xff: {  	_ =	swait.ge [sflag:s9], $0x1F40  }
0x100: {  	[sflag:s9] =	ssyncset.done $0x0  }
0x101: {  	s13 =	stileid.u32;
	[sflag:s9] =	ssyncadd.s32 $0xFFFFE0C0  }
0x102: {  	s12 =	sshll.u32 s13, $0x6;
	[bflag:$0x0] =	sbarrier.arrive $0xFFFF  }
0x103: {  	s12 =	sor.u32 $0x1C0D, s12;
	s13 =	rddreg [dreg:$0x5]  }
0x104: {  	[hbm:s13], [sflag:s12] =	dma.local [spmem:s25], $0x1400  }
0x105: {  	_ =	swait.ge [sflag:s18], $0x1400  }
0x106: {  	s3 =	sadd.s32 $0x1, s3;
	s19 =	rddreg [dreg:$0x6]  }
0x107: {  	p0 =	sne.s32 s3, s19  }
.Ltmp2:
0x108: {  	_ = 	snop;
	(pc) =	sbr.rel @p0 .LBB2_1-.Ltmp2, $3  }
0x109: {  	_ =	sdelay $0x1  }
0x10a: {  	[sflag:s18] =	ssyncset.done $0x0  }
0x10b: {  	[sflag:s18] =	ssyncadd.s32 $0xFFFFEC00  }
0x10c: {  	_ =	sfence.sel $0x180000  }
0x10d: {  	[bflag:$0x0] =	sbarrier.arrive $0xFFFF  }
0x10e: {  	_ =	strace $0x9000004A  }
0x10f: {  	s0 =	stileid.u32;
	[bflag:$0x2] =	sbarrier.arrive $0xFFFF  }
0x110: {  	p0 =	sne.s32 s0, $0x0;
	s0 =	rddreg [dreg:$0x2]  }
0x111: {  	s0 =	sadd.s32 @!p0 $0x100000, s0  }
0x112: {  	[sflag:s0] =	ssyncadd.tile.s32 @!p0 $0x1;
	_ =	shalt  }
.Lfunc_end2:
_tile_overlayer_lowered:
.L_overlay_start_2:
0x113: {  	(tag) =	ssettag $0x2  }
0x114: {  	s0 =	rddreg [dreg:$0x0];
	s2 =	stileid.u32  }
0x115: {  	s1 =	rddreg [dreg:$0x1];
	p0 =	sne.s32 s2, $0x0  }
0x116: {  	s3 =	rddreg [dreg:$0x2];
	[bflag:$0x3] =	sbarrier.arrive $0xFFFF;
	s2 =	simm.s32 @!p0 $0x1C0D  }
0x117: {  	[timem:s3], [sflag:s2] =	dma.local @!p0 [hbm:s0], s1  }
0x118: {  	s0 =	simm.s32 @!p0 $0xD  }
0x119: {  	_ =	swait.ge @!p0 [sflag:s0], s1  }
0x11a: {  	s1 =	ssub.s32 @!p0 $0x0, s1;
	[sflag:s0] =	ssyncset.done @!p0 $0x0  }
0x11b: {  	[sflag:s0] =	ssyncadd.s32 @!p0 s1  }
0x11c: {  	[bflag:$0x3] =	sbarrier.arrive $0xFFFF  }
0x11d: {  	_ =	shalt  }

// kernel: kernel.18.cloned.1.call-start
scs
__scs_entry_jumppad:
0x0: {  	(pc) =	sbr.rel $0x88, $3  }
0x1: {  	(tag) =	ssettag $0x0;
	lr =	simm.s32 $0x1  }
0x2: {  	[smem:$0x3F9A] =	sst lr;
	_ =	strace $0xD0000000  }
0x3: {  	_ = 	snop  }
0x4: {  	_ = 	snop  }
0x5: {  	_ = 	snop  }
0x6: {  	_ = 	snop  }
0x7: {  	_ = 	snop  }
__scs_overlays_trampoline_lowered:
0x8: {  	[smem:$0x3FA9] =	sst s0  }
0x9: {  	[smem:$0x3FAA] =	sst s1  }
0xa: {  	[smem:$0x3FAB] =	sst s2  }
0xb: {  	[smem:$0x3FAC] =	sst s3  }
0xc: {  	[smem:$0x3FAD] =	sst s4  }
0xd: {  	[smem:$0x3FAE] =	sst s5  }
0xe: {  	[smem:$0x3FAF] =	sst s6  }
0xf: {  	[smem:$0x3FB0] =	sst s7  }
0x10: {  	[smem:$0x3FB1] =	sst s8  }
0x11: {  	[smem:$0x3FB2] =	sst s9;
	s0 =	simm.s32 @!p0 $0x0  }
0x12: {  	s1 =	sld [smem:$0x3F98];
	s0 =	simm.s32 @p0 $0x1  }
0x13: {  	[smem:$0x3FB3] =	sst s0;
	s0 =	simm.s32 @!p1 $0x0  }
0x14: {  	s2 =	sld [smem:$0x3F97];
	s0 =	simm.s32 @p1 $0x1  }
0x15: {  	[smem:$0x3FB4] =	sst s0;
	s0 =	simm.s32 @!p2 $0x0  }
0x16: {  	s3 =	sld [smem:$0x3FDB];
	s0 =	simm.s32 @p2 $0x1  }
0x17: {  	s4 =	simm.s32 $0x1BF5;
	[smem:$0x3FB6] =	sst s0  }
0x18: {  	s0 =	sld [smem:$0x3F99];
	_ =	swait.ge [sflag:s4], $0x0  }
0x19: {  	s7 =	sld [smem:$0x3F9A]  }
0x1a: {  	s8 =	sadd.s32 $0xFFFFE003, lr  }
0x1b: {  	s9 =	sadd.s32 $0xFFFFFEF7, lr;
	s5 =	simm.s32 $0xFFFFFFFF;
	p2 =	slt.u32 s8, $0xFFFFF086  }
0x1c: {  	p1 =	slt.u32 s9, $0xF7A;
	s5 =	simm.s32 @!p2 $0x0  }
0x1d: {  	s5 =	simm.s32 @p1 $0x1;
	p0 =	seq.s32 s7, s2  }
0x1e: {  	s7 =	smul.u32 @!p0 $0xF7A, s2;
	p2 =	seq.s32 @!p0 s5, $0x0  }
0x1f: {  	s9 =	smul.u32 $0xF7A, s1;
	s8 =	simm.s32 @!p0 $0x1BF5;
	p2 =	por !p2, p0  }
0x20: {  	[sflag:s8] =	ssyncset.s32 @!p0 $0xFFFFF086;
	s6 =	sadd.s32 @!p0 s3, s7;
	s7 =	simm.s32 @!p0 $0x108  }
0x21: {  	s3 =	sadd.s32 s3, s9;
	s6 =	sadd.s32 @!p0 $0x88, s6;
	s7 =	simm.s32 @p2 $0x1082  }
0x22: {  	[simem:s7], [sflag:s8] =	dma.local @!p0 [hbm:s6], $0xF7A  }
0x23: {  	s9 =	sor.u32 $0xD0000000, s2;
	s6 =	simm.s32 $0x108;
	_ =	swait.ge @!p0 [sflag:s8], $0x0  }
0x24: {  	s3 =	sadd.s32 $0x88, s3;
	s6 =	simm.s32 @!p1 $0x1082;
	[sflag:s4] =	ssyncset.s32 $0xFFFFF086  }
0x25: {  	[simem:s6], [sflag:s4] =	dma.local [hbm:s3], $0xF7A  }
0x26: {  	[smem:$0x3F9A] =	sst s1;
	(tag) =	ssettag s2;
	_ =	strace s9  }
0x27: {  	s1 =	sld [smem:$0x3FAA]  }
0x28: {  	s2 =	sld [smem:$0x3FAB]  }
0x29: {  	s4 =	sld [smem:$0x3FAD]  }
0x2a: {  	p0 =	seq.s32 s5, $0x0;
	s5 =	sld [smem:$0x3FAE]  }
0x2b: {  	s6 =	sld [smem:$0x3FAF]  }
0x2c: {  	s7 =	sld [smem:$0x3FB0]  }
0x2d: {  	s3 =	simm.s32 $0x108;
	s8 =	sld [smem:$0x3FB1]  }
0x2e: {  	s3 =	simm.s32 @!p0 $0x1082;
	s9 =	sld [smem:$0x3FB2]  }
0x2f: {  	lr =	sadd.s32 s0, s3;
	s0 =	sld [smem:$0x3FA9]  }
0x30: {  	s3 =	sld [smem:$0x3FAC]  }
0x31: {  	[smem:$0x3FB5] =	sst s10  }
0x32: {  	s10 =	sld [smem:$0x3FB3];
	_ =	sdelay $0x3  }
0x33: {  	p0 =	seq.s32 s10, $0x1;
	s10 =	sld [smem:$0x3FB5];
	_ =	sdelay $0x3  }
0x34: {  	[smem:$0x3FB5] =	sst s10  }
0x35: {  	s10 =	sld [smem:$0x3FB4];
	_ =	sdelay $0x3  }
0x36: {  	p1 =	seq.s32 s10, $0x1;
	s10 =	sld [smem:$0x3FB5];
	_ =	sdelay $0x3  }
0x37: {  	[smem:$0x3FB5] =	sst s10  }
0x38: {  	s10 =	sld [smem:$0x3FB6]  }
0x39: {  	_ = 	snop;
	(pc) =	sbr.ind lr, $3  }
0x3a: {  	_ = 	snop  }
0x3b: {  	_ = 	snop  }
0x3c: {  	p2 =	seq.s32 s10, $0x1;
	s10 =	sld [smem:$0x3FB5]  }
0x3d: {  	_ =	shalt  }
0x3e: {  	_ =	shalt  }
0x3f: {  	_ =	shalt  }
0x40: {  	_ =	shalt  }
0x41: {  	_ =	shalt  }
0x42: {  	_ =	shalt  }
0x43: {  	_ =	shalt  }
0x44: {  	_ =	shalt  }
0x45: {  	_ =	shalt  }
0x46: {  	_ =	shalt  }
0x47: {  	_ =	shalt  }
0x48: {  	_ =	shalt  }
0x49: {  	_ =	shalt  }
0x4a: {  	_ =	shalt  }
0x4b: {  	_ =	shalt  }
0x4c: {  	_ =	shalt  }
0x4d: {  	_ =	shalt  }
0x4e: {  	_ =	shalt  }
0x4f: {  	_ =	shalt  }
0x50: {  	_ =	shalt  }
0x51: {  	_ =	shalt  }
0x52: {  	_ =	shalt  }
0x53: {  	_ =	shalt  }
0x54: {  	_ =	shalt  }
0x55: {  	_ =	shalt  }
0x56: {  	_ =	shalt  }
0x57: {  	_ =	shalt  }
0x58: {  	_ =	shalt  }
0x59: {  	_ =	shalt  }
0x5a: {  	_ =	shalt  }
0x5b: {  	_ =	shalt  }
0x5c: {  	_ =	shalt  }
0x5d: {  	_ =	shalt  }
0x5e: {  	_ =	shalt  }
0x5f: {  	_ =	shalt  }
0x60: {  	_ =	shalt  }
0x61: {  	_ =	shalt  }
0x62: {  	_ =	shalt  }
0x63: {  	_ =	shalt  }
0x64: {  	_ =	shalt  }
0x65: {  	_ =	shalt  }
0x66: {  	_ =	shalt  }
0x67: {  	_ =	shalt  }
0x68: {  	_ =	shalt  }
0x69: {  	_ =	shalt  }
0x6a: {  	_ =	shalt  }
0x6b: {  	_ =	shalt  }
0x6c: {  	_ =	shalt  }
0x6d: {  	_ =	shalt  }
0x6e: {  	_ =	shalt  }
0x6f: {  	_ =	shalt  }
0x70: {  	_ =	shalt  }
0x71: {  	_ =	shalt  }
0x72: {  	_ =	shalt  }
0x73: {  	_ =	shalt  }
0x74: {  	_ =	shalt  }
0x75: {  	_ =	shalt  }
0x76: {  	_ =	shalt  }
0x77: {  	_ =	shalt  }
0x78: {  	_ =	shalt  }
0x79: {  	_ =	shalt  }
0x7a: {  	_ =	shalt  }
0x7b: {  	_ =	shalt  }
0x7c: {  	_ =	shalt  }
0x7d: {  	_ =	shalt  }
0x7e: {  	_ =	shalt  }
0x7f: {  	_ =	shalt  }
0x80: {  	_ =	shalt  }
0x81: {  	_ =	shalt  }
0x82: {  	_ =	shalt  }
0x83: {  	_ =	shalt  }
0x84: {  	_ =	shalt  }
0x85: {  	_ =	shalt  }
0x86: {  	_ =	shalt  }
0x87: {  	_ =	shalt  }
.Lfunc_end0:
.L_simem_size_0:
called_computation.2_lowered:
.L_overlay_start_0:
0x88: {  	s2 =	sld [smem:$0x3FD9]  }
0x89: {  	s3 =	sld [smem:$0x3FFE];
	_ =	sdelay $0x1  }
0x8a: {  	s1 =	srdreg.scid  }
0x8b: {  	s0 =	sand.u32 $0x1, s1  }
0x8c: {  	s16 =	sshll.u32 s0, $0xA;
	s2 =	sadd.s32 s3, s2  }
0x8d: {  	s2 =	sadd.s32 s2, s16  }
0x8e: {  	[smem:$0x3FC1] =	sst s2  }
0x8f: {  	_ = 	snop  }
0x90: {  	(tm) =	ssettm $0x1  }
0x91: {  	s17 =	sld [smem:$0x3FFB];
	_ =	sdelay $0x3  }
0x92: {  	_ =	strace s17  }
0x93: {  	s2 =	sld [smem:$0x3FFC];
	_ =	sdelay $0x3  }
0x94: {  	_ =	strace s2  }
0x95: {  	s2 =	sld [smem:$0x3FFD];
	_ =	sdelay $0x3  }
0x96: {  	_ =	strace s2  }
0x97: {  	_ =	strace $0x8FFFFFFF  }
0x98: {  	s18 =	sld [smem:$0x3FDB];
	_ =	sdelay $0x1  }
0x99: {  	s19 =	simm.s32 $_scs_section_size  }
0x9a: {  	s4 =	simm.s32 $_size__tile_overlayer_lowered;
	s5 =	simm.s32 $_tile_overlayer_lowered  }
0x9b: {  	s22 =	simm.s32 $0x1BFF;
	s21 =	sshll.u32 s5, $0x1;
	s2 =	sadd.s32 s19, s18  }
0x9c: {  	s6 =	simm.s32 $0x0;
	s20 =	sshll.u32 s4, $0x1;
	s4 =	sadd.s32 s21, s2  }
0x9d: {  	[timem:s6], [sflag:s22] =	dma.local [hbm:s4], s20  }
0x9e: {  	_ =	swait.ge [sflag:s22], s20  }
0x9f: {  	s3 =	ssub.s32 $0x0, s20;
	[sflag:s22] =	ssyncset.done $0x0  }
0xa0: {  	[sflag:s22] =	ssyncadd.s32 s3;
	_ =	sdelay $0x1  }
0xa1: {  	s23 =	simm.s32 $0x1B8B  }
0xa2: {  	_ =	swait.ge [sflag:s23], $0x1  }
0xa3: {  	[sflag:s23] =	ssyncset.done $0x0  }
0xa4: {  	s25 =	simm.s32 $0x1B8E;
	s24 =	sld [smem:$0x3FFE];
	[sflag:s23] =	ssyncadd.s32 $0xFFFFFFFF  }
0xa5: {  	s26 =	simm.s32 $execute0_lowered;
	[smem:$0x3FD2] =	sst s25  }
0xa6: {  	s4 =	sshll.u32 s26, $0x1;
	_ =	strace $0x8000004C;
	[dreg:$0x1] =	wrdreg $0xFFFFFFFF  }
0xa7: {  	s28 =	simm.s32 $_size_execute0_lowered;
	s2 =	sadd.s32 s2, s4;
	[dreg:$0x0] =	wrdreg $0x0  }
0xa8: {  	s4 =	sshll.u32 s28, $0x1;
	[dreg:$0x2] =	wrdreg s2  }
0xa9: {  	[dreg:$0x3] =	wrdreg s4  }
0xaa: {  	[dreg:$0x4] =	wrdreg $0xC0  }
0xab: {  	_ =	task [dreg:s6], $0x5FFFF  }
0xac: {  	[dreg:$0x1] =	wrdreg $0xFFFFFFFF  }
0xad: {  	[dreg:$0x0] =	wrdreg $0x60  }
0xae: {  	[dreg:$0x2] =	wrdreg s24  }
0xaf: {  	[dreg:$0x3] =	wrdreg $0x86E00  }
0xb0: {  	[dreg:$0x4] =	wrdreg $0x9  }
0xb1: {  	_ =	task.clear_ibuf [dreg:s6], $0x5FFFF;
	_ =	strace $0x9000004C  }
0xb2: {  	s29 =	simm.s32 $0x9;
	_ =	strace $0x8000004E  }
0xb3: {  	_ =	swait.ge [sflag:s29], $0x1  }
0xb4: {  	[sflag:s29] =	ssyncadd.s32 $0xFFFFFFFF  }
0xb5: {  	_ =	strace $0x9000004E  }
0xb6: {  	_ =	sfence  }
0xb7: {  	s30 =	sld [smem:$0x0];
	_ =	sdelay $0x2  }
0xb8: {  	s31 =	sshll.u32 s1, $0xD;
	s1 =	sshrl.u32 s1, $0x2  }
0xb9: {  	s3 =	sand.u32 $0x4000, s31;
	s1 =	sadd.s32 s1, s30  }
0xba: {  	s0 =	sor.u32 s3, s0;
	s1 =	sshll.u32 s1, $0x11  }
0xbb: {  	s0 =	sor.u32 s1, s0  }
0xbc: {  	s0 =	sadd.s32 $0x8F2B, s0  }
0xbd: {  	[sflag:s0] =	ssyncadd.remote.s32 $0x1  }
0xbe: {  	_ =	sfence.sel $0xFFFF  }
0xbf: {  	[dreg:$0x0] =	wrdreg $0xFFFFFFFF;
	(pc) =	sbr.abs _section_cstart, $3  }
0xc0: {  	[dreg:$0x1] =	wrdreg $0xFFFFFFFF  }
0xc1: {  	_ =	task.clear_ibuf [dreg:s6], $0x2FFFF;
	_ =	strace $0x9FFFFFFF  }
0xc2: {  	(tm) =	ssettm $0x7FFFFFFF  }
0xc3: {  	_ =	shalt  }
tec
execute0_lowered:
.L_overlay_start_1:
0x0: {  	(tag) =	ssettag $0x1  }
0x1: {  	s0 =	rddreg [dreg:$0x0]  }
0x2: {  	s1 =	rddreg [dreg:$0x1];
	s2 =	srdreg.scid;
	s3 =	simm.s32 $0x0  }
0x3: {  	s8 =	stileid.u32;
	s14 =	simm.s32 $0x7EE0;
	s15 =	simm.s32 $0xD  }
0x4: {  	s17 =	simm.s32 $0x7D;
	s18 =	simm.s32 $0x5000;
	s20 =	simm.s32 $0x57D0  }
0x5: {  	s24 =	simm.s32 $0x6770;
	s29 =	simm.s32 $0x6F40;
	s30 =	simm.s32 $0x2  }
0x6: {  	s19 =	simm.s32 $0x7710;
	s28 =	simm.s32 $0x7;
	s31 =	simm.s32 $0x4  }
0x7: {  	s9 =	simm.s32 $0xC;
	s2 =	sand.u32 $0x1, s2;
	s6 =	smul.u32 $0x2800, s8  }
0x8: {  	[smem:$0x7FF] =	sst s3;
	s4 =	sshll.u32 s2, $0x4;
	s5 =	smul.u32 $0x28000, s2  }
0x9: {  	_ =	strace $0x8000004D;
	s2 =	ssub.s32 $0x2, s2;
	s4 =	sor.u32 s8, s4  }
0xa: {  	s8 =	smul.u32 $0xA000, s8;
	s21 =	sshrl.u32 s2, $0x1;
	s23 =	sadd.s32 s6, s1  }
0xb: {  	s7 =	smul.u32 $0x500, s4;
	s4 =	sadd.s32 $0x2A000, s0;
	s5 =	sadd.s32 s6, s5  }
0xc: {  	s2 =	ssub.s32 s2, s21;
	s21 =	simm.s32 $0x3;
	s6 =	simm.s32 $0x6  }
0xd: {  	s5 =	sshrl.u32 s5, $0x3;
	s2 =	smax.u32 s2, $0x1;
	s7 =	sadd.s32 s7, s0  }
0xe: {  	s8 =	sshrl.u32 s8, $0x2;
	[dreg:$0x6] =	wrdreg s2;
	s22 =	sadd.s32 $0xC000, s7  }
0xf: {  	s0 =	sadd.s32 s5, s0;
	s7 =	sadd.s32 $0x2000, s7;
	[dreg:$0x3] =	wrdreg s22  }
0x10: {  	s5 =	sadd.s32 s8, s1;
	s0 =	sadd.s32 $0x52000, s0;
	[dreg:$0x4] =	wrdreg s7  }
0x11: {  	s2 =	simm.s32 $0x5;
	s25 =	sadd.s32 $0x800, s5;
	[dreg:$0x5] =	wrdreg s0  }
0x12: {  	s8 =	simm.s32 $0xB;
	s26 =	sadd.s32 $0x1000, s5;
	[dreg:$0x7] =	wrdreg s25  }
0x13: {  	s12 =	sadd.s32 $0x1800, s5;
	s13 =	sadd.s32 $0x2000, s5;
	[dreg:$0x8] =	wrdreg s26  }
0x14: {  	s22 =	simm.s32 $0x5FA0;
	s25 =	sshrl.u32 s23, $0x3;
	s26 =	simm.s32 $0x1  }
0x15: {  	v0 =	vimm.f32 $0.0e+00;
	s0 =	simm.s32 $0x8;
	s23 =	simm.s32 $0x9;
	s7 =	simm.s32 $0xA  }
.LBB2_1:
0x16: {  	s10 =	simm.s32 $0x40;
	s16 =	simm.s32 $0x0  }
.LBB2_2:
0x17: {  	p0 =	sne.s32 s10, $0x1FC0;
	[tilespmem:s16+$0x7EE0] =	vst v0;
	s16 =	smov.u32 s10;
	s10 =	sadd.s32 $0x40, s10  }
.Ltmp0:
0x18: {  	(pc) =	sbr.rel @p0 .LBB2_2-.Ltmp0, $2  }
0x19: {  	_ =	sdelay $0x2  }
0x1a: {  	s16 =	sshra.s32 s16, $0x2  }
0x1b: {  	[tilespmem:s16+$0x7EE0] =	vst v0  }
0x1c: {  	[spmem:s5] =	stream.linear.scatter [tilespmem:s14], [sflag:$0xD], $0x800, $0x38;
	[tilespmem:$0xAEE0] =	vst v63  }
0x1d: {  	_ =	swait.ge [sflag:s15], $0x800  }
0x1e: {  	[sflag:s15] =	ssyncset.done $0x0  }
0x1f: {  	s10 =	rddreg [dreg:$0x7];
	[sflag:s15] =	ssyncadd.s32 $0xFFFFF800  }
0x20: {  	[spmem:s10] =	stream.linear.scatter [tilespmem:s14], [sflag:$0xD], $0x800, $0x38;
	[tilespmem:$0xAEE0] =	vst v63  }
0x21: {  	_ =	swait.ge [sflag:s15], $0x800  }
0x22: {  	[sflag:s15] =	ssyncset.done $0x0  }
0x23: {  	s16 =	rddreg [dreg:$0x8];
	[sflag:s15] =	ssyncadd.s32 $0xFFFFF800  }
0x24: {  	[spmem:s16] =	stream.linear.scatter [tilespmem:s14], [sflag:$0xD], $0x800, $0x38;
	[tilespmem:$0xAEE0] =	vst v63  }
0x25: {  	_ =	swait.ge [sflag:s15], $0x800  }
0x26: {  	[sflag:s15] =	ssyncset.done $0x0  }
0x27: {  	[sflag:s15] =	ssyncadd.s32 $0xFFFFF800  }
0x28: {  	[spmem:s12] =	stream.linear.scatter [tilespmem:s14], [sflag:$0xD], $0x800, $0x38;
	[tilespmem:$0xAEE0] =	vst v63  }
0x29: {  	_ =	swait.ge [sflag:s15], $0x800  }
0x2a: {  	[sflag:s15] =	ssyncset.done $0x0  }
0x2b: {  	[sflag:s15] =	ssyncadd.s32 $0xFFFFF800  }
0x2c: {  	[spmem:s13] =	stream.linear.scatter [tilespmem:s14], [sflag:$0xD], $0x800, $0x38;
	[tilespmem:$0xAEE0] =	vst v63  }
0x2d: {  	_ =	swait.ge [sflag:s15], $0x800  }
0x2e: {  	[sflag:s15] =	ssyncset.done $0x0  }
0x2f: {  	[sflag:s15] =	ssyncadd.s32 $0xFFFFF800  }
0x30: {  	[bflag:$0x0] =	sbarrier.arrive $0xFFFF  }
0x31: {  	s10 =	simm.s32 $0x0;
	s11 =	rddreg [dreg:$0x3]  }
0x32: {  	[tilespmem:s10], [sflag:$0xD] =	stream.linear.gather [hbm4b:s11+s10], $0x2800, $0x38;
	[tilespmem:$0xAEE0] =	vst v63  }
0x33: {  	_ =	swait.ge [sflag:s15], $0x2800  }
0x34: {  	[sflag:s15] =	ssyncset.done $0x0  }
0x35: {  	s16 =	simm.s32 $0x2800;
	s11 =	rddreg [dreg:$0x4];
	[sflag:s15] =	ssyncadd.s32 $0xFFFFD800  }
0x36: {  	[tilespmem:s16], [sflag:$0xD] =	stream.linear.gather [hbm4b:s11+s10], $0x2800, $0x38;
	[tilespmem:$0xAEE0] =	vst v63  }
0x37: {  	_ =	swait.ge [sflag:s15], $0x2800  }
0x38: {  	[sflag:s15] =	ssyncset.done $0x0  }
0x39: {  	[sflag:s15] =	ssyncadd.s32 $0xFFFFD800  }
0x3a: {  	[tilespmem:s18], [sflag:$0x1] =	stream.indirect.gather [hbm4b:s4+s17], $0x10, s10, s17, $0xb8;
	[tilespmem:$0xAEE0] =	vst v63  }
0x3b: {  	s11 =	simm.s32 $0x80  }
0x3c: {  	[tilespmem:s20], [sflag:$0x2] =	stream.indirect.gather [hbm4b:s4+s17], $0x10, s11, s17, $0xb8;
	[tilespmem:$0xAEE0] =	vst v63  }
0x3d: {  	s11 =	simm.s32 $0x100  }
0x3e: {  	[tilespmem:s22], [sflag:$0x3] =	stream.indirect.gather [hbm4b:s4+s17], $0x10, s11, s17, $0xb8;
	[tilespmem:$0xAEE0] =	vst v63  }
0x3f: {  	s11 =	simm.s32 $0x180  }
0x40: {  	[tilespmem:s24], [sflag:$0x4] =	stream.indirect.gather [hbm4b:s4+s17], $0x10, s11, s17, $0xb8;
	[tilespmem:$0xAEE0] =	vst v63  }
0x41: {  	_ =	swait.ge [sflag:s26], $0x7D0  }
0x42: {  	[sflag:s26] =	ssyncset.done $0x0  }
0x43: {  	[sflag:s26] =	ssyncadd.s32 $0xFFFFF830  }
0x44: {  	[spmem:s1] =	stream.indirect.scatter.add.f32 [tilespmem:s18], [sflag:$0x7], $0x10, s16, s17, $0xb8;
	[tilespmem:$0xAEE0] =	vst v63  }
0x45: {  	s16 =	simm.s32 $0x200  }
0x46: {  	[tilespmem:s29], [sflag:$0x5] =	stream.indirect.gather [hbm4b:s4+s17], $0x10, s16, s17, $0xb8;
	[tilespmem:$0xAEE0] =	vst v63  }
0x47: {  	_ =	swait.ge [sflag:s30], $0x7D0  }
0x48: {  	[sflag:s30] =	ssyncset.done $0x0  }
0x49: {  	s11 =	simm.s32 $0x2880;
	[sflag:s30] =	ssyncadd.s32 $0xFFFFF830  }
0x4a: {  	[spmem:s1] =	stream.indirect.scatter.add.f32 [tilespmem:s20], [sflag:$0x8], $0x10, s11, s17, $0xb8;
	[tilespmem:$0xAEE0] =	vst v63  }
0x4b: {  	s16 =	simm.s32 $0x280  }
0x4c: {  	[tilespmem:s19], [sflag:$0x6] =	stream.indirect.gather [hbm4b:s4+s17], $0x10, s16, s17, $0xb8;
	[tilespmem:$0xAEE0] =	vst v63  }
0x4d: {  	_ =	swait.ge [sflag:s21], $0x7D0  }
0x4e: {  	[sflag:s21] =	ssyncset.done $0x0  }
0x4f: {  	s11 =	simm.s32 $0x2900;
	[sflag:s21] =	ssyncadd.s32 $0xFFFFF830  }
0x50: {  	[spmem:s1] =	stream.indirect.scatter.add.f32 [tilespmem:s22], [sflag:$0x9], $0x10, s11, s17, $0xb8;
	[tilespmem:$0xAEE0] =	vst v63  }
0x51: {  	_ =	swait.ge [sflag:s28], $0x7D0  }
0x52: {  	[sflag:s28] =	ssyncset.done $0x0  }
0x53: {  	s16 =	simm.s32 $0x300;
	[sflag:s28] =	ssyncadd.s32 $0xFFFFF830  }
0x54: {  	[tilespmem:s18], [sflag:$0x1] =	stream.indirect.gather [hbm4b:s4+s17], $0x10, s16, s17, $0xb8;
	[tilespmem:$0xAEE0] =	vst v63  }
0x55: {  	_ =	swait.ge [sflag:s31], $0x7D0  }
0x56: {  	[sflag:s31] =	ssyncset.done $0x0  }
0x57: {  	s11 =	simm.s32 $0x2980;
	[sflag:s31] =	ssyncadd.s32 $0xFFFFF830  }
0x58: {  	[spmem:s1] =	stream.indirect.scatter.add.f32 [tilespmem:s24], [sflag:$0xA], $0x10, s11, s17, $0xb8;
	[tilespmem:$0xAEE0] =	vst v63  }
0x59: {  	_ =	swait.ge [sflag:s0], $0x7D0  }
0x5a: {  	[sflag:s0] =	ssyncset.done $0x0  }
0x5b: {  	s16 =	simm.s32 $0x380;
	[sflag:s0] =	ssyncadd.s32 $0xFFFFF830  }
0x5c: {  	[tilespmem:s20], [sflag:$0x2] =	stream.indirect.gather [hbm4b:s4+s17], $0x10, s16, s17, $0xb8;
	[tilespmem:$0xAEE0] =	vst v63  }
0x5d: {  	_ =	swait.ge [sflag:s2], $0x7D0  }
0x5e: {  	[sflag:s2] =	ssyncset.done $0x0  }
0x5f: {  	s11 =	simm.s32 $0x2A00;
	[sflag:s2] =	ssyncadd.s32 $0xFFFFF830  }
0x60: {  	[spmem:s1] =	stream.indirect.scatter.add.f32 [tilespmem:s29], [sflag:$0xB], $0x10, s11, s17, $0xb8;
	[tilespmem:$0xAEE0] =	vst v63  }
0x61: {  	_ =	swait.ge [sflag:s23], $0x7D0  }
0x62: {  	[sflag:s23] =	ssyncset.done $0x0  }
0x63: {  	s16 =	simm.s32 $0x400;
	[sflag:s23] =	ssyncadd.s32 $0xFFFFF830  }
0x64: {  	[tilespmem:s22], [sflag:$0x3] =	stream.indirect.gather [hbm4b:s4+s17], $0x10, s16, s17, $0xb8;
	[tilespmem:$0xAEE0] =	vst v63  }
0x65: {  	_ =	swait.ge [sflag:s6], $0x7D0  }
0x66: {  	[sflag:s6] =	ssyncset.done $0x0  }
0x67: {  	s11 =	simm.s32 $0x2A80;
	[sflag:s6] =	ssyncadd.s32 $0xFFFFF830  }
0x68: {  	[spmem:s1] =	stream.indirect.scatter.add.f32 [tilespmem:s19], [sflag:$0xC], $0x10, s11, s17, $0xb8;
	[tilespmem:$0xAEE0] =	vst v63  }
0x69: {  	_ =	swait.ge [sflag:s7], $0x7D0  }
0x6a: {  	[sflag:s7] =	ssyncset.done $0x0  }
0x6b: {  	s16 =	simm.s32 $0x480;
	[sflag:s7] =	ssyncadd.s32 $0xFFFFF830  }
0x6c: {  	[tilespmem:s24], [sflag:$0x4] =	stream.indirect.gather [hbm4b:s4+s17], $0x10, s16, s17, $0xb8;
	[tilespmem:$0xAEE0] =	vst v63  }
0x6d: {  	_ =	swait.ge [sflag:s26], $0x7D0  }
0x6e: {  	[sflag:s26] =	ssyncset.done $0x0  }
0x6f: {  	s11 =	simm.s32 $0x2B00;
	[sflag:s26] =	ssyncadd.s32 $0xFFFFF830  }
0x70: {  	[spmem:s1] =	stream.indirect.scatter.add.f32 [tilespmem:s18], [sflag:$0x7], $0x10, s11, s17, $0xb8;
	[tilespmem:$0xAEE0] =	vst v63  }
0x71: {  	_ =	swait.ge [sflag:s8], $0x7D0  }
0x72: {  	[sflag:s8] =	ssyncset.done $0x0  }
0x73: {  	s16 =	simm.s32 $0x500;
	[sflag:s8] =	ssyncadd.s32 $0xFFFFF830  }
0x74: {  	[tilespmem:s29], [sflag:$0x5] =	stream.indirect.gather [hbm4b:s4+s17], $0x10, s16, s17, $0xb8;
	[tilespmem:$0xAEE0] =	vst v63  }
0x75: {  	_ =	swait.ge [sflag:s30], $0x7D0  }
0x76: {  	[sflag:s30] =	ssyncset.done $0x0  }
0x77: {  	s11 =	simm.s32 $0x2B80;
	[sflag:s30] =	ssyncadd.s32 $0xFFFFF830  }
0x78: {  	[spmem:s1] =	stream.indirect.scatter.add.f32 [tilespmem:s20], [sflag:$0x8], $0x10, s11, s17, $0xb8;
	[tilespmem:$0xAEE0] =	vst v63  }
0x79: {  	_ =	swait.ge [sflag:s9], $0x7D0  }
0x7a: {  	[sflag:s9] =	ssyncset.done $0x0  }
0x7b: {  	s16 =	simm.s32 $0x580;
	[sflag:s9] =	ssyncadd.s32 $0xFFFFF830  }
0x7c: {  	[tilespmem:s19], [sflag:$0x6] =	stream.indirect.gather [hbm4b:s4+s17], $0x10, s16, s17, $0xb8;
	[tilespmem:$0xAEE0] =	vst v63  }
0x7d: {  	_ =	swait.ge [sflag:s21], $0x7D0  }
0x7e: {  	[sflag:s21] =	ssyncset.done $0x0  }
0x7f: {  	s10 =	simm.s32 $0x2C00;
	s16 =	simm.s32 $0xC00;
	[sflag:s21] =	ssyncadd.s32 $0xFFFFF830  }
.LBB2_4:
0x80: {  	[spmem:s1] =	stream.indirect.scatter.add.f32 [tilespmem:s22], [sflag:$0x9], $0x10, s10, s17, $0xb8;
	[tilespmem:$0xAEE0] =	vst v63  }
0x81: {  	s10 =	smov.u32 s16  }
0x82: {  	p0 =	sne.s32 s16, $0x7800;
	s16 =	sadd.s32 $0xC00, s16;
	_ =	swait.ge [sflag:s28], $0x7D0  }
0x83: {  	s10 =	sshra.s32 s10, $0x2;
	[sflag:s28] =	ssyncset.done $0x0  }
0x84: {  	s11 =	sadd.s32 $0x300, s10;
	[sflag:s28] =	ssyncadd.s32 $0xFFFFF830  }
0x85: {  	[tilespmem:s18], [sflag:$0x1] =	stream.indirect.gather [hbm4b:s4+s17], $0x10, s11, s17, $0xb8;
	[tilespmem:$0xAEE0] =	vst v63  }
0x86: {  	_ =	swait.ge [sflag:s31], $0x7D0  }
0x87: {  	[sflag:s31] =	ssyncset.done $0x0  }
0x88: {  	s11 =	sadd.s32 $0x2980, s10;
	[sflag:s31] =	ssyncadd.s32 $0xFFFFF830  }
0x89: {  	[spmem:s1] =	stream.indirect.scatter.add.f32 [tilespmem:s24], [sflag:$0xA], $0x10, s11, s17, $0xb8;
	[tilespmem:$0xAEE0] =	vst v63  }
0x8a: {  	_ =	swait.ge [sflag:s0], $0x7D0  }
0x8b: {  	[sflag:s0] =	ssyncset.done $0x0  }
0x8c: {  	s11 =	sadd.s32 $0x380, s10;
	[sflag:s0] =	ssyncadd.s32 $0xFFFFF830  }
0x8d: {  	[tilespmem:s20], [sflag:$0x2] =	stream.indirect.gather [hbm4b:s4+s17], $0x10, s11, s17, $0xb8;
	[tilespmem:$0xAEE0] =	vst v63  }
0x8e: {  	_ =	swait.ge [sflag:s2], $0x7D0  }
0x8f: {  	[sflag:s2] =	ssyncset.done $0x0  }
0x90: {  	s11 =	sadd.s32 $0x2A00, s10;
	[sflag:s2] =	ssyncadd.s32 $0xFFFFF830  }
0x91: {  	[spmem:s1] =	stream.indirect.scatter.add.f32 [tilespmem:s29], [sflag:$0xB], $0x10, s11, s17, $0xb8;
	[tilespmem:$0xAEE0] =	vst v63  }
0x92: {  	_ =	swait.ge [sflag:s23], $0x7D0  }
0x93: {  	[sflag:s23] =	ssyncset.done $0x0  }
0x94: {  	s11 =	sadd.s32 $0x400, s10;
	[sflag:s23] =	ssyncadd.s32 $0xFFFFF830  }
0x95: {  	[tilespmem:s22], [sflag:$0x3] =	stream.indirect.gather [hbm4b:s4+s17], $0x10, s11, s17, $0xb8;
	[tilespmem:$0xAEE0] =	vst v63  }
0x96: {  	_ =	swait.ge [sflag:s6], $0x7D0  }
0x97: {  	[sflag:s6] =	ssyncset.done $0x0  }
0x98: {  	s11 =	sadd.s32 $0x2A80, s10;
	[sflag:s6] =	ssyncadd.s32 $0xFFFFF830  }
0x99: {  	[spmem:s1] =	stream.indirect.scatter.add.f32 [tilespmem:s19], [sflag:$0xC], $0x10, s11, s17, $0xb8;
	[tilespmem:$0xAEE0] =	vst v63  }
0x9a: {  	_ =	swait.ge [sflag:s7], $0x7D0  }
0x9b: {  	[sflag:s7] =	ssyncset.done $0x0  }
0x9c: {  	s11 =	sadd.s32 $0x480, s10;
	[sflag:s7] =	ssyncadd.s32 $0xFFFFF830  }
0x9d: {  	[tilespmem:s24], [sflag:$0x4] =	stream.indirect.gather [hbm4b:s4+s17], $0x10, s11, s17, $0xb8;
	[tilespmem:$0xAEE0] =	vst v63  }
0x9e: {  	_ =	swait.ge [sflag:s26], $0x7D0  }
0x9f: {  	[sflag:s26] =	ssyncset.done $0x0  }
0xa0: {  	s11 =	sadd.s32 $0x2B00, s10;
	[sflag:s26] =	ssyncadd.s32 $0xFFFFF830  }
0xa1: {  	[spmem:s1] =	stream.indirect.scatter.add.f32 [tilespmem:s18], [sflag:$0x7], $0x10, s11, s17, $0xb8;
	[tilespmem:$0xAEE0] =	vst v63  }
0xa2: {  	_ =	swait.ge [sflag:s8], $0x7D0  }
0xa3: {  	[sflag:s8] =	ssyncset.done $0x0  }
0xa4: {  	s11 =	sadd.s32 $0x500, s10;
	[sflag:s8] =	ssyncadd.s32 $0xFFFFF830  }
0xa5: {  	[tilespmem:s29], [sflag:$0x5] =	stream.indirect.gather [hbm4b:s4+s17], $0x10, s11, s17, $0xb8;
	[tilespmem:$0xAEE0] =	vst v63  }
0xa6: {  	_ =	swait.ge [sflag:s30], $0x7D0  }
0xa7: {  	[sflag:s30] =	ssyncset.done $0x0  }
0xa8: {  	s11 =	sadd.s32 $0x2B80, s10;
	[sflag:s30] =	ssyncadd.s32 $0xFFFFF830  }
0xa9: {  	[spmem:s1] =	stream.indirect.scatter.add.f32 [tilespmem:s20], [sflag:$0x8], $0x10, s11, s17, $0xb8;
	[tilespmem:$0xAEE0] =	vst v63  }
0xaa: {  	_ =	swait.ge [sflag:s9], $0x7D0  }
0xab: {  	[sflag:s9] =	ssyncset.done $0x0  }
.Ltmp1:
0xac: {  	s11 =	sadd.s32 $0x580, s10;
	[sflag:s9] =	ssyncadd.s32 $0xFFFFF830;
	(pc) =	sbr.rel @p0 .LBB2_4-.Ltmp1, $4  }
0xad: {  	[tilespmem:s19], [sflag:$0x6] =	stream.indirect.gather [hbm4b:s4+s17], $0x10, s11, s17, $0xb8;
	[tilespmem:$0xAEE0] =	vst v63  }
0xae: {  	_ =	swait.ge [sflag:s21], $0x7D0  }
0xaf: {  	[sflag:s21] =	ssyncset.done $0x0  }
0xb0: {  	s10 =	sadd.s32 $0x2C00, s10;
	[sflag:s21] =	ssyncadd.s32 $0xFFFFF830  }
0xb1: {  	[spmem:s1] =	stream.indirect.scatter.add.f32 [tilespmem:s22], [sflag:$0x9], $0x10, s10, s17, $0xb8;
	[tilespmem:$0xAEE0] =	vst v63  }
0xb2: {  	_ =	swait.ge [sflag:s28], $0x7D0  }
0xb3: {  	[sflag:s28] =	ssyncset.done $0x0  }
0xb4: {  	s16 =	simm.s32 $0x2400;
	[sflag:s28] =	ssyncadd.s32 $0xFFFFF830  }
0xb5: {  	[tilespmem:s18], [sflag:$0x1] =	stream.indirect.gather [hbm4b:s4+s17], $0x10, s16, s17, $0xb8;
	[tilespmem:$0xAEE0] =	vst v63  }
0xb6: {  	_ =	swait.ge [sflag:s31], $0x7D0  }
0xb7: {  	[sflag:s31] =	ssyncset.done $0x0  }
0xb8: {  	s11 =	simm.s32 $0x4A80;
	[sflag:s31] =	ssyncadd.s32 $0xFFFFF830  }
0xb9: {  	[spmem:s1] =	stream.indirect.scatter.add.f32 [tilespmem:s24], [sflag:$0xA], $0x10, s11, s17, $0xb8;
	[tilespmem:$0xAEE0] =	vst v63  }
0xba: {  	_ =	swait.ge [sflag:s0], $0x7D0  }
0xbb: {  	[sflag:s0] =	ssyncset.done $0x0  }
0xbc: {  	s16 =	simm.s32 $0x2480;
	[sflag:s0] =	ssyncadd.s32 $0xFFFFF830  }
0xbd: {  	[tilespmem:s20], [sflag:$0x2] =	stream.indirect.gather [hbm4b:s4+s17], $0x10, s16, s17, $0xb8;
	[tilespmem:$0xAEE0] =	vst v63  }
0xbe: {  	_ =	swait.ge [sflag:s2], $0x7D0  }
0xbf: {  	[sflag:s2] =	ssyncset.done $0x0  }
0xc0: {  	s11 =	simm.s32 $0x4B00;
	[sflag:s2] =	ssyncadd.s32 $0xFFFFF830  }
0xc1: {  	[spmem:s1] =	stream.indirect.scatter.add.f32 [tilespmem:s29], [sflag:$0xB], $0x10, s11, s17, $0xb8;
	[tilespmem:$0xAEE0] =	vst v63  }
0xc2: {  	_ =	swait.ge [sflag:s23], $0x7D0  }
0xc3: {  	[sflag:s23] =	ssyncset.done $0x0  }
0xc4: {  	s16 =	simm.s32 $0x2500;
	[sflag:s23] =	ssyncadd.s32 $0xFFFFF830  }
0xc5: {  	[tilespmem:s22], [sflag:$0x3] =	stream.indirect.gather [hbm4b:s4+s17], $0x10, s16, s17, $0xb8;
	[tilespmem:$0xAEE0] =	vst v63  }
0xc6: {  	_ =	swait.ge [sflag:s6], $0x7D0  }
0xc7: {  	[sflag:s6] =	ssyncset.done $0x0  }
0xc8: {  	s11 =	simm.s32 $0x4B80;
	[sflag:s6] =	ssyncadd.s32 $0xFFFFF830  }
0xc9: {  	[spmem:s1] =	stream.indirect.scatter.add.f32 [tilespmem:s19], [sflag:$0xC], $0x10, s11, s17, $0xb8;
	[tilespmem:$0xAEE0] =	vst v63  }
0xca: {  	_ =	swait.ge [sflag:s7], $0x7D0  }
0xcb: {  	[sflag:s7] =	ssyncset.done $0x0  }
0xcc: {  	s16 =	simm.s32 $0x2580;
	[sflag:s7] =	ssyncadd.s32 $0xFFFFF830  }
0xcd: {  	[tilespmem:s24], [sflag:$0x4] =	stream.indirect.gather [hbm4b:s4+s17], $0x10, s16, s17, $0xb8;
	[tilespmem:$0xAEE0] =	vst v63  }
0xce: {  	_ =	swait.ge [sflag:s26], $0x7D0  }
0xcf: {  	[sflag:s26] =	ssyncset.done $0x0  }
0xd0: {  	s11 =	simm.s32 $0x4C00;
	[sflag:s26] =	ssyncadd.s32 $0xFFFFF830  }
0xd1: {  	[spmem:s1] =	stream.indirect.scatter.add.f32 [tilespmem:s18], [sflag:$0x7], $0x10, s11, s17, $0xb8;
	[tilespmem:$0xAEE0] =	vst v63  }
0xd2: {  	_ =	swait.ge [sflag:s8], $0x7D0  }
0xd3: {  	[sflag:s8] =	ssyncset.done $0x0  }
0xd4: {  	s16 =	simm.s32 $0x2600;
	[sflag:s8] =	ssyncadd.s32 $0xFFFFF830  }
0xd5: {  	[tilespmem:s29], [sflag:$0x5] =	stream.indirect.gather [hbm4b:s4+s17], $0x10, s16, s17, $0xb8;
	[tilespmem:$0xAEE0] =	vst v63  }
0xd6: {  	_ =	swait.ge [sflag:s30], $0x7D0  }
0xd7: {  	[sflag:s30] =	ssyncset.done $0x0  }
0xd8: {  	s11 =	simm.s32 $0x4C80;
	[sflag:s30] =	ssyncadd.s32 $0xFFFFF830  }
0xd9: {  	[spmem:s1] =	stream.indirect.scatter.add.f32 [tilespmem:s20], [sflag:$0x8], $0x10, s11, s17, $0xb8;
	[tilespmem:$0xAEE0] =	vst v63  }
0xda: {  	_ =	swait.ge [sflag:s9], $0x7D0  }
0xdb: {  	[sflag:s9] =	ssyncset.done $0x0  }
0xdc: {  	s16 =	simm.s32 $0x2680;
	[sflag:s9] =	ssyncadd.s32 $0xFFFFF830  }
0xdd: {  	[tilespmem:s19], [sflag:$0x6] =	stream.indirect.gather [hbm4b:s4+s17], $0x10, s16, s17, $0xb8;
	[tilespmem:$0xAEE0] =	vst v63  }
0xde: {  	_ =	swait.ge [sflag:s21], $0x7D0  }
0xdf: {  	[sflag:s21] =	ssyncset.done $0x0  }
0xe0: {  	s11 =	simm.s32 $0x4D00;
	[sflag:s21] =	ssyncadd.s32 $0xFFFFF830  }
0xe1: {  	[spmem:s1] =	stream.indirect.scatter.add.f32 [tilespmem:s22], [sflag:$0x9], $0x10, s11, s17, $0xb8;
	[tilespmem:$0xAEE0] =	vst v63  }
0xe2: {  	_ =	swait.ge [sflag:s28], $0x7D0  }
0xe3: {  	[sflag:s28] =	ssyncset.done $0x0  }
0xe4: {  	s16 =	simm.s32 $0x2700;
	[sflag:s28] =	ssyncadd.s32 $0xFFFFF830  }
0xe5: {  	[tilespmem:s18], [sflag:$0x1] =	stream.indirect.gather [hbm4b:s4+s17], $0x10, s16, s17, $0xb8;
	[tilespmem:$0xAEE0] =	vst v63  }
0xe6: {  	_ =	swait.ge [sflag:s31], $0x7D0  }
0xe7: {  	[sflag:s31] =	ssyncset.done $0x0  }
0xe8: {  	s11 =	simm.s32 $0x4D80;
	[sflag:s31] =	ssyncadd.s32 $0xFFFFF830  }
0xe9: {  	[spmem:s1] =	stream.indirect.scatter.add.f32 [tilespmem:s24], [sflag:$0xA], $0x10, s11, s17, $0xb8;
	[tilespmem:$0xAEE0] =	vst v63  }
0xea: {  	_ =	swait.ge [sflag:s0], $0x7D0  }
0xeb: {  	[sflag:s0] =	ssyncset.done $0x0  }
0xec: {  	s16 =	simm.s32 $0x2780;
	[sflag:s0] =	ssyncadd.s32 $0xFFFFF830  }
0xed: {  	[tilespmem:s20], [sflag:$0x2] =	stream.indirect.gather [hbm4b:s4+s17], $0x10, s16, s17, $0xb8;
	[tilespmem:$0xAEE0] =	vst v63  }
0xee: {  	_ =	swait.ge [sflag:s2], $0x7D0  }
0xef: {  	[sflag:s2] =	ssyncset.done $0x0  }
0xf0: {  	s11 =	simm.s32 $0x4E00;
	[sflag:s2] =	ssyncadd.s32 $0xFFFFF830  }
0xf1: {  	[spmem:s1] =	stream.indirect.scatter.add.f32 [tilespmem:s29], [sflag:$0xB], $0x10, s11, s17, $0xb8;
	[tilespmem:$0xAEE0] =	vst v63  }
0xf2: {  	_ =	swait.ge [sflag:s23], $0x7D0  }
0xf3: {  	[sflag:s23] =	ssyncset.done $0x0  }
0xf4: {  	[sflag:s23] =	ssyncadd.s32 $0xFFFFF830  }
0xf5: {  	_ =	swait.ge [sflag:s6], $0x7D0  }
0xf6: {  	[sflag:s6] =	ssyncset.done $0x0  }
0xf7: {  	s16 =	simm.s32 $0x4E80;
	[sflag:s6] =	ssyncadd.s32 $0xFFFFF830  }
0xf8: {  	[spmem:s1] =	stream.indirect.scatter.add.f32 [tilespmem:s19], [sflag:$0xC], $0x10, s16, s17, $0xb8;
	[tilespmem:$0xAEE0] =	vst v63  }
0xf9: {  	_ =	swait.ge [sflag:s7], $0x7D0  }
0xfa: {  	[sflag:s7] =	ssyncset.done $0x0  }
0xfb: {  	[sflag:s7] =	ssyncadd.s32 $0xFFFFF830  }
0xfc: {  	_ =	swait.ge [sflag:s26], $0x7D0  }
0xfd: {  	[sflag:s26] =	ssyncset.done $0x0  }
0xfe: {  	s11 =	simm.s32 $0x4F00;
	[sflag:s26] =	ssyncadd.s32 $0xFFFFF830  }
0xff: {  	[spmem:s1] =	stream.indirect.scatter.add.f32 [tilespmem:s18], [sflag:$0x7], $0x10, s11, s17, $0xb8;
	[tilespmem:$0xAEE0] =	vst v63  }
0x100: {  	_ =	swait.ge [sflag:s8], $0x7D0  }
0x101: {  	[sflag:s8] =	ssyncset.done $0x0  }
0x102: {  	[sflag:s8] =	ssyncadd.s32 $0xFFFFF830  }
0x103: {  	_ =	swait.ge [sflag:s30], $0x7D0  }
0x104: {  	[sflag:s30] =	ssyncset.done $0x0  }
0x105: {  	s16 =	simm.s32 $0x4F80;
	[sflag:s30] =	ssyncadd.s32 $0xFFFFF830  }
0x106: {  	[spmem:s1] =	stream.indirect.scatter.add.f32 [tilespmem:s20], [sflag:$0x8], $0x10, s16, s17, $0xb8;
	[tilespmem:$0xAEE0] =	vst v63  }
0x107: {  	_ =	swait.ge [sflag:s9], $0x7D0  }
0x108: {  	[sflag:s9] =	ssyncset.done $0x0  }
0x109: {  	[sflag:s9] =	ssyncadd.s32 $0xFFFFF830  }
0x10a: {  	_ =	swait.ge [sflag:s28], $0x7D0  }
0x10b: {  	[sflag:s28] =	ssyncset.done $0x0  }
0x10c: {  	[sflag:s28] =	ssyncadd.s32 $0xFFFFF830  }
0x10d: {  	_ =	swait.ge [sflag:s0], $0x7D0  }
0x10e: {  	[sflag:s0] =	ssyncset.done $0x0  }
0x10f: {  	s11 =	stileid.u32;
	[sflag:s0] =	ssyncadd.s32 $0xFFFFF830  }
0x110: {  	s10 =	sshll.u32 s11, $0x6;
	[bflag:$0x0] =	sbarrier.arrive $0xFFFF  }
0x111: {  	s10 =	sor.u32 $0x1C0D, s10;
	s11 =	rddreg [dreg:$0x5]  }
0x112: {  	[hbm:s11], [sflag:s10] =	dma.local [spmem:s25], $0x500  }
0x113: {  	_ =	swait.ge [sflag:s15], $0x500  }
0x114: {  	s3 =	sadd.s32 $0x1, s3;
	s16 =	rddreg [dreg:$0x6]  }
0x115: {  	p0 =	sne.s32 s3, s16  }
.Ltmp2:
0x116: {  	_ = 	snop;
	(pc) =	sbr.rel @p0 .LBB2_1-.Ltmp2, $3  }
0x117: {  	_ =	sdelay $0x1  }
0x118: {  	[sflag:s15] =	ssyncset.done $0x0  }
0x119: {  	[sflag:s15] =	ssyncadd.s32 $0xFFFFFB00  }
0x11a: {  	_ =	sfence.sel $0x180000  }
0x11b: {  	[bflag:$0x0] =	sbarrier.arrive $0xFFFF  }
0x11c: {  	_ =	strace $0x9000004D  }
0x11d: {  	s0 =	stileid.u32;
	[bflag:$0x2] =	sbarrier.arrive $0xFFFF  }
0x11e: {  	p0 =	sne.s32 s0, $0x0;
	s0 =	rddreg [dreg:$0x2]  }
0x11f: {  	s0 =	sadd.s32 @!p0 $0x100000, s0  }
0x120: {  	[sflag:s0] =	ssyncadd.tile.s32 @!p0 $0x1;
	_ =	shalt  }
.Lfunc_end2:
_tile_overlayer_lowered:
.L_overlay_start_2:
0x121: {  	(tag) =	ssettag $0x2  }
0x122: {  	s0 =	rddreg [dreg:$0x0];
	s2 =	stileid.u32  }
0x123: {  	s1 =	rddreg [dreg:$0x1];
	p0 =	sne.s32 s2, $0x0  }
0x124: {  	s3 =	rddreg [dreg:$0x2];
	[bflag:$0x3] =	sbarrier.arrive $0xFFFF;
	s2 =	simm.s32 @!p0 $0x1C0D  }
0x125: {  	[timem:s3], [sflag:s2] =	dma.local @!p0 [hbm:s0], s1  }
0x126: {  	s0 =	simm.s32 @!p0 $0xD  }
0x127: {  	_ =	swait.ge @!p0 [sflag:s0], s1  }
0x128: {  	s1 =	ssub.s32 @!p0 $0x0, s1;
	[sflag:s0] =	ssyncset.done @!p0 $0x0  }
0x129: {  	[sflag:s0] =	ssyncadd.s32 @!p0 s1  }
0x12a: {  	[bflag:$0x3] =	sbarrier.arrive $0xFFFF  }
0x12b: {  	_ =	shalt  }

// kernel: kernel.21.cloned.1.call-start
scs
__scs_entry_jumppad:
0x0: {  	(pc) =	sbr.rel $0x88, $3  }
0x1: {  	(tag) =	ssettag $0x0;
	lr =	simm.s32 $0x1  }
0x2: {  	[smem:$0x3F9A] =	sst lr;
	_ =	strace $0xD0000000  }
0x3: {  	_ = 	snop  }
0x4: {  	_ = 	snop  }
0x5: {  	_ = 	snop  }
0x6: {  	_ = 	snop  }
0x7: {  	_ = 	snop  }
__scs_overlays_trampoline_lowered:
0x8: {  	[smem:$0x3FA9] =	sst s0  }
0x9: {  	[smem:$0x3FAA] =	sst s1  }
0xa: {  	[smem:$0x3FAB] =	sst s2  }
0xb: {  	[smem:$0x3FAC] =	sst s3  }
0xc: {  	[smem:$0x3FAD] =	sst s4  }
0xd: {  	[smem:$0x3FAE] =	sst s5  }
0xe: {  	[smem:$0x3FAF] =	sst s6  }
0xf: {  	[smem:$0x3FB0] =	sst s7  }
0x10: {  	[smem:$0x3FB1] =	sst s8  }
0x11: {  	[smem:$0x3FB2] =	sst s9;
	s0 =	simm.s32 @!p0 $0x0  }
0x12: {  	s1 =	sld [smem:$0x3F98];
	s0 =	simm.s32 @p0 $0x1  }
0x13: {  	[smem:$0x3FB3] =	sst s0;
	s0 =	simm.s32 @!p1 $0x0  }
0x14: {  	s2 =	sld [smem:$0x3F97];
	s0 =	simm.s32 @p1 $0x1  }
0x15: {  	[smem:$0x3FB4] =	sst s0;
	s0 =	simm.s32 @!p2 $0x0  }
0x16: {  	s3 =	sld [smem:$0x3FDB];
	s0 =	simm.s32 @p2 $0x1  }
0x17: {  	s4 =	simm.s32 $0x1BF5;
	[smem:$0x3FB6] =	sst s0  }
0x18: {  	s0 =	sld [smem:$0x3F99];
	_ =	swait.ge [sflag:s4], $0x0  }
0x19: {  	s7 =	sld [smem:$0x3F9A]  }
0x1a: {  	s8 =	sadd.s32 $0xFFFFE003, lr  }
0x1b: {  	s9 =	sadd.s32 $0xFFFFFEF7, lr;
	s5 =	simm.s32 $0xFFFFFFFF;
	p2 =	slt.u32 s8, $0xFFFFF086  }
0x1c: {  	p1 =	slt.u32 s9, $0xF7A;
	s5 =	simm.s32 @!p2 $0x0  }
0x1d: {  	s5 =	simm.s32 @p1 $0x1;
	p0 =	seq.s32 s7, s2  }
0x1e: {  	s7 =	smul.u32 @!p0 $0xF7A, s2;
	p2 =	seq.s32 @!p0 s5, $0x0  }
0x1f: {  	s9 =	smul.u32 $0xF7A, s1;
	s8 =	simm.s32 @!p0 $0x1BF5;
	p2 =	por !p2, p0  }
0x20: {  	[sflag:s8] =	ssyncset.s32 @!p0 $0xFFFFF086;
	s6 =	sadd.s32 @!p0 s3, s7;
	s7 =	simm.s32 @!p0 $0x108  }
0x21: {  	s3 =	sadd.s32 s3, s9;
	s6 =	sadd.s32 @!p0 $0x88, s6;
	s7 =	simm.s32 @p2 $0x1082  }
0x22: {  	[simem:s7], [sflag:s8] =	dma.local @!p0 [hbm:s6], $0xF7A  }
0x23: {  	s9 =	sor.u32 $0xD0000000, s2;
	s6 =	simm.s32 $0x108;
	_ =	swait.ge @!p0 [sflag:s8], $0x0  }
0x24: {  	s3 =	sadd.s32 $0x88, s3;
	s6 =	simm.s32 @!p1 $0x1082;
	[sflag:s4] =	ssyncset.s32 $0xFFFFF086  }
0x25: {  	[simem:s6], [sflag:s4] =	dma.local [hbm:s3], $0xF7A  }
0x26: {  	[smem:$0x3F9A] =	sst s1;
	(tag) =	ssettag s2;
	_ =	strace s9  }
0x27: {  	s1 =	sld [smem:$0x3FAA]  }
0x28: {  	s2 =	sld [smem:$0x3FAB]  }
0x29: {  	s4 =	sld [smem:$0x3FAD]  }
0x2a: {  	p0 =	seq.s32 s5, $0x0;
	s5 =	sld [smem:$0x3FAE]  }
0x2b: {  	s6 =	sld [smem:$0x3FAF]  }
0x2c: {  	s7 =	sld [smem:$0x3FB0]  }
0x2d: {  	s3 =	simm.s32 $0x108;
	s8 =	sld [smem:$0x3FB1]  }
0x2e: {  	s3 =	simm.s32 @!p0 $0x1082;
	s9 =	sld [smem:$0x3FB2]  }
0x2f: {  	lr =	sadd.s32 s0, s3;
	s0 =	sld [smem:$0x3FA9]  }
0x30: {  	s3 =	sld [smem:$0x3FAC]  }
0x31: {  	[smem:$0x3FB5] =	sst s10  }
0x32: {  	s10 =	sld [smem:$0x3FB3];
	_ =	sdelay $0x3  }
0x33: {  	p0 =	seq.s32 s10, $0x1;
	s10 =	sld [smem:$0x3FB5];
	_ =	sdelay $0x3  }
0x34: {  	[smem:$0x3FB5] =	sst s10  }
0x35: {  	s10 =	sld [smem:$0x3FB4];
	_ =	sdelay $0x3  }
0x36: {  	p1 =	seq.s32 s10, $0x1;
	s10 =	sld [smem:$0x3FB5];
	_ =	sdelay $0x3  }
0x37: {  	[smem:$0x3FB5] =	sst s10  }
0x38: {  	s10 =	sld [smem:$0x3FB6]  }
0x39: {  	_ = 	snop;
	(pc) =	sbr.ind lr, $3  }
0x3a: {  	_ = 	snop  }
0x3b: {  	_ = 	snop  }
0x3c: {  	p2 =	seq.s32 s10, $0x1;
	s10 =	sld [smem:$0x3FB5]  }
0x3d: {  	_ =	shalt  }
0x3e: {  	_ =	shalt  }
0x3f: {  	_ =	shalt  }
0x40: {  	_ =	shalt  }
0x41: {  	_ =	shalt  }
0x42: {  	_ =	shalt  }
0x43: {  	_ =	shalt  }
0x44: {  	_ =	shalt  }
0x45: {  	_ =	shalt  }
0x46: {  	_ =	shalt  }
0x47: {  	_ =	shalt  }
0x48: {  	_ =	shalt  }
0x49: {  	_ =	shalt  }
0x4a: {  	_ =	shalt  }
0x4b: {  	_ =	shalt  }
0x4c: {  	_ =	shalt  }
0x4d: {  	_ =	shalt  }
0x4e: {  	_ =	shalt  }
0x4f: {  	_ =	shalt  }
0x50: {  	_ =	shalt  }
0x51: {  	_ =	shalt  }
0x52: {  	_ =	shalt  }
0x53: {  	_ =	shalt  }
0x54: {  	_ =	shalt  }
0x55: {  	_ =	shalt  }
0x56: {  	_ =	shalt  }
0x57: {  	_ =	shalt  }
0x58: {  	_ =	shalt  }
0x59: {  	_ =	shalt  }
0x5a: {  	_ =	shalt  }
0x5b: {  	_ =	shalt  }
0x5c: {  	_ =	shalt  }
0x5d: {  	_ =	shalt  }
0x5e: {  	_ =	shalt  }
0x5f: {  	_ =	shalt  }
0x60: {  	_ =	shalt  }
0x61: {  	_ =	shalt  }
0x62: {  	_ =	shalt  }
0x63: {  	_ =	shalt  }
0x64: {  	_ =	shalt  }
0x65: {  	_ =	shalt  }
0x66: {  	_ =	shalt  }
0x67: {  	_ =	shalt  }
0x68: {  	_ =	shalt  }
0x69: {  	_ =	shalt  }
0x6a: {  	_ =	shalt  }
0x6b: {  	_ =	shalt  }
0x6c: {  	_ =	shalt  }
0x6d: {  	_ =	shalt  }
0x6e: {  	_ =	shalt  }
0x6f: {  	_ =	shalt  }
0x70: {  	_ =	shalt  }
0x71: {  	_ =	shalt  }
0x72: {  	_ =	shalt  }
0x73: {  	_ =	shalt  }
0x74: {  	_ =	shalt  }
0x75: {  	_ =	shalt  }
0x76: {  	_ =	shalt  }
0x77: {  	_ =	shalt  }
0x78: {  	_ =	shalt  }
0x79: {  	_ =	shalt  }
0x7a: {  	_ =	shalt  }
0x7b: {  	_ =	shalt  }
0x7c: {  	_ =	shalt  }
0x7d: {  	_ =	shalt  }
0x7e: {  	_ =	shalt  }
0x7f: {  	_ =	shalt  }
0x80: {  	_ =	shalt  }
0x81: {  	_ =	shalt  }
0x82: {  	_ =	shalt  }
0x83: {  	_ =	shalt  }
0x84: {  	_ =	shalt  }
0x85: {  	_ =	shalt  }
0x86: {  	_ =	shalt  }
0x87: {  	_ =	shalt  }
.Lfunc_end0:
.L_simem_size_0:
called_computation.3_lowered:
.L_overlay_start_0:
0x88: {  	s2 =	sld [smem:$0x3FD9]  }
0x89: {  	s3 =	sld [smem:$0x3FFE];
	_ =	sdelay $0x1  }
0x8a: {  	s1 =	srdreg.scid  }
0x8b: {  	s0 =	sand.u32 $0x1, s1  }
0x8c: {  	s17 =	sshll.u32 s0, $0xA;
	s2 =	sadd.s32 s3, s2  }
0x8d: {  	s2 =	sadd.s32 s2, s17  }
0x8e: {  	[smem:$0x3FC1] =	sst s2  }
0x8f: {  	_ = 	snop  }
0x90: {  	(tm) =	ssettm $0x1  }
0x91: {  	s18 =	sld [smem:$0x3FFB];
	_ =	sdelay $0x3  }
0x92: {  	_ =	strace s18  }
0x93: {  	s2 =	sld [smem:$0x3FFC];
	_ =	sdelay $0x3  }
0x94: {  	_ =	strace s2  }
0x95: {  	s2 =	sld [smem:$0x3FFD];
	_ =	sdelay $0x3  }
0x96: {  	_ =	strace s2  }
0x97: {  	_ =	strace $0x8FFFFFFF  }
0x98: {  	s19 =	sld [smem:$0x3FDB];
	_ =	sdelay $0x1  }
0x99: {  	s20 =	simm.s32 $_scs_section_size  }
0x9a: {  	s4 =	simm.s32 $_size__tile_overlayer_lowered;
	s5 =	simm.s32 $_tile_overlayer_lowered  }
0x9b: {  	s6 =	simm.s32 $0x1BFF;
	s21 =	sshll.u32 s5, $0x1;
	s3 =	sadd.s32 s20, s19  }
0x9c: {  	s22 =	simm.s32 $0x0;
	s4 =	sshll.u32 s4, $0x1;
	s5 =	sadd.s32 s21, s3  }
0x9d: {  	[timem:s22], [sflag:s6] =	dma.local [hbm:s5], s4  }
0x9e: {  	_ =	swait.ge [sflag:s6], s4  }
0x9f: {  	s4 =	ssub.s32 $0x0, s4;
	[sflag:s6] =	ssyncset.done $0x0  }
0xa0: {  	[sflag:s6] =	ssyncadd.s32 s4;
	_ =	sdelay $0x1  }
0xa1: {  	s23 =	simm.s32 $0x1B8B  }
0xa2: {  	_ =	swait.ge [sflag:s23], $0x1  }
0xa3: {  	[sflag:s23] =	ssyncset.done $0x0  }
0xa4: {  	[sflag:s23] =	ssyncadd.s32 $0xFFFFFFFF  }
0xa5: {  	s4 =	sld [smem:$0x0]  }
0xa6: {  	s5 =	sand.u32 $0xFFFFFFFE, s1  }
0xa7: {  	p0 =	sne.s32 s1, s5  }
0xa8: {  	s5 =	sshll.u32 @p0 s5, $0xE  }
0xa9: {  	s5 =	sadd.s32 @p0 $0x11B8D, s5;
	s6 =	sshll.u32 @p0 s4, $0x11  }
0xaa: {  	s5 =	sor.u32 @p0 s6, s5  }
0xab: {  	[sflag:s5] =	ssyncadd.remote.s32 @p0 $0x1;
	_ =	sdelay $0x1  }
0xac: {  	s5 =	simm.s32 @p0 $0x1B8D  }
0xad: {  	_ =	swait.eq @p0 [sflag:s5], $0x1  }
0xae: {  	[sflag:s5] =	ssyncadd.s32 @p0 $0xFFFFFFFF  }
0xaf: {  	s6 =	sshll.u32 @!p0 s1, $0xE  }
0xb0: {  	s6 =	sor.u32 @!p0 $0x4000, s6;
	s5 =	simm.s32 @!p0 $0x1B8D  }
0xb1: {  	s4 =	sshll.u32 @!p0 s4, $0x11;
	s6 =	sadd.s32 @!p0 $0x11B8D, s6;
	_ =	swait.eq @!p0 [sflag:s5], $0x1  }
0xb2: {  	s4 =	sor.u32 @!p0 s4, s6;
	[sflag:s5] =	ssyncadd.s32 @!p0 $0xFFFFFFFF  }
0xb3: {  	s25 =	simm.s32 $0x1B8E;
	s24 =	sld [smem:$0x3FFE];
	[sflag:s4] =	ssyncadd.remote.s32 @!p0 $0x1  }
0xb4: {  	s26 =	simm.s32 $execute0_lowered;
	[smem:$0x3FD2] =	sst s25  }
0xb5: {  	s5 =	sshll.u32 s26, $0x1;
	_ =	strace $0x8000004F;
	[dreg:$0x1] =	wrdreg $0xFFFFFFFF  }
0xb6: {  	s28 =	simm.s32 $_size_execute0_lowered;
	s3 =	sadd.s32 s3, s5;
	[dreg:$0x0] =	wrdreg $0x0  }
0xb7: {  	s5 =	sshll.u32 s28, $0x1;
	[dreg:$0x2] =	wrdreg s3  }
0xb8: {  	[dreg:$0x3] =	wrdreg s5  }
0xb9: {  	[dreg:$0x4] =	wrdreg $0xC0  }
0xba: {  	_ =	task [dreg:s22], $0x5FFFF  }
0xbb: {  	[dreg:$0x1] =	wrdreg $0xFFFFFFFF  }
0xbc: {  	[dreg:$0x0] =	wrdreg $0x60  }
0xbd: {  	[dreg:$0x2] =	wrdreg s24  }
0xbe: {  	[dreg:$0x3] =	wrdreg $0x15B800  }
0xbf: {  	[dreg:$0x4] =	wrdreg $0xA  }
0xc0: {  	_ =	task.clear_ibuf [dreg:s22], $0x5FFFF;
	_ =	strace $0x9000004F  }
0xc1: {  	s29 =	simm.s32 $0xA;
	_ =	strace $0x80000051  }
0xc2: {  	_ =	swait.ge [sflag:s29], $0x1  }
0xc3: {  	[sflag:s29] =	ssyncadd.s32 $0xFFFFFFFF  }
0xc4: {  	_ =	strace $0x90000051  }
0xc5: {  	_ =	sfence  }
0xc6: {  	s30 =	sld [smem:$0x0];
	_ =	sdelay $0x2  }
0xc7: {  	s31 =	sshll.u32 s1, $0xD;
	s1 =	sshrl.u32 s1, $0x2  }
0xc8: {  	s4 =	sand.u32 $0x4000, s31;
	s1 =	sadd.s32 s1, s30  }
0xc9: {  	s0 =	sor.u32 s4, s0;
	s1 =	sshll.u32 s1, $0x11  }
0xca: {  	s0 =	sor.u32 s1, s0  }
0xcb: {  	s0 =	sadd.s32 $0x8F2B, s0  }
0xcc: {  	[sflag:s0] =	ssyncadd.remote.s32 $0x1  }
0xcd: {  	_ =	sfence.sel $0xFFFF  }
0xce: {  	[dreg:$0x0] =	wrdreg $0xFFFFFFFF;
	(pc) =	sbr.abs _section_cstart, $3  }
0xcf: {  	[dreg:$0x1] =	wrdreg $0xFFFFFFFF  }
0xd0: {  	_ =	task.clear_ibuf [dreg:s22], $0x2FFFF;
	_ =	strace $0x9FFFFFFF  }
0xd1: {  	(tm) =	ssettm $0x7FFFFFFF  }
tec
execute0_lowered:
.L_overlay_start_1:
0x0: {  	(tag) =	ssettag $0x1  }
0x1: {  	s0 =	srdreg.scid;
	s1 =	rddreg [dreg:$0x0]  }
0x2: {  	s10 =	stileid.u32;
	s2 =	rddreg [dreg:$0x1];
	s3 =	simm.s32 $0x0  }
0x3: {  	s17 =	simm.s32 $0xA000;
	s18 =	simm.s32 $0xD;
	s5 =	smul.u32 $0x5000, s10  }
0x4: {  	s22 =	simm.s32 $0xBF40;
	s28 =	simm.s32 $0xFDC0;
	s8 =	smul.u32 $0xA000, s10  }
0x5: {  	s29 =	simm.s32 $0x1;
	s0 =	sand.u32 $0x1, s0;
	s10 =	smul.u32 $0x28000, s10  }
0x6: {  	s31 =	simm.s32 $0x11D00;
	s30 =	simm.s32 $0x8;
	s4 =	smul.u32 $0x50000, s0  }
0x7: {  	[smem:$0x7FF] =	sst s3;
	s6 =	smul.u32 $0xA0000, s0;
	s0 =	ssub.s32 $0x2, s0  }
0x8: {  	s11 =	simm.s32 $0xC;
	_ =	strace $0x80000050;
	s9 =	sshrl.u32 s0, $0x1  }
0x9: {  	s20 =	sshrl.u32 s10, $0x2;
	s21 =	sadd.s32 s8, s2;
	s10 =	simm.s32 $0xB  }
0xa: {  	s4 =	sadd.s32 s5, s4;
	s5 =	sshrl.u32 s5, $0x3;
	s6 =	sadd.s32 s8, s6  }
0xb: {  	s0 =	ssub.s32 s0, s9;
	s8 =	sadd.s32 s20, s2;
	s20 =	simm.s32 $0x7D  }
0xc: {  	s9 =	simm.s32 $0xA;
	s7 =	sshrl.u32 s4, $0x3;
	s4 =	sadd.s32 $0x2A000, s1  }
0xd: {  	s6 =	sshrl.u32 s6, $0x3;
	s5 =	sadd.s32 s5, s1;
	s0 =	smax.u32 s0, $0x1  }
0xe: {  	s23 =	sadd.s32 $0x1400, s8;
	s24 =	sadd.s32 $0x2800, s8;
	[dreg:$0x6] =	wrdreg s0  }
0xf: {  	s25 =	sadd.s32 $0x3C00, s8;
	s26 =	sadd.s32 $0x5000, s8;
	[dreg:$0x7] =	wrdreg s23  }
0x10: {  	s14 =	sadd.s32 $0x6400, s8;
	s15 =	sadd.s32 $0x7800, s8;
	[dreg:$0x8] =	wrdreg s24  }
0x11: {  	s16 =	sadd.s32 $0x8C00, s8;
	s7 =	sadd.s32 s7, s1;
	[dreg:$0x9] =	wrdreg s25  }
0x12: {  	s1 =	sadd.s32 s6, s1;
	s5 =	sadd.s32 $0x2000, s5;
	[dreg:$0xa] =	wrdreg s26  }
0x13: {  	s24 =	simm.s32 $0xDE80;
	s25 =	sshrl.u32 s21, $0x3;
	s23 =	simm.s32 $0x13C40  }
0x14: {  	s26 =	simm.s32 $0x3;
	s21 =	simm.s32 $0x7;
	s0 =	simm.s32 $0x4  }
0x15: {  	s6 =	simm.s32 $0x9;
	s19 =	sadd.s32 $0x16000, s7;
	[dreg:$0x4] =	wrdreg s5  }
0x16: {  	s1 =	sadd.s32 $0x5C000, s1;
	s5 =	simm.s32 $0x5;
	[dreg:$0x3] =	wrdreg s19  }
0x17: {  	v0 =	vimm.f32 $0.0e+00;
	s7 =	simm.s32 $0x6;
	[dreg:$0x5] =	wrdreg s1;
	s1 =	simm.s32 $0x2  }
.LBB2_1:
0x18: {  	s19 =	simm.s32 $0x100;
	s12 =	simm.s32 $0x0  }
.LBB2_2:
0x19: {  	p0 =	sne.s32 s19, $0x7C00;
	[tilespmem:s12+$0xA030] =	vst v0;
	s13 =	smov.u32 s19;
	s19 =	sadd.s32 $0x100, s19  }
.Ltmp0:
0x1a: {  	[tilespmem:s12+$0xA020] =	vst v0;
	(pc) =	sbr.rel @p0 .LBB2_2-.Ltmp0, $3  }
0x1b: {  	[tilespmem:s12+$0xA000] =	vst v0  }
0x1c: {  	[tilespmem:s12+$0xA010] =	vst v0;
	_ =	sdelay $0x1  }
0x1d: {  	s12 =	sshra.s32 s13, $0x2  }
0x1e: {  	[tilespmem:s12+$0xA030] =	vst v0  }
0x1f: {  	[tilespmem:s12+$0xA020] =	vst v0  }
0x20: {  	[tilespmem:s12+$0xA000] =	vst v0  }
0x21: {  	[tilespmem:s12+$0xA010] =	vst v0  }
0x22: {  	[spmem:s8] =	stream.linear.scatter [tilespmem:s17], [sflag:$0xD], $0x1400, $0x38;
	[tilespmem:$0x1FB80] =	vst v63  }
0x23: {  	_ =	swait.ge [sflag:s18], $0x1400  }
0x24: {  	[sflag:s18] =	ssyncset.done $0x0  }
0x25: {  	s13 =	rddreg [dreg:$0x7];
	[sflag:s18] =	ssyncadd.s32 $0xFFFFEC00  }
0x26: {  	[spmem:s13] =	stream.linear.scatter [tilespmem:s17], [sflag:$0xD], $0x1400, $0x38;
	[tilespmem:$0x1FB80] =	vst v63  }
0x27: {  	_ =	swait.ge [sflag:s18], $0x1400  }
0x28: {  	[sflag:s18] =	ssyncset.done $0x0  }
0x29: {  	s19 =	rddreg [dreg:$0x8];
	[sflag:s18] =	ssyncadd.s32 $0xFFFFEC00  }
0x2a: {  	[spmem:s19] =	stream.linear.scatter [tilespmem:s17], [sflag:$0xD], $0x1400, $0x38;
	[tilespmem:$0x1FB80] =	vst v63  }
0x2b: {  	_ =	swait.ge [sflag:s18], $0x1400  }
0x2c: {  	[sflag:s18] =	ssyncset.done $0x0  }
0x2d: {  	s13 =	rddreg [dreg:$0x9];
	[sflag:s18] =	ssyncadd.s32 $0xFFFFEC00  }
0x2e: {  	[spmem:s13] =	stream.linear.scatter [tilespmem:s17], [sflag:$0xD], $0x1400, $0x38;
	[tilespmem:$0x1FB80] =	vst v63  }
0x2f: {  	_ =	swait.ge [sflag:s18], $0x1400  }
0x30: {  	[sflag:s18] =	ssyncset.done $0x0  }
0x31: {  	s19 =	rddreg [dreg:$0xa];
	[sflag:s18] =	ssyncadd.s32 $0xFFFFEC00  }
0x32: {  	[spmem:s19] =	stream.linear.scatter [tilespmem:s17], [sflag:$0xD], $0x1400, $0x38;
	[tilespmem:$0x1FB80] =	vst v63  }
0x33: {  	_ =	swait.ge [sflag:s18], $0x1400  }
0x34: {  	[sflag:s18] =	ssyncset.done $0x0  }
0x35: {  	[sflag:s18] =	ssyncadd.s32 $0xFFFFEC00  }
0x36: {  	[spmem:s14] =	stream.linear.scatter [tilespmem:s17], [sflag:$0xD], $0x1400, $0x38;
	[tilespmem:$0x1FB80] =	vst v63  }
0x37: {  	_ =	swait.ge [sflag:s18], $0x1400  }
0x38: {  	[sflag:s18] =	ssyncset.done $0x0  }
0x39: {  	[sflag:s18] =	ssyncadd.s32 $0xFFFFEC00  }
0x3a: {  	[spmem:s15] =	stream.linear.scatter [tilespmem:s17], [sflag:$0xD], $0x1400, $0x38;
	[tilespmem:$0x1FB80] =	vst v63  }
0x3b: {  	_ =	swait.ge [sflag:s18], $0x1400  }
0x3c: {  	[sflag:s18] =	ssyncset.done $0x0  }
0x3d: {  	[sflag:s18] =	ssyncadd.s32 $0xFFFFEC00  }
0x3e: {  	[spmem:s16] =	stream.linear.scatter [tilespmem:s17], [sflag:$0xD], $0x1400, $0x38;
	[tilespmem:$0x1FB80] =	vst v63  }
0x3f: {  	_ =	swait.ge [sflag:s18], $0x1400  }
0x40: {  	[sflag:s18] =	ssyncset.done $0x0  }
0x41: {  	[sflag:s18] =	ssyncadd.s32 $0xFFFFEC00  }
0x42: {  	[bflag:$0x0] =	sbarrier.arrive $0xFFFF  }
0x43: {  	s12 =	simm.s32 $0x0;
	s13 =	rddreg [dreg:$0x3]  }
0x44: {  	[tilespmem:s12], [sflag:$0xD] =	stream.linear.gather [hbm4b:s13+s12], $0x5000, $0x38;
	[tilespmem:$0x1FB80] =	vst v63  }
0x45: {  	_ =	swait.ge [sflag:s18], $0x5000  }
0x46: {  	[sflag:s18] =	ssyncset.done $0x0  }
0x47: {  	s19 =	simm.s32 $0x5000;
	s13 =	rddreg [dreg:$0x4];
	[sflag:s18] =	ssyncadd.s32 $0xFFFFB000  }
0x48: {  	[tilespmem:s19], [sflag:$0xD] =	stream.linear.gather [hbm4b:s13+s12], $0x5000, $0x38;
	[tilespmem:$0x1FB80] =	vst v63  }
0x49: {  	_ =	swait.ge [sflag:s18], $0x5000  }
0x4a: {  	[sflag:s18] =	ssyncset.done $0x0  }
0x4b: {  	[sflag:s18] =	ssyncadd.s32 $0xFFFFB000  }
0x4c: {  	[tilespmem:s17], [sflag:$0x1] =	stream.indirect.gather [hbm4b:s4+s20], $0x40, s12, s20, $0xb8;
	[tilespmem:$0x1FB80] =	vst v63  }
0x4d: {  	s13 =	simm.s32 $0x80  }
0x4e: {  	[tilespmem:s22], [sflag:$0x2] =	stream.indirect.gather [hbm4b:s4+s20], $0x40, s13, s20, $0xb8;
	[tilespmem:$0x1FB80] =	vst v63  }
0x4f: {  	s13 =	simm.s32 $0x100  }
0x50: {  	[tilespmem:s24], [sflag:$0x3] =	stream.indirect.gather [hbm4b:s4+s20], $0x40, s13, s20, $0xb8;
	[tilespmem:$0x1FB80] =	vst v63  }
0x51: {  	s13 =	simm.s32 $0x180  }
0x52: {  	[tilespmem:s28], [sflag:$0x4] =	stream.indirect.gather [hbm4b:s4+s20], $0x40, s13, s20, $0xb8;
	[tilespmem:$0x1FB80] =	vst v63  }
0x53: {  	_ =	swait.ge [sflag:s29], $0x1F40  }
0x54: {  	[sflag:s29] =	ssyncset.done $0x0  }
0x55: {  	[sflag:s29] =	ssyncadd.s32 $0xFFFFE0C0  }
0x56: {  	[spmem:s2] =	stream.indirect.scatter.add.f32 [tilespmem:s17], [sflag:$0x7], $0x40, s19, s20, $0xb8;
	[tilespmem:$0x1FB80] =	vst v63  }
0x57: {  	s19 =	simm.s32 $0x200  }
0x58: {  	[tilespmem:s31], [sflag:$0x5] =	stream.indirect.gather [hbm4b:s4+s20], $0x40, s19, s20, $0xb8;
	[tilespmem:$0x1FB80] =	vst v63  }
0x59: {  	_ =	swait.ge [sflag:s1], $0x1F40  }
0x5a: {  	[sflag:s1] =	ssyncset.done $0x0  }
0x5b: {  	s13 =	simm.s32 $0x5080;
	[sflag:s1] =	ssyncadd.s32 $0xFFFFE0C0  }
0x5c: {  	[spmem:s2] =	stream.indirect.scatter.add.f32 [tilespmem:s22], [sflag:$0x8], $0x40, s13, s20, $0xb8;
	[tilespmem:$0x1FB80] =	vst v63  }
0x5d: {  	s19 =	simm.s32 $0x280  }
0x5e: {  	[tilespmem:s23], [sflag:$0x6] =	stream.indirect.gather [hbm4b:s4+s20], $0x40, s19, s20, $0xb8;
	[tilespmem:$0x1FB80] =	vst v63  }
0x5f: {  	_ =	swait.ge [sflag:s26], $0x1F40  }
0x60: {  	[sflag:s26] =	ssyncset.done $0x0  }
0x61: {  	s13 =	simm.s32 $0x5100;
	[sflag:s26] =	ssyncadd.s32 $0xFFFFE0C0  }
0x62: {  	[spmem:s2] =	stream.indirect.scatter.add.f32 [tilespmem:s24], [sflag:$0x9], $0x40, s13, s20, $0xb8;
	[tilespmem:$0x1FB80] =	vst v63  }
0x63: {  	_ =	swait.ge [sflag:s21], $0x1F40  }
0x64: {  	[sflag:s21] =	ssyncset.done $0x0  }
0x65: {  	s19 =	simm.s32 $0x300;
	[sflag:s21] =	ssyncadd.s32 $0xFFFFE0C0  }
0x66: {  	[tilespmem:s17], [sflag:$0x1] =	stream.indirect.gather [hbm4b:s4+s20], $0x40, s19, s20, $0xb8;
	[tilespmem:$0x1FB80] =	vst v63  }
0x67: {  	_ =	swait.ge [sflag:s0], $0x1F40  }
0x68: {  	[sflag:s0] =	ssyncset.done $0x0  }
0x69: {  	s13 =	simm.s32 $0x5180;
	[sflag:s0] =	ssyncadd.s32 $0xFFFFE0C0  }
0x6a: {  	[spmem:s2] =	stream.indirect.scatter.add.f32 [tilespmem:s28], [sflag:$0xA], $0x40, s13, s20, $0xb8;
	[tilespmem:$0x1FB80] =	vst v63  }
0x6b: {  	_ =	swait.ge [sflag:s30], $0x1F40  }
0x6c: {  	[sflag:s30] =	ssyncset.done $0x0  }
0x6d: {  	s19 =	simm.s32 $0x380;
	[sflag:s30] =	ssyncadd.s32 $0xFFFFE0C0  }
0x6e: {  	[tilespmem:s22], [sflag:$0x2] =	stream.indirect.gather [hbm4b:s4+s20], $0x40, s19, s20, $0xb8;
	[tilespmem:$0x1FB80] =	vst v63  }
0x6f: {  	_ =	swait.ge [sflag:s5], $0x1F40  }
0x70: {  	[sflag:s5] =	ssyncset.done $0x0  }
0x71: {  	s13 =	simm.s32 $0x5200;
	[sflag:s5] =	ssyncadd.s32 $0xFFFFE0C0  }
0x72: {  	[spmem:s2] =	stream.indirect.scatter.add.f32 [tilespmem:s31], [sflag:$0xB], $0x40, s13, s20, $0xb8;
	[tilespmem:$0x1FB80] =	vst v63  }
0x73: {  	_ =	swait.ge [sflag:s6], $0x1F40  }
0x74: {  	[sflag:s6] =	ssyncset.done $0x0  }
0x75: {  	s19 =	simm.s32 $0x400;
	[sflag:s6] =	ssyncadd.s32 $0xFFFFE0C0  }
0x76: {  	[tilespmem:s24], [sflag:$0x3] =	stream.indirect.gather [hbm4b:s4+s20], $0x40, s19, s20, $0xb8;
	[tilespmem:$0x1FB80] =	vst v63  }
0x77: {  	_ =	swait.ge [sflag:s7], $0x1F40  }
0x78: {  	[sflag:s7] =	ssyncset.done $0x0  }
0x79: {  	s13 =	simm.s32 $0x5280;
	[sflag:s7] =	ssyncadd.s32 $0xFFFFE0C0  }
0x7a: {  	[spmem:s2] =	stream.indirect.scatter.add.f32 [tilespmem:s23], [sflag:$0xC], $0x40, s13, s20, $0xb8;
	[tilespmem:$0x1FB80] =	vst v63  }
0x7b: {  	_ =	swait.ge [sflag:s9], $0x1F40  }
0x7c: {  	[sflag:s9] =	ssyncset.done $0x0  }
0x7d: {  	s19 =	simm.s32 $0x480;
	[sflag:s9] =	ssyncadd.s32 $0xFFFFE0C0  }
0x7e: {  	[tilespmem:s28], [sflag:$0x4] =	stream.indirect.gather [hbm4b:s4+s20], $0x40, s19, s20, $0xb8;
	[tilespmem:$0x1FB80] =	vst v63  }
0x7f: {  	_ =	swait.ge [sflag:s29], $0x1F40  }
0x80: {  	[sflag:s29] =	ssyncset.done $0x0  }
0x81: {  	s13 =	simm.s32 $0x5300;
	[sflag:s29] =	ssyncadd.s32 $0xFFFFE0C0  }
0x82: {  	[spmem:s2] =	stream.indirect.scatter.add.f32 [tilespmem:s17], [sflag:$0x7], $0x40, s13, s20, $0xb8;
	[tilespmem:$0x1FB80] =	vst v63  }
0x83: {  	_ =	swait.ge [sflag:s10], $0x1F40  }
0x84: {  	[sflag:s10] =	ssyncset.done $0x0  }
0x85: {  	s19 =	simm.s32 $0x500;
	[sflag:s10] =	ssyncadd.s32 $0xFFFFE0C0  }
0x86: {  	[tilespmem:s31], [sflag:$0x5] =	stream.indirect.gather [hbm4b:s4+s20], $0x40, s19, s20, $0xb8;
	[tilespmem:$0x1FB80] =	vst v63  }
0x87: {  	_ =	swait.ge [sflag:s1], $0x1F40  }
0x88: {  	[sflag:s1] =	ssyncset.done $0x0  }
0x89: {  	s13 =	simm.s32 $0x5380;
	[sflag:s1] =	ssyncadd.s32 $0xFFFFE0C0  }
0x8a: {  	[spmem:s2] =	stream.indirect.scatter.add.f32 [tilespmem:s22], [sflag:$0x8], $0x40, s13, s20, $0xb8;
	[tilespmem:$0x1FB80] =	vst v63  }
0x8b: {  	_ =	swait.ge [sflag:s11], $0x1F40  }
0x8c: {  	[sflag:s11] =	ssyncset.done $0x0  }
0x8d: {  	s19 =	simm.s32 $0x580;
	[sflag:s11] =	ssyncadd.s32 $0xFFFFE0C0  }
0x8e: {  	[tilespmem:s23], [sflag:$0x6] =	stream.indirect.gather [hbm4b:s4+s20], $0x40, s19, s20, $0xb8;
	[tilespmem:$0x1FB80] =	vst v63  }
0x8f: {  	_ =	swait.ge [sflag:s26], $0x1F40  }
0x90: {  	[sflag:s26] =	ssyncset.done $0x0  }
0x91: {  	s12 =	simm.s32 $0xC00;
	s19 =	simm.s32 $0x5400;
	[sflag:s26] =	ssyncadd.s32 $0xFFFFE0C0  }
.LBB2_4:
0x92: {  	[spmem:s2] =	stream.indirect.scatter.add.f32 [tilespmem:s24], [sflag:$0x9], $0x40, s19, s20, $0xb8;
	[tilespmem:$0x1FB80] =	vst v63  }
0x93: {  	s13 =	smov.u32 s12  }
0x94: {  	p0 =	sne.s32 s12, $0x12000;
	s12 =	sadd.s32 $0xC00, s12;
	_ =	swait.ge [sflag:s21], $0x1F40  }
0x95: {  	s19 =	sshra.s32 s13, $0x2;
	[sflag:s21] =	ssyncset.done $0x0  }
0x96: {  	s13 =	sadd.s32 $0x300, s19;
	[sflag:s21] =	ssyncadd.s32 $0xFFFFE0C0  }
0x97: {  	[tilespmem:s17], [sflag:$0x1] =	stream.indirect.gather [hbm4b:s4+s20], $0x40, s13, s20, $0xb8;
	[tilespmem:$0x1FB80] =	vst v63  }
0x98: {  	_ =	swait.ge [sflag:s0], $0x1F40  }
0x99: {  	[sflag:s0] =	ssyncset.done $0x0  }
0x9a: {  	s13 =	sadd.s32 $0x5180, s19;
	[sflag:s0] =	ssyncadd.s32 $0xFFFFE0C0  }
0x9b: {  	[spmem:s2] =	stream.indirect.scatter.add.f32 [tilespmem:s28], [sflag:$0xA], $0x40, s13, s20, $0xb8;
	[tilespmem:$0x1FB80] =	vst v63  }
0x9c: {  	_ =	swait.ge [sflag:s30], $0x1F40  }
0x9d: {  	[sflag:s30] =	ssyncset.done $0x0  }
0x9e: {  	s13 =	sadd.s32 $0x380, s19;
	[sflag:s30] =	ssyncadd.s32 $0xFFFFE0C0  }
0x9f: {  	[tilespmem:s22], [sflag:$0x2] =	stream.indirect.gather [hbm4b:s4+s20], $0x40, s13, s20, $0xb8;
	[tilespmem:$0x1FB80] =	vst v63  }
0xa0: {  	_ =	swait.ge [sflag:s5], $0x1F40  }
0xa1: {  	[sflag:s5] =	ssyncset.done $0x0  }
0xa2: {  	s13 =	sadd.s32 $0x5200, s19;
	[sflag:s5] =	ssyncadd.s32 $0xFFFFE0C0  }
0xa3: {  	[spmem:s2] =	stream.indirect.scatter.add.f32 [tilespmem:s31], [sflag:$0xB], $0x40, s13, s20, $0xb8;
	[tilespmem:$0x1FB80] =	vst v63  }
0xa4: {  	_ =	swait.ge [sflag:s6], $0x1F40  }
0xa5: {  	[sflag:s6] =	ssyncset.done $0x0  }
0xa6: {  	s13 =	sadd.s32 $0x400, s19;
	[sflag:s6] =	ssyncadd.s32 $0xFFFFE0C0  }
0xa7: {  	[tilespmem:s24], [sflag:$0x3] =	stream.indirect.gather [hbm4b:s4+s20], $0x40, s13, s20, $0xb8;
	[tilespmem:$0x1FB80] =	vst v63  }
0xa8: {  	_ =	swait.ge [sflag:s7], $0x1F40  }
0xa9: {  	[sflag:s7] =	ssyncset.done $0x0  }
0xaa: {  	s13 =	sadd.s32 $0x5280, s19;
	[sflag:s7] =	ssyncadd.s32 $0xFFFFE0C0  }
0xab: {  	[spmem:s2] =	stream.indirect.scatter.add.f32 [tilespmem:s23], [sflag:$0xC], $0x40, s13, s20, $0xb8;
	[tilespmem:$0x1FB80] =	vst v63  }
0xac: {  	_ =	swait.ge [sflag:s9], $0x1F40  }
0xad: {  	[sflag:s9] =	ssyncset.done $0x0  }
0xae: {  	s13 =	sadd.s32 $0x480, s19;
	[sflag:s9] =	ssyncadd.s32 $0xFFFFE0C0  }
0xaf: {  	[tilespmem:s28], [sflag:$0x4] =	stream.indirect.gather [hbm4b:s4+s20], $0x40, s13, s20, $0xb8;
	[tilespmem:$0x1FB80] =	vst v63  }
0xb0: {  	_ =	swait.ge [sflag:s29], $0x1F40  }
0xb1: {  	[sflag:s29] =	ssyncset.done $0x0  }
0xb2: {  	s13 =	sadd.s32 $0x5300, s19;
	[sflag:s29] =	ssyncadd.s32 $0xFFFFE0C0  }
0xb3: {  	[spmem:s2] =	stream.indirect.scatter.add.f32 [tilespmem:s17], [sflag:$0x7], $0x40, s13, s20, $0xb8;
	[tilespmem:$0x1FB80] =	vst v63  }
0xb4: {  	_ =	swait.ge [sflag:s10], $0x1F40  }
0xb5: {  	[sflag:s10] =	ssyncset.done $0x0  }
0xb6: {  	s13 =	sadd.s32 $0x500, s19;
	[sflag:s10] =	ssyncadd.s32 $0xFFFFE0C0  }
0xb7: {  	[tilespmem:s31], [sflag:$0x5] =	stream.indirect.gather [hbm4b:s4+s20], $0x40, s13, s20, $0xb8;
	[tilespmem:$0x1FB80] =	vst v63  }
0xb8: {  	_ =	swait.ge [sflag:s1], $0x1F40  }
0xb9: {  	[sflag:s1] =	ssyncset.done $0x0  }
0xba: {  	s13 =	sadd.s32 $0x5380, s19;
	[sflag:s1] =	ssyncadd.s32 $0xFFFFE0C0  }
0xbb: {  	[spmem:s2] =	stream.indirect.scatter.add.f32 [tilespmem:s22], [sflag:$0x8], $0x40, s13, s20, $0xb8;
	[tilespmem:$0x1FB80] =	vst v63  }
0xbc: {  	_ =	swait.ge [sflag:s11], $0x1F40  }
0xbd: {  	[sflag:s11] =	ssyncset.done $0x0  }
.Ltmp1:
0xbe: {  	s13 =	sadd.s32 $0x580, s19;
	[sflag:s11] =	ssyncadd.s32 $0xFFFFE0C0;
	(pc) =	sbr.rel @p0 .LBB2_4-.Ltmp1, $4  }
0xbf: {  	[tilespmem:s23], [sflag:$0x6] =	stream.indirect.gather [hbm4b:s4+s20], $0x40, s13, s20, $0xb8;
	[tilespmem:$0x1FB80] =	vst v63  }
0xc0: {  	_ =	swait.ge [sflag:s26], $0x1F40  }
0xc1: {  	[sflag:s26] =	ssyncset.done $0x0  }
0xc2: {  	s19 =	sadd.s32 $0x5400, s19;
	[sflag:s26] =	ssyncadd.s32 $0xFFFFE0C0  }
0xc3: {  	[spmem:s2] =	stream.indirect.scatter.add.f32 [tilespmem:s24], [sflag:$0x9], $0x40, s19, s20, $0xb8;
	[tilespmem:$0x1FB80] =	vst v63  }
0xc4: {  	_ =	swait.ge [sflag:s21], $0x1F40  }
0xc5: {  	[sflag:s21] =	ssyncset.done $0x0  }
0xc6: {  	s12 =	simm.s32 $0x4E00;
	[sflag:s21] =	ssyncadd.s32 $0xFFFFE0C0  }
0xc7: {  	[tilespmem:s17], [sflag:$0x1] =	stream.indirect.gather [hbm4b:s4+s20], $0x40, s12, s20, $0xb8;
	[tilespmem:$0x1FB80] =	vst v63  }
0xc8: {  	_ =	swait.ge [sflag:s0], $0x1F40  }
0xc9: {  	[sflag:s0] =	ssyncset.done $0x0  }
0xca: {  	s13 =	simm.s32 $0x9C80;
	[sflag:s0] =	ssyncadd.s32 $0xFFFFE0C0  }
0xcb: {  	[spmem:s2] =	stream.indirect.scatter.add.f32 [tilespmem:s28], [sflag:$0xA], $0x40, s13, s20, $0xb8;
	[tilespmem:$0x1FB80] =	vst v63  }
0xcc: {  	_ =	swait.ge [sflag:s30], $0x1F40  }
0xcd: {  	[sflag:s30] =	ssyncset.done $0x0  }
0xce: {  	s19 =	simm.s32 $0x4E80;
	[sflag:s30] =	ssyncadd.s32 $0xFFFFE0C0  }
0xcf: {  	[tilespmem:s22], [sflag:$0x2] =	stream.indirect.gather [hbm4b:s4+s20], $0x40, s19, s20, $0xb8;
	[tilespmem:$0x1FB80] =	vst v63  }
0xd0: {  	_ =	swait.ge [sflag:s5], $0x1F40  }
0xd1: {  	[sflag:s5] =	ssyncset.done $0x0  }
0xd2: {  	s13 =	simm.s32 $0x9D00;
	[sflag:s5] =	ssyncadd.s32 $0xFFFFE0C0  }
0xd3: {  	[spmem:s2] =	stream.indirect.scatter.add.f32 [tilespmem:s31], [sflag:$0xB], $0x40, s13, s20, $0xb8;
	[tilespmem:$0x1FB80] =	vst v63  }
0xd4: {  	_ =	swait.ge [sflag:s6], $0x1F40  }
0xd5: {  	[sflag:s6] =	ssyncset.done $0x0  }
0xd6: {  	s19 =	simm.s32 $0x4F00;
	[sflag:s6] =	ssyncadd.s32 $0xFFFFE0C0  }
0xd7: {  	[tilespmem:s24], [sflag:$0x3] =	stream.indirect.gather [hbm4b:s4+s20], $0x40, s19, s20, $0xb8;
	[tilespmem:$0x1FB80] =	vst v63  }
0xd8: {  	_ =	swait.ge [sflag:s7], $0x1F40  }
0xd9: {  	[sflag:s7] =	ssyncset.done $0x0  }
0xda: {  	s13 =	simm.s32 $0x9D80;
	[sflag:s7] =	ssyncadd.s32 $0xFFFFE0C0  }
0xdb: {  	[spmem:s2] =	stream.indirect.scatter.add.f32 [tilespmem:s23], [sflag:$0xC], $0x40, s13, s20, $0xb8;
	[tilespmem:$0x1FB80] =	vst v63  }
0xdc: {  	_ =	swait.ge [sflag:s9], $0x1F40  }
0xdd: {  	[sflag:s9] =	ssyncset.done $0x0  }
0xde: {  	s19 =	simm.s32 $0x4F80;
	[sflag:s9] =	ssyncadd.s32 $0xFFFFE0C0  }
0xdf: {  	[tilespmem:s28], [sflag:$0x4] =	stream.indirect.gather [hbm4b:s4+s20], $0x40, s19, s20, $0xb8;
	[tilespmem:$0x1FB80] =	vst v63  }
0xe0: {  	_ =	swait.ge [sflag:s29], $0x1F40  }
0xe1: {  	[sflag:s29] =	ssyncset.done $0x0  }
0xe2: {  	s13 =	simm.s32 $0x9E00;
	[sflag:s29] =	ssyncadd.s32 $0xFFFFE0C0  }
0xe3: {  	[spmem:s2] =	stream.indirect.scatter.add.f32 [tilespmem:s17], [sflag:$0x7], $0x40, s13, s20, $0xb8;
	[tilespmem:$0x1FB80] =	vst v63  }
0xe4: {  	_ =	swait.ge [sflag:s10], $0x1F40  }
0xe5: {  	[sflag:s10] =	ssyncset.done $0x0  }
0xe6: {  	[sflag:s10] =	ssyncadd.s32 $0xFFFFE0C0  }
0xe7: {  	_ =	swait.ge [sflag:s1], $0x1F40  }
0xe8: {  	[sflag:s1] =	ssyncset.done $0x0  }
0xe9: {  	s19 =	simm.s32 $0x9E80;
	[sflag:s1] =	ssyncadd.s32 $0xFFFFE0C0  }
0xea: {  	[spmem:s2] =	stream.indirect.scatter.add.f32 [tilespmem:s22], [sflag:$0x8], $0x40, s19, s20, $0xb8;
	[tilespmem:$0x1FB80] =	vst v63  }
0xeb: {  	_ =	swait.ge [sflag:s11], $0x1F40  }
0xec: {  	[sflag:s11] =	ssyncset.done $0x0  }
0xed: {  	[sflag:s11] =	ssyncadd.s32 $0xFFFFE0C0  }
0xee: {  	_ =	swait.ge [sflag:s26], $0x1F40  }
0xef: {  	[sflag:s26] =	ssyncset.done $0x0  }
0xf0: {  	s13 =	simm.s32 $0x9F00;
	[sflag:s26] =	ssyncadd.s32 $0xFFFFE0C0  }
0xf1: {  	[spmem:s2] =	stream.indirect.scatter.add.f32 [tilespmem:s24], [sflag:$0x9], $0x40, s13, s20, $0xb8;
	[tilespmem:$0x1FB80] =	vst v63  }
0xf2: {  	_ =	swait.ge [sflag:s21], $0x1F40  }
0xf3: {  	[sflag:s21] =	ssyncset.done $0x0  }
0xf4: {  	[sflag:s21] =	ssyncadd.s32 $0xFFFFE0C0  }
0xf5: {  	_ =	swait.ge [sflag:s0], $0x1F40  }
0xf6: {  	[sflag:s0] =	ssyncset.done $0x0  }
0xf7: {  	s19 =	simm.s32 $0x9F80;
	[sflag:s0] =	ssyncadd.s32 $0xFFFFE0C0  }
0xf8: {  	[spmem:s2] =	stream.indirect.scatter.add.f32 [tilespmem:s28], [sflag:$0xA], $0x40, s19, s20, $0xb8;
	[tilespmem:$0x1FB80] =	vst v63  }
0xf9: {  	_ =	swait.ge [sflag:s30], $0x1F40  }
0xfa: {  	[sflag:s30] =	ssyncset.done $0x0  }
0xfb: {  	[sflag:s30] =	ssyncadd.s32 $0xFFFFE0C0  }
0xfc: {  	_ =	swait.ge [sflag:s6], $0x1F40  }
0xfd: {  	[sflag:s6] =	ssyncset.done $0x0  }
0xfe: {  	[sflag:s6] =	ssyncadd.s32 $0xFFFFE0C0  }
0xff: {  	_ =	swait.ge [sflag:s9], $0x1F40  }
0x100: {  	[sflag:s9] =	ssyncset.done $0x0  }
0x101: {  	s13 =	stileid.u32;
	[sflag:s9] =	ssyncadd.s32 $0xFFFFE0C0  }
0x102: {  	s12 =	sshll.u32 s13, $0x6;
	[bflag:$0x0] =	sbarrier.arrive $0xFFFF  }
0x103: {  	s12 =	sor.u32 $0x1C0D, s12;
	s13 =	rddreg [dreg:$0x5]  }
0x104: {  	[hbm:s13], [sflag:s12] =	dma.local [spmem:s25], $0x1400  }
0x105: {  	_ =	swait.ge [sflag:s18], $0x1400  }
0x106: {  	s3 =	sadd.s32 $0x1, s3;
	s19 =	rddreg [dreg:$0x6]  }
0x107: {  	p0 =	sne.s32 s3, s19  }
.Ltmp2:
0x108: {  	_ = 	snop;
	(pc) =	sbr.rel @p0 .LBB2_1-.Ltmp2, $3  }
0x109: {  	_ =	sdelay $0x1  }
0x10a: {  	[sflag:s18] =	ssyncset.done $0x0  }
0x10b: {  	[sflag:s18] =	ssyncadd.s32 $0xFFFFEC00  }
0x10c: {  	_ =	sfence.sel $0x180000  }
0x10d: {  	[bflag:$0x0] =	sbarrier.arrive $0xFFFF  }
0x10e: {  	_ =	strace $0x90000050  }
0x10f: {  	s0 =	stileid.u32;
	[bflag:$0x2] =	sbarrier.arrive $0xFFFF  }
0x110: {  	p0 =	sne.s32 s0, $0x0;
	s0 =	rddreg [dreg:$0x2]  }
0x111: {  	s0 =	sadd.s32 @!p0 $0x100000, s0  }
0x112: {  	[sflag:s0] =	ssyncadd.tile.s32 @!p0 $0x1;
	_ =	shalt  }
.Lfunc_end2:
_tile_overlayer_lowered:
.L_overlay_start_2:
0x113: {  	(tag) =	ssettag $0x2  }
0x114: {  	s0 =	rddreg [dreg:$0x0];
	s2 =	stileid.u32  }
0x115: {  	s1 =	rddreg [dreg:$0x1];
	p0 =	sne.s32 s2, $0x0  }
0x116: {  	s3 =	rddreg [dreg:$0x2];
	[bflag:$0x3] =	sbarrier.arrive $0xFFFF;
	s2 =	simm.s32 @!p0 $0x1C0D  }
0x117: {  	[timem:s3], [sflag:s2] =	dma.local @!p0 [hbm:s0], s1  }
0x118: {  	s0 =	simm.s32 @!p0 $0xD  }
0x119: {  	_ =	swait.ge @!p0 [sflag:s0], s1  }
0x11a: {  	s1 =	ssub.s32 @!p0 $0x0, s1;
	[sflag:s0] =	ssyncset.done @!p0 $0x0  }
0x11b: {  	[sflag:s0] =	ssyncadd.s32 @!p0 s1  }
0x11c: {  	[bflag:$0x3] =	sbarrier.arrive $0xFFFF  }
0x11d: {  	_ =	shalt  }

// kernel: kernel.24.cloned.1.call-start
scs
__scs_entry_jumppad:
0x0: {  	(pc) =	sbr.rel $0x88, $3  }
0x1: {  	(tag) =	ssettag $0x0;
	lr =	simm.s32 $0x1  }
0x2: {  	[smem:$0x3F9A] =	sst lr;
	_ =	strace $0xD0000000  }
0x3: {  	_ = 	snop  }
0x4: {  	_ = 	snop  }
0x5: {  	_ = 	snop  }
0x6: {  	_ = 	snop  }
0x7: {  	_ = 	snop  }
__scs_overlays_trampoline_lowered:
0x8: {  	[smem:$0x3FA9] =	sst s0  }
0x9: {  	[smem:$0x3FAA] =	sst s1  }
0xa: {  	[smem:$0x3FAB] =	sst s2  }
0xb: {  	[smem:$0x3FAC] =	sst s3  }
0xc: {  	[smem:$0x3FAD] =	sst s4  }
0xd: {  	[smem:$0x3FAE] =	sst s5  }
0xe: {  	[smem:$0x3FAF] =	sst s6  }
0xf: {  	[smem:$0x3FB0] =	sst s7  }
0x10: {  	[smem:$0x3FB1] =	sst s8  }
0x11: {  	[smem:$0x3FB2] =	sst s9;
	s0 =	simm.s32 @!p0 $0x0  }
0x12: {  	s1 =	sld [smem:$0x3F98];
	s0 =	simm.s32 @p0 $0x1  }
0x13: {  	[smem:$0x3FB3] =	sst s0;
	s0 =	simm.s32 @!p1 $0x0  }
0x14: {  	s2 =	sld [smem:$0x3F97];
	s0 =	simm.s32 @p1 $0x1  }
0x15: {  	[smem:$0x3FB4] =	sst s0;
	s0 =	simm.s32 @!p2 $0x0  }
0x16: {  	s3 =	sld [smem:$0x3FDB];
	s0 =	simm.s32 @p2 $0x1  }
0x17: {  	s4 =	simm.s32 $0x1BF5;
	[smem:$0x3FB6] =	sst s0  }
0x18: {  	s0 =	sld [smem:$0x3F99];
	_ =	swait.ge [sflag:s4], $0x0  }
0x19: {  	s7 =	sld [smem:$0x3F9A]  }
0x1a: {  	s8 =	sadd.s32 $0xFFFFE003, lr  }
0x1b: {  	s9 =	sadd.s32 $0xFFFFFEF7, lr;
	s5 =	simm.s32 $0xFFFFFFFF;
	p2 =	slt.u32 s8, $0xFFFFF086  }
0x1c: {  	p1 =	slt.u32 s9, $0xF7A;
	s5 =	simm.s32 @!p2 $0x0  }
0x1d: {  	s5 =	simm.s32 @p1 $0x1;
	p0 =	seq.s32 s7, s2  }
0x1e: {  	s7 =	smul.u32 @!p0 $0xF7A, s2;
	p2 =	seq.s32 @!p0 s5, $0x0  }
0x1f: {  	s9 =	smul.u32 $0xF7A, s1;
	s8 =	simm.s32 @!p0 $0x1BF5;
	p2 =	por !p2, p0  }
0x20: {  	[sflag:s8] =	ssyncset.s32 @!p0 $0xFFFFF086;
	s6 =	sadd.s32 @!p0 s3, s7;
	s7 =	simm.s32 @!p0 $0x108  }
0x21: {  	s3 =	sadd.s32 s3, s9;
	s6 =	sadd.s32 @!p0 $0x88, s6;
	s7 =	simm.s32 @p2 $0x1082  }
0x22: {  	[simem:s7], [sflag:s8] =	dma.local @!p0 [hbm:s6], $0xF7A  }
0x23: {  	s9 =	sor.u32 $0xD0000000, s2;
	s6 =	simm.s32 $0x108;
	_ =	swait.ge @!p0 [sflag:s8], $0x0  }
0x24: {  	s3 =	sadd.s32 $0x88, s3;
	s6 =	simm.s32 @!p1 $0x1082;
	[sflag:s4] =	ssyncset.s32 $0xFFFFF086  }
0x25: {  	[simem:s6], [sflag:s4] =	dma.local [hbm:s3], $0xF7A  }
0x26: {  	[smem:$0x3F9A] =	sst s1;
	(tag) =	ssettag s2;
	_ =	strace s9  }
0x27: {  	s1 =	sld [smem:$0x3FAA]  }
0x28: {  	s2 =	sld [smem:$0x3FAB]  }
0x29: {  	s4 =	sld [smem:$0x3FAD]  }
0x2a: {  	p0 =	seq.s32 s5, $0x0;
	s5 =	sld [smem:$0x3FAE]  }
0x2b: {  	s6 =	sld [smem:$0x3FAF]  }
0x2c: {  	s7 =	sld [smem:$0x3FB0]  }
0x2d: {  	s3 =	simm.s32 $0x108;
	s8 =	sld [smem:$0x3FB1]  }
0x2e: {  	s3 =	simm.s32 @!p0 $0x1082;
	s9 =	sld [smem:$0x3FB2]  }
0x2f: {  	lr =	sadd.s32 s0, s3;
	s0 =	sld [smem:$0x3FA9]  }
0x30: {  	s3 =	sld [smem:$0x3FAC]  }
0x31: {  	[smem:$0x3FB5] =	sst s10  }
0x32: {  	s10 =	sld [smem:$0x3FB3];
	_ =	sdelay $0x3  }
0x33: {  	p0 =	seq.s32 s10, $0x1;
	s10 =	sld [smem:$0x3FB5];
	_ =	sdelay $0x3  }
0x34: {  	[smem:$0x3FB5] =	sst s10  }
0x35: {  	s10 =	sld [smem:$0x3FB4];
	_ =	sdelay $0x3  }
0x36: {  	p1 =	seq.s32 s10, $0x1;
	s10 =	sld [smem:$0x3FB5];
	_ =	sdelay $0x3  }
0x37: {  	[smem:$0x3FB5] =	sst s10  }
0x38: {  	s10 =	sld [smem:$0x3FB6]  }
0x39: {  	_ = 	snop;
	(pc) =	sbr.ind lr, $3  }
0x3a: {  	_ = 	snop  }
0x3b: {  	_ = 	snop  }
0x3c: {  	p2 =	seq.s32 s10, $0x1;
	s10 =	sld [smem:$0x3FB5]  }
0x3d: {  	_ =	shalt  }
0x3e: {  	_ =	shalt  }
0x3f: {  	_ =	shalt  }
0x40: {  	_ =	shalt  }
0x41: {  	_ =	shalt  }
0x42: {  	_ =	shalt  }
0x43: {  	_ =	shalt  }
0x44: {  	_ =	shalt  }
0x45: {  	_ =	shalt  }
0x46: {  	_ =	shalt  }
0x47: {  	_ =	shalt  }
0x48: {  	_ =	shalt  }
0x49: {  	_ =	shalt  }
0x4a: {  	_ =	shalt  }
0x4b: {  	_ =	shalt  }
0x4c: {  	_ =	shalt  }
0x4d: {  	_ =	shalt  }
0x4e: {  	_ =	shalt  }
0x4f: {  	_ =	shalt  }
0x50: {  	_ =	shalt  }
0x51: {  	_ =	shalt  }
0x52: {  	_ =	shalt  }
0x53: {  	_ =	shalt  }
0x54: {  	_ =	shalt  }
0x55: {  	_ =	shalt  }
0x56: {  	_ =	shalt  }
0x57: {  	_ =	shalt  }
0x58: {  	_ =	shalt  }
0x59: {  	_ =	shalt  }
0x5a: {  	_ =	shalt  }
0x5b: {  	_ =	shalt  }
0x5c: {  	_ =	shalt  }
0x5d: {  	_ =	shalt  }
0x5e: {  	_ =	shalt  }
0x5f: {  	_ =	shalt  }
0x60: {  	_ =	shalt  }
0x61: {  	_ =	shalt  }
0x62: {  	_ =	shalt  }
0x63: {  	_ =	shalt  }
0x64: {  	_ =	shalt  }
0x65: {  	_ =	shalt  }
0x66: {  	_ =	shalt  }
0x67: {  	_ =	shalt  }
0x68: {  	_ =	shalt  }
0x69: {  	_ =	shalt  }
0x6a: {  	_ =	shalt  }
0x6b: {  	_ =	shalt  }
0x6c: {  	_ =	shalt  }
0x6d: {  	_ =	shalt  }
0x6e: {  	_ =	shalt  }
0x6f: {  	_ =	shalt  }
0x70: {  	_ =	shalt  }
0x71: {  	_ =	shalt  }
0x72: {  	_ =	shalt  }
0x73: {  	_ =	shalt  }
0x74: {  	_ =	shalt  }
0x75: {  	_ =	shalt  }
0x76: {  	_ =	shalt  }
0x77: {  	_ =	shalt  }
0x78: {  	_ =	shalt  }
0x79: {  	_ =	shalt  }
0x7a: {  	_ =	shalt  }
0x7b: {  	_ =	shalt  }
0x7c: {  	_ =	shalt  }
0x7d: {  	_ =	shalt  }
0x7e: {  	_ =	shalt  }
0x7f: {  	_ =	shalt  }
0x80: {  	_ =	shalt  }
0x81: {  	_ =	shalt  }
0x82: {  	_ =	shalt  }
0x83: {  	_ =	shalt  }
0x84: {  	_ =	shalt  }
0x85: {  	_ =	shalt  }
0x86: {  	_ =	shalt  }
0x87: {  	_ =	shalt  }
.Lfunc_end0:
.L_simem_size_0:
called_computation.4_lowered:
.L_overlay_start_0:
0x88: {  	s2 =	sld [smem:$0x3FD9]  }
0x89: {  	s3 =	sld [smem:$0x3FFE];
	_ =	sdelay $0x1  }
0x8a: {  	s1 =	srdreg.scid  }
0x8b: {  	s0 =	sand.u32 $0x1, s1  }
0x8c: {  	s17 =	sshll.u32 s0, $0xA;
	s2 =	sadd.s32 s3, s2  }
0x8d: {  	s2 =	sadd.s32 s2, s17  }
0x8e: {  	[smem:$0x3FC1] =	sst s2  }
0x8f: {  	_ = 	snop  }
0x90: {  	s2 =	sld [smem:$0x3FD0];
	(tm) =	ssettm $0x1  }
0x91: {  	s18 =	sld [smem:$0x3FFB];
	_ =	sdelay $0x3  }
0x92: {  	_ =	strace s18  }
0x93: {  	s3 =	sld [smem:$0x3FFC];
	_ =	sdelay $0x3  }
0x94: {  	_ =	strace s3  }
0x95: {  	s3 =	sld [smem:$0x3FFD];
	_ =	sdelay $0x3  }
0x96: {  	_ =	strace s3  }
0x97: {  	_ =	strace $0x8FFFFFFF  }
0x98: {  	s19 =	sld [smem:$0x3FDB];
	_ =	sdelay $0x1  }
0x99: {  	s4 =	simm.s32 $_scs_section_size  }
0x9a: {  	s5 =	simm.s32 $_size__tile_overlayer_lowered;
	s6 =	simm.s32 $_tile_overlayer_lowered  }
0x9b: {  	s22 =	simm.s32 $0x1BFF;
	s21 =	sshll.u32 s6, $0x1;
	s3 =	sadd.s32 s4, s19  }
0x9c: {  	s7 =	simm.s32 $0x0;
	s20 =	sshll.u32 s5, $0x1;
	s5 =	sadd.s32 s21, s3  }
0x9d: {  	[timem:s7], [sflag:s22] =	dma.local [hbm:s5], s20  }
0x9e: {  	_ =	swait.ge [sflag:s22], s20  }
0x9f: {  	s4 =	ssub.s32 $0x0, s20;
	[sflag:s22] =	ssyncset.done $0x0  }
0xa0: {  	[sflag:s22] =	ssyncadd.s32 s4;
	_ =	sdelay $0x1  }
0xa1: {  	s23 =	simm.s32 $0x1B8B  }
0xa2: {  	_ =	swait.ge [sflag:s23], $0x1  }
0xa3: {  	[sflag:s23] =	ssyncset.done $0x0  }
0xa4: {  	s25 =	simm.s32 $0x1B8E;
	s24 =	sld [smem:$0x3FFE];
	[sflag:s23] =	ssyncadd.s32 $0xFFFFFFFF  }
0xa5: {  	s26 =	simm.s32 $execute0_lowered;
	[smem:$0x3FD2] =	sst s25  }
0xa6: {  	s5 =	sshll.u32 s26, $0x1;
	_ =	strace $0x80000052;
	[dreg:$0x1] =	wrdreg $0xFFFFFFFF  }
0xa7: {  	s28 =	simm.s32 $_size_execute0_lowered;
	s3 =	sadd.s32 s3, s5;
	[dreg:$0x0] =	wrdreg $0x0  }
0xa8: {  	s5 =	sshll.u32 s28, $0x1;
	[dreg:$0x2] =	wrdreg s3  }
0xa9: {  	[dreg:$0x3] =	wrdreg s5  }
0xaa: {  	[dreg:$0x4] =	wrdreg $0xC0  }
0xab: {  	_ =	task [dreg:s7], $0x5FFFF  }
0xac: {  	[dreg:$0x1] =	wrdreg $0xFFFFFFFF  }
0xad: {  	[dreg:$0x0] =	wrdreg $0x60  }
0xae: {  	[dreg:$0x2] =	wrdreg s24  }
0xaf: {  	[dreg:$0x3] =	wrdreg s2  }
0xb0: {  	[dreg:$0x4] =	wrdreg $0x9  }
0xb1: {  	_ =	task.clear_ibuf [dreg:s7], $0x5FFFF;
	_ =	strace $0x90000052  }
0xb2: {  	s29 =	simm.s32 $0x9;
	_ =	strace $0x80000054  }
0xb3: {  	_ =	swait.ge [sflag:s29], $0x1  }
0xb4: {  	[sflag:s29] =	ssyncadd.s32 $0xFFFFFFFF  }
0xb5: {  	_ =	strace $0x90000054  }
0xb6: {  	_ =	sfence  }
0xb7: {  	s30 =	sld [smem:$0x0];
	_ =	sdelay $0x2  }
0xb8: {  	s31 =	sshll.u32 s1, $0xD;
	s1 =	sshrl.u32 s1, $0x2  }
0xb9: {  	s3 =	sand.u32 $0x4000, s31;
	s1 =	sadd.s32 s1, s30  }
0xba: {  	s0 =	sor.u32 s3, s0;
	s1 =	sshll.u32 s1, $0x11  }
0xbb: {  	s0 =	sor.u32 s1, s0  }
0xbc: {  	s0 =	sadd.s32 $0x8F2B, s0  }
0xbd: {  	[sflag:s0] =	ssyncadd.remote.s32 $0x1  }
0xbe: {  	_ =	sfence.sel $0xFFFF  }
0xbf: {  	[dreg:$0x0] =	wrdreg $0xFFFFFFFF;
	(pc) =	sbr.abs _section_cstart, $3  }
0xc0: {  	[dreg:$0x1] =	wrdreg $0xFFFFFFFF  }
0xc1: {  	_ =	task.clear_ibuf [dreg:s7], $0x2FFFF;
	_ =	strace $0x9FFFFFFF  }
0xc2: {  	(tm) =	ssettm $0x7FFFFFFF  }
0xc3: {  	_ =	shalt  }
tec
execute0_lowered:
.L_overlay_start_1:
0x0: {  	(tag) =	ssettag $0x1  }
0x1: {  	s1 =	srdreg.scid  }
0x2: {  	s1 =	sand.u32 $0x1, s1  }
0x3: {  	p0 =	seq.s32 s1, $0x1  }
.Ltmp0:
0x4: {  	_ = 	snop;
	(pc) =	sbr.rel @p0 .LBB2_4-.Ltmp0, $4  }
0x5: {  	s2 =	rddreg [dreg:$0x0]  }
0x6: {  	s3 =	rddreg [dreg:$0x1];
	s4 =	simm.s32 $0x0  }
0x7: {  	[smem:$0x7FF] =	sst s4  }
0x8: {  	s0 =	rddreg [dreg:$0x2];
	_ =	strace $0x80000053;
	s1 =	stileid.u32  }
0x9: {  	s4 =	smul.u32 $0x7C0, s1  }
0xa: {  	s5 =	smul.u32 $0x2800, s1  }
0xb: {  	s6 =	smul.u32 $0x50, s1;
	s7 =	sadd.s32 $0x2000, s2;
	s2 =	sadd.s32 $0x2A000, s2  }
0xc: {  	s8 =	simm.s32 $0x70;
	s12 =	simm.s32 $0x3C0;
	s9 =	sadd.s32 s7, s5  }
0xd: {  	s11 =	sadd.s32 s2, s4;
	s6 =	sadd.s32 s3, s6;
	s14 =	sadd.s32 $0x500, s9  }
0xe: {  	s13 =	sadd.s32 $0xA00, s9;
	s10 =	sadd.s32 $0xF00, s9;
	s7 =	sadd.s32 $0x1400, s9  }
0xf: {  	v0 =	vimm.f32 $0.0e+00;
	s5 =	sadd.s32 $0x1900, s9;
	s4 =	sadd.s32 $0x1E00, s9;
	s3 =	sadd.s32 $0x2300, s9  }
.LBB2_2:
0x10: {  	p0 =	sne.s32 s12, $0xF7C0;
	[tilespmem:s8+$0x280] =	vst v0  }
0x11: {  	[tilespmem:s8+$0x210] =	vst v0  }
0x12: {  	[tilespmem:s8+$0x220] =	vst v0  }
.Ltmp1:
0x13: {  	[tilespmem:s8+$0x230] =	vst v0;
	(pc) =	sbr.rel @p0 .LBB2_2-.Ltmp1, $4  }
0x14: {  	[tilespmem:s8+$0x240] =	vst v0  }
0x15: {  	[tilespmem:s8+$0x250] =	vst v0  }
0x16: {  	[tilespmem:s8+$0x260] =	vst v0  }
0x17: {  	[tilespmem:s8+$0x270] =	vst v0;
	s8 =	sshra.s32 s12, $0x2;
	s12 =	sadd.s32 $0x200, s12  }
0x18: {  	[tilespmem:s8+$0x280] =	vst v0  }
0x19: {  	[tilespmem:s8+$0x210] =	vst v0  }
0x1a: {  	[tilespmem:s8+$0x220] =	vst v0  }
0x1b: {  	[tilespmem:s8+$0x230] =	vst v0  }
0x1c: {  	[tilespmem:s8+$0x240] =	vst v0  }
0x1d: {  	[tilespmem:s8+$0x250] =	vst v0  }
0x1e: {  	[tilespmem:s8+$0x260] =	vst v0  }
0x1f: {  	[tilespmem:s8+$0x270] =	vst v0;
	s18 =	simm.s32 $0x0;
	s19 =	simm.s32 $0x3  }
0x20: {  	[tilespmem:s18], [sflag:$0x3] =	stream.linear.gather [hbm4b:s6+s18], $0x280, $0x38;
	[tilespmem:$0x9080] =	vst v63  }
0x21: {  	_ =	swait.ge [sflag:s19], $0x280  }
0x22: {  	[sflag:s19] =	ssyncset.done $0x0  }
0x23: {  	s12 =	simm.s32 $0x280;
	[sflag:s19] =	ssyncadd.s32 $0xFFFFFD80  }
0x24: {  	[hbm4b:s11+s18] =	stream.linear.scatter [tilespmem:s12], [sflag:$0x3], $0x3E00, $0x38;
	[tilespmem:$0x9080] =	vst v63  }
0x25: {  	_ =	swait.ge [sflag:s19], $0x3E00  }
0x26: {  	[sflag:s19] =	ssyncset.done $0x0  }
0x27: {  	[sflag:s19] =	ssyncadd.s32 $0xFFFFC200  }
0x28: {  	s20 =	simm.s32 $0x4080;
	[bflag:$0x0] =	sbarrier.arrive $0xFFFF  }
0x29: {  	[tilespmem:s20], [sflag:$0x1] =	stream.linear.gather [hbm4b:s9+s18], $0x2800, $0x38;
	[tilespmem:$0x9080] =	vst v63  }
0x2a: {  	s21 =	simm.s32 $0x6880;
	s22 =	simm.s32 $0x1  }
0x2b: {  	[tilespmem:s21], [sflag:$0x2] =	stream.linear.gather [hbm4b:s14+s18], $0x2800, $0x38;
	[tilespmem:$0x9080] =	vst v63  }
0x2c: {  	_ =	swait.ge [sflag:s22], $0x2800  }
0x2d: {  	[sflag:s22] =	ssyncset.done $0x0  }
0x2e: {  	s23 =	simm.s32 $0x50;
	[sflag:s22] =	ssyncadd.s32 $0xFFFFD800  }
0x2f: {  	[hbm4b:s2+s23] =	stream.indirect.scatter [tilespmem:s20], [sflag:$0x3], $0x80, s18, s23, $0xb8;
	[tilespmem:$0x9080] =	vst v63  }
0x30: {  	_ =	swait.ge [sflag:s19], $0x2800  }
0x31: {  	[sflag:s19] =	ssyncset.done $0x0  }
0x32: {  	s24 =	simm.s32 $0x2;
	[sflag:s19] =	ssyncadd.s32 $0xFFFFD800  }
0x33: {  	[tilespmem:s20], [sflag:$0x1] =	stream.linear.gather [hbm4b:s13+s18], $0x2800, $0x38;
	[tilespmem:$0x9080] =	vst v63  }
0x34: {  	_ =	swait.ge [sflag:s24], $0x2800  }
0x35: {  	[sflag:s24] =	ssyncset.done $0x0  }
0x36: {  	[sflag:s24] =	ssyncadd.s32 $0xFFFFD800  }
0x37: {  	[hbm4b:s2+s23] =	stream.indirect.scatter [tilespmem:s21], [sflag:$0x3], $0x80, s23, s23, $0xb8;
	[tilespmem:$0x9080] =	vst v63  }
0x38: {  	_ =	swait.ge [sflag:s19], $0x2800  }
0x39: {  	[sflag:s19] =	ssyncset.done $0x0  }
0x3a: {  	[sflag:s19] =	ssyncadd.s32 $0xFFFFD800  }
0x3b: {  	[tilespmem:s21], [sflag:$0x2] =	stream.linear.gather [hbm4b:s10+s18], $0x2800, $0x38;
	[tilespmem:$0x9080] =	vst v63  }
0x3c: {  	_ =	swait.ge [sflag:s22], $0x2800  }
0x3d: {  	[sflag:s22] =	ssyncset.done $0x0  }
0x3e: {  	s25 =	simm.s32 $0xA0;
	[sflag:s22] =	ssyncadd.s32 $0xFFFFD800  }
0x3f: {  	[hbm4b:s2+s23] =	stream.indirect.scatter [tilespmem:s20], [sflag:$0x3], $0x80, s25, s23, $0xb8;
	[tilespmem:$0x9080] =	vst v63  }
0x40: {  	_ =	swait.ge [sflag:s19], $0x2800  }
0x41: {  	[sflag:s19] =	ssyncset.done $0x0  }
0x42: {  	[sflag:s19] =	ssyncadd.s32 $0xFFFFD800  }
0x43: {  	[tilespmem:s20], [sflag:$0x1] =	stream.linear.gather [hbm4b:s7+s18], $0x2800, $0x38;
	[tilespmem:$0x9080] =	vst v63  }
0x44: {  	_ =	swait.ge [sflag:s24], $0x2800  }
0x45: {  	[sflag:s24] =	ssyncset.done $0x0  }
0x46: {  	s26 =	simm.s32 $0xF0;
	[sflag:s24] =	ssyncadd.s32 $0xFFFFD800  }
0x47: {  	[hbm4b:s2+s23] =	stream.indirect.scatter [tilespmem:s21], [sflag:$0x3], $0x80, s26, s23, $0xb8;
	[tilespmem:$0x9080] =	vst v63  }
0x48: {  	_ =	swait.ge [sflag:s19], $0x2800  }
0x49: {  	[sflag:s19] =	ssyncset.done $0x0  }
0x4a: {  	[sflag:s19] =	ssyncadd.s32 $0xFFFFD800  }
0x4b: {  	[tilespmem:s21], [sflag:$0x2] =	stream.linear.gather [hbm4b:s5+s18], $0x2800, $0x38;
	[tilespmem:$0x9080] =	vst v63  }
0x4c: {  	_ =	swait.ge [sflag:s22], $0x2800  }
0x4d: {  	[sflag:s22] =	ssyncset.done $0x0  }
0x4e: {  	s28 =	simm.s32 $0x140;
	[sflag:s22] =	ssyncadd.s32 $0xFFFFD800  }
0x4f: {  	[hbm4b:s2+s23] =	stream.indirect.scatter [tilespmem:s20], [sflag:$0x3], $0x80, s28, s23, $0xb8;
	[tilespmem:$0x9080] =	vst v63  }
0x50: {  	_ =	swait.ge [sflag:s19], $0x2800  }
0x51: {  	[sflag:s19] =	ssyncset.done $0x0  }
0x52: {  	[sflag:s19] =	ssyncadd.s32 $0xFFFFD800  }
0x53: {  	[tilespmem:s20], [sflag:$0x1] =	stream.linear.gather [hbm4b:s4+s18], $0x2800, $0x38;
	[tilespmem:$0x9080] =	vst v63  }
0x54: {  	_ =	swait.ge [sflag:s24], $0x2800  }
0x55: {  	[sflag:s24] =	ssyncset.done $0x0  }
0x56: {  	s29 =	simm.s32 $0x190;
	[sflag:s24] =	ssyncadd.s32 $0xFFFFD800  }
0x57: {  	[hbm4b:s2+s23] =	stream.indirect.scatter [tilespmem:s21], [sflag:$0x3], $0x80, s29, s23, $0xb8;
	[tilespmem:$0x9080] =	vst v63  }
0x58: {  	_ =	swait.ge [sflag:s19], $0x2800  }
0x59: {  	[sflag:s19] =	ssyncset.done $0x0  }
0x5a: {  	[sflag:s19] =	ssyncadd.s32 $0xFFFFD800  }
0x5b: {  	[tilespmem:s21], [sflag:$0x2] =	stream.linear.gather [hbm4b:s3+s18], $0x2800, $0x38;
	[tilespmem:$0x9080] =	vst v63  }
0x5c: {  	_ =	swait.ge [sflag:s22], $0x2800  }
0x5d: {  	[sflag:s22] =	ssyncset.done $0x0  }
0x5e: {  	s30 =	simm.s32 $0x1E0;
	[sflag:s22] =	ssyncadd.s32 $0xFFFFD800  }
0x5f: {  	[hbm4b:s2+s23] =	stream.indirect.scatter [tilespmem:s20], [sflag:$0x3], $0x80, s30, s23, $0xb8;
	[tilespmem:$0x9080] =	vst v63  }
0x60: {  	_ =	swait.ge [sflag:s19], $0x2800  }
0x61: {  	[sflag:s19] =	ssyncset.done $0x0  }
0x62: {  	[sflag:s19] =	ssyncadd.s32 $0xFFFFD800  }
0x63: {  	[tilespmem:s20], [sflag:$0x1] =	stream.linear.gather [hbm4b:s3+s18], $0x2800, $0x38;
	[tilespmem:$0x9080] =	vst v63  }
0x64: {  	_ =	swait.ge [sflag:s24], $0x2800  }
0x65: {  	[sflag:s24] =	ssyncset.done $0x0  }
0x66: {  	s31 =	simm.s32 $0x230;
	[sflag:s24] =	ssyncadd.s32 $0xFFFFD800  }
0x67: {  	[hbm4b:s2+s23] =	stream.indirect.scatter [tilespmem:s21], [sflag:$0x3], $0x80, s31, s23, $0xb8;
	[tilespmem:$0x9080] =	vst v63  }
0x68: {  	_ =	swait.ge [sflag:s19], $0x2800  }
0x69: {  	[sflag:s19] =	ssyncset.done $0x0  }
0x6a: {  	[sflag:s19] =	ssyncadd.s32 $0xFFFFD800  }
0x6b: {  	_ =	swait.ge [sflag:s22], $0x2800  }
0x6c: {  	[sflag:s22] =	ssyncset.done $0x0  }
0x6d: {  	[sflag:s22] =	ssyncadd.s32 $0xFFFFD800  }
.LBB2_4:
0x6e: {  	_ =	sfence.sel $0x180000  }
0x6f: {  	[bflag:$0x0] =	sbarrier.arrive $0xFFFF  }
0x70: {  	p0 =	sne.s32 s1, $0x0;
	_ =	strace $0x90000053  }
0x71: {  	s0 =	sadd.s32 @!p0 $0x100000, s0;
	[bflag:$0x2] =	sbarrier.arrive $0xFFFF  }
0x72: {  	[sflag:s0] =	ssyncadd.tile.s32 @!p0 $0x1;
	_ =	shalt  }
.Lfunc_end2:
_tile_overlayer_lowered:
.L_overlay_start_2:
0x73: {  	(tag) =	ssettag $0x2  }
0x74: {  	s0 =	rddreg [dreg:$0x0];
	s2 =	stileid.u32  }
0x75: {  	s1 =	rddreg [dreg:$0x1];
	p0 =	sne.s32 s2, $0x0  }
0x76: {  	s3 =	rddreg [dreg:$0x2];
	[bflag:$0x3] =	sbarrier.arrive $0xFFFF;
	s2 =	simm.s32 @!p0 $0x1C03  }
0x77: {  	[timem:s3], [sflag:s2] =	dma.local @!p0 [hbm:s0], s1  }
0x78: {  	s0 =	simm.s32 @!p0 $0x3  }
0x79: {  	_ =	swait.ge @!p0 [sflag:s0], s1  }
0x7a: {  	s1 =	ssub.s32 @!p0 $0x0, s1;
	[sflag:s0] =	ssyncset.done @!p0 $0x0  }
0x7b: {  	[sflag:s0] =	ssyncadd.s32 @!p0 s1  }
0x7c: {  	[bflag:$0x3] =	sbarrier.arrive $0xFFFF  }
0x7d: {  	_ =	shalt  }

</sc_bundles>
